<compile_context>
chip_gen: v7x
topology: tpu7x:2x2x1
jax: 0.10.2.dev20260603
libtpu: 0.0.44.dev20260713+nightly
codegen_flags: <defaults>
</compile_context>

<pallas_src>
import functools

import jax
import jax.numpy as jnp
from jax import lax
from jax.experimental import pallas as pl
from jax.experimental.pallas import tpu as pltpu
from jax.experimental.pallas import tpu_sc as plsc

N = 50000
E = 800000
B = 16
NP = N // B
H = 32
NW = 32
EPT = E // NW
CHUNK = 128
NFULL = EPT // CHUNK
TAIL = EPT - NFULL * CHUNK
ZCH = 128
NZFULL = N // ZCH
ZTAIL = N - NZFULL * ZCH
ZITER = (NZFULL + 15) // 16



def _bf(z):
    return z.astype(jnp.bfloat16).astype(jnp.float32)


def _h0_a0_body(x_ref, win_ref, bin_ref, wmh_ref, h_ref, a_ref):
    h = jnp.maximum(_bf(x_ref[...]) @ _bf(win_ref[...]) + bin_ref[...], 0.0)
    h_ref[...] = h
    a_ref[...] = _bf(h) @ _bf(wmh_ref[...])


def _ec_body(attrT_ref, wme_ref, bm_ref, ec_ref):
    acc = bm_ref[...][None, :] + _bf(attrT_ref[0])[:, None] * _bf(wme_ref[0])[None, :]
    for j in range(1, 4):
        acc = acc + _bf(attrT_ref[j])[:, None] * _bf(wme_ref[j])[None, :]
    ec_ref[...] = acc


def _update_body(h_ref, agg_ref, wuh_ref, wua_ref, bu_ref, wmh_ref,
                 hn_ref, an_ref):
    agg = agg_ref[0] + agg_ref[1]
    hn = jnp.maximum(
        _bf(h_ref[...]) @ _bf(wuh_ref[...]) + _bf(agg) @ _bf(wua_ref[...])
        + bu_ref[...], 0.0)
    hn_ref[...] = hn
    an_ref[...] = _bf(hn) @ _bf(wmh_ref[...])


def _final_body(h_ref, agg_ref, wuh_ref, wua_ref, bu_ref, wout_ref, bout_ref,
                wla1_ref, bla1_ref, wla2_ref, bla2_ref, emb_ref, lg_ref):
    agg = agg_ref[0] + agg_ref[1]
    hn = jnp.maximum(
        _bf(h_ref[...]) @ _bf(wuh_ref[...]) + _bf(agg) @ _bf(wua_ref[...])
        + bu_ref[...], 0.0)
    emb = _bf(hn) @ _bf(wout_ref[...]) + bout_ref[...]
    emb_ref[...] = emb
    a1 = jnp.maximum(_bf(emb) @ _bf(wla1_ref[...]) + bla1_ref[...], 0.0)
    lg_ref[...] = (jnp.sum(_bf(a1) * _bf(wla2_ref[...]), axis=1)
                   + bla2_ref[...])[:, None]


def _heads_body(emb3_ref, lg_ref, wma1_ref, bma1_ref, wma2_ref, bma2_ref,
                wlc1_ref, blc1_ref, wlc2_ref, blc2_ref,
                wmc1_ref, bmc1_ref, wmc2_ref, bmc2_ref,
                loc_ref, mut_ref, llp_ref, mlp_ref, lent_ref, ment_ref,
                lval_ref, mval_ref):
    lg = lg_ref[...]
    m = jnp.max(lg, axis=1)
    e = jnp.exp(lg - m[:, None])
    s1 = jnp.sum(e, axis=1)
    s2 = jnp.sum(e * lg, axis=1)
    lse = m + jnp.log(s1)
    llp_ref[...] = m - lse
    lent_ref[...] = lse - s2 / s1
    iota = lax.broadcasted_iota(jnp.int32, lg.shape, 1)
    loc = jnp.min(jnp.where(lg == m[:, None], iota, NP), axis=1)
    loc_ref[...] = loc

    emb3 = emb3_ref[...]
    selmask = (iota == loc[:, None]).astype(jnp.float32)
    sel = jnp.sum(emb3 * selmask[:, :, None], axis=1)
    gemb = jnp.sum(emb3, axis=1)

    a1 = jnp.maximum(_bf(sel) @ _bf(wma1_ref[...]) + bma1_ref[...], 0.0)
    mlg = _bf(a1) @ _bf(wma2_ref[...]) + bma2_ref[...]
    mm = jnp.max(mlg, axis=1)
    me = jnp.exp(mlg - mm[:, None])
    ms1 = jnp.sum(me, axis=1)
    ms2 = jnp.sum(me * mlg, axis=1)
    mlse = mm + jnp.log(ms1)
    mlp_ref[...] = mm - mlse
    ment_ref[...] = mlse - ms2 / ms1
    miota = lax.broadcasted_iota(jnp.int32, mlg.shape, 1)
    mut_ref[...] = jnp.min(jnp.where(mlg == mm[:, None], miota, mlg.shape[1]),
                           axis=1)

    c1 = jnp.maximum(_bf(gemb) @ _bf(wlc1_ref[...]) + blc1_ref[...], 0.0)
    lval_ref[...] = jnp.sum(_bf(c1) * _bf(wlc2_ref[...]), axis=1) + blc2_ref[...]
    c2 = jnp.maximum(_bf(sel) @ _bf(wmc1_ref[...]) + bmc1_ref[...], 0.0)
    mval_ref[...] = jnp.sum(_bf(c2) * _bf(wmc2_ref[...]), axis=1) + bmc2_ref[...]


_NGRID = 10
_RB = N // _NGRID


def _rows(shape):
    if shape[0] == N:
        return pl.BlockSpec((_RB,) + shape[1:],
                            lambda i: (i,) + (0,) * (len(shape) - 1))
    if len(shape) >= 2 and shape[1] == N:
        return pl.BlockSpec((shape[0], _RB) + shape[2:],
                            lambda i: (0, i) + (0,) * (len(shape) - 2))
    return pl.BlockSpec(shape, lambda i: (0,) * len(shape))


def _tc_rowcall(body, arg_shapes, out_shapes):
    return pl.pallas_call(
        body,
        grid=(_NGRID,),
        in_specs=[_rows(s) for s in arg_shapes],
        out_specs=[_rows(s.shape) for s in out_shapes],
        out_shape=out_shapes,
    )


def _tc_call(body, out_shapes):
    return pl.pallas_call(body, out_shape=out_shapes)



NCHK = E // 128
NKMAX = 196


def _sc_edge_body(a_hbm, src2_hbm, dst2_hbm, ec_hbm, out_hbm,
                  agg_sh, srcb0, srcb1, srcb2, srcb3,
                  dstb0, dstb1, dstb2, dstb3,
                  rows0, rows1, ecb0, ecb1, zv,
                  semi0, semi1, semi2, semi3,
                  seme0, seme1, semg0, semg1, sems0, sems1):
    c = lax.axis_index("c")
    s = lax.axis_index("s")
    w = c * 16 + s
    start = 195 * w + jnp.minimum(w, 10)
    nk = 195 + (w < 10).astype(jnp.int32)

    srcb = [srcb0, srcb1, srcb2, srcb3]
    dstb = [dstb0, dstb1, dstb2, dstb3]
    semi = [semi0, semi1, semi2, semi3]
    rows_ = [rows0, rows1]
    ecb_ = [ecb0, ecb1]
    seme = [seme0, seme1]
    semg = [semg0, semg1]
    sems = [sems0, sems1]

    def _zfill(i, carry):
        zv[i, pl.ds(0, 16)] = jnp.zeros((16,), jnp.float32)
        zv[i, pl.ds(16, 16)] = jnp.zeros((16,), jnp.float32)
        return carry
    lax.fori_loop(0, ZCH, _zfill, 0)

    def _zcopy(k, carry):
        cidx = s + k * 16

        @pl.when(cidx < NZFULL)
        def _():
            pltpu.sync_copy(zv, agg_sh.at[pl.ds(cidx * ZCH, ZCH)])
        return carry
    lax.fori_loop(0, ZITER, _zcopy, 0)

    @pl.when(s == 0)
    def _():
        pltpu.sync_copy(zv.at[pl.ds(0, ZTAIL)],
                        agg_sh.at[pl.ds(NZFULL * ZCH, ZTAIL)])
    plsc.subcore_barrier()

    def _issue_idx(k, b4):
        pltpu.async_copy(src2_hbm.at[pl.ds(start + k, 1)],
                         srcb[b4].at[pl.ds(0, 1)], semi[b4])
        pltpu.async_copy(dst2_hbm.at[pl.ds(start + k, 1)],
                         dstb[b4].at[pl.ds(0, 1)], semi[b4])

    def _wait_idx(b4):
        pltpu.make_async_copy(src2_hbm.at[pl.ds(0, 1)],
                              srcb[b4].at[pl.ds(0, 1)], semi[b4]).wait()
        pltpu.make_async_copy(dst2_hbm.at[pl.ds(0, 1)],
                              dstb[b4].at[pl.ds(0, 1)], semi[b4]).wait()

    def _issue_data(k, b, b4):
        pltpu.async_copy(ec_hbm.at[pl.ds((start + k) * 128, 128)],
                         ecb_[b], seme[b])
        pltpu.async_copy(a_hbm.at[srcb[b4].at[0]], rows_[b], semg[b])

    def _wait_data(b):
        pltpu.make_async_copy(ec_hbm.at[pl.ds(0, 128)], ecb_[b],
                              seme[b]).wait()
        pltpu.make_async_copy(a_hbm.at[srcb[0].at[0]], rows_[b],
                              semg[b]).wait()

    def _scatter(b, b4):
        pltpu.async_copy(rows_[b], agg_sh.at[dstb[b4].at[0]], sems[b],
                         add=True)

    def _wait_scatter(b):
        pltpu.make_async_copy(rows_[b], agg_sh.at[dstb[0].at[0]],
                              sems[b]).wait()

    def _compute(b):
        r = rows_[b]
        e = ecb_[b]

        def _cb(j, carry):
            r[j, pl.ds(0, 16)] = jnp.maximum(
                r[j, pl.ds(0, 16)] + e[j, pl.ds(0, 16)], 0.0)
            r[j, pl.ds(16, 16)] = jnp.maximum(
                r[j, pl.ds(16, 16)] + e[j, pl.ds(16, 16)], 0.0)
            return carry
        lax.fori_loop(0, 128, _cb, 0)

    _issue_idx(0, 0)
    _issue_idx(1, 1)
    _wait_idx(0)
    _issue_data(0, 0, 0)

    def _outer(k2, carry):
        for b in range(4):
            k = k2 * 4 + b
            d = b % 2

            @pl.when(k + 2 < nk)
            def _(k=k, b=b):
                _issue_idx(k + 2, (b + 2) % 4)

            @pl.when(k + 1 < nk)
            def _(k=k, b=b, d=d):
                @pl.when(k >= 1)
                def _():
                    _wait_scatter(1 - d)
                _wait_idx((b + 1) % 4)
                _issue_data(k + 1, 1 - d, (b + 1) % 4)

            @pl.when(k < nk)
            def _(k=k, b=b, d=d):
                _wait_data(d)
                _compute(d)
                _scatter(d, b)
        return carry
    lax.fori_loop(0, NKMAX // 4, _outer, 0)

    _wait_scatter(0)
    _wait_scatter(1)

    plsc.subcore_barrier()

    def _rcopy(k, carry):
        cidx = s + k * 16

        @pl.when(cidx < NZFULL)
        def _():
            pltpu.sync_copy(agg_sh.at[pl.ds(cidx * ZCH, ZCH)],
                            out_hbm.at[c, pl.ds(cidx * ZCH, ZCH)])
        return carry
    lax.fori_loop(0, ZITER, _rcopy, 0)

    @pl.when(s == 0)
    def _():
        pltpu.sync_copy(agg_sh.at[pl.ds(NZFULL * ZCH, ZTAIL)],
                        out_hbm.at[c, pl.ds(NZFULL * ZCH, ZTAIL)])


_sc_edge = pl.kernel(
    _sc_edge_body,
    out_type=jax.ShapeDtypeStruct((2, N, H), jnp.float32),
    mesh=plsc.VectorSubcoreMesh(core_axis_name="c", subcore_axis_name="s"),
    scratch_types=[
        pltpu.VMEM_SHARED((N, H), jnp.float32),
        pltpu.VMEM((1, 128), jnp.int32),
        pltpu.VMEM((1, 128), jnp.int32),
        pltpu.VMEM((1, 128), jnp.int32),
        pltpu.VMEM((1, 128), jnp.int32),
        pltpu.VMEM((1, 128), jnp.int32),
        pltpu.VMEM((1, 128), jnp.int32),
        pltpu.VMEM((1, 128), jnp.int32),
        pltpu.VMEM((1, 128), jnp.int32),
        pltpu.VMEM((128, H), jnp.float32),
        pltpu.VMEM((128, H), jnp.float32),
        pltpu.VMEM((128, H), jnp.float32),
        pltpu.VMEM((128, H), jnp.float32),
        pltpu.VMEM((ZCH, H), jnp.float32),
    ] + [pltpu.SemaphoreType.DMA] * 10,
    compiler_params=pltpu.CompilerParams(use_tc_tiling_on_sc=False),
)



def kernel(x, edge_index, edge_attr, batch, ptr, W_in, b_in, Wm, bm, Wu, bu,
           W_out, b_out, Wla1, bla1, Wla2, bla2, Wma1, bma1, Wma2, bma2,
           Wlc1, blc1, Wlc2, blc2, Wmc1, bmc1, Wmc2, bmc2):
    with jax.default_matmul_precision("highest"):
        return _kernel_impl(
            x, edge_index, edge_attr, batch, ptr, W_in, b_in, Wm, bm, Wu, bu,
            W_out, b_out, Wla1, bla1, Wla2, bla2, Wma1, bma1, Wma2, bma2,
            Wlc1, blc1, Wlc2, blc2, Wmc1, bmc1, Wmc2, bmc2)


def _kernel_impl(x, edge_index, edge_attr, batch, ptr, W_in, b_in, Wm, bm,
                 Wu, bu, W_out, b_out, Wla1, bla1, Wla2, bla2, Wma1, bma1,
                 Wma2, bma2, Wlc1, blc1, Wlc2, blc2, Wmc1, bmc1, Wmc2, bmc2):
    src2 = edge_index[0].reshape(NCHK, 128)
    dst2 = edge_index[1].reshape(NCHK, 128)
    WmH = Wm[:, :H, :]
    WmE = Wm[:, H:, :]
    WuH = Wu[:, :H, :]
    WuA = Wu[:, H:, :]

    f32 = jnp.float32
    sds = jax.ShapeDtypeStruct

    h, a = _tc_rowcall(
        _h0_a0_body,
        [(N, 8), (8, H), (H,), (H, H)],
        [sds((N, H), f32), sds((N, H), f32)])(x, W_in, b_in, WmH[0])

    attrT = edge_attr.T
    ecs = [
        pl.pallas_call(
            _ec_body,
            grid=(125,),
            in_specs=[pl.BlockSpec((4, E // 125), lambda i: (0, i)),
                      pl.BlockSpec((4, H), lambda i: (0, 0)),
                      pl.BlockSpec((H,), lambda i: (0,))],
            out_specs=pl.BlockSpec((E // 125, H), lambda i: (i, 0)),
            out_shape=sds((E, H), f32),
        )(attrT, WmE[l], bm[l])
        for l in range(3)
    ]

    for l in range(2):
        agg2 = _sc_edge(a, src2, dst2, ecs[l])
        h, a = _tc_rowcall(
            _update_body,
            [(N, H), (2, N, H), (H, H), (H, H), (H,), (H, H)],
            [sds((N, H), f32), sds((N, H), f32)])(
                h, agg2, WuH[l], WuA[l], bu[l], WmH[l + 1])

    agg2 = _sc_edge(a, src2, dst2, ecs[2])
    emb, lg = _tc_rowcall(
        _final_body,
        [(N, H), (2, N, H), (H, H), (H, H), (H,), (H, H), (H,),
         (H, H), (H,), (H,), (1,)],
        [sds((N, H), f32), sds((N, 1), f32)])(
            h, agg2, WuH[2], WuA[2], bu[2], W_out, b_out,
            Wla1, bla1, Wla2.reshape(-1), bla2)

    i32 = jnp.int32
    outs = _tc_call(_heads_body, [
        sds((B,), i32), sds((B,), i32), sds((B,), f32), sds((B,), f32),
        sds((B,), f32), sds((B,), f32), sds((B,), f32), sds((B,), f32),
    ])(emb.reshape(B, NP, H), lg.reshape(B, NP),
       Wma1, bma1, Wma2, bma2,
       Wlc1, blc1, Wlc2.reshape(-1), blc2,
       Wmc1, bmc1, Wmc2.reshape(-1), bmc2)
    (locations, mutations, loc_log_probs, mut_log_probs, loc_entropy,
     mut_entropy, loc_values, mut_values) = outs

    return (locations, mutations, loc_log_probs, mut_log_probs, loc_entropy,
            mut_entropy, loc_values, mut_values, emb)

# --- scband reference (transcript-rebuilt; emitter-appended) ---
"""Pipeline reference for scband-actor-critic-15453292331147 (READ-ONLY COPY).

The authoritative reference and input builder live on the scoring server;
editing this copy changes nothing except your own understanding.
"""

import jax, jax.numpy as jnp
import numpy as np

N = 50000
E = 800000
B = 16
NP = N // B
IN = 8
H = 32
EMB = 32
ED = 4
L = 3
AH = 32
CH = 32
NB = 4


def setup_inputs(seed: int = 0) -> dict:
    key = jax.random.key(seed)
    ks = jax.random.split(key, 20)
    s = 0.1
    inp = {}
    inp['x'] = jax.random.normal(ks[0], (N, IN), jnp.float32)
    inp['edge_index'] = jax.random.randint(ks[1], (2, E), 0, N, dtype=jnp.int32)
    inp['edge_attr'] = jax.random.normal(ks[2], (E, ED), jnp.float32)
    inp['batch'] = jnp.repeat(jnp.arange(B, dtype=jnp.int32), NP)
    inp['ptr'] = jnp.arange(B + 1, dtype=jnp.int32) * NP
    inp['W_in'] = jax.random.normal(ks[3], (IN, H), jnp.float32) * s
    inp['b_in'] = jnp.zeros((H,), jnp.float32)
    inp['Wm'] = jax.random.normal(ks[4], (L, H + ED, H), jnp.float32) * s
    inp['bm'] = jnp.zeros((L, H), jnp.float32)
    inp['Wu'] = jax.random.normal(ks[5], (L, 2 * H, H), jnp.float32) * s
    inp['bu'] = jnp.zeros((L, H), jnp.float32)
    inp['W_out'] = jax.random.normal(ks[6], (H, EMB), jnp.float32) * s
    inp['b_out'] = jnp.zeros((EMB,), jnp.float32)
    inp['Wla1'] = jax.random.normal(ks[7], (EMB, AH), jnp.float32) * s
    inp['bla1'] = jnp.zeros((AH,), jnp.float32)
    inp['Wla2'] = jax.random.normal(ks[8], (AH, 1), jnp.float32) * s
    inp['bla2'] = jnp.zeros((1,), jnp.float32)
    inp['Wma1'] = jax.random.normal(ks[9], (EMB, AH), jnp.float32) * s
    inp['bma1'] = jnp.zeros((AH,), jnp.float32)
    inp['Wma2'] = jax.random.normal(ks[10], (AH, NB), jnp.float32) * s
    inp['bma2'] = jnp.zeros((NB,), jnp.float32)
    inp['Wlc1'] = jax.random.normal(ks[11], (EMB, CH), jnp.float32) * s
    inp['blc1'] = jnp.zeros((CH,), jnp.float32)
    inp['Wlc2'] = jax.random.normal(ks[12], (CH, 1), jnp.float32) * s
    inp['blc2'] = jnp.zeros((1,), jnp.float32)
    inp['Wmc1'] = jax.random.normal(ks[13], (EMB, CH), jnp.float32) * s
    inp['bmc1'] = jnp.zeros((CH,), jnp.float32)
    inp['Wmc2'] = jax.random.normal(ks[14], (CH, 1), jnp.float32) * s
    inp['bmc2'] = jnp.zeros((1,), jnp.float32)
    return inp


def reference(x, edge_index, edge_attr, batch, ptr, W_in, b_in, Wm, bm, Wu, bu,
              W_out, b_out, Wla1, bla1, Wla2, bla2, Wma1, bma1, Wma2, bma2,
              Wlc1, blc1, Wlc2, blc2, Wmc1, bmc1, Wmc2, bmc2):
    # FeatureExtractorGNN: edge-conditioned message passing (gather -> MLP -> scatter-add)
    src = edge_index[0]
    dst = edge_index[1]
    h = jax.nn.relu(x @ W_in + b_in)
    for l in range(L):
        msg_in = jnp.concatenate([h[src], edge_attr], axis=1)
        m = jax.nn.relu(msg_in @ Wm[l] + bm[l])
        agg = jax.ops.segment_sum(m, dst, num_segments=N)
        h = jax.nn.relu(jnp.concatenate([h, agg], axis=1) @ Wu[l] + bu[l])
    emb = h @ W_out + b_out  # [N, EMB]

    # LocationActor: per-node logit, ragged per-graph categorical (deterministic=True -> argmax)
    loc_logits = (jax.nn.relu(emb @ Wla1 + bla1) @ Wla2 + bla2).squeeze(-1)  # [N]
    lg = loc_logits.reshape(B, NP)  # equal-size ragged segments defined by ptr
    logp = jax.nn.log_softmax(lg, axis=1)
    locations = jnp.argmax(lg, axis=1)
    loc_log_probs = jnp.take_along_axis(logp, locations[:, None], axis=1).squeeze(-1)
    p = jnp.exp(logp)
    loc_entropy = -jnp.sum(p * logp, axis=1)
    global_locations = ptr[:-1] + locations.astype(ptr.dtype)

    sel = emb[global_locations]  # [B, EMB]
    mut_logits = jax.nn.relu(sel @ Wma1 + bma1) @ Wma2 + bma2  # [B, NB]
    mlogp = jax.nn.log_softmax(mut_logits, axis=1)
    mutations = jnp.argmax(mut_logits, axis=1)
    mut_log_probs = jnp.take_along_axis(mlogp, mutations[:, None], axis=1).squeeze(-1)
    mp = jnp.exp(mlogp)
    mut_entropy = -jnp.sum(mp * mlogp, axis=1)

    # LocationCritic: global_add_pool over batch then MLP
    gemb = jax.ops.segment_sum(emb, batch, num_segments=B)
    loc_values = (jax.nn.relu(gemb @ Wlc1 + blc1) @ Wlc2 + blc2).squeeze(-1)
    # MutationCritic on selected node embeddings
    mut_values = (jax.nn.relu(sel @ Wmc1 + bmc1) @ Wmc2 + bmc2).squeeze(-1)

    return (locations, mutations, loc_log_probs, mut_log_probs, loc_entropy,
            mut_entropy, loc_values, mut_values, emb)


if False:  # reference __main__ guard neutralized (emitter)
    out = reference(**setup_inputs())
    print([getattr(o, 'shape', None) for o in out])

if __name__ == "__main__":
    import jax
    _d = setup_inputs()
    print(jax.jit(kernel)(*tuple(_d.values())))

</pallas_src>

<mosaic_0001>
#map = affine_map<(d0, d1) -> (0, 0)>
#map1 = affine_map<(d0, d1) -> (0, 0, 0)>
module attributes {stable_mosaic.version = 14 : i64} {
  func.func @_sc_edge_body(%arg0: i32, %arg1: i32, %arg2: memref<50000x32xf32, #tpu.memory_space<hbm>>, %arg3: memref<6250x128xi32, #tpu.memory_space<hbm>>, %arg4: memref<6250x128xi32, #tpu.memory_space<hbm>>, %arg5: memref<800000x32xf32, #tpu.memory_space<hbm>>, %arg6: memref<2x50000x32xf32, #tpu.memory_space<hbm>>, %arg7: memref<50000x32xf32, #tpu.memory_space<vmem_shared>>, %arg8: memref<1x128xi32, #tpu.memory_space<vmem>>, %arg9: memref<1x128xi32, #tpu.memory_space<vmem>>, %arg10: memref<1x128xi32, #tpu.memory_space<vmem>>, %arg11: memref<1x128xi32, #tpu.memory_space<vmem>>, %arg12: memref<1x128xi32, #tpu.memory_space<vmem>>, %arg13: memref<1x128xi32, #tpu.memory_space<vmem>>, %arg14: memref<1x128xi32, #tpu.memory_space<vmem>>, %arg15: memref<1x128xi32, #tpu.memory_space<vmem>>, %arg16: memref<128x32xf32, #tpu.memory_space<vmem>>, %arg17: memref<128x32xf32, #tpu.memory_space<vmem>>, %arg18: memref<128x32xf32, #tpu.memory_space<vmem>>, %arg19: memref<128x32xf32, #tpu.memory_space<vmem>>, %arg20: memref<128x32xf32, #tpu.memory_space<vmem>>, %arg21: memref<!tpu.dma_semaphore, #tpu.memory_space<semaphore_mem>>, %arg22: memref<!tpu.dma_semaphore, #tpu.memory_space<semaphore_mem>>, %arg23: memref<!tpu.dma_semaphore, #tpu.memory_space<semaphore_mem>>, %arg24: memref<!tpu.dma_semaphore, #tpu.memory_space<semaphore_mem>>, %arg25: memref<!tpu.dma_semaphore, #tpu.memory_space<semaphore_mem>>, %arg26: memref<!tpu.dma_semaphore, #tpu.memory_space<semaphore_mem>>, %arg27: memref<!tpu.dma_semaphore, #tpu.memory_space<semaphore_mem>>, %arg28: memref<!tpu.dma_semaphore, #tpu.memory_space<semaphore_mem>>, %arg29: memref<!tpu.dma_semaphore, #tpu.memory_space<semaphore_mem>>, %arg30: memref<!tpu.dma_semaphore, #tpu.memory_space<semaphore_mem>>) attributes {dimension_semantics = [#tpu.dimension_semantics<core_parallel>, #tpu.dimension_semantics<subcore_parallel>], iteration_bounds = array<i64: 2, 16>, scalar_prefetch = 0 : i64, scratch_operands = 24 : i64, tpu.core_type = #tpu.core_type<sc_vector_subcore>, window_params = [{transform_indices = #map}, {transform_indices = #map}, {transform_indices = #map}, {transform_indices = #map}, {transform_indices = #map1}]} {
    %mul3A = arith.constant 16 : i32
    %mul3A_0 = arith.muli %arg0, %mul3A : i32
    %add3A = arith.addi %mul3A_0, %arg1 : i32
    %mul3A_1 = arith.constant 195 : i32
    %mul3A_2 = arith.muli %mul3A_1, %add3A : i32
    %min3A = arith.constant 10 : i32
    %min3A_3 = arith.minsi %add3A, %min3A : i32
    %add3A_4 = arith.addi %mul3A_2, %min3A_3 : i32
    %lt3A = arith.constant 10 : i32
    %lt3A_5 = arith.cmpi slt, %add3A, %lt3A : i32
    %convert_element_type3A = arith.extui %lt3A_5 : i1 to i32
    %add3A_6 = arith.constant 195 : i32
    %add3A_7 = arith.addi %add3A_6, %convert_element_type3A : i32
    %scan3A = arith.constant 0 : i32
    %scan3A_8 = arith.constant 0 : i32
    %scan3A_9 = arith.constant 128 : i32
    %scan3A_10 = arith.addi %scan3A_8, %scan3A_9 : i32
    %scan3A_11 = arith.constant 1 : i32
    scf.for %scan3A_139 = %scan3A_8 to %scan3A_10 step %scan3A_11  : i32 {
      %broadcast_in_dim3A = arith.constant 0.000000e+00 : f32
      %broadcast_in_dim3A_140 = vector.broadcast %broadcast_in_dim3A : f32 to vector<16xf32>
      %swap3A = arith.index_cast %scan3A_139 : i32 to index
      %swap3A_141 = arith.constant 0 : index
      %swap3A_142 = tpu.vector_load %arg20[%swap3A, %swap3A_141] {strides = array<i32>} : memref<128x32xf32, #tpu.memory_space<vmem>>, vector<1x16xf32>,
      %swap3A_143 = vector.shape_cast %swap3A_142 : vector<1x16xf32> to vector<16xf32>
      %swap3A_144 = vector.shape_cast %broadcast_in_dim3A_140 : vector<16xf32> to vector<1x16xf32>
      tpu.vector_store %arg20[%swap3A, %swap3A_141], %swap3A_144 {strides = array<i32>} : memref<128x32xf32, #tpu.memory_space<vmem>>, vector<1x16xf32>,
      %broadcast_in_dim3A_145 = arith.constant 0.000000e+00 : f32
      %broadcast_in_dim3A_146 = vector.broadcast %broadcast_in_dim3A_145 : f32 to vector<16xf32>
      %swap3A_147 = arith.index_cast %scan3A_139 : i32 to index
      %swap3A_148 = arith.constant 16 : index
      %swap3A_149 = tpu.vector_load %arg20[%swap3A_147, %swap3A_148] {strides = array<i32>} : memref<128x32xf32, #tpu.memory_space<vmem>>, vector<1x16xf32>,
      %swap3A_150 = vector.shape_cast %swap3A_149 : vector<1x16xf32> to vector<16xf32>
      %swap3A_151 = vector.shape_cast %broadcast_in_dim3A_146 : vector<16xf32> to vector<1x16xf32>
      tpu.vector_store %arg20[%swap3A_147, %swap3A_148], %swap3A_151 {strides = array<i32>} : memref<128x32xf32, #tpu.memory_space<vmem>>, vector<1x16xf32>,
    }
    %scan3A_12 = arith.constant 128 : i32
    %scan3A_13 = arith.constant 0 : i32
    %scan3A_14 = arith.constant 0 : i32
    %scan3A_15 = arith.constant 25 : i32
    %scan3A_16 = arith.addi %scan3A_14, %scan3A_15 : i32
    %scan3A_17 = arith.constant 1 : i32
    scf.for %scan3A_139 = %scan3A_14 to %scan3A_16 step %scan3A_17  : i32 {
      %mul3A_140 = arith.constant 16 : i32
      %mul3A_141 = arith.muli %scan3A_139, %mul3A_140 : i32
      %add3A_142 = arith.addi %arg1, %mul3A_141 : i32
      %lt3A_143 = arith.constant 390 : i32
      %lt3A_144 = arith.cmpi slt, %add3A_142, %lt3A_143 : i32
      %convert_element_type3A_145 = arith.extui %lt3A_144 : i1 to i32
      %cond3A_146 = arith.constant 0 : i32
      %cond3A_147 = arith.cmpi ne, %convert_element_type3A_145, %cond3A_146 : i32
      scf.if %cond3A_147 {
        %mul3A_148 = arith.constant 128 : i32
        %mul3A_149 = arith.muli %add3A_142, %mul3A_148 : i32
        "tpu.region"() ({
          %run_scoped3A = tpu.sem_alloc : memref<!tpu.dma_semaphore, #tpu.memory_space<semaphore_mem>>
          %dma_start3A_150 = arith.constant 0 : i32
          %dma_start3A_151 = tpu.memref_slice %arg7[%mul3A_149, %dma_start3A_150] : memref<50000x32xf32, #tpu.memory_space<vmem_shared>> -> memref<128x32xf32, #tpu.memory_space<vmem_shared>>
          %dma_start3A_152 = arith.constant 0 : i32
          %dma_start3A_153 = tpu.memref_slice %arg7[%mul3A_149, %dma_start3A_152] : memref<50000x32xf32, #tpu.memory_space<vmem_shared>> -> memref<128x32xf32, #tpu.memory_space<vmem_shared>>
          tpu.enqueue_dma source(%arg20 : memref<128x32xf32, #tpu.memory_space<vmem>>) target(%dma_start3A_153 : memref<128x32xf32, #tpu.memory_space<vmem_shared>>) target_semaphore(%run_scoped3A : memref<!tpu.dma_semaphore, #tpu.memory_space<semaphore_mem>>)
          %dma_wait3A_154 = arith.constant 0 : i32
          %dma_wait3A_155 = tpu.memref_slice %arg7[%mul3A_149, %dma_wait3A_154] : memref<50000x32xf32, #tpu.memory_space<vmem_shared>> -> memref<128x32xf32, #tpu.memory_space<vmem_shared>>
          %dma_wait3A_156 = arith.constant 0 : i32
          %dma_wait3A_157 = tpu.memref_slice %arg7[%mul3A_149, %dma_wait3A_156] : memref<50000x32xf32, #tpu.memory_space<vmem_shared>> -> memref<128x32xf32, #tpu.memory_space<vmem_shared>>
          tpu.wait_dma2 semaphore(%run_scoped3A : memref<!tpu.dma_semaphore, #tpu.memory_space<semaphore_mem>>) src(%arg20 : memref<128x32xf32, #tpu.memory_space<vmem>>) dst(%dma_wait3A_157 : memref<128x32xf32, #tpu.memory_space<vmem_shared>>)
          tpu.yield
        }) : () -> ()
      } else {
      }
    }
    %scan3A_18 = arith.constant 25 : i32
    %eq3A = arith.constant 0 : i32
    %eq3A_19 = arith.cmpi eq, %arg1, %eq3A : i32
    %convert_element_type3A_20 = arith.extui %eq3A_19 : i1 to i32
    %cond3A = arith.constant 0 : i32
    %cond3A_21 = arith.cmpi ne, %convert_element_type3A_20, %cond3A : i32
    scf.if %cond3A_21 {
      "tpu.region"() ({
        %run_scoped3A = tpu.sem_alloc : memref<!tpu.dma_semaphore, #tpu.memory_space<semaphore_mem>>
        %dma_start3A_139 = arith.constant 0 : i32
        %dma_start3A_140 = arith.constant 0 : i32
        %dma_start3A_141 = tpu.memref_slice %arg20[%dma_start3A_139, %dma_start3A_140] : memref<128x32xf32, #tpu.memory_space<vmem>> -> memref<80x32xf32, #tpu.memory_space<vmem>>
        %dma_start3A_142 = arith.constant 49920 : i32
        %dma_start3A_143 = arith.constant 0 : i32
        %dma_start3A_144 = tpu.memref_slice %arg7[%dma_start3A_142, %dma_start3A_143] : memref<50000x32xf32, #tpu.memory_space<vmem_shared>> -> memref<80x32xf32, #tpu.memory_space<vmem_shared>>
        %dma_start3A_145 = arith.constant 49920 : i32
        %dma_start3A_146 = arith.constant 0 : i32
        %dma_start3A_147 = tpu.memref_slice %arg7[%dma_start3A_145, %dma_start3A_146] : memref<50000x32xf32, #tpu.memory_space<vmem_shared>> -> memref<80x32xf32, #tpu.memory_space<vmem_shared>>
        %dma_start3A_148 = arith.constant 0 : i32
        %dma_start3A_149 = arith.constant 0 : i32
        %dma_start3A_150 = tpu.memref_slice %arg20[%dma_start3A_148, %dma_start3A_149] : memref<128x32xf32, #tpu.memory_space<vmem>> -> memref<80x32xf32, #tpu.memory_space<vmem>>
        tpu.enqueue_dma source(%dma_start3A_150 : memref<80x32xf32, #tpu.memory_space<vmem>>) target(%dma_start3A_147 : memref<80x32xf32, #tpu.memory_space<vmem_shared>>) target_semaphore(%run_scoped3A : memref<!tpu.dma_semaphore, #tpu.memory_space<semaphore_mem>>)
        %dma_wait3A_151 = arith.constant 0 : i32
        %dma_wait3A_152 = arith.constant 0 : i32
        %dma_wait3A_153 = tpu.memref_slice %arg20[%dma_wait3A_151, %dma_wait3A_152] : memref<128x32xf32, #tpu.memory_space<vmem>> -> memref<80x32xf32, #tpu.memory_space<vmem>>
        %dma_wait3A_154 = arith.constant 49920 : i32
        %dma_wait3A_155 = arith.constant 0 : i32
        %dma_wait3A_156 = tpu.memref_slice %arg7[%dma_wait3A_154, %dma_wait3A_155] : memref<50000x32xf32, #tpu.memory_space<vmem_shared>> -> memref<80x32xf32, #tpu.memory_space<vmem_shared>>
        %dma_wait3A_157 = arith.constant 49920 : i32
        %dma_wait3A_158 = arith.constant 0 : i32
        %dma_wait3A_159 = tpu.memref_slice %arg7[%dma_wait3A_157, %dma_wait3A_158] : memref<50000x32xf32, #tpu.memory_space<vmem_shared>> -> memref<80x32xf32, #tpu.memory_space<vmem_shared>>
        %dma_wait3A_160 = arith.constant 0 : i32
        %dma_wait3A_161 = arith.constant 0 : i32
        %dma_wait3A_162 = tpu.memref_slice %arg20[%dma_wait3A_160, %dma_wait3A_161] : memref<128x32xf32, #tpu.memory_space<vmem>> -> memref<80x32xf32, #tpu.memory_space<vmem>>
        tpu.wait_dma2 semaphore(%run_scoped3A : memref<!tpu.dma_semaphore, #tpu.memory_space<semaphore_mem>>) src(%dma_wait3A_162 : memref<80x32xf32, #tpu.memory_space<vmem>>) dst(%dma_wait3A_159 : memref<80x32xf32, #tpu.memory_space<vmem_shared>>)
        tpu.yield
      }) : () -> ()
    } else {
    }
    %barrier3A = arith.constant 0 : index
    tpu.barrier barrier_id(%barrier3A)
    %add3A_22 = arith.constant 0 : i32
    %add3A_23 = arith.addi %add3A_4, %add3A_22 : i32
    %dma_start3A = arith.constant 0 : i32
    %dma_start3A_24 = arith.constant 0 : i32
    %dma_start3A_25 = tpu.memref_slice %arg8[%dma_start3A, %dma_start3A_24] : memref<1x128xi32, #tpu.memory_space<vmem>> -> memref<1x128xi32, #tpu.memory_space<vmem>>
    %dma_start3A_26 = arith.constant 0 : i32
    %dma_start3A_27 = tpu.memref_slice %arg3[%add3A_23, %dma_start3A_26] : memref<6250x128xi32, #tpu.memory_space<hbm>> -> memref<1x128xi32, #tpu.memory_space<hbm>>
    %dma_start3A_28 = arith.constant 0 : i32
    %dma_start3A_29 = arith.constant 0 : i32
    %dma_start3A_30 = tpu.memref_slice %arg8[%dma_start3A_28, %dma_start3A_29] : memref<1x128xi32, #tpu.memory_space<vmem>> -> memref<1x128xi32, #tpu.memory_space<vmem>>
    %dma_start3A_31 = arith.constant 0 : i32
    %dma_start3A_32 = tpu.memref_slice %arg3[%add3A_23, %dma_start3A_31] : memref<6250x128xi32, #tpu.memory_space<hbm>> -> memref<1x128xi32, #tpu.memory_space<hbm>>
    tpu.enqueue_dma source(%dma_start3A_32 : memref<1x128xi32, #tpu.memory_space<hbm>>) target(%dma_start3A_30 : memref<1x128xi32, #tpu.memory_space<vmem>>) target_semaphore(%arg21 : memref<!tpu.dma_semaphore, #tpu.memory_space<semaphore_mem>>)
    %add3A_33 = arith.constant 0 : i32
    %add3A_34 = arith.addi %add3A_4, %add3A_33 : i32
    %dma_start3A_35 = arith.constant 0 : i32
    %dma_start3A_36 = arith.constant 0 : i32
    %dma_start3A_37 = tpu.memref_slice %arg12[%dma_start3A_35, %dma_start3A_36] : memref<1x128xi32, #tpu.memory_space<vmem>> -> memref<1x128xi32, #tpu.memory_space<vmem>>
    %dma_start3A_38 = arith.constant 0 : i32
    %dma_start3A_39 = tpu.memref_slice %arg4[%add3A_34, %dma_start3A_38] : memref<6250x128xi32, #tpu.memory_space<hbm>> -> memref<1x128xi32, #tpu.memory_space<hbm>>
    %dma_start3A_40 = arith.constant 0 : i32
    %dma_start3A_41 = arith.constant 0 : i32
    %dma_start3A_42 = tpu.memref_slice %arg12[%dma_start3A_40, %dma_start3A_41] : memref<1x128xi32, #tpu.memory_space<vmem>> -> memref<1x128xi32, #tpu.memory_space<vmem>>
    %dma_start3A_43 = arith.constant 0 : i32
    %dma_start3A_44 = tpu.memref_slice %arg4[%add3A_34, %dma_start3A_43] : memref<6250x128xi32, #tpu.memory_space<hbm>> -> memref<1x128xi32, #tpu.memory_space<hbm>>
    tpu.enqueue_dma source(%dma_start3A_44 : memref<1x128xi32, #tpu.memory_space<hbm>>) target(%dma_start3A_42 : memref<1x128xi32, #tpu.memory_space<vmem>>) target_semaphore(%arg21 : memref<!tpu.dma_semaphore, #tpu.memory_space<semaphore_mem>>)
    %add3A_45 = arith.constant 1 : i32
    %add3A_46 = arith.addi %add3A_4, %add3A_45 : i32
    %dma_start3A_47 = arith.constant 0 : i32
    %dma_start3A_48 = arith.constant 0 : i32
    %dma_start3A_49 = tpu.memref_slice %arg9[%dma_start3A_47, %dma_start3A_48] : memref<1x128xi32, #tpu.memory_space<vmem>> -> memref<1x128xi32, #tpu.memory_space<vmem>>
    %dma_start3A_50 = arith.constant 0 : i32
    %dma_start3A_51 = tpu.memref_slice %arg3[%add3A_46, %dma_start3A_50] : memref<6250x128xi32, #tpu.memory_space<hbm>> -> memref<1x128xi32, #tpu.memory_space<hbm>>
    %dma_start3A_52 = arith.constant 0 : i32
    %dma_start3A_53 = arith.constant 0 : i32
    %dma_start3A_54 = tpu.memref_slice %arg9[%dma_start3A_52, %dma_start3A_53] : memref<1x128xi32, #tpu.memory_space<vmem>> -> memref<1x128xi32, #tpu.memory_space<vmem>>
    %dma_start3A_55 = arith.constant 0 : i32
    %dma_start3A_56 = tpu.memref_slice %arg3[%add3A_46, %dma_start3A_55] : memref<6250x128xi32, #tpu.memory_space<hbm>> -> memref<1x128xi32, #tpu.memory_space<hbm>>
    tpu.enqueue_dma source(%dma_start3A_56 : memref<1x128xi32, #tpu.memory_space<hbm>>) target(%dma_start3A_54 : memref<1x128xi32, #tpu.memory_space<vmem>>) target_semaphore(%arg22 : memref<!tpu.dma_semaphore, #tpu.memory_space<semaphore_mem>>)
    %add3A_57 = arith.constant 1 : i32
    %add3A_58 = arith.addi %add3A_4, %add3A_57 : i32
    %dma_start3A_59 = arith.constant 0 : i32
    %dma_start3A_60 = arith.constant 0 : i32
    %dma_start3A_61 = tpu.memref_slice %arg13[%dma_start3A_59, %dma_start3A_60] : memref<1x128xi32, #tpu.memory_space<vmem>> -> memref<1x128xi32, #tpu.memory_space<vmem>>
    %dma_start3A_62 = arith.constant 0 : i32
    %dma_start3A_63 = tpu.memref_slice %arg4[%add3A_58, %dma_start3A_62] : memref<6250x128xi32, #tpu.memory_space<hbm>> -> memref<1x128xi32, #tpu.memory_space<hbm>>
    %dma_start3A_64 = arith.constant 0 : i32
    %dma_start3A_65 = arith.constant 0 : i32
    %dma_start3A_66 = tpu.memref_slice %arg13[%dma_start3A_64, %dma_start3A_65] : memref<1x128xi32, #tpu.memory_space<vmem>> -> memref<1x128xi32, #tpu.memory_space<vmem>>
    %dma_start3A_67 = arith.constant 0 : i32
    %dma_start3A_68 = tpu.memref_slice %arg4[%add3A_58, %dma_start3A_67] : memref<6250x128xi32, #tpu.memory_space<hbm>> -> memref<1x128xi32, #tpu.memory_space<hbm>>
    tpu.enqueue_dma source(%dma_start3A_68 : memref<1x128xi32, #tpu.memory_space<hbm>>) target(%dma_start3A_66 : memref<1x128xi32, #tpu.memory_space<vmem>>) target_semaphore(%arg22 : memref<!tpu.dma_semaphore, #tpu.memory_space<semaphore_mem>>)
    %dma_wait3A = arith.constant 0 : i32
    %dma_wait3A_69 = arith.constant 0 : i32
    %dma_wait3A_70 = tpu.memref_slice %arg8[%dma_wait3A, %dma_wait3A_69] : memref<1x128xi32, #tpu.memory_space<vmem>> -> memref<1x128xi32, #tpu.memory_space<vmem>>
    %dma_wait3A_71 = arith.constant 0 : i32
    %dma_wait3A_72 = arith.constant 0 : i32
    %dma_wait3A_73 = tpu.memref_slice %arg3[%dma_wait3A_71, %dma_wait3A_72] : memref<6250x128xi32, #tpu.memory_space<hbm>> -> memref<1x128xi32, #tpu.memory_space<hbm>>
    %dma_wait3A_74 = arith.constant 0 : i32
    %dma_wait3A_75 = arith.constant 0 : i32
    %dma_wait3A_76 = tpu.memref_slice %arg8[%dma_wait3A_74, %dma_wait3A_75] : memref<1x128xi32, #tpu.memory_space<vmem>> -> memref<1x128xi32, #tpu.memory_space<vmem>>
    %dma_wait3A_77 = arith.constant 0 : i32
    %dma_wait3A_78 = arith.constant 0 : i32
    %dma_wait3A_79 = tpu.memref_slice %arg3[%dma_wait3A_77, %dma_wait3A_78] : memref<6250x128xi32, #tpu.memory_space<hbm>> -> memref<1x128xi32, #tpu.memory_space<hbm>>
    tpu.wait_dma2 semaphore(%arg21 : memref<!tpu.dma_semaphore, #tpu.memory_space<semaphore_mem>>) src(%dma_wait3A_79 : memref<1x128xi32, #tpu.memory_space<hbm>>) dst(%dma_wait3A_76 : memref<1x128xi32, #tpu.memory_space<vmem>>)
    %dma_wait3A_80 = arith.constant 0 : i32
    %dma_wait3A_81 = arith.constant 0 : i32
    %dma_wait3A_82 = tpu.memref_slice %arg12[%dma_wait3A_80, %dma_wait3A_81] : memref<1x128xi32, #tpu.memory_space<vmem>> -> memref<1x128xi32, #tpu.memory_space<vmem>>
    %dma_wait3A_83 = arith.constant 0 : i32
    %dma_wait3A_84 = arith.constant 0 : i32
    %dma_wait3A_85 = tpu.memref_slice %arg4[%dma_wait3A_83, %dma_wait3A_84] : memref<6250x128xi32, #tpu.memory_space<hbm>> -> memref<1x128xi32, #tpu.memory_space<hbm>>
    %dma_wait3A_86 = arith.constant 0 : i32
    %dma_wait3A_87 = arith.constant 0 : i32
    %dma_wait3A_88 = tpu.memref_slice %arg12[%dma_wait3A_86, %dma_wait3A_87] : memref<1x128xi32, #tpu.memory_space<vmem>> -> memref<1x128xi32, #tpu.memory_space<vmem>>
    %dma_wait3A_89 = arith.constant 0 : i32
    %dma_wait3A_90 = arith.constant 0 : i32
    %dma_wait3A_91 = tpu.memref_slice %arg4[%dma_wait3A_89, %dma_wait3A_90] : memref<6250x128xi32, #tpu.memory_space<hbm>> -> memref<1x128xi32, #tpu.memory_space<hbm>>
    tpu.wait_dma2 semaphore(%arg21 : memref<!tpu.dma_semaphore, #tpu.memory_space<semaphore_mem>>) src(%dma_wait3A_91 : memref<1x128xi32, #tpu.memory_space<hbm>>) dst(%dma_wait3A_88 : memref<1x128xi32, #tpu.memory_space<vmem>>)
    %add3A_92 = arith.constant 0 : i32
    %add3A_93 = arith.addi %add3A_4, %add3A_92 : i32
    %mul3A_94 = arith.constant 128 : i32
    %mul3A_95 = arith.muli %add3A_93, %mul3A_94 : i32
    %dma_start3A_96 = arith.constant 0 : i32
    %dma_start3A_97 = tpu.memref_slice %arg5[%mul3A_95, %dma_start3A_96] : memref<800000x32xf32, #tpu.memory_space<hbm>> -> memref<128x32xf32, #tpu.memory_space<hbm>>
    %dma_start3A_98 = arith.constant 0 : i32
    %dma_start3A_99 = tpu.memref_slice %arg5[%mul3A_95, %dma_start3A_98] : memref<800000x32xf32, #tpu.memory_space<hbm>> -> memref<128x32xf32, #tpu.memory_space<hbm>>
    tpu.enqueue_dma source(%dma_start3A_99 : memref<128x32xf32, #tpu.memory_space<hbm>>) target(%arg18 : memref<128x32xf32, #tpu.memory_space<vmem>>) target_semaphore(%arg25 : memref<!tpu.dma_semaphore, #tpu.memory_space<semaphore_mem>>)
    %dma_start3A_100 = arith.constant 0 : i32
    %dma_start3A_101 = arith.constant 0 : i32
    %dma_start3A_102 = tpu.memref_slice %arg8[%dma_start3A_100, %dma_start3A_101] : memref<1x128xi32, #tpu.memory_space<vmem>> -> memref<1x128xi32, #tpu.memory_space<vmem>>
    %dma_start3A_103 = tpu.memref_squeeze %dma_start3A_102 : memref<1x128xi32, #tpu.memory_space<vmem>> -> memref<128xi32, #tpu.memory_space<vmem>>
    %dma_start3A_104 = arith.constant 0 : i32
    %dma_start3A_105 = arith.constant 0 : i32
    %dma_start3A_106 = tpu.memref_slice %arg2[%dma_start3A_104, %dma_start3A_105] : memref<50000x32xf32, #tpu.memory_space<hbm>> -> memref<50000x32xf32, #tpu.memory_space<hbm>>
    tpu.enqueue_indirect_dma source(%dma_start3A_106 : memref<50000x32xf32, #tpu.memory_space<hbm>>) target(%arg16 : memref<128x32xf32, #tpu.memory_space<vmem>>) offsets(%dma_start3A_103 : memref<128xi32, #tpu.memory_space<vmem>>) semaphore(%arg27 : memref<!tpu.dma_semaphore, #tpu.memory_space<semaphore_mem>>)
    %scan3A_107 = arith.constant 0 : i32
    %scan3A_108 = arith.constant 0 : i32
    %scan3A_109 = arith.constant 49 : i32
    %scan3A_110 = arith.addi %scan3A_108, %scan3A_109 : i32
    %scan3A_111 = arith.constant 1 : i32
    scf.for %scan3A_139 = %scan3A_108 to %scan3A_110 step %scan3A_111  : i32 {
      %mul3A_140 = arith.constant 4 : i32
      %mul3A_141 = arith.muli %scan3A_139, %mul3A_140 : i32
      %add3A_142 = arith.constant 0 : i32
      %add3A_143 = arith.addi %mul3A_141, %add3A_142 : i32
      %add3A_144 = arith.constant 2 : i32
      %add3A_145 = arith.addi %add3A_143, %add3A_144 : i32
      %lt3A_146 = arith.cmpi slt, %add3A_145, %add3A_7 : i32
      %convert_element_type3A_147 = arith.extui %lt3A_146 : i1 to i32
      %cond3A_148 = arith.constant 0 : i32
      %cond3A_149 = arith.cmpi ne, %convert_element_type3A_147, %cond3A_148 : i32
      scf.if %cond3A_149 {
        %add3A_220 = arith.constant 2 : i32
        %add3A_221 = arith.addi %add3A_143, %add3A_220 : i32
        %add3A_222 = arith.addi %add3A_4, %add3A_221 : i32
        %dma_start3A_223 = arith.constant 0 : i32
        %dma_start3A_224 = arith.constant 0 : i32
        %dma_start3A_225 = tpu.memref_slice %arg10[%dma_start3A_223, %dma_start3A_224] : memref<1x128xi32, #tpu.memory_space<vmem>> -> memref<1x128xi32, #tpu.memory_space<vmem>>
        %dma_start3A_226 = arith.constant 0 : i32
        %dma_start3A_227 = tpu.memref_slice %arg3[%add3A_222, %dma_start3A_226] : memref<6250x128xi32, #tpu.memory_space<hbm>> -> memref<1x128xi32, #tpu.memory_space<hbm>>
        %dma_start3A_228 = arith.constant 0 : i32
        %dma_start3A_229 = arith.constant 0 : i32
        %dma_start3A_230 = tpu.memref_slice %arg10[%dma_start3A_228, %dma_start3A_229] : memref<1x128xi32, #tpu.memory_space<vmem>> -> memref<1x128xi32, #tpu.memory_space<vmem>>
        %dma_start3A_231 = arith.constant 0 : i32
        %dma_start3A_232 = tpu.memref_slice %arg3[%add3A_222, %dma_start3A_231] : memref<6250x128xi32, #tpu.memory_space<hbm>> -> memref<1x128xi32, #tpu.memory_space<hbm>>
        tpu.enqueue_dma source(%dma_start3A_232 : memref<1x128xi32, #tpu.memory_space<hbm>>) target(%dma_start3A_230 : memref<1x128xi32, #tpu.memory_space<vmem>>) target_semaphore(%arg23 : memref<!tpu.dma_semaphore, #tpu.memory_space<semaphore_mem>>)
        %add3A_233 = arith.addi %add3A_4, %add3A_221 : i32
        %dma_start3A_234 = arith.constant 0 : i32
        %dma_start3A_235 = arith.constant 0 : i32
        %dma_start3A_236 = tpu.memref_slice %arg14[%dma_start3A_234, %dma_start3A_235] : memref<1x128xi32, #tpu.memory_space<vmem>> -> memref<1x128xi32, #tpu.memory_space<vmem>>
        %dma_start3A_237 = arith.constant 0 : i32
        %dma_start3A_238 = tpu.memref_slice %arg4[%add3A_233, %dma_start3A_237] : memref<6250x128xi32, #tpu.memory_space<hbm>> -> memref<1x128xi32, #tpu.memory_space<hbm>>
        %dma_start3A_239 = arith.constant 0 : i32
        %dma_start3A_240 = arith.constant 0 : i32
        %dma_start3A_241 = tpu.memref_slice %arg14[%dma_start3A_239, %dma_start3A_240] : memref<1x128xi32, #tpu.memory_space<vmem>> -> memref<1x128xi32, #tpu.memory_space<vmem>>
        %dma_start3A_242 = arith.constant 0 : i32
        %dma_start3A_243 = tpu.memref_slice %arg4[%add3A_233, %dma_start3A_242] : memref<6250x128xi32, #tpu.memory_space<hbm>> -> memref<1x128xi32, #tpu.memory_space<hbm>>
        tpu.enqueue_dma source(%dma_start3A_243 : memref<1x128xi32, #tpu.memory_space<hbm>>) target(%dma_start3A_241 : memref<1x128xi32, #tpu.memory_space<vmem>>) target_semaphore(%arg23 : memref<!tpu.dma_semaphore, #tpu.memory_space<semaphore_mem>>)
      } else {
      }
      %add3A_150 = arith.constant 1 : i32
      %add3A_151 = arith.addi %add3A_143, %add3A_150 : i32
      %lt3A_152 = arith.cmpi slt, %add3A_151, %add3A_7 : i32
      %convert_element_type3A_153 = arith.extui %lt3A_152 : i1 to i32
      %cond3A_154 = arith.constant 0 : i32
      %cond3A_155 = arith.cmpi ne, %convert_element_type3A_153, %cond3A_154 : i32
      scf.if %cond3A_155 {
        %ge3A = arith.constant 1 : i32
        %ge3A_220 = arith.cmpi sge, %add3A_143, %ge3A : i32
        %convert_element_type3A_221 = arith.extui %ge3A_220 : i1 to i32
        %cond3A_222 = arith.constant 0 : i32
        %cond3A_223 = arith.cmpi ne, %convert_element_type3A_221, %cond3A_222 : i32
        scf.if %cond3A_223 {
          %dma_wait3A_264 = arith.constant 0 : i32
          %dma_wait3A_265 = arith.constant 0 : i32
          %dma_wait3A_266 = tpu.memref_slice %arg12[%dma_wait3A_264, %dma_wait3A_265] : memref<1x128xi32, #tpu.memory_space<vmem>> -> memref<1x128xi32, #tpu.memory_space<vmem>>
          %dma_wait3A_267 = tpu.memref_squeeze %dma_wait3A_266 : memref<1x128xi32, #tpu.memory_space<vmem>> -> memref<128xi32, #tpu.memory_space<vmem>>
          %dma_wait3A_268 = arith.constant 0 : i32
          %dma_wait3A_269 = arith.constant 0 : i32
          %dma_wait3A_270 = tpu.memref_slice %arg7[%dma_wait3A_268, %dma_wait3A_269] : memref<50000x32xf32, #tpu.memory_space<vmem_shared>> -> memref<50000x32xf32, #tpu.memory_space<vmem_shared>>
          tpu.wait_indirect_dma semaphore(%arg30 : memref<!tpu.dma_semaphore, #tpu.memory_space<semaphore_mem>>) src(%arg17 : memref<128x32xf32, #tpu.memory_space<vmem>>) dst(%dma_wait3A_270 : memref<50000x32xf32, #tpu.memory_space<vmem_shared>>)
        } else {
        }
        %dma_wait3A_224 = arith.constant 0 : i32
        %dma_wait3A_225 = arith.constant 0 : i32
        %dma_wait3A_226 = tpu.memref_slice %arg9[%dma_wait3A_224, %dma_wait3A_225] : memref<1x128xi32, #tpu.memory_space<vmem>> -> memref<1x128xi32, #tpu.memory_space<vmem>>
        %dma_wait3A_227 = arith.constant 0 : i32
        %dma_wait3A_228 = arith.constant 0 : i32
        %dma_wait3A_229 = tpu.memref_slice %arg3[%dma_wait3A_227, %dma_wait3A_228] : memref<6250x128xi32, #tpu.memory_space<hbm>> -> memref<1x128xi32, #tpu.memory_space<hbm>>
        %dma_wait3A_230 = arith.constant 0 : i32
        %dma_wait3A_231 = arith.constant 0 : i32
        %dma_wait3A_232 = tpu.memref_slice %arg9[%dma_wait3A_230, %dma_wait3A_231] : memref<1x128xi32, #tpu.memory_space<vmem>> -> memref<1x128xi32, #tpu.memory_space<vmem>>
        %dma_wait3A_233 = arith.constant 0 : i32
        %dma_wait3A_234 = arith.constant 0 : i32
        %dma_wait3A_235 = tpu.memref_slice %arg3[%dma_wait3A_233, %dma_wait3A_234] : memref<6250x128xi32, #tpu.memory_space<hbm>> -> memref<1x128xi32, #tpu.memory_space<hbm>>
        tpu.wait_dma2 semaphore(%arg22 : memref<!tpu.dma_semaphore, #tpu.memory_space<semaphore_mem>>) src(%dma_wait3A_235 : memref<1x128xi32, #tpu.memory_space<hbm>>) dst(%dma_wait3A_232 : memref<1x128xi32, #tpu.memory_space<vmem>>)
        %dma_wait3A_236 = arith.constant 0 : i32
        %dma_wait3A_237 = arith.constant 0 : i32
        %dma_wait3A_238 = tpu.memref_slice %arg13[%dma_wait3A_236, %dma_wait3A_237] : memref<1x128xi32, #tpu.memory_space<vmem>> -> memref<1x128xi32, #tpu.memory_space<vmem>>
        %dma_wait3A_239 = arith.constant 0 : i32
        %dma_wait3A_240 = arith.constant 0 : i32
        %dma_wait3A_241 = tpu.memref_slice %arg4[%dma_wait3A_239, %dma_wait3A_240] : memref<6250x128xi32, #tpu.memory_space<hbm>> -> memref<1x128xi32, #tpu.memory_space<hbm>>
        %dma_wait3A_242 = arith.constant 0 : i32
        %dma_wait3A_243 = arith.constant 0 : i32
        %dma_wait3A_244 = tpu.memref_slice %arg13[%dma_wait3A_242, %dma_wait3A_243] : memref<1x128xi32, #tpu.memory_space<vmem>> -> memref<1x128xi32, #tpu.memory_space<vmem>>
        %dma_wait3A_245 = arith.constant 0 : i32
        %dma_wait3A_246 = arith.constant 0 : i32
        %dma_wait3A_247 = tpu.memref_slice %arg4[%dma_wait3A_245, %dma_wait3A_246] : memref<6250x128xi32, #tpu.memory_space<hbm>> -> memref<1x128xi32, #tpu.memory_space<hbm>>
        tpu.wait_dma2 semaphore(%arg22 : memref<!tpu.dma_semaphore, #tpu.memory_space<semaphore_mem>>) src(%dma_wait3A_247 : memref<1x128xi32, #tpu.memory_space<hbm>>) dst(%dma_wait3A_244 : memref<1x128xi32, #tpu.memory_space<vmem>>)
        %add3A_248 = arith.constant 1 : i32
        %add3A_249 = arith.addi %add3A_143, %add3A_248 : i32
        %add3A_250 = arith.addi %add3A_4, %add3A_249 : i32
        %mul3A_251 = arith.constant 128 : i32
        %mul3A_252 = arith.muli %add3A_250, %mul3A_251 : i32
        %dma_start3A_253 = arith.constant 0 : i32
        %dma_start3A_254 = tpu.memref_slice %arg5[%mul3A_252, %dma_start3A_253] : memref<800000x32xf32, #tpu.memory_space<hbm>> -> memref<128x32xf32, #tpu.memory_space<hbm>>
        %dma_start3A_255 = arith.constant 0 : i32
        %dma_start3A_256 = tpu.memref_slice %arg5[%mul3A_252, %dma_start3A_255] : memref<800000x32xf32, #tpu.memory_space<hbm>> -> memref<128x32xf32, #tpu.memory_space<hbm>>
        tpu.enqueue_dma source(%dma_start3A_256 : memref<128x32xf32, #tpu.memory_space<hbm>>) target(%arg19 : memref<128x32xf32, #tpu.memory_space<vmem>>) target_semaphore(%arg26 : memref<!tpu.dma_semaphore, #tpu.memory_space<semaphore_mem>>)
        %dma_start3A_257 = arith.constant 0 : i32
        %dma_start3A_258 = arith.constant 0 : i32
        %dma_start3A_259 = tpu.memref_slice %arg9[%dma_start3A_257, %dma_start3A_258] : memref<1x128xi32, #tpu.memory_space<vmem>> -> memref<1x128xi32, #tpu.memory_space<vmem>>
        %dma_start3A_260 = tpu.memref_squeeze %dma_start3A_259 : memref<1x128xi32, #tpu.memory_space<vmem>> -> memref<128xi32, #tpu.memory_space<vmem>>
        %dma_start3A_261 = arith.constant 0 : i32
        %dma_start3A_262 = arith.constant 0 : i32
        %dma_start3A_263 = tpu.memref_slice %arg2[%dma_start3A_261, %dma_start3A_262] : memref<50000x32xf32, #tpu.memory_space<hbm>> -> memref<50000x32xf32, #tpu.memory_space<hbm>>
        tpu.enqueue_indirect_dma source(%dma_start3A_263 : memref<50000x32xf32, #tpu.memory_space<hbm>>) target(%arg17 : memref<128x32xf32, #tpu.memory_space<vmem>>) offsets(%dma_start3A_260 : memref<128xi32, #tpu.memory_space<vmem>>) semaphore(%arg28 : memref<!tpu.dma_semaphore, #tpu.memory_space<semaphore_mem>>)
      } else {
      }
      %lt3A_156 = arith.cmpi slt, %add3A_143, %add3A_7 : i32
      %convert_element_type3A_157 = arith.extui %lt3A_156 : i1 to i32
      %cond3A_158 = arith.constant 0 : i32
      %cond3A_159 = arith.cmpi ne, %convert_element_type3A_157, %cond3A_158 : i32
      scf.if %cond3A_159 {
        %dma_wait3A_220 = arith.constant 0 : i32
        %dma_wait3A_221 = arith.constant 0 : i32
        %dma_wait3A_222 = tpu.memref_slice %arg5[%dma_wait3A_220, %dma_wait3A_221] : memref<800000x32xf32, #tpu.memory_space<hbm>> -> memref<128x32xf32, #tpu.memory_space<hbm>>
        %dma_wait3A_223 = arith.constant 0 : i32
        %dma_wait3A_224 = arith.constant 0 : i32
        %dma_wait3A_225 = tpu.memref_slice %arg5[%dma_wait3A_223, %dma_wait3A_224] : memref<800000x32xf32, #tpu.memory_space<hbm>> -> memref<128x32xf32, #tpu.memory_space<hbm>>
        tpu.wait_dma2 semaphore(%arg25 : memref<!tpu.dma_semaphore, #tpu.memory_space<semaphore_mem>>) src(%dma_wait3A_225 : memref<128x32xf32, #tpu.memory_space<hbm>>) dst(%arg18 : memref<128x32xf32, #tpu.memory_space<vmem>>)
        %dma_wait3A_226 = arith.constant 0 : i32
        %dma_wait3A_227 = arith.constant 0 : i32
        %dma_wait3A_228 = tpu.memref_slice %arg8[%dma_wait3A_226, %dma_wait3A_227] : memref<1x128xi32, #tpu.memory_space<vmem>> -> memref<1x128xi32, #tpu.memory_space<vmem>>
        %dma_wait3A_229 = tpu.memref_squeeze %dma_wait3A_228 : memref<1x128xi32, #tpu.memory_space<vmem>> -> memref<128xi32, #tpu.memory_space<vmem>>
        %dma_wait3A_230 = arith.constant 0 : i32
        %dma_wait3A_231 = arith.constant 0 : i32
        %dma_wait3A_232 = tpu.memref_slice %arg2[%dma_wait3A_230, %dma_wait3A_231] : memref<50000x32xf32, #tpu.memory_space<hbm>> -> memref<50000x32xf32, #tpu.memory_space<hbm>>
        tpu.wait_indirect_dma semaphore(%arg27 : memref<!tpu.dma_semaphore, #tpu.memory_space<semaphore_mem>>) src(%dma_wait3A_232 : memref<50000x32xf32, #tpu.memory_space<hbm>>) dst(%arg16 : memref<128x32xf32, #tpu.memory_space<vmem>>)
        %scan3A_233 = arith.constant 0 : i32
        %scan3A_234 = arith.constant 0 : i32
        %scan3A_235 = arith.constant 128 : i32
        %scan3A_236 = arith.addi %scan3A_234, %scan3A_235 : i32
        %scan3A_237 = arith.constant 1 : i32
        scf.for %scan3A_246 = %scan3A_234 to %scan3A_236 step %scan3A_237  : i32 {
          %get3A = arith.index_cast %scan3A_246 : i32 to index
          %get3A_247 = arith.constant 0 : index
          %get3A_248 = tpu.vector_load %arg16[%get3A, %get3A_247] {strides = array<i32>} : memref<128x32xf32, #tpu.memory_space<vmem>>, vector<1x16xf32>,
          %get3A_249 = vector.shape_cast %get3A_248 : vector<1x16xf32> to vector<16xf32>
          %get3A_250 = arith.index_cast %scan3A_246 : i32 to index
          %get3A_251 = arith.constant 0 : index
          %get3A_252 = tpu.vector_load %arg18[%get3A_250, %get3A_251] {strides = array<i32>} : memref<128x32xf32, #tpu.memory_space<vmem>>, vector<1x16xf32>,
          %get3A_253 = vector.shape_cast %get3A_252 : vector<1x16xf32> to vector<16xf32>
          %add3A_254 = arith.addf %get3A_249, %get3A_253 : vector<16xf32>
          %max3A = arith.constant 0.000000e+00 : f32
          %max3A_255 = vector.broadcast %max3A : f32 to vector<16xf32>
          %max3A_256 = arith.maximumf %add3A_254, %max3A_255 : vector<16xf32>
          %swap3A = arith.index_cast %scan3A_246 : i32 to index
          %swap3A_257 = arith.constant 0 : index
          %swap3A_258 = tpu.vector_load %arg16[%swap3A, %swap3A_257] {strides = array<i32>} : memref<128x32xf32, #tpu.memory_space<vmem>>, vector<1x16xf32>,
          %swap3A_259 = vector.shape_cast %swap3A_258 : vector<1x16xf32> to vector<16xf32>
          %swap3A_260 = vector.shape_cast %max3A_256 : vector<16xf32> to vector<1x16xf32>
          tpu.vector_store %arg16[%swap3A, %swap3A_257], %swap3A_260 {strides = array<i32>} : memref<128x32xf32, #tpu.memory_space<vmem>>, vector<1x16xf32>,
          %get3A_261 = arith.index_cast %scan3A_246 : i32 to index
          %get3A_262 = arith.constant 16 : index
          %get3A_263 = tpu.vector_load %arg16[%get3A_261, %get3A_262] {strides = array<i32>} : memref<128x32xf32, #tpu.memory_space<vmem>>, vector<1x16xf32>,
          %get3A_264 = vector.shape_cast %get3A_263 : vector<1x16xf32> to vector<16xf32>
          %get3A_265 = arith.index_cast %scan3A_246 : i32 to index
          %get3A_266 = arith.constant 16 : index
          %get3A_267 = tpu.vector_load %arg18[%get3A_265, %get3A_266] {strides = array<i32>} : memref<128x32xf32, #tpu.memory_space<vmem>>, vector<1x16xf32>,
          %get3A_268 = vector.shape_cast %get3A_267 : vector<1x16xf32> to vector<16xf32>
          %add3A_269 = arith.addf %get3A_264, %get3A_268 : vector<16xf32>
          %max3A_270 = arith.constant 0.000000e+00 : f32
          %max3A_271 = vector.broadcast %max3A_270 : f32 to vector<16xf32>
          %max3A_272 = arith.maximumf %add3A_269, %max3A_271 : vector<16xf32>
          %swap3A_273 = arith.index_cast %scan3A_246 : i32 to index
          %swap3A_274 = arith.constant 16 : index
          %swap3A_275 = tpu.vector_load %arg16[%swap3A_273, %swap3A_274] {strides = array<i32>} : memref<128x32xf32, #tpu.memory_space<vmem>>, vector<1x16xf32>,
          %swap3A_276 = vector.shape_cast %swap3A_275 : vector<1x16xf32> to vector<16xf32>
          %swap3A_277 = vector.shape_cast %max3A_272 : vector<16xf32> to vector<1x16xf32>
          tpu.vector_store %arg16[%swap3A_273, %swap3A_274], %swap3A_277 {strides = array<i32>} : memref<128x32xf32, #tpu.memory_space<vmem>>, vector<1x16xf32>,
        }
        %scan3A_238 = arith.constant 128 : i32
        %dma_start3A_239 = arith.constant 0 : i32
        %dma_start3A_240 = arith.constant 0 : i32
        %dma_start3A_241 = tpu.memref_slice %arg12[%dma_start3A_239, %dma_start3A_240] : memref<1x128xi32, #tpu.memory_space<vmem>> -> memref<1x128xi32, #tpu.memory_space<vmem>>
        %dma_start3A_242 = tpu.memref_squeeze %dma_start3A_241 : memref<1x128xi32, #tpu.memory_space<vmem>> -> memref<128xi32, #tpu.memory_space<vmem>>
        %dma_start3A_243 = arith.constant 0 : i32
        %dma_start3A_244 = arith.constant 0 : i32
        %dma_start3A_245 = tpu.memref_slice %arg7[%dma_start3A_243, %dma_start3A_244] : memref<50000x32xf32, #tpu.memory_space<vmem_shared>> -> memref<50000x32xf32, #tpu.memory_space<vmem_shared>>
        tpu.enqueue_indirect_dma source(%arg16 : memref<128x32xf32, #tpu.memory_space<vmem>>) target(%dma_start3A_245 : memref<50000x32xf32, #tpu.memory_space<vmem_shared>>) offsets(%dma_start3A_242 : memref<128xi32, #tpu.memory_space<vmem>>) semaphore(%arg29 : memref<!tpu.dma_semaphore, #tpu.memory_space<semaphore_mem>>) {add = true}
      } else {
      }
      %mul3A_160 = arith.constant 4 : i32
      %mul3A_161 = arith.muli %scan3A_139, %mul3A_160 : i32
      %add3A_162 = arith.constant 1 : i32
      %add3A_163 = arith.addi %mul3A_161, %add3A_162 : i32
      %add3A_164 = arith.constant 2 : i32
      %add3A_165 = arith.addi %add3A_163, %add3A_164 : i32
      %lt3A_166 = arith.cmpi slt, %add3A_165, %add3A_7 : i32
      %convert_element_type3A_167 = arith.extui %lt3A_166 : i1 to i32
      %cond3A_168 = arith.constant 0 : i32
      %cond3A_169 = arith.cmpi ne, %convert_element_type3A_167, %cond3A_168 : i32
      scf.if %cond3A_169 {
        %add3A_220 = arith.constant 2 : i32
        %add3A_221 = arith.addi %add3A_163, %add3A_220 : i32
        %add3A_222 = arith.addi %add3A_4, %add3A_221 : i32
        %dma_start3A_223 = arith.constant 0 : i32
        %dma_start3A_224 = arith.constant 0 : i32
        %dma_start3A_225 = tpu.memref_slice %arg11[%dma_start3A_223, %dma_start3A_224] : memref<1x128xi32, #tpu.memory_space<vmem>> -> memref<1x128xi32, #tpu.memory_space<vmem>>
        %dma_start3A_226 = arith.constant 0 : i32
        %dma_start3A_227 = tpu.memref_slice %arg3[%add3A_222, %dma_start3A_226] : memref<6250x128xi32, #tpu.memory_space<hbm>> -> memref<1x128xi32, #tpu.memory_space<hbm>>
        %dma_start3A_228 = arith.constant 0 : i32
        %dma_start3A_229 = arith.constant 0 : i32
        %dma_start3A_230 = tpu.memref_slice %arg11[%dma_start3A_228, %dma_start3A_229] : memref<1x128xi32, #tpu.memory_space<vmem>> -> memref<1x128xi32, #tpu.memory_space<vmem>>
        %dma_start3A_231 = arith.constant 0 : i32
        %dma_start3A_232 = tpu.memref_slice %arg3[%add3A_222, %dma_start3A_231] : memref<6250x128xi32, #tpu.memory_space<hbm>> -> memref<1x128xi32, #tpu.memory_space<hbm>>
        tpu.enqueue_dma source(%dma_start3A_232 : memref<1x128xi32, #tpu.memory_space<hbm>>) target(%dma_start3A_230 : memref<1x128xi32, #tpu.memory_space<vmem>>) target_semaphore(%arg24 : memref<!tpu.dma_semaphore, #tpu.memory_space<semaphore_mem>>)
        %add3A_233 = arith.addi %add3A_4, %add3A_221 : i32
        %dma_start3A_234 = arith.constant 0 : i32
        %dma_start3A_235 = arith.constant 0 : i32
        %dma_start3A_236 = tpu.memref_slice %arg15[%dma_start3A_234, %dma_start3A_235] : memref<1x128xi32, #tpu.memory_space<vmem>> -> memref<1x128xi32, #tpu.memory_space<vmem>>
        %dma_start3A_237 = arith.constant 0 : i32
        %dma_start3A_238 = tpu.memref_slice %arg4[%add3A_233, %dma_start3A_237] : memref<6250x128xi32, #tpu.memory_space<hbm>> -> memref<1x128xi32, #tpu.memory_space<hbm>>
        %dma_start3A_239 = arith.constant 0 : i32
        %dma_start3A_240 = arith.constant 0 : i32
        %dma_start3A_241 = tpu.memref_slice %arg15[%dma_start3A_239, %dma_start3A_240] : memref<1x128xi32, #tpu.memory_space<vmem>> -> memref<1x128xi32, #tpu.memory_space<vmem>>
        %dma_start3A_242 = arith.constant 0 : i32
        %dma_start3A_243 = tpu.memref_slice %arg4[%add3A_233, %dma_start3A_242] : memref<6250x128xi32, #tpu.memory_space<hbm>> -> memref<1x128xi32, #tpu.memory_space<hbm>>
        tpu.enqueue_dma source(%dma_start3A_243 : memref<1x128xi32, #tpu.memory_space<hbm>>) target(%dma_start3A_241 : memref<1x128xi32, #tpu.memory_space<vmem>>) target_semaphore(%arg24 : memref<!tpu.dma_semaphore, #tpu.memory_space<semaphore_mem>>)
      } else {
      }
      %add3A_170 = arith.constant 1 : i32
      %add3A_171 = arith.addi %add3A_163, %add3A_170 : i32
      %lt3A_172 = arith.cmpi slt, %add3A_171, %add3A_7 : i32
      %convert_element_type3A_173 = arith.extui %lt3A_172 : i1 to i32
      %cond3A_174 = arith.constant 0 : i32
      %cond3A_175 = arith.cmpi ne, %convert_element_type3A_173, %cond3A_174 : i32
      scf.if %cond3A_175 {
        %ge3A = arith.constant 1 : i32
        %ge3A_220 = arith.cmpi sge, %add3A_163, %ge3A : i32
        %convert_element_type3A_221 = arith.extui %ge3A_220 : i1 to i32
        %cond3A_222 = arith.constant 0 : i32
        %cond3A_223 = arith.cmpi ne, %convert_element_type3A_221, %cond3A_222 : i32
        scf.if %cond3A_223 {
          %dma_wait3A_264 = arith.constant 0 : i32
          %dma_wait3A_265 = arith.constant 0 : i32
          %dma_wait3A_266 = tpu.memref_slice %arg12[%dma_wait3A_264, %dma_wait3A_265] : memref<1x128xi32, #tpu.memory_space<vmem>> -> memref<1x128xi32, #tpu.memory_space<vmem>>
          %dma_wait3A_267 = tpu.memref_squeeze %dma_wait3A_266 : memref<1x128xi32, #tpu.memory_space<vmem>> -> memref<128xi32, #tpu.memory_space<vmem>>
          %dma_wait3A_268 = arith.constant 0 : i32
          %dma_wait3A_269 = arith.constant 0 : i32
          %dma_wait3A_270 = tpu.memref_slice %arg7[%dma_wait3A_268, %dma_wait3A_269] : memref<50000x32xf32, #tpu.memory_space<vmem_shared>> -> memref<50000x32xf32, #tpu.memory_space<vmem_shared>>
          tpu.wait_indirect_dma semaphore(%arg29 : memref<!tpu.dma_semaphore, #tpu.memory_space<semaphore_mem>>) src(%arg16 : memref<128x32xf32, #tpu.memory_space<vmem>>) dst(%dma_wait3A_270 : memref<50000x32xf32, #tpu.memory_space<vmem_shared>>)
        } else {
        }
        %dma_wait3A_224 = arith.constant 0 : i32
        %dma_wait3A_225 = arith.constant 0 : i32
        %dma_wait3A_226 = tpu.memref_slice %arg10[%dma_wait3A_224, %dma_wait3A_225] : memref<1x128xi32, #tpu.memory_space<vmem>> -> memref<1x128xi32, #tpu.memory_space<vmem>>
        %dma_wait3A_227 = arith.constant 0 : i32
        %dma_wait3A_228 = arith.constant 0 : i32
        %dma_wait3A_229 = tpu.memref_slice %arg3[%dma_wait3A_227, %dma_wait3A_228] : memref<6250x128xi32, #tpu.memory_space<hbm>> -> memref<1x128xi32, #tpu.memory_space<hbm>>
        %dma_wait3A_230 = arith.constant 0 : i32
        %dma_wait3A_231 = arith.constant 0 : i32
        %dma_wait3A_232 = tpu.memref_slice %arg10[%dma_wait3A_230, %dma_wait3A_231] : memref<1x128xi32, #tpu.memory_space<vmem>> -> memref<1x128xi32, #tpu.memory_space<vmem>>
        %dma_wait3A_233 = arith.constant 0 : i32
        %dma_wait3A_234 = arith.constant 0 : i32
        %dma_wait3A_235 = tpu.memref_slice %arg3[%dma_wait3A_233, %dma_wait3A_234] : memref<6250x128xi32, #tpu.memory_space<hbm>> -> memref<1x128xi32, #tpu.memory_space<hbm>>
        tpu.wait_dma2 semaphore(%arg23 : memref<!tpu.dma_semaphore, #tpu.memory_space<semaphore_mem>>) src(%dma_wait3A_235 : memref<1x128xi32, #tpu.memory_space<hbm>>) dst(%dma_wait3A_232 : memref<1x128xi32, #tpu.memory_space<vmem>>)
        %dma_wait3A_236 = arith.constant 0 : i32
        %dma_wait3A_237 = arith.constant 0 : i32
        %dma_wait3A_238 = tpu.memref_slice %arg14[%dma_wait3A_236, %dma_wait3A_237] : memref<1x128xi32, #tpu.memory_space<vmem>> -> memref<1x128xi32, #tpu.memory_space<vmem>>
        %dma_wait3A_239 = arith.constant 0 : i32
        %dma_wait3A_240 = arith.constant 0 : i32
        %dma_wait3A_241 = tpu.memref_slice %arg4[%dma_wait3A_239, %dma_wait3A_240] : memref<6250x128xi32, #tpu.memory_space<hbm>> -> memref<1x128xi32, #tpu.memory_space<hbm>>
        %dma_wait3A_242 = arith.constant 0 : i32
        %dma_wait3A_243 = arith.constant 0 : i32
        %dma_wait3A_244 = tpu.memref_slice %arg14[%dma_wait3A_242, %dma_wait3A_243] : memref<1x128xi32, #tpu.memory_space<vmem>> -> memref<1x128xi32, #tpu.memory_space<vmem>>
        %dma_wait3A_245 = arith.constant 0 : i32
        %dma_wait3A_246 = arith.constant 0 : i32
        %dma_wait3A_247 = tpu.memref_slice %arg4[%dma_wait3A_245, %dma_wait3A_246] : memref<6250x128xi32, #tpu.memory_space<hbm>> -> memref<1x128xi32, #tpu.memory_space<hbm>>
        tpu.wait_dma2 semaphore(%arg23 : memref<!tpu.dma_semaphore, #tpu.memory_space<semaphore_mem>>) src(%dma_wait3A_247 : memref<1x128xi32, #tpu.memory_space<hbm>>) dst(%dma_wait3A_244 : memref<1x128xi32, #tpu.memory_space<vmem>>)
        %add3A_248 = arith.constant 1 : i32
        %add3A_249 = arith.addi %add3A_163, %add3A_248 : i32
        %add3A_250 = arith.addi %add3A_4, %add3A_249 : i32
        %mul3A_251 = arith.constant 128 : i32
        %mul3A_252 = arith.muli %add3A_250, %mul3A_251 : i32
        %dma_start3A_253 = arith.constant 0 : i32
        %dma_start3A_254 = tpu.memref_slice %arg5[%mul3A_252, %dma_start3A_253] : memref<800000x32xf32, #tpu.memory_space<hbm>> -> memref<128x32xf32, #tpu.memory_space<hbm>>
        %dma_start3A_255 = arith.constant 0 : i32
        %dma_start3A_256 = tpu.memref_slice %arg5[%mul3A_252, %dma_start3A_255] : memref<800000x32xf32, #tpu.memory_space<hbm>> -> memref<128x32xf32, #tpu.memory_space<hbm>>
        tpu.enqueue_dma source(%dma_start3A_256 : memref<128x32xf32, #tpu.memory_space<hbm>>) target(%arg18 : memref<128x32xf32, #tpu.memory_space<vmem>>) target_semaphore(%arg25 : memref<!tpu.dma_semaphore, #tpu.memory_space<semaphore_mem>>)
        %dma_start3A_257 = arith.constant 0 : i32
        %dma_start3A_258 = arith.constant 0 : i32
        %dma_start3A_259 = tpu.memref_slice %arg10[%dma_start3A_257, %dma_start3A_258] : memref<1x128xi32, #tpu.memory_space<vmem>> -> memref<1x128xi32, #tpu.memory_space<vmem>>
        %dma_start3A_260 = tpu.memref_squeeze %dma_start3A_259 : memref<1x128xi32, #tpu.memory_space<vmem>> -> memref<128xi32, #tpu.memory_space<vmem>>
        %dma_start3A_261 = arith.constant 0 : i32
        %dma_start3A_262 = arith.constant 0 : i32
        %dma_start3A_263 = tpu.memref_slice %arg2[%dma_start3A_261, %dma_start3A_262] : memref<50000x32xf32, #tpu.memory_space<hbm>> -> memref<50000x32xf32, #tpu.memory_space<hbm>>
        tpu.enqueue_indirect_dma source(%dma_start3A_263 : memref<50000x32xf32, #tpu.memory_space<hbm>>) target(%arg16 : memref<128x32xf32, #tpu.memory_space<vmem>>) offsets(%dma_start3A_260 : memref<128xi32, #tpu.memory_space<vmem>>) semaphore(%arg27 : memref<!tpu.dma_semaphore, #tpu.memory_space<semaphore_mem>>)
      } else {
      }
      %lt3A_176 = arith.cmpi slt, %add3A_163, %add3A_7 : i32
      %convert_element_type3A_177 = arith.extui %lt3A_176 : i1 to i32
      %cond3A_178 = arith.constant 0 : i32
      %cond3A_179 = arith.cmpi ne, %convert_element_type3A_177, %cond3A_178 : i32
      scf.if %cond3A_179 {
        %dma_wait3A_220 = arith.constant 0 : i32
        %dma_wait3A_221 = arith.constant 0 : i32
        %dma_wait3A_222 = tpu.memref_slice %arg5[%dma_wait3A_220, %dma_wait3A_221] : memref<800000x32xf32, #tpu.memory_space<hbm>> -> memref<128x32xf32, #tpu.memory_space<hbm>>
        %dma_wait3A_223 = arith.constant 0 : i32
        %dma_wait3A_224 = arith.constant 0 : i32
        %dma_wait3A_225 = tpu.memref_slice %arg5[%dma_wait3A_223, %dma_wait3A_224] : memref<800000x32xf32, #tpu.memory_space<hbm>> -> memref<128x32xf32, #tpu.memory_space<hbm>>
        tpu.wait_dma2 semaphore(%arg26 : memref<!tpu.dma_semaphore, #tpu.memory_space<semaphore_mem>>) src(%dma_wait3A_225 : memref<128x32xf32, #tpu.memory_space<hbm>>) dst(%arg19 : memref<128x32xf32, #tpu.memory_space<vmem>>)
        %dma_wait3A_226 = arith.constant 0 : i32
        %dma_wait3A_227 = arith.constant 0 : i32
        %dma_wait3A_228 = tpu.memref_slice %arg8[%dma_wait3A_226, %dma_wait3A_227] : memref<1x128xi32, #tpu.memory_space<vmem>> -> memref<1x128xi32, #tpu.memory_space<vmem>>
        %dma_wait3A_229 = tpu.memref_squeeze %dma_wait3A_228 : memref<1x128xi32, #tpu.memory_space<vmem>> -> memref<128xi32, #tpu.memory_space<vmem>>
        %dma_wait3A_230 = arith.constant 0 : i32
        %dma_wait3A_231 = arith.constant 0 : i32
        %dma_wait3A_232 = tpu.memref_slice %arg2[%dma_wait3A_230, %dma_wait3A_231] : memref<50000x32xf32, #tpu.memory_space<hbm>> -> memref<50000x32xf32, #tpu.memory_space<hbm>>
        tpu.wait_indirect_dma semaphore(%arg28 : memref<!tpu.dma_semaphore, #tpu.memory_space<semaphore_mem>>) src(%dma_wait3A_232 : memref<50000x32xf32, #tpu.memory_space<hbm>>) dst(%arg17 : memref<128x32xf32, #tpu.memory_space<vmem>>)
        %scan3A_233 = arith.constant 0 : i32
        %scan3A_234 = arith.constant 0 : i32
        %scan3A_235 = arith.constant 128 : i32
        %scan3A_236 = arith.addi %scan3A_234, %scan3A_235 : i32
        %scan3A_237 = arith.constant 1 : i32
        scf.for %scan3A_246 = %scan3A_234 to %scan3A_236 step %scan3A_237  : i32 {
          %get3A = arith.index_cast %scan3A_246 : i32 to index
          %get3A_247 = arith.constant 0 : index
          %get3A_248 = tpu.vector_load %arg17[%get3A, %get3A_247] {strides = array<i32>} : memref<128x32xf32, #tpu.memory_space<vmem>>, vector<1x16xf32>,
          %get3A_249 = vector.shape_cast %get3A_248 : vector<1x16xf32> to vector<16xf32>
          %get3A_250 = arith.index_cast %scan3A_246 : i32 to index
          %get3A_251 = arith.constant 0 : index
          %get3A_252 = tpu.vector_load %arg19[%get3A_250, %get3A_251] {strides = array<i32>} : memref<128x32xf32, #tpu.memory_space<vmem>>, vector<1x16xf32>,
          %get3A_253 = vector.shape_cast %get3A_252 : vector<1x16xf32> to vector<16xf32>
          %add3A_254 = arith.addf %get3A_249, %get3A_253 : vector<16xf32>
          %max3A = arith.constant 0.000000e+00 : f32
          %max3A_255 = vector.broadcast %max3A : f32 to vector<16xf32>
          %max3A_256 = arith.maximumf %add3A_254, %max3A_255 : vector<16xf32>
          %swap3A = arith.index_cast %scan3A_246 : i32 to index
          %swap3A_257 = arith.constant 0 : index
          %swap3A_258 = tpu.vector_load %arg17[%swap3A, %swap3A_257] {strides = array<i32>} : memref<128x32xf32, #tpu.memory_space<vmem>>, vector<1x16xf32>,
          %swap3A_259 = vector.shape_cast %swap3A_258 : vector<1x16xf32> to vector<16xf32>
          %swap3A_260 = vector.shape_cast %max3A_256 : vector<16xf32> to vector<1x16xf32>
          tpu.vector_store %arg17[%swap3A, %swap3A_257], %swap3A_260 {strides = array<i32>} : memref<128x32xf32, #tpu.memory_space<vmem>>, vector<1x16xf32>,
          %get3A_261 = arith.index_cast %scan3A_246 : i32 to index
          %get3A_262 = arith.constant 16 : index
          %get3A_263 = tpu.vector_load %arg17[%get3A_261, %get3A_262] {strides = array<i32>} : memref<128x32xf32, #tpu.memory_space<vmem>>, vector<1x16xf32>,
          %get3A_264 = vector.shape_cast %get3A_263 : vector<1x16xf32> to vector<16xf32>
          %get3A_265 = arith.index_cast %scan3A_246 : i32 to index
          %get3A_266 = arith.constant 16 : index
          %get3A_267 = tpu.vector_load %arg19[%get3A_265, %get3A_266] {strides = array<i32>} : memref<128x32xf32, #tpu.memory_space<vmem>>, vector<1x16xf32>,
          %get3A_268 = vector.shape_cast %get3A_267 : vector<1x16xf32> to vector<16xf32>
          %add3A_269 = arith.addf %get3A_264, %get3A_268 : vector<16xf32>
          %max3A_270 = arith.constant 0.000000e+00 : f32
          %max3A_271 = vector.broadcast %max3A_270 : f32 to vector<16xf32>
          %max3A_272 = arith.maximumf %add3A_269, %max3A_271 : vector<16xf32>
          %swap3A_273 = arith.index_cast %scan3A_246 : i32 to index
          %swap3A_274 = arith.constant 16 : index
          %swap3A_275 = tpu.vector_load %arg17[%swap3A_273, %swap3A_274] {strides = array<i32>} : memref<128x32xf32, #tpu.memory_space<vmem>>, vector<1x16xf32>,
          %swap3A_276 = vector.shape_cast %swap3A_275 : vector<1x16xf32> to vector<16xf32>
          %swap3A_277 = vector.shape_cast %max3A_272 : vector<16xf32> to vector<1x16xf32>
          tpu.vector_store %arg17[%swap3A_273, %swap3A_274], %swap3A_277 {strides = array<i32>} : memref<128x32xf32, #tpu.memory_space<vmem>>, vector<1x16xf32>,
        }
        %scan3A_238 = arith.constant 128 : i32
        %dma_start3A_239 = arith.constant 0 : i32
        %dma_start3A_240 = arith.constant 0 : i32
        %dma_start3A_241 = tpu.memref_slice %arg13[%dma_start3A_239, %dma_start3A_240] : memref<1x128xi32, #tpu.memory_space<vmem>> -> memref<1x128xi32, #tpu.memory_space<vmem>>
        %dma_start3A_242 = tpu.memref_squeeze %dma_start3A_241 : memref<1x128xi32, #tpu.memory_space<vmem>> -> memref<128xi32, #tpu.memory_space<vmem>>
        %dma_start3A_243 = arith.constant 0 : i32
        %dma_start3A_244 = arith.constant 0 : i32
        %dma_start3A_245 = tpu.memref_slice %arg7[%dma_start3A_243, %dma_start3A_244] : memref<50000x32xf32, #tpu.memory_space<vmem_shared>> -> memref<50000x32xf32, #tpu.memory_space<vmem_shared>>
        tpu.enqueue_indirect_dma source(%arg17 : memref<128x32xf32, #tpu.memory_space<vmem>>) target(%dma_start3A_245 : memref<50000x32xf32, #tpu.memory_space<vmem_shared>>) offsets(%dma_start3A_242 : memref<128xi32, #tpu.memory_space<vmem>>) semaphore(%arg30 : memref<!tpu.dma_semaphore, #tpu.memory_space<semaphore_mem>>) {add = true}
      } else {
      }
      %mul3A_180 = arith.constant 4 : i32
      %mul3A_181 = arith.muli %scan3A_139, %mul3A_180 : i32
      %add3A_182 = arith.constant 2 : i32
      %add3A_183 = arith.addi %mul3A_181, %add3A_182 : i32
      %add3A_184 = arith.constant 2 : i32
      %add3A_185 = arith.addi %add3A_183, %add3A_184 : i32
      %lt3A_186 = arith.cmpi slt, %add3A_185, %add3A_7 : i32
      %convert_element_type3A_187 = arith.extui %lt3A_186 : i1 to i32
      %cond3A_188 = arith.constant 0 : i32
      %cond3A_189 = arith.cmpi ne, %convert_element_type3A_187, %cond3A_188 : i32
      scf.if %cond3A_189 {
        %add3A_220 = arith.constant 2 : i32
        %add3A_221 = arith.addi %add3A_183, %add3A_220 : i32
        %add3A_222 = arith.addi %add3A_4, %add3A_221 : i32
        %dma_start3A_223 = arith.constant 0 : i32
        %dma_start3A_224 = arith.constant 0 : i32
        %dma_start3A_225 = tpu.memref_slice %arg8[%dma_start3A_223, %dma_start3A_224] : memref<1x128xi32, #tpu.memory_space<vmem>> -> memref<1x128xi32, #tpu.memory_space<vmem>>
        %dma_start3A_226 = arith.constant 0 : i32
        %dma_start3A_227 = tpu.memref_slice %arg3[%add3A_222, %dma_start3A_226] : memref<6250x128xi32, #tpu.memory_space<hbm>> -> memref<1x128xi32, #tpu.memory_space<hbm>>
        %dma_start3A_228 = arith.constant 0 : i32
        %dma_start3A_229 = arith.constant 0 : i32
        %dma_start3A_230 = tpu.memref_slice %arg8[%dma_start3A_228, %dma_start3A_229] : memref<1x128xi32, #tpu.memory_space<vmem>> -> memref<1x128xi32, #tpu.memory_space<vmem>>
        %dma_start3A_231 = arith.constant 0 : i32
        %dma_start3A_232 = tpu.memref_slice %arg3[%add3A_222, %dma_start3A_231] : memref<6250x128xi32, #tpu.memory_space<hbm>> -> memref<1x128xi32, #tpu.memory_space<hbm>>
        tpu.enqueue_dma source(%dma_start3A_232 : memref<1x128xi32, #tpu.memory_space<hbm>>) target(%dma_start3A_230 : memref<1x128xi32, #tpu.memory_space<vmem>>) target_semaphore(%arg21 : memref<!tpu.dma_semaphore, #tpu.memory_space<semaphore_mem>>)
        %add3A_233 = arith.addi %add3A_4, %add3A_221 : i32
        %dma_start3A_234 = arith.constant 0 : i32
        %dma_start3A_235 = arith.constant 0 : i32
        %dma_start3A_236 = tpu.memref_slice %arg12[%dma_start3A_234, %dma_start3A_235] : memref<1x128xi32, #tpu.memory_space<vmem>> -> memref<1x128xi32, #tpu.memory_space<vmem>>
        %dma_start3A_237 = arith.constant 0 : i32
        %dma_start3A_238 = tpu.memref_slice %arg4[%add3A_233, %dma_start3A_237] : memref<6250x128xi32, #tpu.memory_space<hbm>> -> memref<1x128xi32, #tpu.memory_space<hbm>>
        %dma_start3A_239 = arith.constant 0 : i32
        %dma_start3A_240 = arith.constant 0 : i32
        %dma_start3A_241 = tpu.memref_slice %arg12[%dma_start3A_239, %dma_start3A_240] : memref<1x128xi32, #tpu.memory_space<vmem>> -> memref<1x128xi32, #tpu.memory_space<vmem>>
        %dma_start3A_242 = arith.constant 0 : i32
        %dma_start3A_243 = tpu.memref_slice %arg4[%add3A_233, %dma_start3A_242] : memref<6250x128xi32, #tpu.memory_space<hbm>> -> memref<1x128xi32, #tpu.memory_space<hbm>>
        tpu.enqueue_dma source(%dma_start3A_243 : memref<1x128xi32, #tpu.memory_space<hbm>>) target(%dma_start3A_241 : memref<1x128xi32, #tpu.memory_space<vmem>>) target_semaphore(%arg21 : memref<!tpu.dma_semaphore, #tpu.memory_space<semaphore_mem>>)
      } else {
      }
      %add3A_190 = arith.constant 1 : i32
      %add3A_191 = arith.addi %add3A_183, %add3A_190 : i32
      %lt3A_192 = arith.cmpi slt, %add3A_191, %add3A_7 : i32
      %convert_element_type3A_193 = arith.extui %lt3A_192 : i1 to i32
      %cond3A_194 = arith.constant 0 : i32
      %cond3A_195 = arith.cmpi ne, %convert_element_type3A_193, %cond3A_194 : i32
      scf.if %cond3A_195 {
        %ge3A = arith.constant 1 : i32
        %ge3A_220 = arith.cmpi sge, %add3A_183, %ge3A : i32
        %convert_element_type3A_221 = arith.extui %ge3A_220 : i1 to i32
        %cond3A_222 = arith.constant 0 : i32
        %cond3A_223 = arith.cmpi ne, %convert_element_type3A_221, %cond3A_222 : i32
        scf.if %cond3A_223 {
          %dma_wait3A_264 = arith.constant 0 : i32
          %dma_wait3A_265 = arith.constant 0 : i32
          %dma_wait3A_266 = tpu.memref_slice %arg12[%dma_wait3A_264, %dma_wait3A_265] : memref<1x128xi32, #tpu.memory_space<vmem>> -> memref<1x128xi32, #tpu.memory_space<vmem>>
          %dma_wait3A_267 = tpu.memref_squeeze %dma_wait3A_266 : memref<1x128xi32, #tpu.memory_space<vmem>> -> memref<128xi32, #tpu.memory_space<vmem>>
          %dma_wait3A_268 = arith.constant 0 : i32
          %dma_wait3A_269 = arith.constant 0 : i32
          %dma_wait3A_270 = tpu.memref_slice %arg7[%dma_wait3A_268, %dma_wait3A_269] : memref<50000x32xf32, #tpu.memory_space<vmem_shared>> -> memref<50000x32xf32, #tpu.memory_space<vmem_shared>>
          tpu.wait_indirect_dma semaphore(%arg30 : memref<!tpu.dma_semaphore, #tpu.memory_space<semaphore_mem>>) src(%arg17 : memref<128x32xf32, #tpu.memory_space<vmem>>) dst(%dma_wait3A_270 : memref<50000x32xf32, #tpu.memory_space<vmem_shared>>)
        } else {
        }
        %dma_wait3A_224 = arith.constant 0 : i32
        %dma_wait3A_225 = arith.constant 0 : i32
        %dma_wait3A_226 = tpu.memref_slice %arg11[%dma_wait3A_224, %dma_wait3A_225] : memref<1x128xi32, #tpu.memory_space<vmem>> -> memref<1x128xi32, #tpu.memory_space<vmem>>
        %dma_wait3A_227 = arith.constant 0 : i32
        %dma_wait3A_228 = arith.constant 0 : i32
        %dma_wait3A_229 = tpu.memref_slice %arg3[%dma_wait3A_227, %dma_wait3A_228] : memref<6250x128xi32, #tpu.memory_space<hbm>> -> memref<1x128xi32, #tpu.memory_space<hbm>>
        %dma_wait3A_230 = arith.constant 0 : i32
        %dma_wait3A_231 = arith.constant 0 : i32
        %dma_wait3A_232 = tpu.memref_slice %arg11[%dma_wait3A_230, %dma_wait3A_231] : memref<1x128xi32, #tpu.memory_space<vmem>> -> memref<1x128xi32, #tpu.memory_space<vmem>>
        %dma_wait3A_233 = arith.constant 0 : i32
        %dma_wait3A_234 = arith.constant 0 : i32
        %dma_wait3A_235 = tpu.memref_slice %arg3[%dma_wait3A_233, %dma_wait3A_234] : memref<6250x128xi32, #tpu.memory_space<hbm>> -> memref<1x128xi32, #tpu.memory_space<hbm>>
        tpu.wait_dma2 semaphore(%arg24 : memref<!tpu.dma_semaphore, #tpu.memory_space<semaphore_mem>>) src(%dma_wait3A_235 : memref<1x128xi32, #tpu.memory_space<hbm>>) dst(%dma_wait3A_232 : memref<1x128xi32, #tpu.memory_space<vmem>>)
        %dma_wait3A_236 = arith.constant 0 : i32
        %dma_wait3A_237 = arith.constant 0 : i32
        %dma_wait3A_238 = tpu.memref_slice %arg15[%dma_wait3A_236, %dma_wait3A_237] : memref<1x128xi32, #tpu.memory_space<vmem>> -> memref<1x128xi32, #tpu.memory_space<vmem>>
        %dma_wait3A_239 = arith.constant 0 : i32
        %dma_wait3A_240 = arith.constant 0 : i32
        %dma_wait3A_241 = tpu.memref_slice %arg4[%dma_wait3A_239, %dma_wait3A_240] : memref<6250x128xi32, #tpu.memory_space<hbm>> -> memref<1x128xi32, #tpu.memory_space<hbm>>
        %dma_wait3A_242 = arith.constant 0 : i32
        %dma_wait3A_243 = arith.constant 0 : i32
        %dma_wait3A_244 = tpu.memref_slice %arg15[%dma_wait3A_242, %dma_wait3A_243] : memref<1x128xi32, #tpu.memory_space<vmem>> -> memref<1x128xi32, #tpu.memory_space<vmem>>
        %dma_wait3A_245 = arith.constant 0 : i32
        %dma_wait3A_246 = arith.constant 0 : i32
        %dma_wait3A_247 = tpu.memref_slice %arg4[%dma_wait3A_245, %dma_wait3A_246] : memref<6250x128xi32, #tpu.memory_space<hbm>> -> memref<1x128xi32, #tpu.memory_space<hbm>>
        tpu.wait_dma2 semaphore(%arg24 : memref<!tpu.dma_semaphore, #tpu.memory_space<semaphore_mem>>) src(%dma_wait3A_247 : memref<1x128xi32, #tpu.memory_space<hbm>>) dst(%dma_wait3A_244 : memref<1x128xi32, #tpu.memory_space<vmem>>)
        %add3A_248 = arith.constant 1 : i32
        %add3A_249 = arith.addi %add3A_183, %add3A_248 : i32
        %add3A_250 = arith.addi %add3A_4, %add3A_249 : i32
        %mul3A_251 = arith.constant 128 : i32
        %mul3A_252 = arith.muli %add3A_250, %mul3A_251 : i32
        %dma_start3A_253 = arith.constant 0 : i32
        %dma_start3A_254 = tpu.memref_slice %arg5[%mul3A_252, %dma_start3A_253] : memref<800000x32xf32, #tpu.memory_space<hbm>> -> memref<128x32xf32, #tpu.memory_space<hbm>>
        %dma_start3A_255 = arith.constant 0 : i32
        %dma_start3A_256 = tpu.memref_slice %arg5[%mul3A_252, %dma_start3A_255] : memref<800000x32xf32, #tpu.memory_space<hbm>> -> memref<128x32xf32, #tpu.memory_space<hbm>>
        tpu.enqueue_dma source(%dma_start3A_256 : memref<128x32xf32, #tpu.memory_space<hbm>>) target(%arg19 : memref<128x32xf32, #tpu.memory_space<vmem>>) target_semaphore(%arg26 : memref<!tpu.dma_semaphore, #tpu.memory_space<semaphore_mem>>)
        %dma_start3A_257 = arith.constant 0 : i32
        %dma_start3A_258 = arith.constant 0 : i32
        %dma_start3A_259 = tpu.memref_slice %arg11[%dma_start3A_257, %dma_start3A_258] : memref<1x128xi32, #tpu.memory_space<vmem>> -> memref<1x128xi32, #tpu.memory_space<vmem>>
        %dma_start3A_260 = tpu.memref_squeeze %dma_start3A_259 : memref<1x128xi32, #tpu.memory_space<vmem>> -> memref<128xi32, #tpu.memory_space<vmem>>
        %dma_start3A_261 = arith.constant 0 : i32
        %dma_start3A_262 = arith.constant 0 : i32
        %dma_start3A_263 = tpu.memref_slice %arg2[%dma_start3A_261, %dma_start3A_262] : memref<50000x32xf32, #tpu.memory_space<hbm>> -> memref<50000x32xf32, #tpu.memory_space<hbm>>
        tpu.enqueue_indirect_dma source(%dma_start3A_263 : memref<50000x32xf32, #tpu.memory_space<hbm>>) target(%arg17 : memref<128x32xf32, #tpu.memory_space<vmem>>) offsets(%dma_start3A_260 : memref<128xi32, #tpu.memory_space<vmem>>) semaphore(%arg28 : memref<!tpu.dma_semaphore, #tpu.memory_space<semaphore_mem>>)
      } else {
      }
      %lt3A_196 = arith.cmpi slt, %add3A_183, %add3A_7 : i32
      %convert_element_type3A_197 = arith.extui %lt3A_196 : i1 to i32
      %cond3A_198 = arith.constant 0 : i32
      %cond3A_199 = arith.cmpi ne, %convert_element_type3A_197, %cond3A_198 : i32
      scf.if %cond3A_199 {
        %dma_wait3A_220 = arith.constant 0 : i32
        %dma_wait3A_221 = arith.constant 0 : i32
        %dma_wait3A_222 = tpu.memref_slice %arg5[%dma_wait3A_220, %dma_wait3A_221] : memref<800000x32xf32, #tpu.memory_space<hbm>> -> memref<128x32xf32, #tpu.memory_space<hbm>>
        %dma_wait3A_223 = arith.constant 0 : i32
        %dma_wait3A_224 = arith.constant 0 : i32
        %dma_wait3A_225 = tpu.memref_slice %arg5[%dma_wait3A_223, %dma_wait3A_224] : memref<800000x32xf32, #tpu.memory_space<hbm>> -> memref<128x32xf32, #tpu.memory_space<hbm>>
        tpu.wait_dma2 semaphore(%arg25 : memref<!tpu.dma_semaphore, #tpu.memory_space<semaphore_mem>>) src(%dma_wait3A_225 : memref<128x32xf32, #tpu.memory_space<hbm>>) dst(%arg18 : memref<128x32xf32, #tpu.memory_space<vmem>>)
        %dma_wait3A_226 = arith.constant 0 : i32
        %dma_wait3A_227 = arith.constant 0 : i32
        %dma_wait3A_228 = tpu.memref_slice %arg8[%dma_wait3A_226, %dma_wait3A_227] : memref<1x128xi32, #tpu.memory_space<vmem>> -> memref<1x128xi32, #tpu.memory_space<vmem>>
        %dma_wait3A_229 = tpu.memref_squeeze %dma_wait3A_228 : memref<1x128xi32, #tpu.memory_space<vmem>> -> memref<128xi32, #tpu.memory_space<vmem>>
        %dma_wait3A_230 = arith.constant 0 : i32
        %dma_wait3A_231 = arith.constant 0 : i32
        %dma_wait3A_232 = tpu.memref_slice %arg2[%dma_wait3A_230, %dma_wait3A_231] : memref<50000x32xf32, #tpu.memory_space<hbm>> -> memref<50000x32xf32, #tpu.memory_space<hbm>>
        tpu.wait_indirect_dma semaphore(%arg27 : memref<!tpu.dma_semaphore, #tpu.memory_space<semaphore_mem>>) src(%dma_wait3A_232 : memref<50000x32xf32, #tpu.memory_space<hbm>>) dst(%arg16 : memref<128x32xf32, #tpu.memory_space<vmem>>)
        %scan3A_233 = arith.constant 0 : i32
        %scan3A_234 = arith.constant 0 : i32
        %scan3A_235 = arith.constant 128 : i32
        %scan3A_236 = arith.addi %scan3A_234, %scan3A_235 : i32
        %scan3A_237 = arith.constant 1 : i32
        scf.for %scan3A_246 = %scan3A_234 to %scan3A_236 step %scan3A_237  : i32 {
          %get3A = arith.index_cast %scan3A_246 : i32 to index
          %get3A_247 = arith.constant 0 : index
          %get3A_248 = tpu.vector_load %arg16[%get3A, %get3A_247] {strides = array<i32>} : memref<128x32xf32, #tpu.memory_space<vmem>>, vector<1x16xf32>,
          %get3A_249 = vector.shape_cast %get3A_248 : vector<1x16xf32> to vector<16xf32>
          %get3A_250 = arith.index_cast %scan3A_246 : i32 to index
          %get3A_251 = arith.constant 0 : index
          %get3A_252 = tpu.vector_load %arg18[%get3A_250, %get3A_251] {strides = array<i32>} : memref<128x32xf32, #tpu.memory_space<vmem>>, vector<1x16xf32>,
          %get3A_253 = vector.shape_cast %get3A_252 : vector<1x16xf32> to vector<16xf32>
          %add3A_254 = arith.addf %get3A_249, %get3A_253 : vector<16xf32>
          %max3A = arith.constant 0.000000e+00 : f32
          %max3A_255 = vector.broadcast %max3A : f32 to vector<16xf32>
          %max3A_256 = arith.maximumf %add3A_254, %max3A_255 : vector<16xf32>
          %swap3A = arith.index_cast %scan3A_246 : i32 to index
          %swap3A_257 = arith.constant 0 : index
          %swap3A_258 = tpu.vector_load %arg16[%swap3A, %swap3A_257] {strides = array<i32>} : memref<128x32xf32, #tpu.memory_space<vmem>>, vector<1x16xf32>,
          %swap3A_259 = vector.shape_cast %swap3A_258 : vector<1x16xf32> to vector<16xf32>
          %swap3A_260 = vector.shape_cast %max3A_256 : vector<16xf32> to vector<1x16xf32>
          tpu.vector_store %arg16[%swap3A, %swap3A_257], %swap3A_260 {strides = array<i32>} : memref<128x32xf32, #tpu.memory_space<vmem>>, vector<1x16xf32>,
          %get3A_261 = arith.index_cast %scan3A_246 : i32 to index
          %get3A_262 = arith.constant 16 : index
          %get3A_263 = tpu.vector_load %arg16[%get3A_261, %get3A_262] {strides = array<i32>} : memref<128x32xf32, #tpu.memory_space<vmem>>, vector<1x16xf32>,
          %get3A_264 = vector.shape_cast %get3A_263 : vector<1x16xf32> to vector<16xf32>
          %get3A_265 = arith.index_cast %scan3A_246 : i32 to index
          %get3A_266 = arith.constant 16 : index
          %get3A_267 = tpu.vector_load %arg18[%get3A_265, %get3A_266] {strides = array<i32>} : memref<128x32xf32, #tpu.memory_space<vmem>>, vector<1x16xf32>,
          %get3A_268 = vector.shape_cast %get3A_267 : vector<1x16xf32> to vector<16xf32>
          %add3A_269 = arith.addf %get3A_264, %get3A_268 : vector<16xf32>
          %max3A_270 = arith.constant 0.000000e+00 : f32
          %max3A_271 = vector.broadcast %max3A_270 : f32 to vector<16xf32>
          %max3A_272 = arith.maximumf %add3A_269, %max3A_271 : vector<16xf32>
          %swap3A_273 = arith.index_cast %scan3A_246 : i32 to index
          %swap3A_274 = arith.constant 16 : index
          %swap3A_275 = tpu.vector_load %arg16[%swap3A_273, %swap3A_274] {strides = array<i32>} : memref<128x32xf32, #tpu.memory_space<vmem>>, vector<1x16xf32>,
          %swap3A_276 = vector.shape_cast %swap3A_275 : vector<1x16xf32> to vector<16xf32>
          %swap3A_277 = vector.shape_cast %max3A_272 : vector<16xf32> to vector<1x16xf32>
          tpu.vector_store %arg16[%swap3A_273, %swap3A_274], %swap3A_277 {strides = array<i32>} : memref<128x32xf32, #tpu.memory_space<vmem>>, vector<1x16xf32>,
        }
        %scan3A_238 = arith.constant 128 : i32
        %dma_start3A_239 = arith.constant 0 : i32
        %dma_start3A_240 = arith.constant 0 : i32
        %dma_start3A_241 = tpu.memref_slice %arg14[%dma_start3A_239, %dma_start3A_240] : memref<1x128xi32, #tpu.memory_space<vmem>> -> memref<1x128xi32, #tpu.memory_space<vmem>>
        %dma_start3A_242 = tpu.memref_squeeze %dma_start3A_241 : memref<1x128xi32, #tpu.memory_space<vmem>> -> memref<128xi32, #tpu.memory_space<vmem>>
        %dma_start3A_243 = arith.constant 0 : i32
        %dma_start3A_244 = arith.constant 0 : i32
        %dma_start3A_245 = tpu.memref_slice %arg7[%dma_start3A_243, %dma_start3A_244] : memref<50000x32xf32, #tpu.memory_space<vmem_shared>> -> memref<50000x32xf32, #tpu.memory_space<vmem_shared>>
        tpu.enqueue_indirect_dma source(%arg16 : memref<128x32xf32, #tpu.memory_space<vmem>>) target(%dma_start3A_245 : memref<50000x32xf32, #tpu.memory_space<vmem_shared>>) offsets(%dma_start3A_242 : memref<128xi32, #tpu.memory_space<vmem>>) semaphore(%arg29 : memref<!tpu.dma_semaphore, #tpu.memory_space<semaphore_mem>>) {add = true}
      } else {
      }
      %mul3A_200 = arith.constant 4 : i32
      %mul3A_201 = arith.muli %scan3A_139, %mul3A_200 : i32
      %add3A_202 = arith.constant 3 : i32
      %add3A_203 = arith.addi %mul3A_201, %add3A_202 : i32
      %add3A_204 = arith.constant 2 : i32
      %add3A_205 = arith.addi %add3A_203, %add3A_204 : i32
      %lt3A_206 = arith.cmpi slt, %add3A_205, %add3A_7 : i32
      %convert_element_type3A_207 = arith.extui %lt3A_206 : i1 to i32
      %cond3A_208 = arith.constant 0 : i32
      %cond3A_209 = arith.cmpi ne, %convert_element_type3A_207, %cond3A_208 : i32
      scf.if %cond3A_209 {
        %add3A_220 = arith.constant 2 : i32
        %add3A_221 = arith.addi %add3A_203, %add3A_220 : i32
        %add3A_222 = arith.addi %add3A_4, %add3A_221 : i32
        %dma_start3A_223 = arith.constant 0 : i32
        %dma_start3A_224 = arith.constant 0 : i32
        %dma_start3A_225 = tpu.memref_slice %arg9[%dma_start3A_223, %dma_start3A_224] : memref<1x128xi32, #tpu.memory_space<vmem>> -> memref<1x128xi32, #tpu.memory_space<vmem>>
        %dma_start3A_226 = arith.constant 0 : i32
        %dma_start3A_227 = tpu.memref_slice %arg3[%add3A_222, %dma_start3A_226] : memref<6250x128xi32, #tpu.memory_space<hbm>> -> memref<1x128xi32, #tpu.memory_space<hbm>>
        %dma_start3A_228 = arith.constant 0 : i32
        %dma_start3A_229 = arith.constant 0 : i32
        %dma_start3A_230 = tpu.memref_slice %arg9[%dma_start3A_228, %dma_start3A_229] : memref<1x128xi32, #tpu.memory_space<vmem>> -> memref<1x128xi32, #tpu.memory_space<vmem>>
        %dma_start3A_231 = arith.constant 0 : i32
        %dma_start3A_232 = tpu.memref_slice %arg3[%add3A_222, %dma_start3A_231] : memref<6250x128xi32, #tpu.memory_space<hbm>> -> memref<1x128xi32, #tpu.memory_space<hbm>>
        tpu.enqueue_dma source(%dma_start3A_232 : memref<1x128xi32, #tpu.memory_space<hbm>>) target(%dma_start3A_230 : memref<1x128xi32, #tpu.memory_space<vmem>>) target_semaphore(%arg22 : memref<!tpu.dma_semaphore, #tpu.memory_space<semaphore_mem>>)
        %add3A_233 = arith.addi %add3A_4, %add3A_221 : i32
        %dma_start3A_234 = arith.constant 0 : i32
        %dma_start3A_235 = arith.constant 0 : i32
        %dma_start3A_236 = tpu.memref_slice %arg13[%dma_start3A_234, %dma_start3A_235] : memref<1x128xi32, #tpu.memory_space<vmem>> -> memref<1x128xi32, #tpu.memory_space<vmem>>
        %dma_start3A_237 = arith.constant 0 : i32
        %dma_start3A_238 = tpu.memref_slice %arg4[%add3A_233, %dma_start3A_237] : memref<6250x128xi32, #tpu.memory_space<hbm>> -> memref<1x128xi32, #tpu.memory_space<hbm>>
        %dma_start3A_239 = arith.constant 0 : i32
        %dma_start3A_240 = arith.constant 0 : i32
        %dma_start3A_241 = tpu.memref_slice %arg13[%dma_start3A_239, %dma_start3A_240] : memref<1x128xi32, #tpu.memory_space<vmem>> -> memref<1x128xi32, #tpu.memory_space<vmem>>
        %dma_start3A_242 = arith.constant 0 : i32
        %dma_start3A_243 = tpu.memref_slice %arg4[%add3A_233, %dma_start3A_242] : memref<6250x128xi32, #tpu.memory_space<hbm>> -> memref<1x128xi32, #tpu.memory_space<hbm>>
        tpu.enqueue_dma source(%dma_start3A_243 : memref<1x128xi32, #tpu.memory_space<hbm>>) target(%dma_start3A_241 : memref<1x128xi32, #tpu.memory_space<vmem>>) target_semaphore(%arg22 : memref<!tpu.dma_semaphore, #tpu.memory_space<semaphore_mem>>)
      } else {
      }
      %add3A_210 = arith.constant 1 : i32
      %add3A_211 = arith.addi %add3A_203, %add3A_210 : i32
      %lt3A_212 = arith.cmpi slt, %add3A_211, %add3A_7 : i32
      %convert_element_type3A_213 = arith.extui %lt3A_212 : i1 to i32
      %cond3A_214 = arith.constant 0 : i32
      %cond3A_215 = arith.cmpi ne, %convert_element_type3A_213, %cond3A_214 : i32
      scf.if %cond3A_215 {
        %ge3A = arith.constant 1 : i32
        %ge3A_220 = arith.cmpi sge, %add3A_203, %ge3A : i32
        %convert_element_type3A_221 = arith.extui %ge3A_220 : i1 to i32
        %cond3A_222 = arith.constant 0 : i32
        %cond3A_223 = arith.cmpi ne, %convert_element_type3A_221, %cond3A_222 : i32
        scf.if %cond3A_223 {
          %dma_wait3A_264 = arith.constant 0 : i32
          %dma_wait3A_265 = arith.constant 0 : i32
          %dma_wait3A_266 = tpu.memref_slice %arg12[%dma_wait3A_264, %dma_wait3A_265] : memref<1x128xi32, #tpu.memory_space<vmem>> -> memref<1x128xi32, #tpu.memory_space<vmem>>
          %dma_wait3A_267 = tpu.memref_squeeze %dma_wait3A_266 : memref<1x128xi32, #tpu.memory_space<vmem>> -> memref<128xi32, #tpu.memory_space<vmem>>
          %dma_wait3A_268 = arith.constant 0 : i32
          %dma_wait3A_269 = arith.constant 0 : i32
          %dma_wait3A_270 = tpu.memref_slice %arg7[%dma_wait3A_268, %dma_wait3A_269] : memref<50000x32xf32, #tpu.memory_space<vmem_shared>> -> memref<50000x32xf32, #tpu.memory_space<vmem_shared>>
          tpu.wait_indirect_dma semaphore(%arg29 : memref<!tpu.dma_semaphore, #tpu.memory_space<semaphore_mem>>) src(%arg16 : memref<128x32xf32, #tpu.memory_space<vmem>>) dst(%dma_wait3A_270 : memref<50000x32xf32, #tpu.memory_space<vmem_shared>>)
        } else {
        }
        %dma_wait3A_224 = arith.constant 0 : i32
        %dma_wait3A_225 = arith.constant 0 : i32
        %dma_wait3A_226 = tpu.memref_slice %arg8[%dma_wait3A_224, %dma_wait3A_225] : memref<1x128xi32, #tpu.memory_space<vmem>> -> memref<1x128xi32, #tpu.memory_space<vmem>>
        %dma_wait3A_227 = arith.constant 0 : i32
        %dma_wait3A_228 = arith.constant 0 : i32
        %dma_wait3A_229 = tpu.memref_slice %arg3[%dma_wait3A_227, %dma_wait3A_228] : memref<6250x128xi32, #tpu.memory_space<hbm>> -> memref<1x128xi32, #tpu.memory_space<hbm>>
        %dma_wait3A_230 = arith.constant 0 : i32
        %dma_wait3A_231 = arith.constant 0 : i32
        %dma_wait3A_232 = tpu.memref_slice %arg8[%dma_wait3A_230, %dma_wait3A_231] : memref<1x128xi32, #tpu.memory_space<vmem>> -> memref<1x128xi32, #tpu.memory_space<vmem>>
        %dma_wait3A_233 = arith.constant 0 : i32
        %dma_wait3A_234 = arith.constant 0 : i32
        %dma_wait3A_235 = tpu.memref_slice %arg3[%dma_wait3A_233, %dma_wait3A_234] : memref<6250x128xi32, #tpu.memory_space<hbm>> -> memref<1x128xi32, #tpu.memory_space<hbm>>
        tpu.wait_dma2 semaphore(%arg21 : memref<!tpu.dma_semaphore, #tpu.memory_space<semaphore_mem>>) src(%dma_wait3A_235 : memref<1x128xi32, #tpu.memory_space<hbm>>) dst(%dma_wait3A_232 : memref<1x128xi32, #tpu.memory_space<vmem>>)
        %dma_wait3A_236 = arith.constant 0 : i32
        %dma_wait3A_237 = arith.constant 0 : i32
        %dma_wait3A_238 = tpu.memref_slice %arg12[%dma_wait3A_236, %dma_wait3A_237] : memref<1x128xi32, #tpu.memory_space<vmem>> -> memref<1x128xi32, #tpu.memory_space<vmem>>
        %dma_wait3A_239 = arith.constant 0 : i32
        %dma_wait3A_240 = arith.constant 0 : i32
        %dma_wait3A_241 = tpu.memref_slice %arg4[%dma_wait3A_239, %dma_wait3A_240] : memref<6250x128xi32, #tpu.memory_space<hbm>> -> memref<1x128xi32, #tpu.memory_space<hbm>>
        %dma_wait3A_242 = arith.constant 0 : i32
        %dma_wait3A_243 = arith.constant 0 : i32
        %dma_wait3A_244 = tpu.memref_slice %arg12[%dma_wait3A_242, %dma_wait3A_243] : memref<1x128xi32, #tpu.memory_space<vmem>> -> memref<1x128xi32, #tpu.memory_space<vmem>>
        %dma_wait3A_245 = arith.constant 0 : i32
        %dma_wait3A_246 = arith.constant 0 : i32
        %dma_wait3A_247 = tpu.memref_slice %arg4[%dma_wait3A_245, %dma_wait3A_246] : memref<6250x128xi32, #tpu.memory_space<hbm>> -> memref<1x128xi32, #tpu.memory_space<hbm>>
        tpu.wait_dma2 semaphore(%arg21 : memref<!tpu.dma_semaphore, #tpu.memory_space<semaphore_mem>>) src(%dma_wait3A_247 : memref<1x128xi32, #tpu.memory_space<hbm>>) dst(%dma_wait3A_244 : memref<1x128xi32, #tpu.memory_space<vmem>>)
        %add3A_248 = arith.constant 1 : i32
        %add3A_249 = arith.addi %add3A_203, %add3A_248 : i32
        %add3A_250 = arith.addi %add3A_4, %add3A_249 : i32
        %mul3A_251 = arith.constant 128 : i32
        %mul3A_252 = arith.muli %add3A_250, %mul3A_251 : i32
        %dma_start3A_253 = arith.constant 0 : i32
        %dma_start3A_254 = tpu.memref_slice %arg5[%mul3A_252, %dma_start3A_253] : memref<800000x32xf32, #tpu.memory_space<hbm>> -> memref<128x32xf32, #tpu.memory_space<hbm>>
        %dma_start3A_255 = arith.constant 0 : i32
        %dma_start3A_256 = tpu.memref_slice %arg5[%mul3A_252, %dma_start3A_255] : memref<800000x32xf32, #tpu.memory_space<hbm>> -> memref<128x32xf32, #tpu.memory_space<hbm>>
        tpu.enqueue_dma source(%dma_start3A_256 : memref<128x32xf32, #tpu.memory_space<hbm>>) target(%arg18 : memref<128x32xf32, #tpu.memory_space<vmem>>) target_semaphore(%arg25 : memref<!tpu.dma_semaphore, #tpu.memory_space<semaphore_mem>>)
        %dma_start3A_257 = arith.constant 0 : i32
        %dma_start3A_258 = arith.constant 0 : i32
        %dma_start3A_259 = tpu.memref_slice %arg8[%dma_start3A_257, %dma_start3A_258] : memref<1x128xi32, #tpu.memory_space<vmem>> -> memref<1x128xi32, #tpu.memory_space<vmem>>
        %dma_start3A_260 = tpu.memref_squeeze %dma_start3A_259 : memref<1x128xi32, #tpu.memory_space<vmem>> -> memref<128xi32, #tpu.memory_space<vmem>>
        %dma_start3A_261 = arith.constant 0 : i32
        %dma_start3A_262 = arith.constant 0 : i32
        %dma_start3A_263 = tpu.memref_slice %arg2[%dma_start3A_261, %dma_start3A_262] : memref<50000x32xf32, #tpu.memory_space<hbm>> -> memref<50000x32xf32, #tpu.memory_space<hbm>>
        tpu.enqueue_indirect_dma source(%dma_start3A_263 : memref<50000x32xf32, #tpu.memory_space<hbm>>) target(%arg16 : memref<128x32xf32, #tpu.memory_space<vmem>>) offsets(%dma_start3A_260 : memref<128xi32, #tpu.memory_space<vmem>>) semaphore(%arg27 : memref<!tpu.dma_semaphore, #tpu.memory_space<semaphore_mem>>)
      } else {
      }
      %lt3A_216 = arith.cmpi slt, %add3A_203, %add3A_7 : i32
      %convert_element_type3A_217 = arith.extui %lt3A_216 : i1 to i32
      %cond3A_218 = arith.constant 0 : i32
      %cond3A_219 = arith.cmpi ne, %convert_element_type3A_217, %cond3A_218 : i32
      scf.if %cond3A_219 {
        %dma_wait3A_220 = arith.constant 0 : i32
        %dma_wait3A_221 = arith.constant 0 : i32
        %dma_wait3A_222 = tpu.memref_slice %arg5[%dma_wait3A_220, %dma_wait3A_221] : memref<800000x32xf32, #tpu.memory_space<hbm>> -> memref<128x32xf32, #tpu.memory_space<hbm>>
        %dma_wait3A_223 = arith.constant 0 : i32
        %dma_wait3A_224 = arith.constant 0 : i32
        %dma_wait3A_225 = tpu.memref_slice %arg5[%dma_wait3A_223, %dma_wait3A_224] : memref<800000x32xf32, #tpu.memory_space<hbm>> -> memref<128x32xf32, #tpu.memory_space<hbm>>
        tpu.wait_dma2 semaphore(%arg26 : memref<!tpu.dma_semaphore, #tpu.memory_space<semaphore_mem>>) src(%dma_wait3A_225 : memref<128x32xf32, #tpu.memory_space<hbm>>) dst(%arg19 : memref<128x32xf32, #tpu.memory_space<vmem>>)
        %dma_wait3A_226 = arith.constant 0 : i32
        %dma_wait3A_227 = arith.constant 0 : i32
        %dma_wait3A_228 = tpu.memref_slice %arg8[%dma_wait3A_226, %dma_wait3A_227] : memref<1x128xi32, #tpu.memory_space<vmem>> -> memref<1x128xi32, #tpu.memory_space<vmem>>
        %dma_wait3A_229 = tpu.memref_squeeze %dma_wait3A_228 : memref<1x128xi32, #tpu.memory_space<vmem>> -> memref<128xi32, #tpu.memory_space<vmem>>
        %dma_wait3A_230 = arith.constant 0 : i32
        %dma_wait3A_231 = arith.constant 0 : i32
        %dma_wait3A_232 = tpu.memref_slice %arg2[%dma_wait3A_230, %dma_wait3A_231] : memref<50000x32xf32, #tpu.memory_space<hbm>> -> memref<50000x32xf32, #tpu.memory_space<hbm>>
        tpu.wait_indirect_dma semaphore(%arg28 : memref<!tpu.dma_semaphore, #tpu.memory_space<semaphore_mem>>) src(%dma_wait3A_232 : memref<50000x32xf32, #tpu.memory_space<hbm>>) dst(%arg17 : memref<128x32xf32, #tpu.memory_space<vmem>>)
        %scan3A_233 = arith.constant 0 : i32
        %scan3A_234 = arith.constant 0 : i32
        %scan3A_235 = arith.constant 128 : i32
        %scan3A_236 = arith.addi %scan3A_234, %scan3A_235 : i32
        %scan3A_237 = arith.constant 1 : i32
        scf.for %scan3A_246 = %scan3A_234 to %scan3A_236 step %scan3A_237  : i32 {
          %get3A = arith.index_cast %scan3A_246 : i32 to index
          %get3A_247 = arith.constant 0 : index
          %get3A_248 = tpu.vector_load %arg17[%get3A, %get3A_247] {strides = array<i32>} : memref<128x32xf32, #tpu.memory_space<vmem>>, vector<1x16xf32>,
          %get3A_249 = vector.shape_cast %get3A_248 : vector<1x16xf32> to vector<16xf32>
          %get3A_250 = arith.index_cast %scan3A_246 : i32 to index
          %get3A_251 = arith.constant 0 : index
          %get3A_252 = tpu.vector_load %arg19[%get3A_250, %get3A_251] {strides = array<i32>} : memref<128x32xf32, #tpu.memory_space<vmem>>, vector<1x16xf32>,
          %get3A_253 = vector.shape_cast %get3A_252 : vector<1x16xf32> to vector<16xf32>
          %add3A_254 = arith.addf %get3A_249, %get3A_253 : vector<16xf32>
          %max3A = arith.constant 0.000000e+00 : f32
          %max3A_255 = vector.broadcast %max3A : f32 to vector<16xf32>
          %max3A_256 = arith.maximumf %add3A_254, %max3A_255 : vector<16xf32>
          %swap3A = arith.index_cast %scan3A_246 : i32 to index
          %swap3A_257 = arith.constant 0 : index
          %swap3A_258 = tpu.vector_load %arg17[%swap3A, %swap3A_257] {strides = array<i32>} : memref<128x32xf32, #tpu.memory_space<vmem>>, vector<1x16xf32>,
          %swap3A_259 = vector.shape_cast %swap3A_258 : vector<1x16xf32> to vector<16xf32>
          %swap3A_260 = vector.shape_cast %max3A_256 : vector<16xf32> to vector<1x16xf32>
          tpu.vector_store %arg17[%swap3A, %swap3A_257], %swap3A_260 {strides = array<i32>} : memref<128x32xf32, #tpu.memory_space<vmem>>, vector<1x16xf32>,
          %get3A_261 = arith.index_cast %scan3A_246 : i32 to index
          %get3A_262 = arith.constant 16 : index
          %get3A_263 = tpu.vector_load %arg17[%get3A_261, %get3A_262] {strides = array<i32>} : memref<128x32xf32, #tpu.memory_space<vmem>>, vector<1x16xf32>,
          %get3A_264 = vector.shape_cast %get3A_263 : vector<1x16xf32> to vector<16xf32>
          %get3A_265 = arith.index_cast %scan3A_246 : i32 to index
          %get3A_266 = arith.constant 16 : index
          %get3A_267 = tpu.vector_load %arg19[%get3A_265, %get3A_266] {strides = array<i32>} : memref<128x32xf32, #tpu.memory_space<vmem>>, vector<1x16xf32>,
          %get3A_268 = vector.shape_cast %get3A_267 : vector<1x16xf32> to vector<16xf32>
          %add3A_269 = arith.addf %get3A_264, %get3A_268 : vector<16xf32>
          %max3A_270 = arith.constant 0.000000e+00 : f32
          %max3A_271 = vector.broadcast %max3A_270 : f32 to vector<16xf32>
          %max3A_272 = arith.maximumf %add3A_269, %max3A_271 : vector<16xf32>
          %swap3A_273 = arith.index_cast %scan3A_246 : i32 to index
          %swap3A_274 = arith.constant 16 : index
          %swap3A_275 = tpu.vector_load %arg17[%swap3A_273, %swap3A_274] {strides = array<i32>} : memref<128x32xf32, #tpu.memory_space<vmem>>, vector<1x16xf32>,
          %swap3A_276 = vector.shape_cast %swap3A_275 : vector<1x16xf32> to vector<16xf32>
          %swap3A_277 = vector.shape_cast %max3A_272 : vector<16xf32> to vector<1x16xf32>
          tpu.vector_store %arg17[%swap3A_273, %swap3A_274], %swap3A_277 {strides = array<i32>} : memref<128x32xf32, #tpu.memory_space<vmem>>, vector<1x16xf32>,
        }
        %scan3A_238 = arith.constant 128 : i32
        %dma_start3A_239 = arith.constant 0 : i32
        %dma_start3A_240 = arith.constant 0 : i32
        %dma_start3A_241 = tpu.memref_slice %arg15[%dma_start3A_239, %dma_start3A_240] : memref<1x128xi32, #tpu.memory_space<vmem>> -> memref<1x128xi32, #tpu.memory_space<vmem>>
        %dma_start3A_242 = tpu.memref_squeeze %dma_start3A_241 : memref<1x128xi32, #tpu.memory_space<vmem>> -> memref<128xi32, #tpu.memory_space<vmem>>
        %dma_start3A_243 = arith.constant 0 : i32
        %dma_start3A_244 = arith.constant 0 : i32
        %dma_start3A_245 = tpu.memref_slice %arg7[%dma_start3A_243, %dma_start3A_244] : memref<50000x32xf32, #tpu.memory_space<vmem_shared>> -> memref<50000x32xf32, #tpu.memory_space<vmem_shared>>
        tpu.enqueue_indirect_dma source(%arg17 : memref<128x32xf32, #tpu.memory_space<vmem>>) target(%dma_start3A_245 : memref<50000x32xf32, #tpu.memory_space<vmem_shared>>) offsets(%dma_start3A_242 : memref<128xi32, #tpu.memory_space<vmem>>) semaphore(%arg30 : memref<!tpu.dma_semaphore, #tpu.memory_space<semaphore_mem>>) {add = true}
      } else {
      }
    }
    %scan3A_112 = arith.constant 49 : i32
    %dma_wait3A_113 = arith.constant 0 : i32
    %dma_wait3A_114 = arith.constant 0 : i32
    %dma_wait3A_115 = tpu.memref_slice %arg12[%dma_wait3A_113, %dma_wait3A_114] : memref<1x128xi32, #tpu.memory_space<vmem>> -> memref<1x128xi32, #tpu.memory_space<vmem>>
    %dma_wait3A_116 = tpu.memref_squeeze %dma_wait3A_115 : memref<1x128xi32, #tpu.memory_space<vmem>> -> memref<128xi32, #tpu.memory_space<vmem>>
    %dma_wait3A_117 = arith.constant 0 : i32
    %dma_wait3A_118 = arith.constant 0 : i32
    %dma_wait3A_119 = tpu.memref_slice %arg7[%dma_wait3A_117, %dma_wait3A_118] : memref<50000x32xf32, #tpu.memory_space<vmem_shared>> -> memref<50000x32xf32, #tpu.memory_space<vmem_shared>>
    tpu.wait_indirect_dma semaphore(%arg29 : memref<!tpu.dma_semaphore, #tpu.memory_space<semaphore_mem>>) src(%arg16 : memref<128x32xf32, #tpu.memory_space<vmem>>) dst(%dma_wait3A_119 : memref<50000x32xf32, #tpu.memory_space<vmem_shared>>)
    %dma_wait3A_120 = arith.constant 0 : i32
    %dma_wait3A_121 = arith.constant 0 : i32
    %dma_wait3A_122 = tpu.memref_slice %arg12[%dma_wait3A_120, %dma_wait3A_121] : memref<1x128xi32, #tpu.memory_space<vmem>> -> memref<1x128xi32, #tpu.memory_space<vmem>>
    %dma_wait3A_123 = tpu.memref_squeeze %dma_wait3A_122 : memref<1x128xi32, #tpu.memory_space<vmem>> -> memref<128xi32, #tpu.memory_space<vmem>>
    %dma_wait3A_124 = arith.constant 0 : i32
    %dma_wait3A_125 = arith.constant 0 : i32
    %dma_wait3A_126 = tpu.memref_slice %arg7[%dma_wait3A_124, %dma_wait3A_125] : memref<50000x32xf32, #tpu.memory_space<vmem_shared>> -> memref<50000x32xf32, #tpu.memory_space<vmem_shared>>
    tpu.wait_indirect_dma semaphore(%arg30 : memref<!tpu.dma_semaphore, #tpu.memory_space<semaphore_mem>>) src(%arg17 : memref<128x32xf32, #tpu.memory_space<vmem>>) dst(%dma_wait3A_126 : memref<50000x32xf32, #tpu.memory_space<vmem_shared>>)
    %barrier3A_127 = arith.constant 0 : index
    tpu.barrier barrier_id(%barrier3A_127)
    %scan3A_128 = arith.constant 0 : i32
    %scan3A_129 = arith.constant 0 : i32
    %scan3A_130 = arith.constant 25 : i32
    %scan3A_131 = arith.addi %scan3A_129, %scan3A_130 : i32
    %scan3A_132 = arith.constant 1 : i32
    scf.for %scan3A_139 = %scan3A_129 to %scan3A_131 step %scan3A_132  : i32 {
      %mul3A_140 = arith.constant 16 : i32
      %mul3A_141 = arith.muli %scan3A_139, %mul3A_140 : i32
      %add3A_142 = arith.addi %arg1, %mul3A_141 : i32
      %lt3A_143 = arith.constant 390 : i32
      %lt3A_144 = arith.cmpi slt, %add3A_142, %lt3A_143 : i32
      %convert_element_type3A_145 = arith.extui %lt3A_144 : i1 to i32
      %cond3A_146 = arith.constant 0 : i32
      %cond3A_147 = arith.cmpi ne, %convert_element_type3A_145, %cond3A_146 : i32
      scf.if %cond3A_147 {
        %mul3A_148 = arith.constant 128 : i32
        %mul3A_149 = arith.muli %add3A_142, %mul3A_148 : i32
        %mul3A_150 = arith.constant 128 : i32
        %mul3A_151 = arith.muli %add3A_142, %mul3A_150 : i32
        "tpu.region"() ({
          %run_scoped3A = tpu.sem_alloc : memref<!tpu.dma_semaphore, #tpu.memory_space<semaphore_mem>>
          %dma_start3A_152 = arith.constant 0 : i32
          %dma_start3A_153 = tpu.memref_slice %arg6[%arg0, %mul3A_151, %dma_start3A_152] : memref<2x50000x32xf32, #tpu.memory_space<hbm>> -> memref<1x128x32xf32, #tpu.memory_space<hbm>>
          %dma_start3A_154 = tpu.memref_squeeze %dma_start3A_153 : memref<1x128x32xf32, #tpu.memory_space<hbm>> -> memref<128x32xf32, #tpu.memory_space<hbm>>
          %dma_start3A_155 = arith.constant 0 : i32
          %dma_start3A_156 = tpu.memref_slice %arg7[%mul3A_149, %dma_start3A_155] : memref<50000x32xf32, #tpu.memory_space<vmem_shared>> -> memref<128x32xf32, #tpu.memory_space<vmem_shared>>
          tpu.enqueue_dma source(%dma_start3A_156 : memref<128x32xf32, #tpu.memory_space<vmem_shared>>) target(%dma_start3A_154 : memref<128x32xf32, #tpu.memory_space<hbm>>) target_semaphore(%run_scoped3A : memref<!tpu.dma_semaphore, #tpu.memory_space<semaphore_mem>>)
          %dma_wait3A_157 = arith.constant 0 : i32
          %dma_wait3A_158 = tpu.memref_slice %arg6[%arg0, %mul3A_151, %dma_wait3A_157] : memref<2x50000x32xf32, #tpu.memory_space<hbm>> -> memref<1x128x32xf32, #tpu.memory_space<hbm>>
          %dma_wait3A_159 = tpu.memref_squeeze %dma_wait3A_158 : memref<1x128x32xf32, #tpu.memory_space<hbm>> -> memref<128x32xf32, #tpu.memory_space<hbm>>
          %dma_wait3A_160 = arith.constant 0 : i32
          %dma_wait3A_161 = tpu.memref_slice %arg7[%mul3A_149, %dma_wait3A_160] : memref<50000x32xf32, #tpu.memory_space<vmem_shared>> -> memref<128x32xf32, #tpu.memory_space<vmem_shared>>
          tpu.wait_dma2 semaphore(%run_scoped3A : memref<!tpu.dma_semaphore, #tpu.memory_space<semaphore_mem>>) src(%dma_wait3A_161 : memref<128x32xf32, #tpu.memory_space<vmem_shared>>) dst(%dma_wait3A_159 : memref<128x32xf32, #tpu.memory_space<hbm>>)
          tpu.yield
        }) : () -> ()
      } else {
      }
    }
    %scan3A_133 = arith.constant 25 : i32
    %eq3A_134 = arith.constant 0 : i32
    %eq3A_135 = arith.cmpi eq, %arg1, %eq3A_134 : i32
    %convert_element_type3A_136 = arith.extui %eq3A_135 : i1 to i32
    %cond3A_137 = arith.constant 0 : i32
    %cond3A_138 = arith.cmpi ne, %convert_element_type3A_136, %cond3A_137 : i32
    scf.if %cond3A_138 {
      "tpu.region"() ({
        %run_scoped3A = tpu.sem_alloc : memref<!tpu.dma_semaphore, #tpu.memory_space<semaphore_mem>>
        %dma_start3A_139 = arith.constant 49920 : i32
        %dma_start3A_140 = arith.constant 0 : i32
        %dma_start3A_141 = tpu.memref_slice %arg6[%arg0, %dma_start3A_139, %dma_start3A_140] : memref<2x50000x32xf32, #tpu.memory_space<hbm>> -> memref<1x80x32xf32, #tpu.memory_space<hbm>>
        %dma_start3A_142 = tpu.memref_squeeze %dma_start3A_141 : memref<1x80x32xf32, #tpu.memory_space<hbm>> -> memref<80x32xf32, #tpu.memory_space<hbm>>
        %dma_start3A_143 = arith.constant 49920 : i32
        %dma_start3A_144 = arith.constant 0 : i32
        %dma_start3A_145 = tpu.memref_slice %arg7[%dma_start3A_143, %dma_start3A_144] : memref<50000x32xf32, #tpu.memory_space<vmem_shared>> -> memref<80x32xf32, #tpu.memory_space<vmem_shared>>
        tpu.enqueue_dma source(%dma_start3A_145 : memref<80x32xf32, #tpu.memory_space<vmem_shared>>) target(%dma_start3A_142 : memref<80x32xf32, #tpu.memory_space<hbm>>) target_semaphore(%run_scoped3A : memref<!tpu.dma_semaphore, #tpu.memory_space<semaphore_mem>>)
        %dma_wait3A_146 = arith.constant 49920 : i32
        %dma_wait3A_147 = arith.constant 0 : i32
        %dma_wait3A_148 = tpu.memref_slice %arg6[%arg0, %dma_wait3A_146, %dma_wait3A_147] : memref<2x50000x32xf32, #tpu.memory_space<hbm>> -> memref<1x80x32xf32, #tpu.memory_space<hbm>>
        %dma_wait3A_149 = tpu.memref_squeeze %dma_wait3A_148 : memref<1x80x32xf32, #tpu.memory_space<hbm>> -> memref<80x32xf32, #tpu.memory_space<hbm>>
        %dma_wait3A_150 = arith.constant 49920 : i32
        %dma_wait3A_151 = arith.constant 0 : i32
        %dma_wait3A_152 = tpu.memref_slice %arg7[%dma_wait3A_150, %dma_wait3A_151] : memref<50000x32xf32, #tpu.memory_space<vmem_shared>> -> memref<80x32xf32, #tpu.memory_space<vmem_shared>>
        tpu.wait_dma2 semaphore(%run_scoped3A : memref<!tpu.dma_semaphore, #tpu.memory_space<semaphore_mem>>) src(%dma_wait3A_152 : memref<80x32xf32, #tpu.memory_space<vmem_shared>>) dst(%dma_wait3A_149 : memref<80x32xf32, #tpu.memory_space<hbm>>)
        tpu.yield
      }) : () -> ()
    } else {
    }
    return
  }
}

#map = affine_map<(d0, d1) -> (0, 0)>
#map1 = affine_map<(d0, d1) -> (0, 0, 0)>
module attributes {stable_mosaic.version = 14 : i64} {
  func.func @_sc_edge_body(%arg0: i32, %arg1: i32, %arg2: memref<50000x32xf32, #tpu.memory_space<hbm>>, %arg3: memref<6250x128xi32, #tpu.memory_space<hbm>>, %arg4: memref<6250x128xi32, #tpu.memory_space<hbm>>, %arg5: memref<800000x32xf32, #tpu.memory_space<hbm>>, %arg6: memref<2x50000x32xf32, #tpu.memory_space<hbm>>, %arg7: memref<50000x32xf32, #tpu.memory_space<vmem_shared>>, %arg8: memref<1x128xi32, #tpu.memory_space<vmem>>, %arg9: memref<1x128xi32, #tpu.memory_space<vmem>>, %arg10: memref<1x128xi32, #tpu.memory_space<vmem>>, %arg11: memref<1x128xi32, #tpu.memory_space<vmem>>, %arg12: memref<1x128xi32, #tpu.memory_space<vmem>>, %arg13: memref<1x128xi32, #tpu.memory_space<vmem>>, %arg14: memref<1x128xi32, #tpu.memory_space<vmem>>, %arg15: memref<1x128xi32, #tpu.memory_space<vmem>>, %arg16: memref<128x32xf32, #tpu.memory_space<vmem>>, %arg17: memref<128x32xf32, #tpu.memory_space<vmem>>, %arg18: memref<128x32xf32, #tpu.memory_space<vmem>>, %arg19: memref<128x32xf32, #tpu.memory_space<vmem>>, %arg20: memref<128x32xf32, #tpu.memory_space<vmem>>, %arg21: memref<!tpu.dma_semaphore, #tpu.memory_space<semaphore_mem>>, %arg22: memref<!tpu.dma_semaphore, #tpu.memory_space<semaphore_mem>>, %arg23: memref<!tpu.dma_semaphore, #tpu.memory_space<semaphore_mem>>, %arg24: memref<!tpu.dma_semaphore, #tpu.memory_space<semaphore_mem>>, %arg25: memref<!tpu.dma_semaphore, #tpu.memory_space<semaphore_mem>>, %arg26: memref<!tpu.dma_semaphore, #tpu.memory_space<semaphore_mem>>, %arg27: memref<!tpu.dma_semaphore, #tpu.memory_space<semaphore_mem>>, %arg28: memref<!tpu.dma_semaphore, #tpu.memory_space<semaphore_mem>>, %arg29: memref<!tpu.dma_semaphore, #tpu.memory_space<semaphore_mem>>, %arg30: memref<!tpu.dma_semaphore, #tpu.memory_space<semaphore_mem>>) attributes {dimension_semantics = [#tpu.dimension_semantics<core_parallel>, #tpu.dimension_semantics<subcore_parallel>], iteration_bounds = array<i64: 2, 16>, scalar_prefetch = 0 : i64, scratch_operands = 24 : i64, tpu.core_type = #tpu.core_type<sc_vector_subcore>, window_params = [{transform_indices = #map}, {transform_indices = #map}, {transform_indices = #map}, {transform_indices = #map}, {transform_indices = #map1}]} {
    %mul3A = arith.constant 16 : i32
    %mul3A_0 = arith.muli %arg0, %mul3A : i32
    %add3A = arith.addi %mul3A_0, %arg1 : i32
    %mul3A_1 = arith.constant 195 : i32
    %mul3A_2 = arith.muli %mul3A_1, %add3A : i32
    %min3A = arith.constant 10 : i32
    %min3A_3 = arith.minsi %add3A, %min3A : i32
    %add3A_4 = arith.addi %mul3A_2, %min3A_3 : i32
    %lt3A = arith.constant 10 : i32
    %lt3A_5 = arith.cmpi slt, %add3A, %lt3A : i32
    %convert_element_type3A = arith.extui %lt3A_5 : i1 to i32
    %add3A_6 = arith.constant 195 : i32
    %add3A_7 = arith.addi %add3A_6, %convert_element_type3A : i32
    %scan3A = arith.constant 0 : i32
    %scan3A_8 = arith.constant 0 : i32
    %scan3A_9 = arith.constant 128 : i32
    %scan3A_10 = arith.addi %scan3A_8, %scan3A_9 : i32
    %scan3A_11 = arith.constant 1 : i32
    scf.for %scan3A_139 = %scan3A_8 to %scan3A_10 step %scan3A_11  : i32 {
      %broadcast_in_dim3A = arith.constant 0.000000e+00 : f32
      %broadcast_in_dim3A_140 = vector.broadcast %broadcast_in_dim3A : f32 to vector<16xf32>
      %swap3A = arith.index_cast %scan3A_139 : i32 to index
      %swap3A_141 = arith.constant 0 : index
      %swap3A_142 = tpu.vector_load %arg20[%swap3A, %swap3A_141] {strides = array<i32>} : memref<128x32xf32, #tpu.memory_space<vmem>>, vector<1x16xf32>,
      %swap3A_143 = vector.shape_cast %swap3A_142 : vector<1x16xf32> to vector<16xf32>
      %swap3A_144 = vector.shape_cast %broadcast_in_dim3A_140 : vector<16xf32> to vector<1x16xf32>
      tpu.vector_store %arg20[%swap3A, %swap3A_141], %swap3A_144 {strides = array<i32>} : memref<128x32xf32, #tpu.memory_space<vmem>>, vector<1x16xf32>,
      %broadcast_in_dim3A_145 = arith.constant 0.000000e+00 : f32
      %broadcast_in_dim3A_146 = vector.broadcast %broadcast_in_dim3A_145 : f32 to vector<16xf32>
      %swap3A_147 = arith.index_cast %scan3A_139 : i32 to index
      %swap3A_148 = arith.constant 16 : index
      %swap3A_149 = tpu.vector_load %arg20[%swap3A_147, %swap3A_148] {strides = array<i32>} : memref<128x32xf32, #tpu.memory_space<vmem>>, vector<1x16xf32>,
      %swap3A_150 = vector.shape_cast %swap3A_149 : vector<1x16xf32> to vector<16xf32>
      %swap3A_151 = vector.shape_cast %broadcast_in_dim3A_146 : vector<16xf32> to vector<1x16xf32>
      tpu.vector_store %arg20[%swap3A_147, %swap3A_148], %swap3A_151 {strides = array<i32>} : memref<128x32xf32, #tpu.memory_space<vmem>>, vector<1x16xf32>,
    }
    %scan3A_12 = arith.constant 128 : i32
    %scan3A_13 = arith.constant 0 : i32
    %scan3A_14 = arith.constant 0 : i32
    %scan3A_15 = arith.constant 25 : i32
    %scan3A_16 = arith.addi %scan3A_14, %scan3A_15 : i32
    %scan3A_17 = arith.constant 1 : i32
    scf.for %scan3A_139 = %scan3A_14 to %scan3A_16 step %scan3A_17  : i32 {
      %mul3A_140 = arith.constant 16 : i32
      %mul3A_141 = arith.muli %scan3A_139, %mul3A_140 : i32
      %add3A_142 = arith.addi %arg1, %mul3A_141 : i32
      %lt3A_143 = arith.constant 390 : i32
      %lt3A_144 = arith.cmpi slt, %add3A_142, %lt3A_143 : i32
      %convert_element_type3A_145 = arith.extui %lt3A_144 : i1 to i32
      %cond3A_146 = arith.constant 0 : i32
      %cond3A_147 = arith.cmpi ne, %convert_element_type3A_145, %cond3A_146 : i32
      scf.if %cond3A_147 {
        %mul3A_148 = arith.constant 128 : i32
        %mul3A_149 = arith.muli %add3A_142, %mul3A_148 : i32
        "tpu.region"() ({
          %run_scoped3A = tpu.sem_alloc : memref<!tpu.dma_semaphore, #tpu.memory_space<semaphore_mem>>
          %dma_start3A_150 = arith.constant 0 : i32
          %dma_start3A_151 = tpu.memref_slice %arg7[%mul3A_149, %dma_start3A_150] : memref<50000x32xf32, #tpu.memory_space<vmem_shared>> -> memref<128x32xf32, #tpu.memory_space<vmem_shared>>
          %dma_start3A_152 = arith.constant 0 : i32
          %dma_start3A_153 = tpu.memref_slice %arg7[%mul3A_149, %dma_start3A_152] : memref<50000x32xf32, #tpu.memory_space<vmem_shared>> -> memref<128x32xf32, #tpu.memory_space<vmem_shared>>
          tpu.enqueue_dma source(%arg20 : memref<128x32xf32, #tpu.memory_space<vmem>>) target(%dma_start3A_153 : memref<128x32xf32, #tpu.memory_space<vmem_shared>>) target_semaphore(%run_scoped3A : memref<!tpu.dma_semaphore, #tpu.memory_space<semaphore_mem>>)
          %dma_wait3A_154 = arith.constant 0 : i32
          %dma_wait3A_155 = tpu.memref_slice %arg7[%mul3A_149, %dma_wait3A_154] : memref<50000x32xf32, #tpu.memory_space<vmem_shared>> -> memref<128x32xf32, #tpu.memory_space<vmem_shared>>
          %dma_wait3A_156 = arith.constant 0 : i32
          %dma_wait3A_157 = tpu.memref_slice %arg7[%mul3A_149, %dma_wait3A_156] : memref<50000x32xf32, #tpu.memory_space<vmem_shared>> -> memref<128x32xf32, #tpu.memory_space<vmem_shared>>
          tpu.wait_dma2 semaphore(%run_scoped3A : memref<!tpu.dma_semaphore, #tpu.memory_space<semaphore_mem>>) src(%arg20 : memref<128x32xf32, #tpu.memory_space<vmem>>) dst(%dma_wait3A_157 : memref<128x32xf32, #tpu.memory_space<vmem_shared>>)
          tpu.yield
        }) : () -> ()
      } else {
      }
    }
    %scan3A_18 = arith.constant 25 : i32
    %eq3A = arith.constant 0 : i32
    %eq3A_19 = arith.cmpi eq, %arg1, %eq3A : i32
    %convert_element_type3A_20 = arith.extui %eq3A_19 : i1 to i32
    %cond3A = arith.constant 0 : i32
    %cond3A_21 = arith.cmpi ne, %convert_element_type3A_20, %cond3A : i32
    scf.if %cond3A_21 {
      "tpu.region"() ({
        %run_scoped3A = tpu.sem_alloc : memref<!tpu.dma_semaphore, #tpu.memory_space<semaphore_mem>>
        %dma_start3A_139 = arith.constant 0 : i32
        %dma_start3A_140 = arith.constant 0 : i32
        %dma_start3A_141 = tpu.memref_slice %arg20[%dma_start3A_139, %dma_start3A_140] : memref<128x32xf32, #tpu.memory_space<vmem>> -> memref<80x32xf32, #tpu.memory_space<vmem>>
        %dma_start3A_142 = arith.constant 49920 : i32
        %dma_start3A_143 = arith.constant 0 : i32
        %dma_start3A_144 = tpu.memref_slice %arg7[%dma_start3A_142, %dma_start3A_143] : memref<50000x32xf32, #tpu.memory_space<vmem_shared>> -> memref<80x32xf32, #tpu.memory_space<vmem_shared>>
        %dma_start3A_145 = arith.constant 49920 : i32
        %dma_start3A_146 = arith.constant 0 : i32
        %dma_start3A_147 = tpu.memref_slice %arg7[%dma_start3A_145, %dma_start3A_146] : memref<50000x32xf32, #tpu.memory_space<vmem_shared>> -> memref<80x32xf32, #tpu.memory_space<vmem_shared>>
        %dma_start3A_148 = arith.constant 0 : i32
        %dma_start3A_149 = arith.constant 0 : i32
        %dma_start3A_150 = tpu.memref_slice %arg20[%dma_start3A_148, %dma_start3A_149] : memref<128x32xf32, #tpu.memory_space<vmem>> -> memref<80x32xf32, #tpu.memory_space<vmem>>
        tpu.enqueue_dma source(%dma_start3A_150 : memref<80x32xf32, #tpu.memory_space<vmem>>) target(%dma_start3A_147 : memref<80x32xf32, #tpu.memory_space<vmem_shared>>) target_semaphore(%run_scoped3A : memref<!tpu.dma_semaphore, #tpu.memory_space<semaphore_mem>>)
        %dma_wait3A_151 = arith.constant 0 : i32
        %dma_wait3A_152 = arith.constant 0 : i32
        %dma_wait3A_153 = tpu.memref_slice %arg20[%dma_wait3A_151, %dma_wait3A_152] : memref<128x32xf32, #tpu.memory_space<vmem>> -> memref<80x32xf32, #tpu.memory_space<vmem>>
        %dma_wait3A_154 = arith.constant 49920 : i32
        %dma_wait3A_155 = arith.constant 0 : i32
        %dma_wait3A_156 = tpu.memref_slice %arg7[%dma_wait3A_154, %dma_wait3A_155] : memref<50000x32xf32, #tpu.memory_space<vmem_shared>> -> memref<80x32xf32, #tpu.memory_space<vmem_shared>>
        %dma_wait3A_157 = arith.constant 49920 : i32
        %dma_wait3A_158 = arith.constant 0 : i32
        %dma_wait3A_159 = tpu.memref_slice %arg7[%dma_wait3A_157, %dma_wait3A_158] : memref<50000x32xf32, #tpu.memory_space<vmem_shared>> -> memref<80x32xf32, #tpu.memory_space<vmem_shared>>
        %dma_wait3A_160 = arith.constant 0 : i32
        %dma_wait3A_161 = arith.constant 0 : i32
        %dma_wait3A_162 = tpu.memref_slice %arg20[%dma_wait3A_160, %dma_wait3A_161] : memref<128x32xf32, #tpu.memory_space<vmem>> -> memref<80x32xf32, #tpu.memory_space<vmem>>
        tpu.wait_dma2 semaphore(%run_scoped3A : memref<!tpu.dma_semaphore, #tpu.memory_space<semaphore_mem>>) src(%dma_wait3A_162 : memref<80x32xf32, #tpu.memory_space<vmem>>) dst(%dma_wait3A_159 : memref<80x32xf32, #tpu.memory_space<vmem_shared>>)
        tpu.yield
      }) : () -> ()
    } else {
    }
    %barrier3A = arith.constant 0 : index
    tpu.barrier barrier_id(%barrier3A)
    %add3A_22 = arith.constant 0 : i32
    %add3A_23 = arith.addi %add3A_4, %add3A_22 : i32
    %dma_start3A = arith.constant 0 : i32
    %dma_start3A_24 = arith.constant 0 : i32
    %dma_start3A_25 = tpu.memref_slice %arg8[%dma_start3A, %dma_start3A_24] : memref<1x128xi32, #tpu.memory_space<vmem>> -> memref<1x128xi32, #tpu.memory_space<vmem>>
    %dma_start3A_26 = arith.constant 0 : i32
    %dma_start3A_27 = tpu.memref_slice %arg3[%add3A_23, %dma_start3A_26] : memref<6250x128xi32, #tpu.memory_space<hbm>> -> memref<1x128xi32, #tpu.memory_space<hbm>>
    %dma_start3A_28 = arith.constant 0 : i32
    %dma_start3A_29 = arith.constant 0 : i32
    %dma_start3A_30 = tpu.memref_slice %arg8[%dma_start3A_28, %dma_start3A_29] : memref<1x128xi32, #tpu.memory_space<vmem>> -> memref<1x128xi32, #tpu.memory_space<vmem>>
    %dma_start3A_31 = arith.constant 0 : i32
    %dma_start3A_32 = tpu.memref_slice %arg3[%add3A_23, %dma_start3A_31] : memref<6250x128xi32, #tpu.memory_space<hbm>> -> memref<1x128xi32, #tpu.memory_space<hbm>>
    tpu.enqueue_dma source(%dma_start3A_32 : memref<1x128xi32, #tpu.memory_space<hbm>>) target(%dma_start3A_30 : memref<1x128xi32, #tpu.memory_space<vmem>>) target_semaphore(%arg21 : memref<!tpu.dma_semaphore, #tpu.memory_space<semaphore_mem>>)
    %add3A_33 = arith.constant 0 : i32
    %add3A_34 = arith.addi %add3A_4, %add3A_33 : i32
    %dma_start3A_35 = arith.constant 0 : i32
    %dma_start3A_36 = arith.constant 0 : i32
    %dma_start3A_37 = tpu.memref_slice %arg12[%dma_start3A_35, %dma_start3A_36] : memref<1x128xi32, #tpu.memory_space<vmem>> -> memref<1x128xi32, #tpu.memory_space<vmem>>
    %dma_start3A_38 = arith.constant 0 : i32
    %dma_start3A_39 = tpu.memref_slice %arg4[%add3A_34, %dma_start3A_38] : memref<6250x128xi32, #tpu.memory_space<hbm>> -> memref<1x128xi32, #tpu.memory_space<hbm>>
    %dma_start3A_40 = arith.constant 0 : i32
    %dma_start3A_41 = arith.constant 0 : i32
    %dma_start3A_42 = tpu.memref_slice %arg12[%dma_start3A_40, %dma_start3A_41] : memref<1x128xi32, #tpu.memory_space<vmem>> -> memref<1x128xi32, #tpu.memory_space<vmem>>
    %dma_start3A_43 = arith.constant 0 : i32
    %dma_start3A_44 = tpu.memref_slice %arg4[%add3A_34, %dma_start3A_43] : memref<6250x128xi32, #tpu.memory_space<hbm>> -> memref<1x128xi32, #tpu.memory_space<hbm>>
    tpu.enqueue_dma source(%dma_start3A_44 : memref<1x128xi32, #tpu.memory_space<hbm>>) target(%dma_start3A_42 : memref<1x128xi32, #tpu.memory_space<vmem>>) target_semaphore(%arg21 : memref<!tpu.dma_semaphore, #tpu.memory_space<semaphore_mem>>)
    %add3A_45 = arith.constant 1 : i32
    %add3A_46 = arith.addi %add3A_4, %add3A_45 : i32
    %dma_start3A_47 = arith.constant 0 : i32
    %dma_start3A_48 = arith.constant 0 : i32
    %dma_start3A_49 = tpu.memref_slice %arg9[%dma_start3A_47, %dma_start3A_48] : memref<1x128xi32, #tpu.memory_space<vmem>> -> memref<1x128xi32, #tpu.memory_space<vmem>>
    %dma_start3A_50 = arith.constant 0 : i32
    %dma_start3A_51 = tpu.memref_slice %arg3[%add3A_46, %dma_start3A_50] : memref<6250x128xi32, #tpu.memory_space<hbm>> -> memref<1x128xi32, #tpu.memory_space<hbm>>
    %dma_start3A_52 = arith.constant 0 : i32
    %dma_start3A_53 = arith.constant 0 : i32
    %dma_start3A_54 = tpu.memref_slice %arg9[%dma_start3A_52, %dma_start3A_53] : memref<1x128xi32, #tpu.memory_space<vmem>> -> memref<1x128xi32, #tpu.memory_space<vmem>>
    %dma_start3A_55 = arith.constant 0 : i32
    %dma_start3A_56 = tpu.memref_slice %arg3[%add3A_46, %dma_start3A_55] : memref<6250x128xi32, #tpu.memory_space<hbm>> -> memref<1x128xi32, #tpu.memory_space<hbm>>
    tpu.enqueue_dma source(%dma_start3A_56 : memref<1x128xi32, #tpu.memory_space<hbm>>) target(%dma_start3A_54 : memref<1x128xi32, #tpu.memory_space<vmem>>) target_semaphore(%arg22 : memref<!tpu.dma_semaphore, #tpu.memory_space<semaphore_mem>>)
    %add3A_57 = arith.constant 1 : i32
    %add3A_58 = arith.addi %add3A_4, %add3A_57 : i32
    %dma_start3A_59 = arith.constant 0 : i32
    %dma_start3A_60 = arith.constant 0 : i32
    %dma_start3A_61 = tpu.memref_slice %arg13[%dma_start3A_59, %dma_start3A_60] : memref<1x128xi32, #tpu.memory_space<vmem>> -> memref<1x128xi32, #tpu.memory_space<vmem>>
    %dma_start3A_62 = arith.constant 0 : i32
    %dma_start3A_63 = tpu.memref_slice %arg4[%add3A_58, %dma_start3A_62] : memref<6250x128xi32, #tpu.memory_space<hbm>> -> memref<1x128xi32, #tpu.memory_space<hbm>>
    %dma_start3A_64 = arith.constant 0 : i32
    %dma_start3A_65 = arith.constant 0 : i32
    %dma_start3A_66 = tpu.memref_slice %arg13[%dma_start3A_64, %dma_start3A_65] : memref<1x128xi32, #tpu.memory_space<vmem>> -> memref<1x128xi32, #tpu.memory_space<vmem>>
    %dma_start3A_67 = arith.constant 0 : i32
    %dma_start3A_68 = tpu.memref_slice %arg4[%add3A_58, %dma_start3A_67] : memref<6250x128xi32, #tpu.memory_space<hbm>> -> memref<1x128xi32, #tpu.memory_space<hbm>>
    tpu.enqueue_dma source(%dma_start3A_68 : memref<1x128xi32, #tpu.memory_space<hbm>>) target(%dma_start3A_66 : memref<1x128xi32, #tpu.memory_space<vmem>>) target_semaphore(%arg22 : memref<!tpu.dma_semaphore, #tpu.memory_space<semaphore_mem>>)
    %dma_wait3A = arith.constant 0 : i32
    %dma_wait3A_69 = arith.constant 0 : i32
    %dma_wait3A_70 = tpu.memref_slice %arg8[%dma_wait3A, %dma_wait3A_69] : memref<1x128xi32, #tpu.memory_space<vmem>> -> memref<1x128xi32, #tpu.memory_space<vmem>>
    %dma_wait3A_71 = arith.constant 0 : i32
    %dma_wait3A_72 = arith.constant 0 : i32
    %dma_wait3A_73 = tpu.memref_slice %arg3[%dma_wait3A_71, %dma_wait3A_72] : memref<6250x128xi32, #tpu.memory_space<hbm>> -> memref<1x128xi32, #tpu.memory_space<hbm>>
    %dma_wait3A_74 = arith.constant 0 : i32
    %dma_wait3A_75 = arith.constant 0 : i32
    %dma_wait3A_76 = tpu.memref_slice %arg8[%dma_wait3A_74, %dma_wait3A_75] : memref<1x128xi32, #tpu.memory_space<vmem>> -> memref<1x128xi32, #tpu.memory_space<vmem>>
    %dma_wait3A_77 = arith.constant 0 : i32
    %dma_wait3A_78 = arith.constant 0 : i32
    %dma_wait3A_79 = tpu.memref_slice %arg3[%dma_wait3A_77, %dma_wait3A_78] : memref<6250x128xi32, #tpu.memory_space<hbm>> -> memref<1x128xi32, #tpu.memory_space<hbm>>
    tpu.wait_dma2 semaphore(%arg21 : memref<!tpu.dma_semaphore, #tpu.memory_space<semaphore_mem>>) src(%dma_wait3A_79 : memref<1x128xi32, #tpu.memory_space<hbm>>) dst(%dma_wait3A_76 : memref<1x128xi32, #tpu.memory_space<vmem>>)
    %dma_wait3A_80 = arith.constant 0 : i32
    %dma_wait3A_81 = arith.constant 0 : i32
    %dma_wait3A_82 = tpu.memref_slice %arg12[%dma_wait3A_80, %dma_wait3A_81] : memref<1x128xi32, #tpu.memory_space<vmem>> -> memref<1x128xi32, #tpu.memory_space<vmem>>
    %dma_wait3A_83 = arith.constant 0 : i32
    %dma_wait3A_84 = arith.constant 0 : i32
    %dma_wait3A_85 = tpu.memref_slice %arg4[%dma_wait3A_83, %dma_wait3A_84] : memref<6250x128xi32, #tpu.memory_space<hbm>> -> memref<1x128xi32, #tpu.memory_space<hbm>>
    %dma_wait3A_86 = arith.constant 0 : i32
    %dma_wait3A_87 = arith.constant 0 : i32
    %dma_wait3A_88 = tpu.memref_slice %arg12[%dma_wait3A_86, %dma_wait3A_87] : memref<1x128xi32, #tpu.memory_space<vmem>> -> memref<1x128xi32, #tpu.memory_space<vmem>>
    %dma_wait3A_89 = arith.constant 0 : i32
    %dma_wait3A_90 = arith.constant 0 : i32
    %dma_wait3A_91 = tpu.memref_slice %arg4[%dma_wait3A_89, %dma_wait3A_90] : memref<6250x128xi32, #tpu.memory_space<hbm>> -> memref<1x128xi32, #tpu.memory_space<hbm>>
    tpu.wait_dma2 semaphore(%arg21 : memref<!tpu.dma_semaphore, #tpu.memory_space<semaphore_mem>>) src(%dma_wait3A_91 : memref<1x128xi32, #tpu.memory_space<hbm>>) dst(%dma_wait3A_88 : memref<1x128xi32, #tpu.memory_space<vmem>>)
    %add3A_92 = arith.constant 0 : i32
    %add3A_93 = arith.addi %add3A_4, %add3A_92 : i32
    %mul3A_94 = arith.constant 128 : i32
    %mul3A_95 = arith.muli %add3A_93, %mul3A_94 : i32
    %dma_start3A_96 = arith.constant 0 : i32
    %dma_start3A_97 = tpu.memref_slice %arg5[%mul3A_95, %dma_start3A_96] : memref<800000x32xf32, #tpu.memory_space<hbm>> -> memref<128x32xf32, #tpu.memory_space<hbm>>
    %dma_start3A_98 = arith.constant 0 : i32
    %dma_start3A_99 = tpu.memref_slice %arg5[%mul3A_95, %dma_start3A_98] : memref<800000x32xf32, #tpu.memory_space<hbm>> -> memref<128x32xf32, #tpu.memory_space<hbm>>
    tpu.enqueue_dma source(%dma_start3A_99 : memref<128x32xf32, #tpu.memory_space<hbm>>) target(%arg18 : memref<128x32xf32, #tpu.memory_space<vmem>>) target_semaphore(%arg25 : memref<!tpu.dma_semaphore, #tpu.memory_space<semaphore_mem>>)
    %dma_start3A_100 = arith.constant 0 : i32
    %dma_start3A_101 = arith.constant 0 : i32
    %dma_start3A_102 = tpu.memref_slice %arg8[%dma_start3A_100, %dma_start3A_101] : memref<1x128xi32, #tpu.memory_space<vmem>> -> memref<1x128xi32, #tpu.memory_space<vmem>>
    %dma_start3A_103 = tpu.memref_squeeze %dma_start3A_102 : memref<1x128xi32, #tpu.memory_space<vmem>> -> memref<128xi32, #tpu.memory_space<vmem>>
    %dma_start3A_104 = arith.constant 0 : i32
    %dma_start3A_105 = arith.constant 0 : i32
    %dma_start3A_106 = tpu.memref_slice %arg2[%dma_start3A_104, %dma_start3A_105] : memref<50000x32xf32, #tpu.memory_space<hbm>> -> memref<50000x32xf32, #tpu.memory_space<hbm>>
    tpu.enqueue_indirect_dma source(%dma_start3A_106 : memref<50000x32xf32, #tpu.memory_space<hbm>>) target(%arg16 : memref<128x32xf32, #tpu.memory_space<vmem>>) offsets(%dma_start3A_103 : memref<128xi32, #tpu.memory_space<vmem>>) semaphore(%arg27 : memref<!tpu.dma_semaphore, #tpu.memory_space<semaphore_mem>>)
    %scan3A_107 = arith.constant 0 : i32
    %scan3A_108 = arith.constant 0 : i32
    %scan3A_109 = arith.constant 49 : i32
    %scan3A_110 = arith.addi %scan3A_108, %scan3A_109 : i32
    %scan3A_111 = arith.constant 1 : i32
    scf.for %scan3A_139 = %scan3A_108 to %scan3A_110 step %scan3A_111  : i32 {
      %mul3A_140 = arith.constant 4 : i32
      %mul3A_141 = arith.muli %scan3A_139, %mul3A_140 : i32
      %add3A_142 = arith.constant 0 : i32
      %add3A_143 = arith.addi %mul3A_141, %add3A_142 : i32
      %add3A_144 = arith.constant 2 : i32
      %add3A_145 = arith.addi %add3A_143, %add3A_144 : i32
      %lt3A_146 = arith.cmpi slt, %add3A_145, %add3A_7 : i32
      %convert_element_type3A_147 = arith.extui %lt3A_146 : i1 to i32
      %cond3A_148 = arith.constant 0 : i32
      %cond3A_149 = arith.cmpi ne, %convert_element_type3A_147, %cond3A_148 : i32
      scf.if %cond3A_149 {
        %add3A_220 = arith.constant 2 : i32
        %add3A_221 = arith.addi %add3A_143, %add3A_220 : i32
        %add3A_222 = arith.addi %add3A_4, %add3A_221 : i32
        %dma_start3A_223 = arith.constant 0 : i32
        %dma_start3A_224 = arith.constant 0 : i32
        %dma_start3A_225 = tpu.memref_slice %arg10[%dma_start3A_223, %dma_start3A_224] : memref<1x128xi32, #tpu.memory_space<vmem>> -> memref<1x128xi32, #tpu.memory_space<vmem>>
        %dma_start3A_226 = arith.constant 0 : i32
        %dma_start3A_227 = tpu.memref_slice %arg3[%add3A_222, %dma_start3A_226] : memref<6250x128xi32, #tpu.memory_space<hbm>> -> memref<1x128xi32, #tpu.memory_space<hbm>>
        %dma_start3A_228 = arith.constant 0 : i32
        %dma_start3A_229 = arith.constant 0 : i32
        %dma_start3A_230 = tpu.memref_slice %arg10[%dma_start3A_228, %dma_start3A_229] : memref<1x128xi32, #tpu.memory_space<vmem>> -> memref<1x128xi32, #tpu.memory_space<vmem>>
        %dma_start3A_231 = arith.constant 0 : i32
        %dma_start3A_232 = tpu.memref_slice %arg3[%add3A_222, %dma_start3A_231] : memref<6250x128xi32, #tpu.memory_space<hbm>> -> memref<1x128xi32, #tpu.memory_space<hbm>>
        tpu.enqueue_dma source(%dma_start3A_232 : memref<1x128xi32, #tpu.memory_space<hbm>>) target(%dma_start3A_230 : memref<1x128xi32, #tpu.memory_space<vmem>>) target_semaphore(%arg23 : memref<!tpu.dma_semaphore, #tpu.memory_space<semaphore_mem>>)
        %add3A_233 = arith.addi %add3A_4, %add3A_221 : i32
        %dma_start3A_234 = arith.constant 0 : i32
        %dma_start3A_235 = arith.constant 0 : i32
        %dma_start3A_236 = tpu.memref_slice %arg14[%dma_start3A_234, %dma_start3A_235] : memref<1x128xi32, #tpu.memory_space<vmem>> -> memref<1x128xi32, #tpu.memory_space<vmem>>
        %dma_start3A_237 = arith.constant 0 : i32
        %dma_start3A_238 = tpu.memref_slice %arg4[%add3A_233, %dma_start3A_237] : memref<6250x128xi32, #tpu.memory_space<hbm>> -> memref<1x128xi32, #tpu.memory_space<hbm>>
        %dma_start3A_239 = arith.constant 0 : i32
        %dma_start3A_240 = arith.constant 0 : i32
        %dma_start3A_241 = tpu.memref_slice %arg14[%dma_start3A_239, %dma_start3A_240] : memref<1x128xi32, #tpu.memory_space<vmem>> -> memref<1x128xi32, #tpu.memory_space<vmem>>
        %dma_start3A_242 = arith.constant 0 : i32
        %dma_start3A_243 = tpu.memref_slice %arg4[%add3A_233, %dma_start3A_242] : memref<6250x128xi32, #tpu.memory_space<hbm>> -> memref<1x128xi32, #tpu.memory_space<hbm>>
        tpu.enqueue_dma source(%dma_start3A_243 : memref<1x128xi32, #tpu.memory_space<hbm>>) target(%dma_start3A_241 : memref<1x128xi32, #tpu.memory_space<vmem>>) target_semaphore(%arg23 : memref<!tpu.dma_semaphore, #tpu.memory_space<semaphore_mem>>)
      } else {
      }
      %add3A_150 = arith.constant 1 : i32
      %add3A_151 = arith.addi %add3A_143, %add3A_150 : i32
      %lt3A_152 = arith.cmpi slt, %add3A_151, %add3A_7 : i32
      %convert_element_type3A_153 = arith.extui %lt3A_152 : i1 to i32
      %cond3A_154 = arith.constant 0 : i32
      %cond3A_155 = arith.cmpi ne, %convert_element_type3A_153, %cond3A_154 : i32
      scf.if %cond3A_155 {
        %ge3A = arith.constant 1 : i32
        %ge3A_220 = arith.cmpi sge, %add3A_143, %ge3A : i32
        %convert_element_type3A_221 = arith.extui %ge3A_220 : i1 to i32
        %cond3A_222 = arith.constant 0 : i32
        %cond3A_223 = arith.cmpi ne, %convert_element_type3A_221, %cond3A_222 : i32
        scf.if %cond3A_223 {
          %dma_wait3A_264 = arith.constant 0 : i32
          %dma_wait3A_265 = arith.constant 0 : i32
          %dma_wait3A_266 = tpu.memref_slice %arg12[%dma_wait3A_264, %dma_wait3A_265] : memref<1x128xi32, #tpu.memory_space<vmem>> -> memref<1x128xi32, #tpu.memory_space<vmem>>
          %dma_wait3A_267 = tpu.memref_squeeze %dma_wait3A_266 : memref<1x128xi32, #tpu.memory_space<vmem>> -> memref<128xi32, #tpu.memory_space<vmem>>
          %dma_wait3A_268 = arith.constant 0 : i32
          %dma_wait3A_269 = arith.constant 0 : i32
          %dma_wait3A_270 = tpu.memref_slice %arg7[%dma_wait3A_268, %dma_wait3A_269] : memref<50000x32xf32, #tpu.memory_space<vmem_shared>> -> memref<50000x32xf32, #tpu.memory_space<vmem_shared>>
          tpu.wait_indirect_dma semaphore(%arg30 : memref<!tpu.dma_semaphore, #tpu.memory_space<semaphore_mem>>) src(%arg17 : memref<128x32xf32, #tpu.memory_space<vmem>>) dst(%dma_wait3A_270 : memref<50000x32xf32, #tpu.memory_space<vmem_shared>>)
        } else {
        }
        %dma_wait3A_224 = arith.constant 0 : i32
        %dma_wait3A_225 = arith.constant 0 : i32
        %dma_wait3A_226 = tpu.memref_slice %arg9[%dma_wait3A_224, %dma_wait3A_225] : memref<1x128xi32, #tpu.memory_space<vmem>> -> memref<1x128xi32, #tpu.memory_space<vmem>>
        %dma_wait3A_227 = arith.constant 0 : i32
        %dma_wait3A_228 = arith.constant 0 : i32
        %dma_wait3A_229 = tpu.memref_slice %arg3[%dma_wait3A_227, %dma_wait3A_228] : memref<6250x128xi32, #tpu.memory_space<hbm>> -> memref<1x128xi32, #tpu.memory_space<hbm>>
        %dma_wait3A_230 = arith.constant 0 : i32
        %dma_wait3A_231 = arith.constant 0 : i32
        %dma_wait3A_232 = tpu.memref_slice %arg9[%dma_wait3A_230, %dma_wait3A_231] : memref<1x128xi32, #tpu.memory_space<vmem>> -> memref<1x128xi32, #tpu.memory_space<vmem>>
        %dma_wait3A_233 = arith.constant 0 : i32
        %dma_wait3A_234 = arith.constant 0 : i32
        %dma_wait3A_235 = tpu.memref_slice %arg3[%dma_wait3A_233, %dma_wait3A_234] : memref<6250x128xi32, #tpu.memory_space<hbm>> -> memref<1x128xi32, #tpu.memory_space<hbm>>
        tpu.wait_dma2 semaphore(%arg22 : memref<!tpu.dma_semaphore, #tpu.memory_space<semaphore_mem>>) src(%dma_wait3A_235 : memref<1x128xi32, #tpu.memory_space<hbm>>) dst(%dma_wait3A_232 : memref<1x128xi32, #tpu.memory_space<vmem>>)
        %dma_wait3A_236 = arith.constant 0 : i32
        %dma_wait3A_237 = arith.constant 0 : i32
        %dma_wait3A_238 = tpu.memref_slice %arg13[%dma_wait3A_236, %dma_wait3A_237] : memref<1x128xi32, #tpu.memory_space<vmem>> -> memref<1x128xi32, #tpu.memory_space<vmem>>
        %dma_wait3A_239 = arith.constant 0 : i32
        %dma_wait3A_240 = arith.constant 0 : i32
        %dma_wait3A_241 = tpu.memref_slice %arg4[%dma_wait3A_239, %dma_wait3A_240] : memref<6250x128xi32, #tpu.memory_space<hbm>> -> memref<1x128xi32, #tpu.memory_space<hbm>>
        %dma_wait3A_242 = arith.constant 0 : i32
        %dma_wait3A_243 = arith.constant 0 : i32
        %dma_wait3A_244 = tpu.memref_slice %arg13[%dma_wait3A_242, %dma_wait3A_243] : memref<1x128xi32, #tpu.memory_space<vmem>> -> memref<1x128xi32, #tpu.memory_space<vmem>>
        %dma_wait3A_245 = arith.constant 0 : i32
        %dma_wait3A_246 = arith.constant 0 : i32
        %dma_wait3A_247 = tpu.memref_slice %arg4[%dma_wait3A_245, %dma_wait3A_246] : memref<6250x128xi32, #tpu.memory_space<hbm>> -> memref<1x128xi32, #tpu.memory_space<hbm>>
        tpu.wait_dma2 semaphore(%arg22 : memref<!tpu.dma_semaphore, #tpu.memory_space<semaphore_mem>>) src(%dma_wait3A_247 : memref<1x128xi32, #tpu.memory_space<hbm>>) dst(%dma_wait3A_244 : memref<1x128xi32, #tpu.memory_space<vmem>>)
        %add3A_248 = arith.constant 1 : i32
        %add3A_249 = arith.addi %add3A_143, %add3A_248 : i32
        %add3A_250 = arith.addi %add3A_4, %add3A_249 : i32
        %mul3A_251 = arith.constant 128 : i32
        %mul3A_252 = arith.muli %add3A_250, %mul3A_251 : i32
        %dma_start3A_253 = arith.constant 0 : i32
        %dma_start3A_254 = tpu.memref_slice %arg5[%mul3A_252, %dma_start3A_253] : memref<800000x32xf32, #tpu.memory_space<hbm>> -> memref<128x32xf32, #tpu.memory_space<hbm>>
        %dma_start3A_255 = arith.constant 0 : i32
        %dma_start3A_256 = tpu.memref_slice %arg5[%mul3A_252, %dma_start3A_255] : memref<800000x32xf32, #tpu.memory_space<hbm>> -> memref<128x32xf32, #tpu.memory_space<hbm>>
        tpu.enqueue_dma source(%dma_start3A_256 : memref<128x32xf32, #tpu.memory_space<hbm>>) target(%arg19 : memref<128x32xf32, #tpu.memory_space<vmem>>) target_semaphore(%arg26 : memref<!tpu.dma_semaphore, #tpu.memory_space<semaphore_mem>>)
        %dma_start3A_257 = arith.constant 0 : i32
        %dma_start3A_258 = arith.constant 0 : i32
        %dma_start3A_259 = tpu.memref_slice %arg9[%dma_start3A_257, %dma_start3A_258] : memref<1x128xi32, #tpu.memory_space<vmem>> -> memref<1x128xi32, #tpu.memory_space<vmem>>
        %dma_start3A_260 = tpu.memref_squeeze %dma_start3A_259 : memref<1x128xi32, #tpu.memory_space<vmem>> -> memref<128xi32, #tpu.memory_space<vmem>>
        %dma_start3A_261 = arith.constant 0 : i32
        %dma_start3A_262 = arith.constant 0 : i32
        %dma_start3A_263 = tpu.memref_slice %arg2[%dma_start3A_261, %dma_start3A_262] : memref<50000x32xf32, #tpu.memory_space<hbm>> -> memref<50000x32xf32, #tpu.memory_space<hbm>>
        tpu.enqueue_indirect_dma source(%dma_start3A_263 : memref<50000x32xf32, #tpu.memory_space<hbm>>) target(%arg17 : memref<128x32xf32, #tpu.memory_space<vmem>>) offsets(%dma_start3A_260 : memref<128xi32, #tpu.memory_space<vmem>>) semaphore(%arg28 : memref<!tpu.dma_semaphore, #tpu.memory_space<semaphore_mem>>)
      } else {
      }
      %lt3A_156 = arith.cmpi slt, %add3A_143, %add3A_7 : i32
      %convert_element_type3A_157 = arith.extui %lt3A_156 : i1 to i32
      %cond3A_158 = arith.constant 0 : i32
      %cond3A_159 = arith.cmpi ne, %convert_element_type3A_157, %cond3A_158 : i32
      scf.if %cond3A_159 {
        %dma_wait3A_220 = arith.constant 0 : i32
        %dma_wait3A_221 = arith.constant 0 : i32
        %dma_wait3A_222 = tpu.memref_slice %arg5[%dma_wait3A_220, %dma_wait3A_221] : memref<800000x32xf32, #tpu.memory_space<hbm>> -> memref<128x32xf32, #tpu.memory_space<hbm>>
        %dma_wait3A_223 = arith.constant 0 : i32
        %dma_wait3A_224 = arith.constant 0 : i32
        %dma_wait3A_225 = tpu.memref_slice %arg5[%dma_wait3A_223, %dma_wait3A_224] : memref<800000x32xf32, #tpu.memory_space<hbm>> -> memref<128x32xf32, #tpu.memory_space<hbm>>
        tpu.wait_dma2 semaphore(%arg25 : memref<!tpu.dma_semaphore, #tpu.memory_space<semaphore_mem>>) src(%dma_wait3A_225 : memref<128x32xf32, #tpu.memory_space<hbm>>) dst(%arg18 : memref<128x32xf32, #tpu.memory_space<vmem>>)
        %dma_wait3A_226 = arith.constant 0 : i32
        %dma_wait3A_227 = arith.constant 0 : i32
        %dma_wait3A_228 = tpu.memref_slice %arg8[%dma_wait3A_226, %dma_wait3A_227] : memref<1x128xi32, #tpu.memory_space<vmem>> -> memref<1x128xi32, #tpu.memory_space<vmem>>
        %dma_wait3A_229 = tpu.memref_squeeze %dma_wait3A_228 : memref<1x128xi32, #tpu.memory_space<vmem>> -> memref<128xi32, #tpu.memory_space<vmem>>
        %dma_wait3A_230 = arith.constant 0 : i32
        %dma_wait3A_231 = arith.constant 0 : i32
        %dma_wait3A_232 = tpu.memref_slice %arg2[%dma_wait3A_230, %dma_wait3A_231] : memref<50000x32xf32, #tpu.memory_space<hbm>> -> memref<50000x32xf32, #tpu.memory_space<hbm>>
        tpu.wait_indirect_dma semaphore(%arg27 : memref<!tpu.dma_semaphore, #tpu.memory_space<semaphore_mem>>) src(%dma_wait3A_232 : memref<50000x32xf32, #tpu.memory_space<hbm>>) dst(%arg16 : memref<128x32xf32, #tpu.memory_space<vmem>>)
        %scan3A_233 = arith.constant 0 : i32
        %scan3A_234 = arith.constant 0 : i32
        %scan3A_235 = arith.constant 128 : i32
        %scan3A_236 = arith.addi %scan3A_234, %scan3A_235 : i32
        %scan3A_237 = arith.constant 1 : i32
        scf.for %scan3A_246 = %scan3A_234 to %scan3A_236 step %scan3A_237  : i32 {
          %get3A = arith.index_cast %scan3A_246 : i32 to index
          %get3A_247 = arith.constant 0 : index
          %get3A_248 = tpu.vector_load %arg16[%get3A, %get3A_247] {strides = array<i32>} : memref<128x32xf32, #tpu.memory_space<vmem>>, vector<1x16xf32>,
          %get3A_249 = vector.shape_cast %get3A_248 : vector<1x16xf32> to vector<16xf32>
          %get3A_250 = arith.index_cast %scan3A_246 : i32 to index
          %get3A_251 = arith.constant 0 : index
          %get3A_252 = tpu.vector_load %arg18[%get3A_250, %get3A_251] {strides = array<i32>} : memref<128x32xf32, #tpu.memory_space<vmem>>, vector<1x16xf32>,
          %get3A_253 = vector.shape_cast %get3A_252 : vector<1x16xf32> to vector<16xf32>
          %add3A_254 = arith.addf %get3A_249, %get3A_253 : vector<16xf32>
          %max3A = arith.constant 0.000000e+00 : f32
          %max3A_255 = vector.broadcast %max3A : f32 to vector<16xf32>
          %max3A_256 = arith.maximumf %add3A_254, %max3A_255 : vector<16xf32>
          %swap3A = arith.index_cast %scan3A_246 : i32 to index
          %swap3A_257 = arith.constant 0 : index
          %swap3A_258 = tpu.vector_load %arg16[%swap3A, %swap3A_257] {strides = array<i32>} : memref<128x32xf32, #tpu.memory_space<vmem>>, vector<1x16xf32>,
          %swap3A_259 = vector.shape_cast %swap3A_258 : vector<1x16xf32> to vector<16xf32>
          %swap3A_260 = vector.shape_cast %max3A_256 : vector<16xf32> to vector<1x16xf32>
          tpu.vector_store %arg16[%swap3A, %swap3A_257], %swap3A_260 {strides = array<i32>} : memref<128x32xf32, #tpu.memory_space<vmem>>, vector<1x16xf32>,
          %get3A_261 = arith.index_cast %scan3A_246 : i32 to index
          %get3A_262 = arith.constant 16 : index
          %get3A_263 = tpu.vector_load %arg16[%get3A_261, %get3A_262] {strides = array<i32>} : memref<128x32xf32, #tpu.memory_space<vmem>>, vector<1x16xf32>,
          %get3A_264 = vector.shape_cast %get3A_263 : vector<1x16xf32> to vector<16xf32>
          %get3A_265 = arith.index_cast %scan3A_246 : i32 to index
          %get3A_266 = arith.constant 16 : index
          %get3A_267 = tpu.vector_load %arg18[%get3A_265, %get3A_266] {strides = array<i32>} : memref<128x32xf32, #tpu.memory_space<vmem>>, vector<1x16xf32>,
          %get3A_268 = vector.shape_cast %get3A_267 : vector<1x16xf32> to vector<16xf32>
          %add3A_269 = arith.addf %get3A_264, %get3A_268 : vector<16xf32>
          %max3A_270 = arith.constant 0.000000e+00 : f32
          %max3A_271 = vector.broadcast %max3A_270 : f32 to vector<16xf32>
          %max3A_272 = arith.maximumf %add3A_269, %max3A_271 : vector<16xf32>
          %swap3A_273 = arith.index_cast %scan3A_246 : i32 to index
          %swap3A_274 = arith.constant 16 : index
          %swap3A_275 = tpu.vector_load %arg16[%swap3A_273, %swap3A_274] {strides = array<i32>} : memref<128x32xf32, #tpu.memory_space<vmem>>, vector<1x16xf32>,
          %swap3A_276 = vector.shape_cast %swap3A_275 : vector<1x16xf32> to vector<16xf32>
          %swap3A_277 = vector.shape_cast %max3A_272 : vector<16xf32> to vector<1x16xf32>
          tpu.vector_store %arg16[%swap3A_273, %swap3A_274], %swap3A_277 {strides = array<i32>} : memref<128x32xf32, #tpu.memory_space<vmem>>, vector<1x16xf32>,
        }
        %scan3A_238 = arith.constant 128 : i32
        %dma_start3A_239 = arith.constant 0 : i32
        %dma_start3A_240 = arith.constant 0 : i32
        %dma_start3A_241 = tpu.memref_slice %arg12[%dma_start3A_239, %dma_start3A_240] : memref<1x128xi32, #tpu.memory_space<vmem>> -> memref<1x128xi32, #tpu.memory_space<vmem>>
        %dma_start3A_242 = tpu.memref_squeeze %dma_start3A_241 : memref<1x128xi32, #tpu.memory_space<vmem>> -> memref<128xi32, #tpu.memory_space<vmem>>
        %dma_start3A_243 = arith.constant 0 : i32
        %dma_start3A_244 = arith.constant 0 : i32
        %dma_start3A_245 = tpu.memref_slice %arg7[%dma_start3A_243, %dma_start3A_244] : memref<50000x32xf32, #tpu.memory_space<vmem_shared>> -> memref<50000x32xf32, #tpu.memory_space<vmem_shared>>
        tpu.enqueue_indirect_dma source(%arg16 : memref<128x32xf32, #tpu.memory_space<vmem>>) target(%dma_start3A_245 : memref<50000x32xf32, #tpu.memory_space<vmem_shared>>) offsets(%dma_start3A_242 : memref<128xi32, #tpu.memory_space<vmem>>) semaphore(%arg29 : memref<!tpu.dma_semaphore, #tpu.memory_space<semaphore_mem>>) {add = true}
      } else {
      }
      %mul3A_160 = arith.constant 4 : i32
      %mul3A_161 = arith.muli %scan3A_139, %mul3A_160 : i32
      %add3A_162 = arith.constant 1 : i32
      %add3A_163 = arith.addi %mul3A_161, %add3A_162 : i32
      %add3A_164 = arith.constant 2 : i32
      %add3A_165 = arith.addi %add3A_163, %add3A_164 : i32
      %lt3A_166 = arith.cmpi slt, %add3A_165, %add3A_7 : i32
      %convert_element_type3A_167 = arith.extui %lt3A_166 : i1 to i32
      %cond3A_168 = arith.constant 0 : i32
      %cond3A_169 = arith.cmpi ne, %convert_element_type3A_167, %cond3A_168 : i32
      scf.if %cond3A_169 {
        %add3A_220 = arith.constant 2 : i32
        %add3A_221 = arith.addi %add3A_163, %add3A_220 : i32
        %add3A_222 = arith.addi %add3A_4, %add3A_221 : i32
        %dma_start3A_223 = arith.constant 0 : i32
        %dma_start3A_224 = arith.constant 0 : i32
        %dma_start3A_225 = tpu.memref_slice %arg11[%dma_start3A_223, %dma_start3A_224] : memref<1x128xi32, #tpu.memory_space<vmem>> -> memref<1x128xi32, #tpu.memory_space<vmem>>
        %dma_start3A_226 = arith.constant 0 : i32
        %dma_start3A_227 = tpu.memref_slice %arg3[%add3A_222, %dma_start3A_226] : memref<6250x128xi32, #tpu.memory_space<hbm>> -> memref<1x128xi32, #tpu.memory_space<hbm>>
        %dma_start3A_228 = arith.constant 0 : i32
        %dma_start3A_229 = arith.constant 0 : i32
        %dma_start3A_230 = tpu.memref_slice %arg11[%dma_start3A_228, %dma_start3A_229] : memref<1x128xi32, #tpu.memory_space<vmem>> -> memref<1x128xi32, #tpu.memory_space<vmem>>
        %dma_start3A_231 = arith.constant 0 : i32
        %dma_start3A_232 = tpu.memref_slice %arg3[%add3A_222, %dma_start3A_231] : memref<6250x128xi32, #tpu.memory_space<hbm>> -> memref<1x128xi32, #tpu.memory_space<hbm>>
        tpu.enqueue_dma source(%dma_start3A_232 : memref<1x128xi32, #tpu.memory_space<hbm>>) target(%dma_start3A_230 : memref<1x128xi32, #tpu.memory_space<vmem>>) target_semaphore(%arg24 : memref<!tpu.dma_semaphore, #tpu.memory_space<semaphore_mem>>)
        %add3A_233 = arith.addi %add3A_4, %add3A_221 : i32
        %dma_start3A_234 = arith.constant 0 : i32
        %dma_start3A_235 = arith.constant 0 : i32
        %dma_start3A_236 = tpu.memref_slice %arg15[%dma_start3A_234, %dma_start3A_235] : memref<1x128xi32, #tpu.memory_space<vmem>> -> memref<1x128xi32, #tpu.memory_space<vmem>>
        %dma_start3A_237 = arith.constant 0 : i32
        %dma_start3A_238 = tpu.memref_slice %arg4[%add3A_233, %dma_start3A_237] : memref<6250x128xi32, #tpu.memory_space<hbm>> -> memref<1x128xi32, #tpu.memory_space<hbm>>
        %dma_start3A_239 = arith.constant 0 : i32
        %dma_start3A_240 = arith.constant 0 : i32
        %dma_start3A_241 = tpu.memref_slice %arg15[%dma_start3A_239, %dma_start3A_240] : memref<1x128xi32, #tpu.memory_space<vmem>> -> memref<1x128xi32, #tpu.memory_space<vmem>>
        %dma_start3A_242 = arith.constant 0 : i32
        %dma_start3A_243 = tpu.memref_slice %arg4[%add3A_233, %dma_start3A_242] : memref<6250x128xi32, #tpu.memory_space<hbm>> -> memref<1x128xi32, #tpu.memory_space<hbm>>
        tpu.enqueue_dma source(%dma_start3A_243 : memref<1x128xi32, #tpu.memory_space<hbm>>) target(%dma_start3A_241 : memref<1x128xi32, #tpu.memory_space<vmem>>) target_semaphore(%arg24 : memref<!tpu.dma_semaphore, #tpu.memory_space<semaphore_mem>>)
      } else {
      }
      %add3A_170 = arith.constant 1 : i32
      %add3A_171 = arith.addi %add3A_163, %add3A_170 : i32
      %lt3A_172 = arith.cmpi slt, %add3A_171, %add3A_7 : i32
      %convert_element_type3A_173 = arith.extui %lt3A_172 : i1 to i32
      %cond3A_174 = arith.constant 0 : i32
      %cond3A_175 = arith.cmpi ne, %convert_element_type3A_173, %cond3A_174 : i32
      scf.if %cond3A_175 {
        %ge3A = arith.constant 1 : i32
        %ge3A_220 = arith.cmpi sge, %add3A_163, %ge3A : i32
        %convert_element_type3A_221 = arith.extui %ge3A_220 : i1 to i32
        %cond3A_222 = arith.constant 0 : i32
        %cond3A_223 = arith.cmpi ne, %convert_element_type3A_221, %cond3A_222 : i32
        scf.if %cond3A_223 {
          %dma_wait3A_264 = arith.constant 0 : i32
          %dma_wait3A_265 = arith.constant 0 : i32
          %dma_wait3A_266 = tpu.memref_slice %arg12[%dma_wait3A_264, %dma_wait3A_265] : memref<1x128xi32, #tpu.memory_space<vmem>> -> memref<1x128xi32, #tpu.memory_space<vmem>>
          %dma_wait3A_267 = tpu.memref_squeeze %dma_wait3A_266 : memref<1x128xi32, #tpu.memory_space<vmem>> -> memref<128xi32, #tpu.memory_space<vmem>>
          %dma_wait3A_268 = arith.constant 0 : i32
          %dma_wait3A_269 = arith.constant 0 : i32
          %dma_wait3A_270 = tpu.memref_slice %arg7[%dma_wait3A_268, %dma_wait3A_269] : memref<50000x32xf32, #tpu.memory_space<vmem_shared>> -> memref<50000x32xf32, #tpu.memory_space<vmem_shared>>
          tpu.wait_indirect_dma semaphore(%arg29 : memref<!tpu.dma_semaphore, #tpu.memory_space<semaphore_mem>>) src(%arg16 : memref<128x32xf32, #tpu.memory_space<vmem>>) dst(%dma_wait3A_270 : memref<50000x32xf32, #tpu.memory_space<vmem_shared>>)
        } else {
        }
        %dma_wait3A_224 = arith.constant 0 : i32
        %dma_wait3A_225 = arith.constant 0 : i32
        %dma_wait3A_226 = tpu.memref_slice %arg10[%dma_wait3A_224, %dma_wait3A_225] : memref<1x128xi32, #tpu.memory_space<vmem>> -> memref<1x128xi32, #tpu.memory_space<vmem>>
        %dma_wait3A_227 = arith.constant 0 : i32
        %dma_wait3A_228 = arith.constant 0 : i32
        %dma_wait3A_229 = tpu.memref_slice %arg3[%dma_wait3A_227, %dma_wait3A_228] : memref<6250x128xi32, #tpu.memory_space<hbm>> -> memref<1x128xi32, #tpu.memory_space<hbm>>
        %dma_wait3A_230 = arith.constant 0 : i32
        %dma_wait3A_231 = arith.constant 0 : i32
        %dma_wait3A_232 = tpu.memref_slice %arg10[%dma_wait3A_230, %dma_wait3A_231] : memref<1x128xi32, #tpu.memory_space<vmem>> -> memref<1x128xi32, #tpu.memory_space<vmem>>
        %dma_wait3A_233 = arith.constant 0 : i32
        %dma_wait3A_234 = arith.constant 0 : i32
        %dma_wait3A_235 = tpu.memref_slice %arg3[%dma_wait3A_233, %dma_wait3A_234] : memref<6250x128xi32, #tpu.memory_space<hbm>> -> memref<1x128xi32, #tpu.memory_space<hbm>>
        tpu.wait_dma2 semaphore(%arg23 : memref<!tpu.dma_semaphore, #tpu.memory_space<semaphore_mem>>) src(%dma_wait3A_235 : memref<1x128xi32, #tpu.memory_space<hbm>>) dst(%dma_wait3A_232 : memref<1x128xi32, #tpu.memory_space<vmem>>)
        %dma_wait3A_236 = arith.constant 0 : i32
        %dma_wait3A_237 = arith.constant 0 : i32
        %dma_wait3A_238 = tpu.memref_slice %arg14[%dma_wait3A_236, %dma_wait3A_237] : memref<1x128xi32, #tpu.memory_space<vmem>> -> memref<1x128xi32, #tpu.memory_space<vmem>>
        %dma_wait3A_239 = arith.constant 0 : i32
        %dma_wait3A_240 = arith.constant 0 : i32
        %dma_wait3A_241 = tpu.memref_slice %arg4[%dma_wait3A_239, %dma_wait3A_240] : memref<6250x128xi32, #tpu.memory_space<hbm>> -> memref<1x128xi32, #tpu.memory_space<hbm>>
        %dma_wait3A_242 = arith.constant 0 : i32
        %dma_wait3A_243 = arith.constant 0 : i32
        %dma_wait3A_244 = tpu.memref_slice %arg14[%dma_wait3A_242, %dma_wait3A_243] : memref<1x128xi32, #tpu.memory_space<vmem>> -> memref<1x128xi32, #tpu.memory_space<vmem>>
        %dma_wait3A_245 = arith.constant 0 : i32
        %dma_wait3A_246 = arith.constant 0 : i32
        %dma_wait3A_247 = tpu.memref_slice %arg4[%dma_wait3A_245, %dma_wait3A_246] : memref<6250x128xi32, #tpu.memory_space<hbm>> -> memref<1x128xi32, #tpu.memory_space<hbm>>
        tpu.wait_dma2 semaphore(%arg23 : memref<!tpu.dma_semaphore, #tpu.memory_space<semaphore_mem>>) src(%dma_wait3A_247 : memref<1x128xi32, #tpu.memory_space<hbm>>) dst(%dma_wait3A_244 : memref<1x128xi32, #tpu.memory_space<vmem>>)
        %add3A_248 = arith.constant 1 : i32
        %add3A_249 = arith.addi %add3A_163, %add3A_248 : i32
        %add3A_250 = arith.addi %add3A_4, %add3A_249 : i32
        %mul3A_251 = arith.constant 128 : i32
        %mul3A_252 = arith.muli %add3A_250, %mul3A_251 : i32
        %dma_start3A_253 = arith.constant 0 : i32
        %dma_start3A_254 = tpu.memref_slice %arg5[%mul3A_252, %dma_start3A_253] : memref<800000x32xf32, #tpu.memory_space<hbm>> -> memref<128x32xf32, #tpu.memory_space<hbm>>
        %dma_start3A_255 = arith.constant 0 : i32
        %dma_start3A_256 = tpu.memref_slice %arg5[%mul3A_252, %dma_start3A_255] : memref<800000x32xf32, #tpu.memory_space<hbm>> -> memref<128x32xf32, #tpu.memory_space<hbm>>
        tpu.enqueue_dma source(%dma_start3A_256 : memref<128x32xf32, #tpu.memory_space<hbm>>) target(%arg18 : memref<128x32xf32, #tpu.memory_space<vmem>>) target_semaphore(%arg25 : memref<!tpu.dma_semaphore, #tpu.memory_space<semaphore_mem>>)
        %dma_start3A_257 = arith.constant 0 : i32
        %dma_start3A_258 = arith.constant 0 : i32
        %dma_start3A_259 = tpu.memref_slice %arg10[%dma_start3A_257, %dma_start3A_258] : memref<1x128xi32, #tpu.memory_space<vmem>> -> memref<1x128xi32, #tpu.memory_space<vmem>>
        %dma_start3A_260 = tpu.memref_squeeze %dma_start3A_259 : memref<1x128xi32, #tpu.memory_space<vmem>> -> memref<128xi32, #tpu.memory_space<vmem>>
        %dma_start3A_261 = arith.constant 0 : i32
        %dma_start3A_262 = arith.constant 0 : i32
        %dma_start3A_263 = tpu.memref_slice %arg2[%dma_start3A_261, %dma_start3A_262] : memref<50000x32xf32, #tpu.memory_space<hbm>> -> memref<50000x32xf32, #tpu.memory_space<hbm>>
        tpu.enqueue_indirect_dma source(%dma_start3A_263 : memref<50000x32xf32, #tpu.memory_space<hbm>>) target(%arg16 : memref<128x32xf32, #tpu.memory_space<vmem>>) offsets(%dma_start3A_260 : memref<128xi32, #tpu.memory_space<vmem>>) semaphore(%arg27 : memref<!tpu.dma_semaphore, #tpu.memory_space<semaphore_mem>>)
      } else {
      }
      %lt3A_176 = arith.cmpi slt, %add3A_163, %add3A_7 : i32
      %convert_element_type3A_177 = arith.extui %lt3A_176 : i1 to i32
      %cond3A_178 = arith.constant 0 : i32
      %cond3A_179 = arith.cmpi ne, %convert_element_type3A_177, %cond3A_178 : i32
      scf.if %cond3A_179 {
        %dma_wait3A_220 = arith.constant 0 : i32
        %dma_wait3A_221 = arith.constant 0 : i32
        %dma_wait3A_222 = tpu.memref_slice %arg5[%dma_wait3A_220, %dma_wait3A_221] : memref<800000x32xf32, #tpu.memory_space<hbm>> -> memref<128x32xf32, #tpu.memory_space<hbm>>
        %dma_wait3A_223 = arith.constant 0 : i32
        %dma_wait3A_224 = arith.constant 0 : i32
        %dma_wait3A_225 = tpu.memref_slice %arg5[%dma_wait3A_223, %dma_wait3A_224] : memref<800000x32xf32, #tpu.memory_space<hbm>> -> memref<128x32xf32, #tpu.memory_space<hbm>>
        tpu.wait_dma2 semaphore(%arg26 : memref<!tpu.dma_semaphore, #tpu.memory_space<semaphore_mem>>) src(%dma_wait3A_225 : memref<128x32xf32, #tpu.memory_space<hbm>>) dst(%arg19 : memref<128x32xf32, #tpu.memory_space<vmem>>)
        %dma_wait3A_226 = arith.constant 0 : i32
        %dma_wait3A_227 = arith.constant 0 : i32
        %dma_wait3A_228 = tpu.memref_slice %arg8[%dma_wait3A_226, %dma_wait3A_227] : memref<1x128xi32, #tpu.memory_space<vmem>> -> memref<1x128xi32, #tpu.memory_space<vmem>>
        %dma_wait3A_229 = tpu.memref_squeeze %dma_wait3A_228 : memref<1x128xi32, #tpu.memory_space<vmem>> -> memref<128xi32, #tpu.memory_space<vmem>>
        %dma_wait3A_230 = arith.constant 0 : i32
        %dma_wait3A_231 = arith.constant 0 : i32
        %dma_wait3A_232 = tpu.memref_slice %arg2[%dma_wait3A_230, %dma_wait3A_231] : memref<50000x32xf32, #tpu.memory_space<hbm>> -> memref<50000x32xf32, #tpu.memory_space<hbm>>
        tpu.wait_indirect_dma semaphore(%arg28 : memref<!tpu.dma_semaphore, #tpu.memory_space<semaphore_mem>>) src(%dma_wait3A_232 : memref<50000x32xf32, #tpu.memory_space<hbm>>) dst(%arg17 : memref<128x32xf32, #tpu.memory_space<vmem>>)
        %scan3A_233 = arith.constant 0 : i32
        %scan3A_234 = arith.constant 0 : i32
        %scan3A_235 = arith.constant 128 : i32
        %scan3A_236 = arith.addi %scan3A_234, %scan3A_235 : i32
        %scan3A_237 = arith.constant 1 : i32
        scf.for %scan3A_246 = %scan3A_234 to %scan3A_236 step %scan3A_237  : i32 {
          %get3A = arith.index_cast %scan3A_246 : i32 to index
          %get3A_247 = arith.constant 0 : index
          %get3A_248 = tpu.vector_load %arg17[%get3A, %get3A_247] {strides = array<i32>} : memref<128x32xf32, #tpu.memory_space<vmem>>, vector<1x16xf32>,
          %get3A_249 = vector.shape_cast %get3A_248 : vector<1x16xf32> to vector<16xf32>
          %get3A_250 = arith.index_cast %scan3A_246 : i32 to index
          %get3A_251 = arith.constant 0 : index
          %get3A_252 = tpu.vector_load %arg19[%get3A_250, %get3A_251] {strides = array<i32>} : memref<128x32xf32, #tpu.memory_space<vmem>>, vector<1x16xf32>,
          %get3A_253 = vector.shape_cast %get3A_252 : vector<1x16xf32> to vector<16xf32>
          %add3A_254 = arith.addf %get3A_249, %get3A_253 : vector<16xf32>
          %max3A = arith.constant 0.000000e+00 : f32
          %max3A_255 = vector.broadcast %max3A : f32 to vector<16xf32>
          %max3A_256 = arith.maximumf %add3A_254, %max3A_255 : vector<16xf32>
          %swap3A = arith.index_cast %scan3A_246 : i32 to index
          %swap3A_257 = arith.constant 0 : index
          %swap3A_258 = tpu.vector_load %arg17[%swap3A, %swap3A_257] {strides = array<i32>} : memref<128x32xf32, #tpu.memory_space<vmem>>, vector<1x16xf32>,
          %swap3A_259 = vector.shape_cast %swap3A_258 : vector<1x16xf32> to vector<16xf32>
          %swap3A_260 = vector.shape_cast %max3A_256 : vector<16xf32> to vector<1x16xf32>
          tpu.vector_store %arg17[%swap3A, %swap3A_257], %swap3A_260 {strides = array<i32>} : memref<128x32xf32, #tpu.memory_space<vmem>>, vector<1x16xf32>,
          %get3A_261 = arith.index_cast %scan3A_246 : i32 to index
          %get3A_262 = arith.constant 16 : index
          %get3A_263 = tpu.vector_load %arg17[%get3A_261, %get3A_262] {strides = array<i32>} : memref<128x32xf32, #tpu.memory_space<vmem>>, vector<1x16xf32>,
          %get3A_264 = vector.shape_cast %get3A_263 : vector<1x16xf32> to vector<16xf32>
          %get3A_265 = arith.index_cast %scan3A_246 : i32 to index
          %get3A_266 = arith.constant 16 : index
          %get3A_267 = tpu.vector_load %arg19[%get3A_265, %get3A_266] {strides = array<i32>} : memref<128x32xf32, #tpu.memory_space<vmem>>, vector<1x16xf32>,
          %get3A_268 = vector.shape_cast %get3A_267 : vector<1x16xf32> to vector<16xf32>
          %add3A_269 = arith.addf %get3A_264, %get3A_268 : vector<16xf32>
          %max3A_270 = arith.constant 0.000000e+00 : f32
          %max3A_271 = vector.broadcast %max3A_270 : f32 to vector<16xf32>
          %max3A_272 = arith.maximumf %add3A_269, %max3A_271 : vector<16xf32>
          %swap3A_273 = arith.index_cast %scan3A_246 : i32 to index
          %swap3A_274 = arith.constant 16 : index
          %swap3A_275 = tpu.vector_load %arg17[%swap3A_273, %swap3A_274] {strides = array<i32>} : memref<128x32xf32, #tpu.memory_space<vmem>>, vector<1x16xf32>,
          %swap3A_276 = vector.shape_cast %swap3A_275 : vector<1x16xf32> to vector<16xf32>
          %swap3A_277 = vector.shape_cast %max3A_272 : vector<16xf32> to vector<1x16xf32>
          tpu.vector_store %arg17[%swap3A_273, %swap3A_274], %swap3A_277 {strides = array<i32>} : memref<128x32xf32, #tpu.memory_space<vmem>>, vector<1x16xf32>,
        }
        %scan3A_238 = arith.constant 128 : i32
        %dma_start3A_239 = arith.constant 0 : i32
        %dma_start3A_240 = arith.constant 0 : i32
        %dma_start3A_241 = tpu.memref_slice %arg13[%dma_start3A_239, %dma_start3A_240] : memref<1x128xi32, #tpu.memory_space<vmem>> -> memref<1x128xi32, #tpu.memory_space<vmem>>
        %dma_start3A_242 = tpu.memref_squeeze %dma_start3A_241 : memref<1x128xi32, #tpu.memory_space<vmem>> -> memref<128xi32, #tpu.memory_space<vmem>>
        %dma_start3A_243 = arith.constant 0 : i32
        %dma_start3A_244 = arith.constant 0 : i32
        %dma_start3A_245 = tpu.memref_slice %arg7[%dma_start3A_243, %dma_start3A_244] : memref<50000x32xf32, #tpu.memory_space<vmem_shared>> -> memref<50000x32xf32, #tpu.memory_space<vmem_shared>>
        tpu.enqueue_indirect_dma source(%arg17 : memref<128x32xf32, #tpu.memory_space<vmem>>) target(%dma_start3A_245 : memref<50000x32xf32, #tpu.memory_space<vmem_shared>>) offsets(%dma_start3A_242 : memref<128xi32, #tpu.memory_space<vmem>>) semaphore(%arg30 : memref<!tpu.dma_semaphore, #tpu.memory_space<semaphore_mem>>) {add = true}
      } else {
      }
      %mul3A_180 = arith.constant 4 : i32
      %mul3A_181 = arith.muli %scan3A_139, %mul3A_180 : i32
      %add3A_182 = arith.constant 2 : i32
      %add3A_183 = arith.addi %mul3A_181, %add3A_182 : i32
      %add3A_184 = arith.constant 2 : i32
      %add3A_185 = arith.addi %add3A_183, %add3A_184 : i32
      %lt3A_186 = arith.cmpi slt, %add3A_185, %add3A_7 : i32
      %convert_element_type3A_187 = arith.extui %lt3A_186 : i1 to i32
      %cond3A_188 = arith.constant 0 : i32
      %cond3A_189 = arith.cmpi ne, %convert_element_type3A_187, %cond3A_188 : i32
      scf.if %cond3A_189 {
        %add3A_220 = arith.constant 2 : i32
        %add3A_221 = arith.addi %add3A_183, %add3A_220 : i32
        %add3A_222 = arith.addi %add3A_4, %add3A_221 : i32
        %dma_start3A_223 = arith.constant 0 : i32
        %dma_start3A_224 = arith.constant 0 : i32
        %dma_start3A_225 = tpu.memref_slice %arg8[%dma_start3A_223, %dma_start3A_224] : memref<1x128xi32, #tpu.memory_space<vmem>> -> memref<1x128xi32, #tpu.memory_space<vmem>>
        %dma_start3A_226 = arith.constant 0 : i32
        %dma_start3A_227 = tpu.memref_slice %arg3[%add3A_222, %dma_start3A_226] : memref<6250x128xi32, #tpu.memory_space<hbm>> -> memref<1x128xi32, #tpu.memory_space<hbm>>
        %dma_start3A_228 = arith.constant 0 : i32
        %dma_start3A_229 = arith.constant 0 : i32
        %dma_start3A_230 = tpu.memref_slice %arg8[%dma_start3A_228, %dma_start3A_229] : memref<1x128xi32, #tpu.memory_space<vmem>> -> memref<1x128xi32, #tpu.memory_space<vmem>>
        %dma_start3A_231 = arith.constant 0 : i32
        %dma_start3A_232 = tpu.memref_slice %arg3[%add3A_222, %dma_start3A_231] : memref<6250x128xi32, #tpu.memory_space<hbm>> -> memref<1x128xi32, #tpu.memory_space<hbm>>
        tpu.enqueue_dma source(%dma_start3A_232 : memref<1x128xi32, #tpu.memory_space<hbm>>) target(%dma_start3A_230 : memref<1x128xi32, #tpu.memory_space<vmem>>) target_semaphore(%arg21 : memref<!tpu.dma_semaphore, #tpu.memory_space<semaphore_mem>>)
        %add3A_233 = arith.addi %add3A_4, %add3A_221 : i32
        %dma_start3A_234 = arith.constant 0 : i32
        %dma_start3A_235 = arith.constant 0 : i32
        %dma_start3A_236 = tpu.memref_slice %arg12[%dma_start3A_234, %dma_start3A_235] : memref<1x128xi32, #tpu.memory_space<vmem>> -> memref<1x128xi32, #tpu.memory_space<vmem>>
        %dma_start3A_237 = arith.constant 0 : i32
        %dma_start3A_238 = tpu.memref_slice %arg4[%add3A_233, %dma_start3A_237] : memref<6250x128xi32, #tpu.memory_space<hbm>> -> memref<1x128xi32, #tpu.memory_space<hbm>>
        %dma_start3A_239 = arith.constant 0 : i32
        %dma_start3A_240 = arith.constant 0 : i32
        %dma_start3A_241 = tpu.memref_slice %arg12[%dma_start3A_239, %dma_start3A_240] : memref<1x128xi32, #tpu.memory_space<vmem>> -> memref<1x128xi32, #tpu.memory_space<vmem>>
        %dma_start3A_242 = arith.constant 0 : i32
        %dma_start3A_243 = tpu.memref_slice %arg4[%add3A_233, %dma_start3A_242] : memref<6250x128xi32, #tpu.memory_space<hbm>> -> memref<1x128xi32, #tpu.memory_space<hbm>>
        tpu.enqueue_dma source(%dma_start3A_243 : memref<1x128xi32, #tpu.memory_space<hbm>>) target(%dma_start3A_241 : memref<1x128xi32, #tpu.memory_space<vmem>>) target_semaphore(%arg21 : memref<!tpu.dma_semaphore, #tpu.memory_space<semaphore_mem>>)
      } else {
      }
      %add3A_190 = arith.constant 1 : i32
      %add3A_191 = arith.addi %add3A_183, %add3A_190 : i32
      %lt3A_192 = arith.cmpi slt, %add3A_191, %add3A_7 : i32
      %convert_element_type3A_193 = arith.extui %lt3A_192 : i1 to i32
      %cond3A_194 = arith.constant 0 : i32
      %cond3A_195 = arith.cmpi ne, %convert_element_type3A_193, %cond3A_194 : i32
      scf.if %cond3A_195 {
        %ge3A = arith.constant 1 : i32
        %ge3A_220 = arith.cmpi sge, %add3A_183, %ge3A : i32
        %convert_element_type3A_221 = arith.extui %ge3A_220 : i1 to i32
        %cond3A_222 = arith.constant 0 : i32
        %cond3A_223 = arith.cmpi ne, %convert_element_type3A_221, %cond3A_222 : i32
        scf.if %cond3A_223 {
          %dma_wait3A_264 = arith.constant 0 : i32
          %dma_wait3A_265 = arith.constant 0 : i32
          %dma_wait3A_266 = tpu.memref_slice %arg12[%dma_wait3A_264, %dma_wait3A_265] : memref<1x128xi32, #tpu.memory_space<vmem>> -> memref<1x128xi32, #tpu.memory_space<vmem>>
          %dma_wait3A_267 = tpu.memref_squeeze %dma_wait3A_266 : memref<1x128xi32, #tpu.memory_space<vmem>> -> memref<128xi32, #tpu.memory_space<vmem>>
          %dma_wait3A_268 = arith.constant 0 : i32
          %dma_wait3A_269 = arith.constant 0 : i32
          %dma_wait3A_270 = tpu.memref_slice %arg7[%dma_wait3A_268, %dma_wait3A_269] : memref<50000x32xf32, #tpu.memory_space<vmem_shared>> -> memref<50000x32xf32, #tpu.memory_space<vmem_shared>>
          tpu.wait_indirect_dma semaphore(%arg30 : memref<!tpu.dma_semaphore, #tpu.memory_space<semaphore_mem>>) src(%arg17 : memref<128x32xf32, #tpu.memory_space<vmem>>) dst(%dma_wait3A_270 : memref<50000x32xf32, #tpu.memory_space<vmem_shared>>)
        } else {
        }
        %dma_wait3A_224 = arith.constant 0 : i32
        %dma_wait3A_225 = arith.constant 0 : i32
        %dma_wait3A_226 = tpu.memref_slice %arg11[%dma_wait3A_224, %dma_wait3A_225] : memref<1x128xi32, #tpu.memory_space<vmem>> -> memref<1x128xi32, #tpu.memory_space<vmem>>
        %dma_wait3A_227 = arith.constant 0 : i32
        %dma_wait3A_228 = arith.constant 0 : i32
        %dma_wait3A_229 = tpu.memref_slice %arg3[%dma_wait3A_227, %dma_wait3A_228] : memref<6250x128xi32, #tpu.memory_space<hbm>> -> memref<1x128xi32, #tpu.memory_space<hbm>>
        %dma_wait3A_230 = arith.constant 0 : i32
        %dma_wait3A_231 = arith.constant 0 : i32
        %dma_wait3A_232 = tpu.memref_slice %arg11[%dma_wait3A_230, %dma_wait3A_231] : memref<1x128xi32, #tpu.memory_space<vmem>> -> memref<1x128xi32, #tpu.memory_space<vmem>>
        %dma_wait3A_233 = arith.constant 0 : i32
        %dma_wait3A_234 = arith.constant 0 : i32
        %dma_wait3A_235 = tpu.memref_slice %arg3[%dma_wait3A_233, %dma_wait3A_234] : memref<6250x128xi32, #tpu.memory_space<hbm>> -> memref<1x128xi32, #tpu.memory_space<hbm>>
        tpu.wait_dma2 semaphore(%arg24 : memref<!tpu.dma_semaphore, #tpu.memory_space<semaphore_mem>>) src(%dma_wait3A_235 : memref<1x128xi32, #tpu.memory_space<hbm>>) dst(%dma_wait3A_232 : memref<1x128xi32, #tpu.memory_space<vmem>>)
        %dma_wait3A_236 = arith.constant 0 : i32
        %dma_wait3A_237 = arith.constant 0 : i32
        %dma_wait3A_238 = tpu.memref_slice %arg15[%dma_wait3A_236, %dma_wait3A_237] : memref<1x128xi32, #tpu.memory_space<vmem>> -> memref<1x128xi32, #tpu.memory_space<vmem>>
        %dma_wait3A_239 = arith.constant 0 : i32
        %dma_wait3A_240 = arith.constant 0 : i32
        %dma_wait3A_241 = tpu.memref_slice %arg4[%dma_wait3A_239, %dma_wait3A_240] : memref<6250x128xi32, #tpu.memory_space<hbm>> -> memref<1x128xi32, #tpu.memory_space<hbm>>
        %dma_wait3A_242 = arith.constant 0 : i32
        %dma_wait3A_243 = arith.constant 0 : i32
        %dma_wait3A_244 = tpu.memref_slice %arg15[%dma_wait3A_242, %dma_wait3A_243] : memref<1x128xi32, #tpu.memory_space<vmem>> -> memref<1x128xi32, #tpu.memory_space<vmem>>
        %dma_wait3A_245 = arith.constant 0 : i32
        %dma_wait3A_246 = arith.constant 0 : i32
        %dma_wait3A_247 = tpu.memref_slice %arg4[%dma_wait3A_245, %dma_wait3A_246] : memref<6250x128xi32, #tpu.memory_space<hbm>> -> memref<1x128xi32, #tpu.memory_space<hbm>>
        tpu.wait_dma2 semaphore(%arg24 : memref<!tpu.dma_semaphore, #tpu.memory_space<semaphore_mem>>) src(%dma_wait3A_247 : memref<1x128xi32, #tpu.memory_space<hbm>>) dst(%dma_wait3A_244 : memref<1x128xi32, #tpu.memory_space<vmem>>)
        %add3A_248 = arith.constant 1 : i32
        %add3A_249 = arith.addi %add3A_183, %add3A_248 : i32
        %add3A_250 = arith.addi %add3A_4, %add3A_249 : i32
        %mul3A_251 = arith.constant 128 : i32
        %mul3A_252 = arith.muli %add3A_250, %mul3A_251 : i32
        %dma_start3A_253 = arith.constant 0 : i32
        %dma_start3A_254 = tpu.memref_slice %arg5[%mul3A_252, %dma_start3A_253] : memref<800000x32xf32, #tpu.memory_space<hbm>> -> memref<128x32xf32, #tpu.memory_space<hbm>>
        %dma_start3A_255 = arith.constant 0 : i32
        %dma_start3A_256 = tpu.memref_slice %arg5[%mul3A_252, %dma_start3A_255] : memref<800000x32xf32, #tpu.memory_space<hbm>> -> memref<128x32xf32, #tpu.memory_space<hbm>>
        tpu.enqueue_dma source(%dma_start3A_256 : memref<128x32xf32, #tpu.memory_space<hbm>>) target(%arg19 : memref<128x32xf32, #tpu.memory_space<vmem>>) target_semaphore(%arg26 : memref<!tpu.dma_semaphore, #tpu.memory_space<semaphore_mem>>)
        %dma_start3A_257 = arith.constant 0 : i32
        %dma_start3A_258 = arith.constant 0 : i32
        %dma_start3A_259 = tpu.memref_slice %arg11[%dma_start3A_257, %dma_start3A_258] : memref<1x128xi32, #tpu.memory_space<vmem>> -> memref<1x128xi32, #tpu.memory_space<vmem>>
        %dma_start3A_260 = tpu.memref_squeeze %dma_start3A_259 : memref<1x128xi32, #tpu.memory_space<vmem>> -> memref<128xi32, #tpu.memory_space<vmem>>
        %dma_start3A_261 = arith.constant 0 : i32
        %dma_start3A_262 = arith.constant 0 : i32
        %dma_start3A_263 = tpu.memref_slice %arg2[%dma_start3A_261, %dma_start3A_262] : memref<50000x32xf32, #tpu.memory_space<hbm>> -> memref<50000x32xf32, #tpu.memory_space<hbm>>
        tpu.enqueue_indirect_dma source(%dma_start3A_263 : memref<50000x32xf32, #tpu.memory_space<hbm>>) target(%arg17 : memref<128x32xf32, #tpu.memory_space<vmem>>) offsets(%dma_start3A_260 : memref<128xi32, #tpu.memory_space<vmem>>) semaphore(%arg28 : memref<!tpu.dma_semaphore, #tpu.memory_space<semaphore_mem>>)
      } else {
      }
      %lt3A_196 = arith.cmpi slt, %add3A_183, %add3A_7 : i32
      %convert_element_type3A_197 = arith.extui %lt3A_196 : i1 to i32
      %cond3A_198 = arith.constant 0 : i32
      %cond3A_199 = arith.cmpi ne, %convert_element_type3A_197, %cond3A_198 : i32
      scf.if %cond3A_199 {
        %dma_wait3A_220 = arith.constant 0 : i32
        %dma_wait3A_221 = arith.constant 0 : i32
        %dma_wait3A_222 = tpu.memref_slice %arg5[%dma_wait3A_220, %dma_wait3A_221] : memref<800000x32xf32, #tpu.memory_space<hbm>> -> memref<128x32xf32, #tpu.memory_space<hbm>>
        %dma_wait3A_223 = arith.constant 0 : i32
        %dma_wait3A_224 = arith.constant 0 : i32
        %dma_wait3A_225 = tpu.memref_slice %arg5[%dma_wait3A_223, %dma_wait3A_224] : memref<800000x32xf32, #tpu.memory_space<hbm>> -> memref<128x32xf32, #tpu.memory_space<hbm>>
        tpu.wait_dma2 semaphore(%arg25 : memref<!tpu.dma_semaphore, #tpu.memory_space<semaphore_mem>>) src(%dma_wait3A_225 : memref<128x32xf32, #tpu.memory_space<hbm>>) dst(%arg18 : memref<128x32xf32, #tpu.memory_space<vmem>>)
        %dma_wait3A_226 = arith.constant 0 : i32
        %dma_wait3A_227 = arith.constant 0 : i32
        %dma_wait3A_228 = tpu.memref_slice %arg8[%dma_wait3A_226, %dma_wait3A_227] : memref<1x128xi32, #tpu.memory_space<vmem>> -> memref<1x128xi32, #tpu.memory_space<vmem>>
        %dma_wait3A_229 = tpu.memref_squeeze %dma_wait3A_228 : memref<1x128xi32, #tpu.memory_space<vmem>> -> memref<128xi32, #tpu.memory_space<vmem>>
        %dma_wait3A_230 = arith.constant 0 : i32
        %dma_wait3A_231 = arith.constant 0 : i32
        %dma_wait3A_232 = tpu.memref_slice %arg2[%dma_wait3A_230, %dma_wait3A_231] : memref<50000x32xf32, #tpu.memory_space<hbm>> -> memref<50000x32xf32, #tpu.memory_space<hbm>>
        tpu.wait_indirect_dma semaphore(%arg27 : memref<!tpu.dma_semaphore, #tpu.memory_space<semaphore_mem>>) src(%dma_wait3A_232 : memref<50000x32xf32, #tpu.memory_space<hbm>>) dst(%arg16 : memref<128x32xf32, #tpu.memory_space<vmem>>)
        %scan3A_233 = arith.constant 0 : i32
        %scan3A_234 = arith.constant 0 : i32
        %scan3A_235 = arith.constant 128 : i32
        %scan3A_236 = arith.addi %scan3A_234, %scan3A_235 : i32
        %scan3A_237 = arith.constant 1 : i32
        scf.for %scan3A_246 = %scan3A_234 to %scan3A_236 step %scan3A_237  : i32 {
          %get3A = arith.index_cast %scan3A_246 : i32 to index
          %get3A_247 = arith.constant 0 : index
          %get3A_248 = tpu.vector_load %arg16[%get3A, %get3A_247] {strides = array<i32>} : memref<128x32xf32, #tpu.memory_space<vmem>>, vector<1x16xf32>,
          %get3A_249 = vector.shape_cast %get3A_248 : vector<1x16xf32> to vector<16xf32>
          %get3A_250 = arith.index_cast %scan3A_246 : i32 to index
          %get3A_251 = arith.constant 0 : index
          %get3A_252 = tpu.vector_load %arg18[%get3A_250, %get3A_251] {strides = array<i32>} : memref<128x32xf32, #tpu.memory_space<vmem>>, vector<1x16xf32>,
          %get3A_253 = vector.shape_cast %get3A_252 : vector<1x16xf32> to vector<16xf32>
          %add3A_254 = arith.addf %get3A_249, %get3A_253 : vector<16xf32>
          %max3A = arith.constant 0.000000e+00 : f32
          %max3A_255 = vector.broadcast %max3A : f32 to vector<16xf32>
          %max3A_256 = arith.maximumf %add3A_254, %max3A_255 : vector<16xf32>
          %swap3A = arith.index_cast %scan3A_246 : i32 to index
          %swap3A_257 = arith.constant 0 : index
          %swap3A_258 = tpu.vector_load %arg16[%swap3A, %swap3A_257] {strides = array<i32>} : memref<128x32xf32, #tpu.memory_space<vmem>>, vector<1x16xf32>,
          %swap3A_259 = vector.shape_cast %swap3A_258 : vector<1x16xf32> to vector<16xf32>
          %swap3A_260 = vector.shape_cast %max3A_256 : vector<16xf32> to vector<1x16xf32>
          tpu.vector_store %arg16[%swap3A, %swap3A_257], %swap3A_260 {strides = array<i32>} : memref<128x32xf32, #tpu.memory_space<vmem>>, vector<1x16xf32>,
          %get3A_261 = arith.index_cast %scan3A_246 : i32 to index
          %get3A_262 = arith.constant 16 : index
          %get3A_263 = tpu.vector_load %arg16[%get3A_261, %get3A_262] {strides = array<i32>} : memref<128x32xf32, #tpu.memory_space<vmem>>, vector<1x16xf32>,
          %get3A_264 = vector.shape_cast %get3A_263 : vector<1x16xf32> to vector<16xf32>
          %get3A_265 = arith.index_cast %scan3A_246 : i32 to index
          %get3A_266 = arith.constant 16 : index
          %get3A_267 = tpu.vector_load %arg18[%get3A_265, %get3A_266] {strides = array<i32>} : memref<128x32xf32, #tpu.memory_space<vmem>>, vector<1x16xf32>,
          %get3A_268 = vector.shape_cast %get3A_267 : vector<1x16xf32> to vector<16xf32>
          %add3A_269 = arith.addf %get3A_264, %get3A_268 : vector<16xf32>
          %max3A_270 = arith.constant 0.000000e+00 : f32
          %max3A_271 = vector.broadcast %max3A_270 : f32 to vector<16xf32>
          %max3A_272 = arith.maximumf %add3A_269, %max3A_271 : vector<16xf32>
          %swap3A_273 = arith.index_cast %scan3A_246 : i32 to index
          %swap3A_274 = arith.constant 16 : index
          %swap3A_275 = tpu.vector_load %arg16[%swap3A_273, %swap3A_274] {strides = array<i32>} : memref<128x32xf32, #tpu.memory_space<vmem>>, vector<1x16xf32>,
          %swap3A_276 = vector.shape_cast %swap3A_275 : vector<1x16xf32> to vector<16xf32>
          %swap3A_277 = vector.shape_cast %max3A_272 : vector<16xf32> to vector<1x16xf32>
          tpu.vector_store %arg16[%swap3A_273, %swap3A_274], %swap3A_277 {strides = array<i32>} : memref<128x32xf32, #tpu.memory_space<vmem>>, vector<1x16xf32>,
        }
        %scan3A_238 = arith.constant 128 : i32
        %dma_start3A_239 = arith.constant 0 : i32
        %dma_start3A_240 = arith.constant 0 : i32
        %dma_start3A_241 = tpu.memref_slice %arg14[%dma_start3A_239, %dma_start3A_240] : memref<1x128xi32, #tpu.memory_space<vmem>> -> memref<1x128xi32, #tpu.memory_space<vmem>>
        %dma_start3A_242 = tpu.memref_squeeze %dma_start3A_241 : memref<1x128xi32, #tpu.memory_space<vmem>> -> memref<128xi32, #tpu.memory_space<vmem>>
        %dma_start3A_243 = arith.constant 0 : i32
        %dma_start3A_244 = arith.constant 0 : i32
        %dma_start3A_245 = tpu.memref_slice %arg7[%dma_start3A_243, %dma_start3A_244] : memref<50000x32xf32, #tpu.memory_space<vmem_shared>> -> memref<50000x32xf32, #tpu.memory_space<vmem_shared>>
        tpu.enqueue_indirect_dma source(%arg16 : memref<128x32xf32, #tpu.memory_space<vmem>>) target(%dma_start3A_245 : memref<50000x32xf32, #tpu.memory_space<vmem_shared>>) offsets(%dma_start3A_242 : memref<128xi32, #tpu.memory_space<vmem>>) semaphore(%arg29 : memref<!tpu.dma_semaphore, #tpu.memory_space<semaphore_mem>>) {add = true}
      } else {
      }
      %mul3A_200 = arith.constant 4 : i32
      %mul3A_201 = arith.muli %scan3A_139, %mul3A_200 : i32
      %add3A_202 = arith.constant 3 : i32
      %add3A_203 = arith.addi %mul3A_201, %add3A_202 : i32
      %add3A_204 = arith.constant 2 : i32
      %add3A_205 = arith.addi %add3A_203, %add3A_204 : i32
      %lt3A_206 = arith.cmpi slt, %add3A_205, %add3A_7 : i32
      %convert_element_type3A_207 = arith.extui %lt3A_206 : i1 to i32
      %cond3A_208 = arith.constant 0 : i32
      %cond3A_209 = arith.cmpi ne, %convert_element_type3A_207, %cond3A_208 : i32
      scf.if %cond3A_209 {
        %add3A_220 = arith.constant 2 : i32
        %add3A_221 = arith.addi %add3A_203, %add3A_220 : i32
        %add3A_222 = arith.addi %add3A_4, %add3A_221 : i32
        %dma_start3A_223 = arith.constant 0 : i32
        %dma_start3A_224 = arith.constant 0 : i32
        %dma_start3A_225 = tpu.memref_slice %arg9[%dma_start3A_223, %dma_start3A_224] : memref<1x128xi32, #tpu.memory_space<vmem>> -> memref<1x128xi32, #tpu.memory_space<vmem>>
        %dma_start3A_226 = arith.constant 0 : i32
        %dma_start3A_227 = tpu.memref_slice %arg3[%add3A_222, %dma_start3A_226] : memref<6250x128xi32, #tpu.memory_space<hbm>> -> memref<1x128xi32, #tpu.memory_space<hbm>>
        %dma_start3A_228 = arith.constant 0 : i32
        %dma_start3A_229 = arith.constant 0 : i32
        %dma_start3A_230 = tpu.memref_slice %arg9[%dma_start3A_228, %dma_start3A_229] : memref<1x128xi32, #tpu.memory_space<vmem>> -> memref<1x128xi32, #tpu.memory_space<vmem>>
        %dma_start3A_231 = arith.constant 0 : i32
        %dma_start3A_232 = tpu.memref_slice %arg3[%add3A_222, %dma_start3A_231] : memref<6250x128xi32, #tpu.memory_space<hbm>> -> memref<1x128xi32, #tpu.memory_space<hbm>>
        tpu.enqueue_dma source(%dma_start3A_232 : memref<1x128xi32, #tpu.memory_space<hbm>>) target(%dma_start3A_230 : memref<1x128xi32, #tpu.memory_space<vmem>>) target_semaphore(%arg22 : memref<!tpu.dma_semaphore, #tpu.memory_space<semaphore_mem>>)
        %add3A_233 = arith.addi %add3A_4, %add3A_221 : i32
        %dma_start3A_234 = arith.constant 0 : i32
        %dma_start3A_235 = arith.constant 0 : i32
        %dma_start3A_236 = tpu.memref_slice %arg13[%dma_start3A_234, %dma_start3A_235] : memref<1x128xi32, #tpu.memory_space<vmem>> -> memref<1x128xi32, #tpu.memory_space<vmem>>
        %dma_start3A_237 = arith.constant 0 : i32
        %dma_start3A_238 = tpu.memref_slice %arg4[%add3A_233, %dma_start3A_237] : memref<6250x128xi32, #tpu.memory_space<hbm>> -> memref<1x128xi32, #tpu.memory_space<hbm>>
        %dma_start3A_239 = arith.constant 0 : i32
        %dma_start3A_240 = arith.constant 0 : i32
        %dma_start3A_241 = tpu.memref_slice %arg13[%dma_start3A_239, %dma_start3A_240] : memref<1x128xi32, #tpu.memory_space<vmem>> -> memref<1x128xi32, #tpu.memory_space<vmem>>
        %dma_start3A_242 = arith.constant 0 : i32
        %dma_start3A_243 = tpu.memref_slice %arg4[%add3A_233, %dma_start3A_242] : memref<6250x128xi32, #tpu.memory_space<hbm>> -> memref<1x128xi32, #tpu.memory_space<hbm>>
        tpu.enqueue_dma source(%dma_start3A_243 : memref<1x128xi32, #tpu.memory_space<hbm>>) target(%dma_start3A_241 : memref<1x128xi32, #tpu.memory_space<vmem>>) target_semaphore(%arg22 : memref<!tpu.dma_semaphore, #tpu.memory_space<semaphore_mem>>)
      } else {
      }
      %add3A_210 = arith.constant 1 : i32
      %add3A_211 = arith.addi %add3A_203, %add3A_210 : i32
      %lt3A_212 = arith.cmpi slt, %add3A_211, %add3A_7 : i32
      %convert_element_type3A_213 = arith.extui %lt3A_212 : i1 to i32
      %cond3A_214 = arith.constant 0 : i32
      %cond3A_215 = arith.cmpi ne, %convert_element_type3A_213, %cond3A_214 : i32
      scf.if %cond3A_215 {
        %ge3A = arith.constant 1 : i32
        %ge3A_220 = arith.cmpi sge, %add3A_203, %ge3A : i32
        %convert_element_type3A_221 = arith.extui %ge3A_220 : i1 to i32
        %cond3A_222 = arith.constant 0 : i32
        %cond3A_223 = arith.cmpi ne, %convert_element_type3A_221, %cond3A_222 : i32
        scf.if %cond3A_223 {
          %dma_wait3A_264 = arith.constant 0 : i32
          %dma_wait3A_265 = arith.constant 0 : i32
          %dma_wait3A_266 = tpu.memref_slice %arg12[%dma_wait3A_264, %dma_wait3A_265] : memref<1x128xi32, #tpu.memory_space<vmem>> -> memref<1x128xi32, #tpu.memory_space<vmem>>
          %dma_wait3A_267 = tpu.memref_squeeze %dma_wait3A_266 : memref<1x128xi32, #tpu.memory_space<vmem>> -> memref<128xi32, #tpu.memory_space<vmem>>
          %dma_wait3A_268 = arith.constant 0 : i32
          %dma_wait3A_269 = arith.constant 0 : i32
          %dma_wait3A_270 = tpu.memref_slice %arg7[%dma_wait3A_268, %dma_wait3A_269] : memref<50000x32xf32, #tpu.memory_space<vmem_shared>> -> memref<50000x32xf32, #tpu.memory_space<vmem_shared>>
          tpu.wait_indirect_dma semaphore(%arg29 : memref<!tpu.dma_semaphore, #tpu.memory_space<semaphore_mem>>) src(%arg16 : memref<128x32xf32, #tpu.memory_space<vmem>>) dst(%dma_wait3A_270 : memref<50000x32xf32, #tpu.memory_space<vmem_shared>>)
        } else {
        }
        %dma_wait3A_224 = arith.constant 0 : i32
        %dma_wait3A_225 = arith.constant 0 : i32
        %dma_wait3A_226 = tpu.memref_slice %arg8[%dma_wait3A_224, %dma_wait3A_225] : memref<1x128xi32, #tpu.memory_space<vmem>> -> memref<1x128xi32, #tpu.memory_space<vmem>>
        %dma_wait3A_227 = arith.constant 0 : i32
        %dma_wait3A_228 = arith.constant 0 : i32
        %dma_wait3A_229 = tpu.memref_slice %arg3[%dma_wait3A_227, %dma_wait3A_228] : memref<6250x128xi32, #tpu.memory_space<hbm>> -> memref<1x128xi32, #tpu.memory_space<hbm>>
        %dma_wait3A_230 = arith.constant 0 : i32
        %dma_wait3A_231 = arith.constant 0 : i32
        %dma_wait3A_232 = tpu.memref_slice %arg8[%dma_wait3A_230, %dma_wait3A_231] : memref<1x128xi32, #tpu.memory_space<vmem>> -> memref<1x128xi32, #tpu.memory_space<vmem>>
        %dma_wait3A_233 = arith.constant 0 : i32
        %dma_wait3A_234 = arith.constant 0 : i32
        %dma_wait3A_235 = tpu.memref_slice %arg3[%dma_wait3A_233, %dma_wait3A_234] : memref<6250x128xi32, #tpu.memory_space<hbm>> -> memref<1x128xi32, #tpu.memory_space<hbm>>
        tpu.wait_dma2 semaphore(%arg21 : memref<!tpu.dma_semaphore, #tpu.memory_space<semaphore_mem>>) src(%dma_wait3A_235 : memref<1x128xi32, #tpu.memory_space<hbm>>) dst(%dma_wait3A_232 : memref<1x128xi32, #tpu.memory_space<vmem>>)
        %dma_wait3A_236 = arith.constant 0 : i32
        %dma_wait3A_237 = arith.constant 0 : i32
        %dma_wait3A_238 = tpu.memref_slice %arg12[%dma_wait3A_236, %dma_wait3A_237] : memref<1x128xi32, #tpu.memory_space<vmem>> -> memref<1x128xi32, #tpu.memory_space<vmem>>
        %dma_wait3A_239 = arith.constant 0 : i32
        %dma_wait3A_240 = arith.constant 0 : i32
        %dma_wait3A_241 = tpu.memref_slice %arg4[%dma_wait3A_239, %dma_wait3A_240] : memref<6250x128xi32, #tpu.memory_space<hbm>> -> memref<1x128xi32, #tpu.memory_space<hbm>>
        %dma_wait3A_242 = arith.constant 0 : i32
        %dma_wait3A_243 = arith.constant 0 : i32
        %dma_wait3A_244 = tpu.memref_slice %arg12[%dma_wait3A_242, %dma_wait3A_243] : memref<1x128xi32, #tpu.memory_space<vmem>> -> memref<1x128xi32, #tpu.memory_space<vmem>>
        %dma_wait3A_245 = arith.constant 0 : i32
        %dma_wait3A_246 = arith.constant 0 : i32
        %dma_wait3A_247 = tpu.memref_slice %arg4[%dma_wait3A_245, %dma_wait3A_246] : memref<6250x128xi32, #tpu.memory_space<hbm>> -> memref<1x128xi32, #tpu.memory_space<hbm>>
        tpu.wait_dma2 semaphore(%arg21 : memref<!tpu.dma_semaphore, #tpu.memory_space<semaphore_mem>>) src(%dma_wait3A_247 : memref<1x128xi32, #tpu.memory_space<hbm>>) dst(%dma_wait3A_244 : memref<1x128xi32, #tpu.memory_space<vmem>>)
        %add3A_248 = arith.constant 1 : i32
        %add3A_249 = arith.addi %add3A_203, %add3A_248 : i32
        %add3A_250 = arith.addi %add3A_4, %add3A_249 : i32
        %mul3A_251 = arith.constant 128 : i32
        %mul3A_252 = arith.muli %add3A_250, %mul3A_251 : i32
        %dma_start3A_253 = arith.constant 0 : i32
        %dma_start3A_254 = tpu.memref_slice %arg5[%mul3A_252, %dma_start3A_253] : memref<800000x32xf32, #tpu.memory_space<hbm>> -> memref<128x32xf32, #tpu.memory_space<hbm>>
        %dma_start3A_255 = arith.constant 0 : i32
        %dma_start3A_256 = tpu.memref_slice %arg5[%mul3A_252, %dma_start3A_255] : memref<800000x32xf32, #tpu.memory_space<hbm>> -> memref<128x32xf32, #tpu.memory_space<hbm>>
        tpu.enqueue_dma source(%dma_start3A_256 : memref<128x32xf32, #tpu.memory_space<hbm>>) target(%arg18 : memref<128x32xf32, #tpu.memory_space<vmem>>) target_semaphore(%arg25 : memref<!tpu.dma_semaphore, #tpu.memory_space<semaphore_mem>>)
        %dma_start3A_257 = arith.constant 0 : i32
        %dma_start3A_258 = arith.constant 0 : i32
        %dma_start3A_259 = tpu.memref_slice %arg8[%dma_start3A_257, %dma_start3A_258] : memref<1x128xi32, #tpu.memory_space<vmem>> -> memref<1x128xi32, #tpu.memory_space<vmem>>
        %dma_start3A_260 = tpu.memref_squeeze %dma_start3A_259 : memref<1x128xi32, #tpu.memory_space<vmem>> -> memref<128xi32, #tpu.memory_space<vmem>>
        %dma_start3A_261 = arith.constant 0 : i32
        %dma_start3A_262 = arith.constant 0 : i32
        %dma_start3A_263 = tpu.memref_slice %arg2[%dma_start3A_261, %dma_start3A_262] : memref<50000x32xf32, #tpu.memory_space<hbm>> -> memref<50000x32xf32, #tpu.memory_space<hbm>>
        tpu.enqueue_indirect_dma source(%dma_start3A_263 : memref<50000x32xf32, #tpu.memory_space<hbm>>) target(%arg16 : memref<128x32xf32, #tpu.memory_space<vmem>>) offsets(%dma_start3A_260 : memref<128xi32, #tpu.memory_space<vmem>>) semaphore(%arg27 : memref<!tpu.dma_semaphore, #tpu.memory_space<semaphore_mem>>)
      } else {
      }
      %lt3A_216 = arith.cmpi slt, %add3A_203, %add3A_7 : i32
      %convert_element_type3A_217 = arith.extui %lt3A_216 : i1 to i32
      %cond3A_218 = arith.constant 0 : i32
      %cond3A_219 = arith.cmpi ne, %convert_element_type3A_217, %cond3A_218 : i32
      scf.if %cond3A_219 {
        %dma_wait3A_220 = arith.constant 0 : i32
        %dma_wait3A_221 = arith.constant 0 : i32
        %dma_wait3A_222 = tpu.memref_slice %arg5[%dma_wait3A_220, %dma_wait3A_221] : memref<800000x32xf32, #tpu.memory_space<hbm>> -> memref<128x32xf32, #tpu.memory_space<hbm>>
        %dma_wait3A_223 = arith.constant 0 : i32
        %dma_wait3A_224 = arith.constant 0 : i32
        %dma_wait3A_225 = tpu.memref_slice %arg5[%dma_wait3A_223, %dma_wait3A_224] : memref<800000x32xf32, #tpu.memory_space<hbm>> -> memref<128x32xf32, #tpu.memory_space<hbm>>
        tpu.wait_dma2 semaphore(%arg26 : memref<!tpu.dma_semaphore, #tpu.memory_space<semaphore_mem>>) src(%dma_wait3A_225 : memref<128x32xf32, #tpu.memory_space<hbm>>) dst(%arg19 : memref<128x32xf32, #tpu.memory_space<vmem>>)
        %dma_wait3A_226 = arith.constant 0 : i32
        %dma_wait3A_227 = arith.constant 0 : i32
        %dma_wait3A_228 = tpu.memref_slice %arg8[%dma_wait3A_226, %dma_wait3A_227] : memref<1x128xi32, #tpu.memory_space<vmem>> -> memref<1x128xi32, #tpu.memory_space<vmem>>
        %dma_wait3A_229 = tpu.memref_squeeze %dma_wait3A_228 : memref<1x128xi32, #tpu.memory_space<vmem>> -> memref<128xi32, #tpu.memory_space<vmem>>
        %dma_wait3A_230 = arith.constant 0 : i32
        %dma_wait3A_231 = arith.constant 0 : i32
        %dma_wait3A_232 = tpu.memref_slice %arg2[%dma_wait3A_230, %dma_wait3A_231] : memref<50000x32xf32, #tpu.memory_space<hbm>> -> memref<50000x32xf32, #tpu.memory_space<hbm>>
        tpu.wait_indirect_dma semaphore(%arg28 : memref<!tpu.dma_semaphore, #tpu.memory_space<semaphore_mem>>) src(%dma_wait3A_232 : memref<50000x32xf32, #tpu.memory_space<hbm>>) dst(%arg17 : memref<128x32xf32, #tpu.memory_space<vmem>>)
        %scan3A_233 = arith.constant 0 : i32
        %scan3A_234 = arith.constant 0 : i32
        %scan3A_235 = arith.constant 128 : i32
        %scan3A_236 = arith.addi %scan3A_234, %scan3A_235 : i32
        %scan3A_237 = arith.constant 1 : i32
        scf.for %scan3A_246 = %scan3A_234 to %scan3A_236 step %scan3A_237  : i32 {
          %get3A = arith.index_cast %scan3A_246 : i32 to index
          %get3A_247 = arith.constant 0 : index
          %get3A_248 = tpu.vector_load %arg17[%get3A, %get3A_247] {strides = array<i32>} : memref<128x32xf32, #tpu.memory_space<vmem>>, vector<1x16xf32>,
          %get3A_249 = vector.shape_cast %get3A_248 : vector<1x16xf32> to vector<16xf32>
          %get3A_250 = arith.index_cast %scan3A_246 : i32 to index
          %get3A_251 = arith.constant 0 : index
          %get3A_252 = tpu.vector_load %arg19[%get3A_250, %get3A_251] {strides = array<i32>} : memref<128x32xf32, #tpu.memory_space<vmem>>, vector<1x16xf32>,
          %get3A_253 = vector.shape_cast %get3A_252 : vector<1x16xf32> to vector<16xf32>
          %add3A_254 = arith.addf %get3A_249, %get3A_253 : vector<16xf32>
          %max3A = arith.constant 0.000000e+00 : f32
          %max3A_255 = vector.broadcast %max3A : f32 to vector<16xf32>
          %max3A_256 = arith.maximumf %add3A_254, %max3A_255 : vector<16xf32>
          %swap3A = arith.index_cast %scan3A_246 : i32 to index
          %swap3A_257 = arith.constant 0 : index
          %swap3A_258 = tpu.vector_load %arg17[%swap3A, %swap3A_257] {strides = array<i32>} : memref<128x32xf32, #tpu.memory_space<vmem>>, vector<1x16xf32>,
          %swap3A_259 = vector.shape_cast %swap3A_258 : vector<1x16xf32> to vector<16xf32>
          %swap3A_260 = vector.shape_cast %max3A_256 : vector<16xf32> to vector<1x16xf32>
          tpu.vector_store %arg17[%swap3A, %swap3A_257], %swap3A_260 {strides = array<i32>} : memref<128x32xf32, #tpu.memory_space<vmem>>, vector<1x16xf32>,
          %get3A_261 = arith.index_cast %scan3A_246 : i32 to index
          %get3A_262 = arith.constant 16 : index
          %get3A_263 = tpu.vector_load %arg17[%get3A_261, %get3A_262] {strides = array<i32>} : memref<128x32xf32, #tpu.memory_space<vmem>>, vector<1x16xf32>,
          %get3A_264 = vector.shape_cast %get3A_263 : vector<1x16xf32> to vector<16xf32>
          %get3A_265 = arith.index_cast %scan3A_246 : i32 to index
          %get3A_266 = arith.constant 16 : index
          %get3A_267 = tpu.vector_load %arg19[%get3A_265, %get3A_266] {strides = array<i32>} : memref<128x32xf32, #tpu.memory_space<vmem>>, vector<1x16xf32>,
          %get3A_268 = vector.shape_cast %get3A_267 : vector<1x16xf32> to vector<16xf32>
          %add3A_269 = arith.addf %get3A_264, %get3A_268 : vector<16xf32>
          %max3A_270 = arith.constant 0.000000e+00 : f32
          %max3A_271 = vector.broadcast %max3A_270 : f32 to vector<16xf32>
          %max3A_272 = arith.maximumf %add3A_269, %max3A_271 : vector<16xf32>
          %swap3A_273 = arith.index_cast %scan3A_246 : i32 to index
          %swap3A_274 = arith.constant 16 : index
          %swap3A_275 = tpu.vector_load %arg17[%swap3A_273, %swap3A_274] {strides = array<i32>} : memref<128x32xf32, #tpu.memory_space<vmem>>, vector<1x16xf32>,
          %swap3A_276 = vector.shape_cast %swap3A_275 : vector<1x16xf32> to vector<16xf32>
          %swap3A_277 = vector.shape_cast %max3A_272 : vector<16xf32> to vector<1x16xf32>
          tpu.vector_store %arg17[%swap3A_273, %swap3A_274], %swap3A_277 {strides = array<i32>} : memref<128x32xf32, #tpu.memory_space<vmem>>, vector<1x16xf32>,
        }
        %scan3A_238 = arith.constant 128 : i32
        %dma_start3A_239 = arith.constant 0 : i32
        %dma_start3A_240 = arith.constant 0 : i32
        %dma_start3A_241 = tpu.memref_slice %arg15[%dma_start3A_239, %dma_start3A_240] : memref<1x128xi32, #tpu.memory_space<vmem>> -> memref<1x128xi32, #tpu.memory_space<vmem>>
        %dma_start3A_242 = tpu.memref_squeeze %dma_start3A_241 : memref<1x128xi32, #tpu.memory_space<vmem>> -> memref<128xi32, #tpu.memory_space<vmem>>
        %dma_start3A_243 = arith.constant 0 : i32
        %dma_start3A_244 = arith.constant 0 : i32
        %dma_start3A_245 = tpu.memref_slice %arg7[%dma_start3A_243, %dma_start3A_244] : memref<50000x32xf32, #tpu.memory_space<vmem_shared>> -> memref<50000x32xf32, #tpu.memory_space<vmem_shared>>
        tpu.enqueue_indirect_dma source(%arg17 : memref<128x32xf32, #tpu.memory_space<vmem>>) target(%dma_start3A_245 : memref<50000x32xf32, #tpu.memory_space<vmem_shared>>) offsets(%dma_start3A_242 : memref<128xi32, #tpu.memory_space<vmem>>) semaphore(%arg30 : memref<!tpu.dma_semaphore, #tpu.memory_space<semaphore_mem>>) {add = true}
      } else {
      }
    }
    %scan3A_112 = arith.constant 49 : i32
    %dma_wait3A_113 = arith.constant 0 : i32
    %dma_wait3A_114 = arith.constant 0 : i32
    %dma_wait3A_115 = tpu.memref_slice %arg12[%dma_wait3A_113, %dma_wait3A_114] : memref<1x128xi32, #tpu.memory_space<vmem>> -> memref<1x128xi32, #tpu.memory_space<vmem>>
    %dma_wait3A_116 = tpu.memref_squeeze %dma_wait3A_115 : memref<1x128xi32, #tpu.memory_space<vmem>> -> memref<128xi32, #tpu.memory_space<vmem>>
    %dma_wait3A_117 = arith.constant 0 : i32
    %dma_wait3A_118 = arith.constant 0 : i32
    %dma_wait3A_119 = tpu.memref_slice %arg7[%dma_wait3A_117, %dma_wait3A_118] : memref<50000x32xf32, #tpu.memory_space<vmem_shared>> -> memref<50000x32xf32, #tpu.memory_space<vmem_shared>>
    tpu.wait_indirect_dma semaphore(%arg29 : memref<!tpu.dma_semaphore, #tpu.memory_space<semaphore_mem>>) src(%arg16 : memref<128x32xf32, #tpu.memory_space<vmem>>) dst(%dma_wait3A_119 : memref<50000x32xf32, #tpu.memory_space<vmem_shared>>)
    %dma_wait3A_120 = arith.constant 0 : i32
    %dma_wait3A_121 = arith.constant 0 : i32
    %dma_wait3A_122 = tpu.memref_slice %arg12[%dma_wait3A_120, %dma_wait3A_121] : memref<1x128xi32, #tpu.memory_space<vmem>> -> memref<1x128xi32, #tpu.memory_space<vmem>>
    %dma_wait3A_123 = tpu.memref_squeeze %dma_wait3A_122 : memref<1x128xi32, #tpu.memory_space<vmem>> -> memref<128xi32, #tpu.memory_space<vmem>>
    %dma_wait3A_124 = arith.constant 0 : i32
    %dma_wait3A_125 = arith.constant 0 : i32
    %dma_wait3A_126 = tpu.memref_slice %arg7[%dma_wait3A_124, %dma_wait3A_125] : memref<50000x32xf32, #tpu.memory_space<vmem_shared>> -> memref<50000x32xf32, #tpu.memory_space<vmem_shared>>
    tpu.wait_indirect_dma semaphore(%arg30 : memref<!tpu.dma_semaphore, #tpu.memory_space<semaphore_mem>>) src(%arg17 : memref<128x32xf32, #tpu.memory_space<vmem>>) dst(%dma_wait3A_126 : memref<50000x32xf32, #tpu.memory_space<vmem_shared>>)
    %barrier3A_127 = arith.constant 0 : index
    tpu.barrier barrier_id(%barrier3A_127)
    %scan3A_128 = arith.constant 0 : i32
    %scan3A_129 = arith.constant 0 : i32
    %scan3A_130 = arith.constant 25 : i32
    %scan3A_131 = arith.addi %scan3A_129, %scan3A_130 : i32
    %scan3A_132 = arith.constant 1 : i32
    scf.for %scan3A_139 = %scan3A_129 to %scan3A_131 step %scan3A_132  : i32 {
      %mul3A_140 = arith.constant 16 : i32
      %mul3A_141 = arith.muli %scan3A_139, %mul3A_140 : i32
      %add3A_142 = arith.addi %arg1, %mul3A_141 : i32
      %lt3A_143 = arith.constant 390 : i32
      %lt3A_144 = arith.cmpi slt, %add3A_142, %lt3A_143 : i32
      %convert_element_type3A_145 = arith.extui %lt3A_144 : i1 to i32
      %cond3A_146 = arith.constant 0 : i32
      %cond3A_147 = arith.cmpi ne, %convert_element_type3A_145, %cond3A_146 : i32
      scf.if %cond3A_147 {
        %mul3A_148 = arith.constant 128 : i32
        %mul3A_149 = arith.muli %add3A_142, %mul3A_148 : i32
        %mul3A_150 = arith.constant 128 : i32
        %mul3A_151 = arith.muli %add3A_142, %mul3A_150 : i32
        "tpu.region"() ({
          %run_scoped3A = tpu.sem_alloc : memref<!tpu.dma_semaphore, #tpu.memory_space<semaphore_mem>>
          %dma_start3A_152 = arith.constant 0 : i32
          %dma_start3A_153 = tpu.memref_slice %arg6[%arg0, %mul3A_151, %dma_start3A_152] : memref<2x50000x32xf32, #tpu.memory_space<hbm>> -> memref<1x128x32xf32, #tpu.memory_space<hbm>>
          %dma_start3A_154 = tpu.memref_squeeze %dma_start3A_153 : memref<1x128x32xf32, #tpu.memory_space<hbm>> -> memref<128x32xf32, #tpu.memory_space<hbm>>
          %dma_start3A_155 = arith.constant 0 : i32
          %dma_start3A_156 = tpu.memref_slice %arg7[%mul3A_149, %dma_start3A_155] : memref<50000x32xf32, #tpu.memory_space<vmem_shared>> -> memref<128x32xf32, #tpu.memory_space<vmem_shared>>
          tpu.enqueue_dma source(%dma_start3A_156 : memref<128x32xf32, #tpu.memory_space<vmem_shared>>) target(%dma_start3A_154 : memref<128x32xf32, #tpu.memory_space<hbm>>) target_semaphore(%run_scoped3A : memref<!tpu.dma_semaphore, #tpu.memory_space<semaphore_mem>>)
          %dma_wait3A_157 = arith.constant 0 : i32
          %dma_wait3A_158 = tpu.memref_slice %arg6[%arg0, %mul3A_151, %dma_wait3A_157] : memref<2x50000x32xf32, #tpu.memory_space<hbm>> -> memref<1x128x32xf32, #tpu.memory_space<hbm>>
          %dma_wait3A_159 = tpu.memref_squeeze %dma_wait3A_158 : memref<1x128x32xf32, #tpu.memory_space<hbm>> -> memref<128x32xf32, #tpu.memory_space<hbm>>
          %dma_wait3A_160 = arith.constant 0 : i32
          %dma_wait3A_161 = tpu.memref_slice %arg7[%mul3A_149, %dma_wait3A_160] : memref<50000x32xf32, #tpu.memory_space<vmem_shared>> -> memref<128x32xf32, #tpu.memory_space<vmem_shared>>
          tpu.wait_dma2 semaphore(%run_scoped3A : memref<!tpu.dma_semaphore, #tpu.memory_space<semaphore_mem>>) src(%dma_wait3A_161 : memref<128x32xf32, #tpu.memory_space<vmem_shared>>) dst(%dma_wait3A_159 : memref<128x32xf32, #tpu.memory_space<hbm>>)
          tpu.yield
        }) : () -> ()
      } else {
      }
    }
    %scan3A_133 = arith.constant 25 : i32
    %eq3A_134 = arith.constant 0 : i32
    %eq3A_135 = arith.cmpi eq, %arg1, %eq3A_134 : i32
    %convert_element_type3A_136 = arith.extui %eq3A_135 : i1 to i32
    %cond3A_137 = arith.constant 0 : i32
    %cond3A_138 = arith.cmpi ne, %convert_element_type3A_136, %cond3A_137 : i32
    scf.if %cond3A_138 {
      "tpu.region"() ({
        %run_scoped3A = tpu.sem_alloc : memref<!tpu.dma_semaphore, #tpu.memory_space<semaphore_mem>>
        %dma_start3A_139 = arith.constant 49920 : i32
        %dma_start3A_140 = arith.constant 0 : i32
        %dma_start3A_141 = tpu.memref_slice %arg6[%arg0, %dma_start3A_139, %dma_start3A_140] : memref<2x50000x32xf32, #tpu.memory_space<hbm>> -> memref<1x80x32xf32, #tpu.memory_space<hbm>>
        %dma_start3A_142 = tpu.memref_squeeze %dma_start3A_141 : memref<1x80x32xf32, #tpu.memory_space<hbm>> -> memref<80x32xf32, #tpu.memory_space<hbm>>
        %dma_start3A_143 = arith.constant 49920 : i32
        %dma_start3A_144 = arith.constant 0 : i32
        %dma_start3A_145 = tpu.memref_slice %arg7[%dma_start3A_143, %dma_start3A_144] : memref<50000x32xf32, #tpu.memory_space<vmem_shared>> -> memref<80x32xf32, #tpu.memory_space<vmem_shared>>
        tpu.enqueue_dma source(%dma_start3A_145 : memref<80x32xf32, #tpu.memory_space<vmem_shared>>) target(%dma_start3A_142 : memref<80x32xf32, #tpu.memory_space<hbm>>) target_semaphore(%run_scoped3A : memref<!tpu.dma_semaphore, #tpu.memory_space<semaphore_mem>>)
        %dma_wait3A_146 = arith.constant 49920 : i32
        %dma_wait3A_147 = arith.constant 0 : i32
        %dma_wait3A_148 = tpu.memref_slice %arg6[%arg0, %dma_wait3A_146, %dma_wait3A_147] : memref<2x50000x32xf32, #tpu.memory_space<hbm>> -> memref<1x80x32xf32, #tpu.memory_space<hbm>>
        %dma_wait3A_149 = tpu.memref_squeeze %dma_wait3A_148 : memref<1x80x32xf32, #tpu.memory_space<hbm>> -> memref<80x32xf32, #tpu.memory_space<hbm>>
        %dma_wait3A_150 = arith.constant 49920 : i32
        %dma_wait3A_151 = arith.constant 0 : i32
        %dma_wait3A_152 = tpu.memref_slice %arg7[%dma_wait3A_150, %dma_wait3A_151] : memref<50000x32xf32, #tpu.memory_space<vmem_shared>> -> memref<80x32xf32, #tpu.memory_space<vmem_shared>>
        tpu.wait_dma2 semaphore(%run_scoped3A : memref<!tpu.dma_semaphore, #tpu.memory_space<semaphore_mem>>) src(%dma_wait3A_152 : memref<80x32xf32, #tpu.memory_space<vmem_shared>>) dst(%dma_wait3A_149 : memref<80x32xf32, #tpu.memory_space<hbm>>)
        tpu.yield
      }) : () -> ()
    } else {
    }
    return
  }
}

#map = affine_map<(d0, d1) -> (0, 0)>
#map1 = affine_map<(d0, d1) -> (0, 0, 0)>
module attributes {stable_mosaic.version = 14 : i64} {
  func.func @_sc_edge_body(%arg0: i32, %arg1: i32, %arg2: memref<50000x32xf32, #tpu.memory_space<hbm>>, %arg3: memref<6250x128xi32, #tpu.memory_space<hbm>>, %arg4: memref<6250x128xi32, #tpu.memory_space<hbm>>, %arg5: memref<800000x32xf32, #tpu.memory_space<hbm>>, %arg6: memref<2x50000x32xf32, #tpu.memory_space<hbm>>, %arg7: memref<50000x32xf32, #tpu.memory_space<vmem_shared>>, %arg8: memref<1x128xi32, #tpu.memory_space<vmem>>, %arg9: memref<1x128xi32, #tpu.memory_space<vmem>>, %arg10: memref<1x128xi32, #tpu.memory_space<vmem>>, %arg11: memref<1x128xi32, #tpu.memory_space<vmem>>, %arg12: memref<1x128xi32, #tpu.memory_space<vmem>>, %arg13: memref<1x128xi32, #tpu.memory_space<vmem>>, %arg14: memref<1x128xi32, #tpu.memory_space<vmem>>, %arg15: memref<1x128xi32, #tpu.memory_space<vmem>>, %arg16: memref<128x32xf32, #tpu.memory_space<vmem>>, %arg17: memref<128x32xf32, #tpu.memory_space<vmem>>, %arg18: memref<128x32xf32, #tpu.memory_space<vmem>>, %arg19: memref<128x32xf32, #tpu.memory_space<vmem>>, %arg20: memref<128x32xf32, #tpu.memory_space<vmem>>, %arg21: memref<!tpu.dma_semaphore, #tpu.memory_space<semaphore_mem>>, %arg22: memref<!tpu.dma_semaphore, #tpu.memory_space<semaphore_mem>>, %arg23: memref<!tpu.dma_semaphore, #tpu.memory_space<semaphore_mem>>, %arg24: memref<!tpu.dma_semaphore, #tpu.memory_space<semaphore_mem>>, %arg25: memref<!tpu.dma_semaphore, #tpu.memory_space<semaphore_mem>>, %arg26: memref<!tpu.dma_semaphore, #tpu.memory_space<semaphore_mem>>, %arg27: memref<!tpu.dma_semaphore, #tpu.memory_space<semaphore_mem>>, %arg28: memref<!tpu.dma_semaphore, #tpu.memory_space<semaphore_mem>>, %arg29: memref<!tpu.dma_semaphore, #tpu.memory_space<semaphore_mem>>, %arg30: memref<!tpu.dma_semaphore, #tpu.memory_space<semaphore_mem>>) attributes {dimension_semantics = [#tpu.dimension_semantics<core_parallel>, #tpu.dimension_semantics<subcore_parallel>], iteration_bounds = array<i64: 2, 16>, scalar_prefetch = 0 : i64, scratch_operands = 24 : i64, tpu.core_type = #tpu.core_type<sc_vector_subcore>, window_params = [{transform_indices = #map}, {transform_indices = #map}, {transform_indices = #map}, {transform_indices = #map}, {transform_indices = #map1}]} {
    %mul3A = arith.constant 16 : i32
    %mul3A_0 = arith.muli %arg0, %mul3A : i32
    %add3A = arith.addi %mul3A_0, %arg1 : i32
    %mul3A_1 = arith.constant 195 : i32
    %mul3A_2 = arith.muli %mul3A_1, %add3A : i32
    %min3A = arith.constant 10 : i32
    %min3A_3 = arith.minsi %add3A, %min3A : i32
    %add3A_4 = arith.addi %mul3A_2, %min3A_3 : i32
    %lt3A = arith.constant 10 : i32
    %lt3A_5 = arith.cmpi slt, %add3A, %lt3A : i32
    %convert_element_type3A = arith.extui %lt3A_5 : i1 to i32
    %add3A_6 = arith.constant 195 : i32
    %add3A_7 = arith.addi %add3A_6, %convert_element_type3A : i32
    %scan3A = arith.constant 0 : i32
    %scan3A_8 = arith.constant 0 : i32
    %scan3A_9 = arith.constant 128 : i32
    %scan3A_10 = arith.addi %scan3A_8, %scan3A_9 : i32
    %scan3A_11 = arith.constant 1 : i32
    scf.for %scan3A_139 = %scan3A_8 to %scan3A_10 step %scan3A_11  : i32 {
      %broadcast_in_dim3A = arith.constant 0.000000e+00 : f32
      %broadcast_in_dim3A_140 = vector.broadcast %broadcast_in_dim3A : f32 to vector<16xf32>
      %swap3A = arith.index_cast %scan3A_139 : i32 to index
      %swap3A_141 = arith.constant 0 : index
      %swap3A_142 = tpu.vector_load %arg20[%swap3A, %swap3A_141] {strides = array<i32>} : memref<128x32xf32, #tpu.memory_space<vmem>>, vector<1x16xf32>,
      %swap3A_143 = vector.shape_cast %swap3A_142 : vector<1x16xf32> to vector<16xf32>
      %swap3A_144 = vector.shape_cast %broadcast_in_dim3A_140 : vector<16xf32> to vector<1x16xf32>
      tpu.vector_store %arg20[%swap3A, %swap3A_141], %swap3A_144 {strides = array<i32>} : memref<128x32xf32, #tpu.memory_space<vmem>>, vector<1x16xf32>,
      %broadcast_in_dim3A_145 = arith.constant 0.000000e+00 : f32
      %broadcast_in_dim3A_146 = vector.broadcast %broadcast_in_dim3A_145 : f32 to vector<16xf32>
      %swap3A_147 = arith.index_cast %scan3A_139 : i32 to index
      %swap3A_148 = arith.constant 16 : index
      %swap3A_149 = tpu.vector_load %arg20[%swap3A_147, %swap3A_148] {strides = array<i32>} : memref<128x32xf32, #tpu.memory_space<vmem>>, vector<1x16xf32>,
      %swap3A_150 = vector.shape_cast %swap3A_149 : vector<1x16xf32> to vector<16xf32>
      %swap3A_151 = vector.shape_cast %broadcast_in_dim3A_146 : vector<16xf32> to vector<1x16xf32>
      tpu.vector_store %arg20[%swap3A_147, %swap3A_148], %swap3A_151 {strides = array<i32>} : memref<128x32xf32, #tpu.memory_space<vmem>>, vector<1x16xf32>,
    }
    %scan3A_12 = arith.constant 128 : i32
    %scan3A_13 = arith.constant 0 : i32
    %scan3A_14 = arith.constant 0 : i32
    %scan3A_15 = arith.constant 25 : i32
    %scan3A_16 = arith.addi %scan3A_14, %scan3A_15 : i32
    %scan3A_17 = arith.constant 1 : i32
    scf.for %scan3A_139 = %scan3A_14 to %scan3A_16 step %scan3A_17  : i32 {
      %mul3A_140 = arith.constant 16 : i32
      %mul3A_141 = arith.muli %scan3A_139, %mul3A_140 : i32
      %add3A_142 = arith.addi %arg1, %mul3A_141 : i32
      %lt3A_143 = arith.constant 390 : i32
      %lt3A_144 = arith.cmpi slt, %add3A_142, %lt3A_143 : i32
      %convert_element_type3A_145 = arith.extui %lt3A_144 : i1 to i32
      %cond3A_146 = arith.constant 0 : i32
      %cond3A_147 = arith.cmpi ne, %convert_element_type3A_145, %cond3A_146 : i32
      scf.if %cond3A_147 {
        %mul3A_148 = arith.constant 128 : i32
        %mul3A_149 = arith.muli %add3A_142, %mul3A_148 : i32
        "tpu.region"() ({
          %run_scoped3A = tpu.sem_alloc : memref<!tpu.dma_semaphore, #tpu.memory_space<semaphore_mem>>
          %dma_start3A_150 = arith.constant 0 : i32
          %dma_start3A_151 = tpu.memref_slice %arg7[%mul3A_149, %dma_start3A_150] : memref<50000x32xf32, #tpu.memory_space<vmem_shared>> -> memref<128x32xf32, #tpu.memory_space<vmem_shared>>
          %dma_start3A_152 = arith.constant 0 : i32
          %dma_start3A_153 = tpu.memref_slice %arg7[%mul3A_149, %dma_start3A_152] : memref<50000x32xf32, #tpu.memory_space<vmem_shared>> -> memref<128x32xf32, #tpu.memory_space<vmem_shared>>
          tpu.enqueue_dma source(%arg20 : memref<128x32xf32, #tpu.memory_space<vmem>>) target(%dma_start3A_153 : memref<128x32xf32, #tpu.memory_space<vmem_shared>>) target_semaphore(%run_scoped3A : memref<!tpu.dma_semaphore, #tpu.memory_space<semaphore_mem>>)
          %dma_wait3A_154 = arith.constant 0 : i32
          %dma_wait3A_155 = tpu.memref_slice %arg7[%mul3A_149, %dma_wait3A_154] : memref<50000x32xf32, #tpu.memory_space<vmem_shared>> -> memref<128x32xf32, #tpu.memory_space<vmem_shared>>
          %dma_wait3A_156 = arith.constant 0 : i32
          %dma_wait3A_157 = tpu.memref_slice %arg7[%mul3A_149, %dma_wait3A_156] : memref<50000x32xf32, #tpu.memory_space<vmem_shared>> -> memref<128x32xf32, #tpu.memory_space<vmem_shared>>
          tpu.wait_dma2 semaphore(%run_scoped3A : memref<!tpu.dma_semaphore, #tpu.memory_space<semaphore_mem>>) src(%arg20 : memref<128x32xf32, #tpu.memory_space<vmem>>) dst(%dma_wait3A_157 : memref<128x32xf32, #tpu.memory_space<vmem_shared>>)
          tpu.yield
        }) : () -> ()
      } else {
      }
    }
    %scan3A_18 = arith.constant 25 : i32
    %eq3A = arith.constant 0 : i32
    %eq3A_19 = arith.cmpi eq, %arg1, %eq3A : i32
    %convert_element_type3A_20 = arith.extui %eq3A_19 : i1 to i32
    %cond3A = arith.constant 0 : i32
    %cond3A_21 = arith.cmpi ne, %convert_element_type3A_20, %cond3A : i32
    scf.if %cond3A_21 {
      "tpu.region"() ({
        %run_scoped3A = tpu.sem_alloc : memref<!tpu.dma_semaphore, #tpu.memory_space<semaphore_mem>>
        %dma_start3A_139 = arith.constant 0 : i32
        %dma_start3A_140 = arith.constant 0 : i32
        %dma_start3A_141 = tpu.memref_slice %arg20[%dma_start3A_139, %dma_start3A_140] : memref<128x32xf32, #tpu.memory_space<vmem>> -> memref<80x32xf32, #tpu.memory_space<vmem>>
        %dma_start3A_142 = arith.constant 49920 : i32
        %dma_start3A_143 = arith.constant 0 : i32
        %dma_start3A_144 = tpu.memref_slice %arg7[%dma_start3A_142, %dma_start3A_143] : memref<50000x32xf32, #tpu.memory_space<vmem_shared>> -> memref<80x32xf32, #tpu.memory_space<vmem_shared>>
        %dma_start3A_145 = arith.constant 49920 : i32
        %dma_start3A_146 = arith.constant 0 : i32
        %dma_start3A_147 = tpu.memref_slice %arg7[%dma_start3A_145, %dma_start3A_146] : memref<50000x32xf32, #tpu.memory_space<vmem_shared>> -> memref<80x32xf32, #tpu.memory_space<vmem_shared>>
        %dma_start3A_148 = arith.constant 0 : i32
        %dma_start3A_149 = arith.constant 0 : i32
        %dma_start3A_150 = tpu.memref_slice %arg20[%dma_start3A_148, %dma_start3A_149] : memref<128x32xf32, #tpu.memory_space<vmem>> -> memref<80x32xf32, #tpu.memory_space<vmem>>
        tpu.enqueue_dma source(%dma_start3A_150 : memref<80x32xf32, #tpu.memory_space<vmem>>) target(%dma_start3A_147 : memref<80x32xf32, #tpu.memory_space<vmem_shared>>) target_semaphore(%run_scoped3A : memref<!tpu.dma_semaphore, #tpu.memory_space<semaphore_mem>>)
        %dma_wait3A_151 = arith.constant 0 : i32
        %dma_wait3A_152 = arith.constant 0 : i32
        %dma_wait3A_153 = tpu.memref_slice %arg20[%dma_wait3A_151, %dma_wait3A_152] : memref<128x32xf32, #tpu.memory_space<vmem>> -> memref<80x32xf32, #tpu.memory_space<vmem>>
        %dma_wait3A_154 = arith.constant 49920 : i32
        %dma_wait3A_155 = arith.constant 0 : i32
        %dma_wait3A_156 = tpu.memref_slice %arg7[%dma_wait3A_154, %dma_wait3A_155] : memref<50000x32xf32, #tpu.memory_space<vmem_shared>> -> memref<80x32xf32, #tpu.memory_space<vmem_shared>>
        %dma_wait3A_157 = arith.constant 49920 : i32
        %dma_wait3A_158 = arith.constant 0 : i32
        %dma_wait3A_159 = tpu.memref_slice %arg7[%dma_wait3A_157, %dma_wait3A_158] : memref<50000x32xf32, #tpu.memory_space<vmem_shared>> -> memref<80x32xf32, #tpu.memory_space<vmem_shared>>
        %dma_wait3A_160 = arith.constant 0 : i32
        %dma_wait3A_161 = arith.constant 0 : i32
        %dma_wait3A_162 = tpu.memref_slice %arg20[%dma_wait3A_160, %dma_wait3A_161] : memref<128x32xf32, #tpu.memory_space<vmem>> -> memref<80x32xf32, #tpu.memory_space<vmem>>
        tpu.wait_dma2 semaphore(%run_scoped3A : memref<!tpu.dma_semaphore, #tpu.memory_space<semaphore_mem>>) src(%dma_wait3A_162 : memref<80x32xf32, #tpu.memory_space<vmem>>) dst(%dma_wait3A_159 : memref<80x32xf32, #tpu.memory_space<vmem_shared>>)
        tpu.yield
      }) : () -> ()
    } else {
    }
    %barrier3A = arith.constant 0 : index
    tpu.barrier barrier_id(%barrier3A)
    %add3A_22 = arith.constant 0 : i32
    %add3A_23 = arith.addi %add3A_4, %add3A_22 : i32
    %dma_start3A = arith.constant 0 : i32
    %dma_start3A_24 = arith.constant 0 : i32
    %dma_start3A_25 = tpu.memref_slice %arg8[%dma_start3A, %dma_start3A_24] : memref<1x128xi32, #tpu.memory_space<vmem>> -> memref<1x128xi32, #tpu.memory_space<vmem>>
    %dma_start3A_26 = arith.constant 0 : i32
    %dma_start3A_27 = tpu.memref_slice %arg3[%add3A_23, %dma_start3A_26] : memref<6250x128xi32, #tpu.memory_space<hbm>> -> memref<1x128xi32, #tpu.memory_space<hbm>>
    %dma_start3A_28 = arith.constant 0 : i32
    %dma_start3A_29 = arith.constant 0 : i32
    %dma_start3A_30 = tpu.memref_slice %arg8[%dma_start3A_28, %dma_start3A_29] : memref<1x128xi32, #tpu.memory_space<vmem>> -> memref<1x128xi32, #tpu.memory_space<vmem>>
    %dma_start3A_31 = arith.constant 0 : i32
    %dma_start3A_32 = tpu.memref_slice %arg3[%add3A_23, %dma_start3A_31] : memref<6250x128xi32, #tpu.memory_space<hbm>> -> memref<1x128xi32, #tpu.memory_space<hbm>>
    tpu.enqueue_dma source(%dma_start3A_32 : memref<1x128xi32, #tpu.memory_space<hbm>>) target(%dma_start3A_30 : memref<1x128xi32, #tpu.memory_space<vmem>>) target_semaphore(%arg21 : memref<!tpu.dma_semaphore, #tpu.memory_space<semaphore_mem>>)
    %add3A_33 = arith.constant 0 : i32
    %add3A_34 = arith.addi %add3A_4, %add3A_33 : i32
    %dma_start3A_35 = arith.constant 0 : i32
    %dma_start3A_36 = arith.constant 0 : i32
    %dma_start3A_37 = tpu.memref_slice %arg12[%dma_start3A_35, %dma_start3A_36] : memref<1x128xi32, #tpu.memory_space<vmem>> -> memref<1x128xi32, #tpu.memory_space<vmem>>
    %dma_start3A_38 = arith.constant 0 : i32
    %dma_start3A_39 = tpu.memref_slice %arg4[%add3A_34, %dma_start3A_38] : memref<6250x128xi32, #tpu.memory_space<hbm>> -> memref<1x128xi32, #tpu.memory_space<hbm>>
    %dma_start3A_40 = arith.constant 0 : i32
    %dma_start3A_41 = arith.constant 0 : i32
    %dma_start3A_42 = tpu.memref_slice %arg12[%dma_start3A_40, %dma_start3A_41] : memref<1x128xi32, #tpu.memory_space<vmem>> -> memref<1x128xi32, #tpu.memory_space<vmem>>
    %dma_start3A_43 = arith.constant 0 : i32
    %dma_start3A_44 = tpu.memref_slice %arg4[%add3A_34, %dma_start3A_43] : memref<6250x128xi32, #tpu.memory_space<hbm>> -> memref<1x128xi32, #tpu.memory_space<hbm>>
    tpu.enqueue_dma source(%dma_start3A_44 : memref<1x128xi32, #tpu.memory_space<hbm>>) target(%dma_start3A_42 : memref<1x128xi32, #tpu.memory_space<vmem>>) target_semaphore(%arg21 : memref<!tpu.dma_semaphore, #tpu.memory_space<semaphore_mem>>)
    %add3A_45 = arith.constant 1 : i32
    %add3A_46 = arith.addi %add3A_4, %add3A_45 : i32
    %dma_start3A_47 = arith.constant 0 : i32
    %dma_start3A_48 = arith.constant 0 : i32
    %dma_start3A_49 = tpu.memref_slice %arg9[%dma_start3A_47, %dma_start3A_48] : memref<1x128xi32, #tpu.memory_space<vmem>> -> memref<1x128xi32, #tpu.memory_space<vmem>>
    %dma_start3A_50 = arith.constant 0 : i32
    %dma_start3A_51 = tpu.memref_slice %arg3[%add3A_46, %dma_start3A_50] : memref<6250x128xi32, #tpu.memory_space<hbm>> -> memref<1x128xi32, #tpu.memory_space<hbm>>
    %dma_start3A_52 = arith.constant 0 : i32
    %dma_start3A_53 = arith.constant 0 : i32
    %dma_start3A_54 = tpu.memref_slice %arg9[%dma_start3A_52, %dma_start3A_53] : memref<1x128xi32, #tpu.memory_space<vmem>> -> memref<1x128xi32, #tpu.memory_space<vmem>>
    %dma_start3A_55 = arith.constant 0 : i32
    %dma_start3A_56 = tpu.memref_slice %arg3[%add3A_46, %dma_start3A_55] : memref<6250x128xi32, #tpu.memory_space<hbm>> -> memref<1x128xi32, #tpu.memory_space<hbm>>
    tpu.enqueue_dma source(%dma_start3A_56 : memref<1x128xi32, #tpu.memory_space<hbm>>) target(%dma_start3A_54 : memref<1x128xi32, #tpu.memory_space<vmem>>) target_semaphore(%arg22 : memref<!tpu.dma_semaphore, #tpu.memory_space<semaphore_mem>>)
    %add3A_57 = arith.constant 1 : i32
    %add3A_58 = arith.addi %add3A_4, %add3A_57 : i32
    %dma_start3A_59 = arith.constant 0 : i32
    %dma_start3A_60 = arith.constant 0 : i32
    %dma_start3A_61 = tpu.memref_slice %arg13[%dma_start3A_59, %dma_start3A_60] : memref<1x128xi32, #tpu.memory_space<vmem>> -> memref<1x128xi32, #tpu.memory_space<vmem>>
    %dma_start3A_62 = arith.constant 0 : i32
    %dma_start3A_63 = tpu.memref_slice %arg4[%add3A_58, %dma_start3A_62] : memref<6250x128xi32, #tpu.memory_space<hbm>> -> memref<1x128xi32, #tpu.memory_space<hbm>>
    %dma_start3A_64 = arith.constant 0 : i32
    %dma_start3A_65 = arith.constant 0 : i32
    %dma_start3A_66 = tpu.memref_slice %arg13[%dma_start3A_64, %dma_start3A_65] : memref<1x128xi32, #tpu.memory_space<vmem>> -> memref<1x128xi32, #tpu.memory_space<vmem>>
    %dma_start3A_67 = arith.constant 0 : i32
    %dma_start3A_68 = tpu.memref_slice %arg4[%add3A_58, %dma_start3A_67] : memref<6250x128xi32, #tpu.memory_space<hbm>> -> memref<1x128xi32, #tpu.memory_space<hbm>>
    tpu.enqueue_dma source(%dma_start3A_68 : memref<1x128xi32, #tpu.memory_space<hbm>>) target(%dma_start3A_66 : memref<1x128xi32, #tpu.memory_space<vmem>>) target_semaphore(%arg22 : memref<!tpu.dma_semaphore, #tpu.memory_space<semaphore_mem>>)
    %dma_wait3A = arith.constant 0 : i32
    %dma_wait3A_69 = arith.constant 0 : i32
    %dma_wait3A_70 = tpu.memref_slice %arg8[%dma_wait3A, %dma_wait3A_69] : memref<1x128xi32, #tpu.memory_space<vmem>> -> memref<1x128xi32, #tpu.memory_space<vmem>>
    %dma_wait3A_71 = arith.constant 0 : i32
    %dma_wait3A_72 = arith.constant 0 : i32
    %dma_wait3A_73 = tpu.memref_slice %arg3[%dma_wait3A_71, %dma_wait3A_72] : memref<6250x128xi32, #tpu.memory_space<hbm>> -> memref<1x128xi32, #tpu.memory_space<hbm>>
    %dma_wait3A_74 = arith.constant 0 : i32
    %dma_wait3A_75 = arith.constant 0 : i32
    %dma_wait3A_76 = tpu.memref_slice %arg8[%dma_wait3A_74, %dma_wait3A_75] : memref<1x128xi32, #tpu.memory_space<vmem>> -> memref<1x128xi32, #tpu.memory_space<vmem>>
    %dma_wait3A_77 = arith.constant 0 : i32
    %dma_wait3A_78 = arith.constant 0 : i32
    %dma_wait3A_79 = tpu.memref_slice %arg3[%dma_wait3A_77, %dma_wait3A_78] : memref<6250x128xi32, #tpu.memory_space<hbm>> -> memref<1x128xi32, #tpu.memory_space<hbm>>
    tpu.wait_dma2 semaphore(%arg21 : memref<!tpu.dma_semaphore, #tpu.memory_space<semaphore_mem>>) src(%dma_wait3A_79 : memref<1x128xi32, #tpu.memory_space<hbm>>) dst(%dma_wait3A_76 : memref<1x128xi32, #tpu.memory_space<vmem>>)
    %dma_wait3A_80 = arith.constant 0 : i32
    %dma_wait3A_81 = arith.constant 0 : i32
    %dma_wait3A_82 = tpu.memref_slice %arg12[%dma_wait3A_80, %dma_wait3A_81] : memref<1x128xi32, #tpu.memory_space<vmem>> -> memref<1x128xi32, #tpu.memory_space<vmem>>
    %dma_wait3A_83 = arith.constant 0 : i32
    %dma_wait3A_84 = arith.constant 0 : i32
    %dma_wait3A_85 = tpu.memref_slice %arg4[%dma_wait3A_83, %dma_wait3A_84] : memref<6250x128xi32, #tpu.memory_space<hbm>> -> memref<1x128xi32, #tpu.memory_space<hbm>>
    %dma_wait3A_86 = arith.constant 0 : i32
    %dma_wait3A_87 = arith.constant 0 : i32
    %dma_wait3A_88 = tpu.memref_slice %arg12[%dma_wait3A_86, %dma_wait3A_87] : memref<1x128xi32, #tpu.memory_space<vmem>> -> memref<1x128xi32, #tpu.memory_space<vmem>>
    %dma_wait3A_89 = arith.constant 0 : i32
    %dma_wait3A_90 = arith.constant 0 : i32
    %dma_wait3A_91 = tpu.memref_slice %arg4[%dma_wait3A_89, %dma_wait3A_90] : memref<6250x128xi32, #tpu.memory_space<hbm>> -> memref<1x128xi32, #tpu.memory_space<hbm>>
    tpu.wait_dma2 semaphore(%arg21 : memref<!tpu.dma_semaphore, #tpu.memory_space<semaphore_mem>>) src(%dma_wait3A_91 : memref<1x128xi32, #tpu.memory_space<hbm>>) dst(%dma_wait3A_88 : memref<1x128xi32, #tpu.memory_space<vmem>>)
    %add3A_92 = arith.constant 0 : i32
    %add3A_93 = arith.addi %add3A_4, %add3A_92 : i32
    %mul3A_94 = arith.constant 128 : i32
    %mul3A_95 = arith.muli %add3A_93, %mul3A_94 : i32
    %dma_start3A_96 = arith.constant 0 : i32
    %dma_start3A_97 = tpu.memref_slice %arg5[%mul3A_95, %dma_start3A_96] : memref<800000x32xf32, #tpu.memory_space<hbm>> -> memref<128x32xf32, #tpu.memory_space<hbm>>
    %dma_start3A_98 = arith.constant 0 : i32
    %dma_start3A_99 = tpu.memref_slice %arg5[%mul3A_95, %dma_start3A_98] : memref<800000x32xf32, #tpu.memory_space<hbm>> -> memref<128x32xf32, #tpu.memory_space<hbm>>
    tpu.enqueue_dma source(%dma_start3A_99 : memref<128x32xf32, #tpu.memory_space<hbm>>) target(%arg18 : memref<128x32xf32, #tpu.memory_space<vmem>>) target_semaphore(%arg25 : memref<!tpu.dma_semaphore, #tpu.memory_space<semaphore_mem>>)
    %dma_start3A_100 = arith.constant 0 : i32
    %dma_start3A_101 = arith.constant 0 : i32
    %dma_start3A_102 = tpu.memref_slice %arg8[%dma_start3A_100, %dma_start3A_101] : memref<1x128xi32, #tpu.memory_space<vmem>> -> memref<1x128xi32, #tpu.memory_space<vmem>>
    %dma_start3A_103 = tpu.memref_squeeze %dma_start3A_102 : memref<1x128xi32, #tpu.memory_space<vmem>> -> memref<128xi32, #tpu.memory_space<vmem>>
    %dma_start3A_104 = arith.constant 0 : i32
    %dma_start3A_105 = arith.constant 0 : i32
    %dma_start3A_106 = tpu.memref_slice %arg2[%dma_start3A_104, %dma_start3A_105] : memref<50000x32xf32, #tpu.memory_space<hbm>> -> memref<50000x32xf32, #tpu.memory_space<hbm>>
    tpu.enqueue_indirect_dma source(%dma_start3A_106 : memref<50000x32xf32, #tpu.memory_space<hbm>>) target(%arg16 : memref<128x32xf32, #tpu.memory_space<vmem>>) offsets(%dma_start3A_103 : memref<128xi32, #tpu.memory_space<vmem>>) semaphore(%arg27 : memref<!tpu.dma_semaphore, #tpu.memory_space<semaphore_mem>>)
    %scan3A_107 = arith.constant 0 : i32
    %scan3A_108 = arith.constant 0 : i32
    %scan3A_109 = arith.constant 49 : i32
    %scan3A_110 = arith.addi %scan3A_108, %scan3A_109 : i32
    %scan3A_111 = arith.constant 1 : i32
    scf.for %scan3A_139 = %scan3A_108 to %scan3A_110 step %scan3A_111  : i32 {
      %mul3A_140 = arith.constant 4 : i32
      %mul3A_141 = arith.muli %scan3A_139, %mul3A_140 : i32
      %add3A_142 = arith.constant 0 : i32
      %add3A_143 = arith.addi %mul3A_141, %add3A_142 : i32
      %add3A_144 = arith.constant 2 : i32
      %add3A_145 = arith.addi %add3A_143, %add3A_144 : i32
      %lt3A_146 = arith.cmpi slt, %add3A_145, %add3A_7 : i32
      %convert_element_type3A_147 = arith.extui %lt3A_146 : i1 to i32
      %cond3A_148 = arith.constant 0 : i32
      %cond3A_149 = arith.cmpi ne, %convert_element_type3A_147, %cond3A_148 : i32
      scf.if %cond3A_149 {
        %add3A_220 = arith.constant 2 : i32
        %add3A_221 = arith.addi %add3A_143, %add3A_220 : i32
        %add3A_222 = arith.addi %add3A_4, %add3A_221 : i32
        %dma_start3A_223 = arith.constant 0 : i32
        %dma_start3A_224 = arith.constant 0 : i32
        %dma_start3A_225 = tpu.memref_slice %arg10[%dma_start3A_223, %dma_start3A_224] : memref<1x128xi32, #tpu.memory_space<vmem>> -> memref<1x128xi32, #tpu.memory_space<vmem>>
        %dma_start3A_226 = arith.constant 0 : i32
        %dma_start3A_227 = tpu.memref_slice %arg3[%add3A_222, %dma_start3A_226] : memref<6250x128xi32, #tpu.memory_space<hbm>> -> memref<1x128xi32, #tpu.memory_space<hbm>>
        %dma_start3A_228 = arith.constant 0 : i32
        %dma_start3A_229 = arith.constant 0 : i32
        %dma_start3A_230 = tpu.memref_slice %arg10[%dma_start3A_228, %dma_start3A_229] : memref<1x128xi32, #tpu.memory_space<vmem>> -> memref<1x128xi32, #tpu.memory_space<vmem>>
        %dma_start3A_231 = arith.constant 0 : i32
        %dma_start3A_232 = tpu.memref_slice %arg3[%add3A_222, %dma_start3A_231] : memref<6250x128xi32, #tpu.memory_space<hbm>> -> memref<1x128xi32, #tpu.memory_space<hbm>>
        tpu.enqueue_dma source(%dma_start3A_232 : memref<1x128xi32, #tpu.memory_space<hbm>>) target(%dma_start3A_230 : memref<1x128xi32, #tpu.memory_space<vmem>>) target_semaphore(%arg23 : memref<!tpu.dma_semaphore, #tpu.memory_space<semaphore_mem>>)
        %add3A_233 = arith.addi %add3A_4, %add3A_221 : i32
        %dma_start3A_234 = arith.constant 0 : i32
        %dma_start3A_235 = arith.constant 0 : i32
        %dma_start3A_236 = tpu.memref_slice %arg14[%dma_start3A_234, %dma_start3A_235] : memref<1x128xi32, #tpu.memory_space<vmem>> -> memref<1x128xi32, #tpu.memory_space<vmem>>
        %dma_start3A_237 = arith.constant 0 : i32
        %dma_start3A_238 = tpu.memref_slice %arg4[%add3A_233, %dma_start3A_237] : memref<6250x128xi32, #tpu.memory_space<hbm>> -> memref<1x128xi32, #tpu.memory_space<hbm>>
        %dma_start3A_239 = arith.constant 0 : i32
        %dma_start3A_240 = arith.constant 0 : i32
        %dma_start3A_241 = tpu.memref_slice %arg14[%dma_start3A_239, %dma_start3A_240] : memref<1x128xi32, #tpu.memory_space<vmem>> -> memref<1x128xi32, #tpu.memory_space<vmem>>
        %dma_start3A_242 = arith.constant 0 : i32
        %dma_start3A_243 = tpu.memref_slice %arg4[%add3A_233, %dma_start3A_242] : memref<6250x128xi32, #tpu.memory_space<hbm>> -> memref<1x128xi32, #tpu.memory_space<hbm>>
        tpu.enqueue_dma source(%dma_start3A_243 : memref<1x128xi32, #tpu.memory_space<hbm>>) target(%dma_start3A_241 : memref<1x128xi32, #tpu.memory_space<vmem>>) target_semaphore(%arg23 : memref<!tpu.dma_semaphore, #tpu.memory_space<semaphore_mem>>)
      } else {
      }
      %add3A_150 = arith.constant 1 : i32
      %add3A_151 = arith.addi %add3A_143, %add3A_150 : i32
      %lt3A_152 = arith.cmpi slt, %add3A_151, %add3A_7 : i32
      %convert_element_type3A_153 = arith.extui %lt3A_152 : i1 to i32
      %cond3A_154 = arith.constant 0 : i32
      %cond3A_155 = arith.cmpi ne, %convert_element_type3A_153, %cond3A_154 : i32
      scf.if %cond3A_155 {
        %ge3A = arith.constant 1 : i32
        %ge3A_220 = arith.cmpi sge, %add3A_143, %ge3A : i32
        %convert_element_type3A_221 = arith.extui %ge3A_220 : i1 to i32
        %cond3A_222 = arith.constant 0 : i32
        %cond3A_223 = arith.cmpi ne, %convert_element_type3A_221, %cond3A_222 : i32
        scf.if %cond3A_223 {
          %dma_wait3A_264 = arith.constant 0 : i32
          %dma_wait3A_265 = arith.constant 0 : i32
          %dma_wait3A_266 = tpu.memref_slice %arg12[%dma_wait3A_264, %dma_wait3A_265] : memref<1x128xi32, #tpu.memory_space<vmem>> -> memref<1x128xi32, #tpu.memory_space<vmem>>
          %dma_wait3A_267 = tpu.memref_squeeze %dma_wait3A_266 : memref<1x128xi32, #tpu.memory_space<vmem>> -> memref<128xi32, #tpu.memory_space<vmem>>
          %dma_wait3A_268 = arith.constant 0 : i32
          %dma_wait3A_269 = arith.constant 0 : i32
          %dma_wait3A_270 = tpu.memref_slice %arg7[%dma_wait3A_268, %dma_wait3A_269] : memref<50000x32xf32, #tpu.memory_space<vmem_shared>> -> memref<50000x32xf32, #tpu.memory_space<vmem_shared>>
          tpu.wait_indirect_dma semaphore(%arg30 : memref<!tpu.dma_semaphore, #tpu.memory_space<semaphore_mem>>) src(%arg17 : memref<128x32xf32, #tpu.memory_space<vmem>>) dst(%dma_wait3A_270 : memref<50000x32xf32, #tpu.memory_space<vmem_shared>>)
        } else {
        }
        %dma_wait3A_224 = arith.constant 0 : i32
        %dma_wait3A_225 = arith.constant 0 : i32
        %dma_wait3A_226 = tpu.memref_slice %arg9[%dma_wait3A_224, %dma_wait3A_225] : memref<1x128xi32, #tpu.memory_space<vmem>> -> memref<1x128xi32, #tpu.memory_space<vmem>>
        %dma_wait3A_227 = arith.constant 0 : i32
        %dma_wait3A_228 = arith.constant 0 : i32
        %dma_wait3A_229 = tpu.memref_slice %arg3[%dma_wait3A_227, %dma_wait3A_228] : memref<6250x128xi32, #tpu.memory_space<hbm>> -> memref<1x128xi32, #tpu.memory_space<hbm>>
        %dma_wait3A_230 = arith.constant 0 : i32
        %dma_wait3A_231 = arith.constant 0 : i32
        %dma_wait3A_232 = tpu.memref_slice %arg9[%dma_wait3A_230, %dma_wait3A_231] : memref<1x128xi32, #tpu.memory_space<vmem>> -> memref<1x128xi32, #tpu.memory_space<vmem>>
        %dma_wait3A_233 = arith.constant 0 : i32
        %dma_wait3A_234 = arith.constant 0 : i32
        %dma_wait3A_235 = tpu.memref_slice %arg3[%dma_wait3A_233, %dma_wait3A_234] : memref<6250x128xi32, #tpu.memory_space<hbm>> -> memref<1x128xi32, #tpu.memory_space<hbm>>
        tpu.wait_dma2 semaphore(%arg22 : memref<!tpu.dma_semaphore, #tpu.memory_space<semaphore_mem>>) src(%dma_wait3A_235 : memref<1x128xi32, #tpu.memory_space<hbm>>) dst(%dma_wait3A_232 : memref<1x128xi32, #tpu.memory_space<vmem>>)
        %dma_wait3A_236 = arith.constant 0 : i32
        %dma_wait3A_237 = arith.constant 0 : i32
        %dma_wait3A_238 = tpu.memref_slice %arg13[%dma_wait3A_236, %dma_wait3A_237] : memref<1x128xi32, #tpu.memory_space<vmem>> -> memref<1x128xi32, #tpu.memory_space<vmem>>
        %dma_wait3A_239 = arith.constant 0 : i32
        %dma_wait3A_240 = arith.constant 0 : i32
        %dma_wait3A_241 = tpu.memref_slice %arg4[%dma_wait3A_239, %dma_wait3A_240] : memref<6250x128xi32, #tpu.memory_space<hbm>> -> memref<1x128xi32, #tpu.memory_space<hbm>>
        %dma_wait3A_242 = arith.constant 0 : i32
        %dma_wait3A_243 = arith.constant 0 : i32
        %dma_wait3A_244 = tpu.memref_slice %arg13[%dma_wait3A_242, %dma_wait3A_243] : memref<1x128xi32, #tpu.memory_space<vmem>> -> memref<1x128xi32, #tpu.memory_space<vmem>>
        %dma_wait3A_245 = arith.constant 0 : i32
        %dma_wait3A_246 = arith.constant 0 : i32
        %dma_wait3A_247 = tpu.memref_slice %arg4[%dma_wait3A_245, %dma_wait3A_246] : memref<6250x128xi32, #tpu.memory_space<hbm>> -> memref<1x128xi32, #tpu.memory_space<hbm>>
        tpu.wait_dma2 semaphore(%arg22 : memref<!tpu.dma_semaphore, #tpu.memory_space<semaphore_mem>>) src(%dma_wait3A_247 : memref<1x128xi32, #tpu.memory_space<hbm>>) dst(%dma_wait3A_244 : memref<1x128xi32, #tpu.memory_space<vmem>>)
        %add3A_248 = arith.constant 1 : i32
        %add3A_249 = arith.addi %add3A_143, %add3A_248 : i32
        %add3A_250 = arith.addi %add3A_4, %add3A_249 : i32
        %mul3A_251 = arith.constant 128 : i32
        %mul3A_252 = arith.muli %add3A_250, %mul3A_251 : i32
        %dma_start3A_253 = arith.constant 0 : i32
        %dma_start3A_254 = tpu.memref_slice %arg5[%mul3A_252, %dma_start3A_253] : memref<800000x32xf32, #tpu.memory_space<hbm>> -> memref<128x32xf32, #tpu.memory_space<hbm>>
        %dma_start3A_255 = arith.constant 0 : i32
        %dma_start3A_256 = tpu.memref_slice %arg5[%mul3A_252, %dma_start3A_255] : memref<800000x32xf32, #tpu.memory_space<hbm>> -> memref<128x32xf32, #tpu.memory_space<hbm>>
        tpu.enqueue_dma source(%dma_start3A_256 : memref<128x32xf32, #tpu.memory_space<hbm>>) target(%arg19 : memref<128x32xf32, #tpu.memory_space<vmem>>) target_semaphore(%arg26 : memref<!tpu.dma_semaphore, #tpu.memory_space<semaphore_mem>>)
        %dma_start3A_257 = arith.constant 0 : i32
        %dma_start3A_258 = arith.constant 0 : i32
        %dma_start3A_259 = tpu.memref_slice %arg9[%dma_start3A_257, %dma_start3A_258] : memref<1x128xi32, #tpu.memory_space<vmem>> -> memref<1x128xi32, #tpu.memory_space<vmem>>
        %dma_start3A_260 = tpu.memref_squeeze %dma_start3A_259 : memref<1x128xi32, #tpu.memory_space<vmem>> -> memref<128xi32, #tpu.memory_space<vmem>>
        %dma_start3A_261 = arith.constant 0 : i32
        %dma_start3A_262 = arith.constant 0 : i32
        %dma_start3A_263 = tpu.memref_slice %arg2[%dma_start3A_261, %dma_start3A_262] : memref<50000x32xf32, #tpu.memory_space<hbm>> -> memref<50000x32xf32, #tpu.memory_space<hbm>>
        tpu.enqueue_indirect_dma source(%dma_start3A_263 : memref<50000x32xf32, #tpu.memory_space<hbm>>) target(%arg17 : memref<128x32xf32, #tpu.memory_space<vmem>>) offsets(%dma_start3A_260 : memref<128xi32, #tpu.memory_space<vmem>>) semaphore(%arg28 : memref<!tpu.dma_semaphore, #tpu.memory_space<semaphore_mem>>)
      } else {
      }
      %lt3A_156 = arith.cmpi slt, %add3A_143, %add3A_7 : i32
      %convert_element_type3A_157 = arith.extui %lt3A_156 : i1 to i32
      %cond3A_158 = arith.constant 0 : i32
      %cond3A_159 = arith.cmpi ne, %convert_element_type3A_157, %cond3A_158 : i32
      scf.if %cond3A_159 {
        %dma_wait3A_220 = arith.constant 0 : i32
        %dma_wait3A_221 = arith.constant 0 : i32
        %dma_wait3A_222 = tpu.memref_slice %arg5[%dma_wait3A_220, %dma_wait3A_221] : memref<800000x32xf32, #tpu.memory_space<hbm>> -> memref<128x32xf32, #tpu.memory_space<hbm>>
        %dma_wait3A_223 = arith.constant 0 : i32
        %dma_wait3A_224 = arith.constant 0 : i32
        %dma_wait3A_225 = tpu.memref_slice %arg5[%dma_wait3A_223, %dma_wait3A_224] : memref<800000x32xf32, #tpu.memory_space<hbm>> -> memref<128x32xf32, #tpu.memory_space<hbm>>
        tpu.wait_dma2 semaphore(%arg25 : memref<!tpu.dma_semaphore, #tpu.memory_space<semaphore_mem>>) src(%dma_wait3A_225 : memref<128x32xf32, #tpu.memory_space<hbm>>) dst(%arg18 : memref<128x32xf32, #tpu.memory_space<vmem>>)
        %dma_wait3A_226 = arith.constant 0 : i32
        %dma_wait3A_227 = arith.constant 0 : i32
        %dma_wait3A_228 = tpu.memref_slice %arg8[%dma_wait3A_226, %dma_wait3A_227] : memref<1x128xi32, #tpu.memory_space<vmem>> -> memref<1x128xi32, #tpu.memory_space<vmem>>
        %dma_wait3A_229 = tpu.memref_squeeze %dma_wait3A_228 : memref<1x128xi32, #tpu.memory_space<vmem>> -> memref<128xi32, #tpu.memory_space<vmem>>
        %dma_wait3A_230 = arith.constant 0 : i32
        %dma_wait3A_231 = arith.constant 0 : i32
        %dma_wait3A_232 = tpu.memref_slice %arg2[%dma_wait3A_230, %dma_wait3A_231] : memref<50000x32xf32, #tpu.memory_space<hbm>> -> memref<50000x32xf32, #tpu.memory_space<hbm>>
        tpu.wait_indirect_dma semaphore(%arg27 : memref<!tpu.dma_semaphore, #tpu.memory_space<semaphore_mem>>) src(%dma_wait3A_232 : memref<50000x32xf32, #tpu.memory_space<hbm>>) dst(%arg16 : memref<128x32xf32, #tpu.memory_space<vmem>>)
        %scan3A_233 = arith.constant 0 : i32
        %scan3A_234 = arith.constant 0 : i32
        %scan3A_235 = arith.constant 128 : i32
        %scan3A_236 = arith.addi %scan3A_234, %scan3A_235 : i32
        %scan3A_237 = arith.constant 1 : i32
        scf.for %scan3A_246 = %scan3A_234 to %scan3A_236 step %scan3A_237  : i32 {
          %get3A = arith.index_cast %scan3A_246 : i32 to index
          %get3A_247 = arith.constant 0 : index
          %get3A_248 = tpu.vector_load %arg16[%get3A, %get3A_247] {strides = array<i32>} : memref<128x32xf32, #tpu.memory_space<vmem>>, vector<1x16xf32>,
          %get3A_249 = vector.shape_cast %get3A_248 : vector<1x16xf32> to vector<16xf32>
          %get3A_250 = arith.index_cast %scan3A_246 : i32 to index
          %get3A_251 = arith.constant 0 : index
          %get3A_252 = tpu.vector_load %arg18[%get3A_250, %get3A_251] {strides = array<i32>} : memref<128x32xf32, #tpu.memory_space<vmem>>, vector<1x16xf32>,
          %get3A_253 = vector.shape_cast %get3A_252 : vector<1x16xf32> to vector<16xf32>
          %add3A_254 = arith.addf %get3A_249, %get3A_253 : vector<16xf32>
          %max3A = arith.constant 0.000000e+00 : f32
          %max3A_255 = vector.broadcast %max3A : f32 to vector<16xf32>
          %max3A_256 = arith.maximumf %add3A_254, %max3A_255 : vector<16xf32>
          %swap3A = arith.index_cast %scan3A_246 : i32 to index
          %swap3A_257 = arith.constant 0 : index
          %swap3A_258 = tpu.vector_load %arg16[%swap3A, %swap3A_257] {strides = array<i32>} : memref<128x32xf32, #tpu.memory_space<vmem>>, vector<1x16xf32>,
          %swap3A_259 = vector.shape_cast %swap3A_258 : vector<1x16xf32> to vector<16xf32>
          %swap3A_260 = vector.shape_cast %max3A_256 : vector<16xf32> to vector<1x16xf32>
          tpu.vector_store %arg16[%swap3A, %swap3A_257], %swap3A_260 {strides = array<i32>} : memref<128x32xf32, #tpu.memory_space<vmem>>, vector<1x16xf32>,
          %get3A_261 = arith.index_cast %scan3A_246 : i32 to index
          %get3A_262 = arith.constant 16 : index
          %get3A_263 = tpu.vector_load %arg16[%get3A_261, %get3A_262] {strides = array<i32>} : memref<128x32xf32, #tpu.memory_space<vmem>>, vector<1x16xf32>,
          %get3A_264 = vector.shape_cast %get3A_263 : vector<1x16xf32> to vector<16xf32>
          %get3A_265 = arith.index_cast %scan3A_246 : i32 to index
          %get3A_266 = arith.constant 16 : index
          %get3A_267 = tpu.vector_load %arg18[%get3A_265, %get3A_266] {strides = array<i32>} : memref<128x32xf32, #tpu.memory_space<vmem>>, vector<1x16xf32>,
          %get3A_268 = vector.shape_cast %get3A_267 : vector<1x16xf32> to vector<16xf32>
          %add3A_269 = arith.addf %get3A_264, %get3A_268 : vector<16xf32>
          %max3A_270 = arith.constant 0.000000e+00 : f32
          %max3A_271 = vector.broadcast %max3A_270 : f32 to vector<16xf32>
          %max3A_272 = arith.maximumf %add3A_269, %max3A_271 : vector<16xf32>
          %swap3A_273 = arith.index_cast %scan3A_246 : i32 to index
          %swap3A_274 = arith.constant 16 : index
          %swap3A_275 = tpu.vector_load %arg16[%swap3A_273, %swap3A_274] {strides = array<i32>} : memref<128x32xf32, #tpu.memory_space<vmem>>, vector<1x16xf32>,
          %swap3A_276 = vector.shape_cast %swap3A_275 : vector<1x16xf32> to vector<16xf32>
          %swap3A_277 = vector.shape_cast %max3A_272 : vector<16xf32> to vector<1x16xf32>
          tpu.vector_store %arg16[%swap3A_273, %swap3A_274], %swap3A_277 {strides = array<i32>} : memref<128x32xf32, #tpu.memory_space<vmem>>, vector<1x16xf32>,
        }
        %scan3A_238 = arith.constant 128 : i32
        %dma_start3A_239 = arith.constant 0 : i32
        %dma_start3A_240 = arith.constant 0 : i32
        %dma_start3A_241 = tpu.memref_slice %arg12[%dma_start3A_239, %dma_start3A_240] : memref<1x128xi32, #tpu.memory_space<vmem>> -> memref<1x128xi32, #tpu.memory_space<vmem>>
        %dma_start3A_242 = tpu.memref_squeeze %dma_start3A_241 : memref<1x128xi32, #tpu.memory_space<vmem>> -> memref<128xi32, #tpu.memory_space<vmem>>
        %dma_start3A_243 = arith.constant 0 : i32
        %dma_start3A_244 = arith.constant 0 : i32
        %dma_start3A_245 = tpu.memref_slice %arg7[%dma_start3A_243, %dma_start3A_244] : memref<50000x32xf32, #tpu.memory_space<vmem_shared>> -> memref<50000x32xf32, #tpu.memory_space<vmem_shared>>
        tpu.enqueue_indirect_dma source(%arg16 : memref<128x32xf32, #tpu.memory_space<vmem>>) target(%dma_start3A_245 : memref<50000x32xf32, #tpu.memory_space<vmem_shared>>) offsets(%dma_start3A_242 : memref<128xi32, #tpu.memory_space<vmem>>) semaphore(%arg29 : memref<!tpu.dma_semaphore, #tpu.memory_space<semaphore_mem>>) {add = true}
      } else {
      }
      %mul3A_160 = arith.constant 4 : i32
      %mul3A_161 = arith.muli %scan3A_139, %mul3A_160 : i32
      %add3A_162 = arith.constant 1 : i32
      %add3A_163 = arith.addi %mul3A_161, %add3A_162 : i32
      %add3A_164 = arith.constant 2 : i32
      %add3A_165 = arith.addi %add3A_163, %add3A_164 : i32
      %lt3A_166 = arith.cmpi slt, %add3A_165, %add3A_7 : i32
      %convert_element_type3A_167 = arith.extui %lt3A_166 : i1 to i32
      %cond3A_168 = arith.constant 0 : i32
      %cond3A_169 = arith.cmpi ne, %convert_element_type3A_167, %cond3A_168 : i32
      scf.if %cond3A_169 {
        %add3A_220 = arith.constant 2 : i32
        %add3A_221 = arith.addi %add3A_163, %add3A_220 : i32
        %add3A_222 = arith.addi %add3A_4, %add3A_221 : i32
        %dma_start3A_223 = arith.constant 0 : i32
        %dma_start3A_224 = arith.constant 0 : i32
        %dma_start3A_225 = tpu.memref_slice %arg11[%dma_start3A_223, %dma_start3A_224] : memref<1x128xi32, #tpu.memory_space<vmem>> -> memref<1x128xi32, #tpu.memory_space<vmem>>
        %dma_start3A_226 = arith.constant 0 : i32
        %dma_start3A_227 = tpu.memref_slice %arg3[%add3A_222, %dma_start3A_226] : memref<6250x128xi32, #tpu.memory_space<hbm>> -> memref<1x128xi32, #tpu.memory_space<hbm>>
        %dma_start3A_228 = arith.constant 0 : i32
        %dma_start3A_229 = arith.constant 0 : i32
        %dma_start3A_230 = tpu.memref_slice %arg11[%dma_start3A_228, %dma_start3A_229] : memref<1x128xi32, #tpu.memory_space<vmem>> -> memref<1x128xi32, #tpu.memory_space<vmem>>
        %dma_start3A_231 = arith.constant 0 : i32
        %dma_start3A_232 = tpu.memref_slice %arg3[%add3A_222, %dma_start3A_231] : memref<6250x128xi32, #tpu.memory_space<hbm>> -> memref<1x128xi32, #tpu.memory_space<hbm>>
        tpu.enqueue_dma source(%dma_start3A_232 : memref<1x128xi32, #tpu.memory_space<hbm>>) target(%dma_start3A_230 : memref<1x128xi32, #tpu.memory_space<vmem>>) target_semaphore(%arg24 : memref<!tpu.dma_semaphore, #tpu.memory_space<semaphore_mem>>)
        %add3A_233 = arith.addi %add3A_4, %add3A_221 : i32
        %dma_start3A_234 = arith.constant 0 : i32
        %dma_start3A_235 = arith.constant 0 : i32
        %dma_start3A_236 = tpu.memref_slice %arg15[%dma_start3A_234, %dma_start3A_235] : memref<1x128xi32, #tpu.memory_space<vmem>> -> memref<1x128xi32, #tpu.memory_space<vmem>>
        %dma_start3A_237 = arith.constant 0 : i32
        %dma_start3A_238 = tpu.memref_slice %arg4[%add3A_233, %dma_start3A_237] : memref<6250x128xi32, #tpu.memory_space<hbm>> -> memref<1x128xi32, #tpu.memory_space<hbm>>
        %dma_start3A_239 = arith.constant 0 : i32
        %dma_start3A_240 = arith.constant 0 : i32
        %dma_start3A_241 = tpu.memref_slice %arg15[%dma_start3A_239, %dma_start3A_240] : memref<1x128xi32, #tpu.memory_space<vmem>> -> memref<1x128xi32, #tpu.memory_space<vmem>>
        %dma_start3A_242 = arith.constant 0 : i32
        %dma_start3A_243 = tpu.memref_slice %arg4[%add3A_233, %dma_start3A_242] : memref<6250x128xi32, #tpu.memory_space<hbm>> -> memref<1x128xi32, #tpu.memory_space<hbm>>
        tpu.enqueue_dma source(%dma_start3A_243 : memref<1x128xi32, #tpu.memory_space<hbm>>) target(%dma_start3A_241 : memref<1x128xi32, #tpu.memory_space<vmem>>) target_semaphore(%arg24 : memref<!tpu.dma_semaphore, #tpu.memory_space<semaphore_mem>>)
      } else {
      }
      %add3A_170 = arith.constant 1 : i32
      %add3A_171 = arith.addi %add3A_163, %add3A_170 : i32
      %lt3A_172 = arith.cmpi slt, %add3A_171, %add3A_7 : i32
      %convert_element_type3A_173 = arith.extui %lt3A_172 : i1 to i32
      %cond3A_174 = arith.constant 0 : i32
      %cond3A_175 = arith.cmpi ne, %convert_element_type3A_173, %cond3A_174 : i32
      scf.if %cond3A_175 {
        %ge3A = arith.constant 1 : i32
        %ge3A_220 = arith.cmpi sge, %add3A_163, %ge3A : i32
        %convert_element_type3A_221 = arith.extui %ge3A_220 : i1 to i32
        %cond3A_222 = arith.constant 0 : i32
        %cond3A_223 = arith.cmpi ne, %convert_element_type3A_221, %cond3A_222 : i32
        scf.if %cond3A_223 {
          %dma_wait3A_264 = arith.constant 0 : i32
          %dma_wait3A_265 = arith.constant 0 : i32
          %dma_wait3A_266 = tpu.memref_slice %arg12[%dma_wait3A_264, %dma_wait3A_265] : memref<1x128xi32, #tpu.memory_space<vmem>> -> memref<1x128xi32, #tpu.memory_space<vmem>>
          %dma_wait3A_267 = tpu.memref_squeeze %dma_wait3A_266 : memref<1x128xi32, #tpu.memory_space<vmem>> -> memref<128xi32, #tpu.memory_space<vmem>>
          %dma_wait3A_268 = arith.constant 0 : i32
          %dma_wait3A_269 = arith.constant 0 : i32
          %dma_wait3A_270 = tpu.memref_slice %arg7[%dma_wait3A_268, %dma_wait3A_269] : memref<50000x32xf32, #tpu.memory_space<vmem_shared>> -> memref<50000x32xf32, #tpu.memory_space<vmem_shared>>
          tpu.wait_indirect_dma semaphore(%arg29 : memref<!tpu.dma_semaphore, #tpu.memory_space<semaphore_mem>>) src(%arg16 : memref<128x32xf32, #tpu.memory_space<vmem>>) dst(%dma_wait3A_270 : memref<50000x32xf32, #tpu.memory_space<vmem_shared>>)
        } else {
        }
        %dma_wait3A_224 = arith.constant 0 : i32
        %dma_wait3A_225 = arith.constant 0 : i32
        %dma_wait3A_226 = tpu.memref_slice %arg10[%dma_wait3A_224, %dma_wait3A_225] : memref<1x128xi32, #tpu.memory_space<vmem>> -> memref<1x128xi32, #tpu.memory_space<vmem>>
        %dma_wait3A_227 = arith.constant 0 : i32
        %dma_wait3A_228 = arith.constant 0 : i32
        %dma_wait3A_229 = tpu.memref_slice %arg3[%dma_wait3A_227, %dma_wait3A_228] : memref<6250x128xi32, #tpu.memory_space<hbm>> -> memref<1x128xi32, #tpu.memory_space<hbm>>
        %dma_wait3A_230 = arith.constant 0 : i32
        %dma_wait3A_231 = arith.constant 0 : i32
        %dma_wait3A_232 = tpu.memref_slice %arg10[%dma_wait3A_230, %dma_wait3A_231] : memref<1x128xi32, #tpu.memory_space<vmem>> -> memref<1x128xi32, #tpu.memory_space<vmem>>
        %dma_wait3A_233 = arith.constant 0 : i32
        %dma_wait3A_234 = arith.constant 0 : i32
        %dma_wait3A_235 = tpu.memref_slice %arg3[%dma_wait3A_233, %dma_wait3A_234] : memref<6250x128xi32, #tpu.memory_space<hbm>> -> memref<1x128xi32, #tpu.memory_space<hbm>>
        tpu.wait_dma2 semaphore(%arg23 : memref<!tpu.dma_semaphore, #tpu.memory_space<semaphore_mem>>) src(%dma_wait3A_235 : memref<1x128xi32, #tpu.memory_space<hbm>>) dst(%dma_wait3A_232 : memref<1x128xi32, #tpu.memory_space<vmem>>)
        %dma_wait3A_236 = arith.constant 0 : i32
        %dma_wait3A_237 = arith.constant 0 : i32
        %dma_wait3A_238 = tpu.memref_slice %arg14[%dma_wait3A_236, %dma_wait3A_237] : memref<1x128xi32, #tpu.memory_space<vmem>> -> memref<1x128xi32, #tpu.memory_space<vmem>>
        %dma_wait3A_239 = arith.constant 0 : i32
        %dma_wait3A_240 = arith.constant 0 : i32
        %dma_wait3A_241 = tpu.memref_slice %arg4[%dma_wait3A_239, %dma_wait3A_240] : memref<6250x128xi32, #tpu.memory_space<hbm>> -> memref<1x128xi32, #tpu.memory_space<hbm>>
        %dma_wait3A_242 = arith.constant 0 : i32
        %dma_wait3A_243 = arith.constant 0 : i32
        %dma_wait3A_244 = tpu.memref_slice %arg14[%dma_wait3A_242, %dma_wait3A_243] : memref<1x128xi32, #tpu.memory_space<vmem>> -> memref<1x128xi32, #tpu.memory_space<vmem>>
        %dma_wait3A_245 = arith.constant 0 : i32
        %dma_wait3A_246 = arith.constant 0 : i32
        %dma_wait3A_247 = tpu.memref_slice %arg4[%dma_wait3A_245, %dma_wait3A_246] : memref<6250x128xi32, #tpu.memory_space<hbm>> -> memref<1x128xi32, #tpu.memory_space<hbm>>
        tpu.wait_dma2 semaphore(%arg23 : memref<!tpu.dma_semaphore, #tpu.memory_space<semaphore_mem>>) src(%dma_wait3A_247 : memref<1x128xi32, #tpu.memory_space<hbm>>) dst(%dma_wait3A_244 : memref<1x128xi32, #tpu.memory_space<vmem>>)
        %add3A_248 = arith.constant 1 : i32
        %add3A_249 = arith.addi %add3A_163, %add3A_248 : i32
        %add3A_250 = arith.addi %add3A_4, %add3A_249 : i32
        %mul3A_251 = arith.constant 128 : i32
        %mul3A_252 = arith.muli %add3A_250, %mul3A_251 : i32
        %dma_start3A_253 = arith.constant 0 : i32
        %dma_start3A_254 = tpu.memref_slice %arg5[%mul3A_252, %dma_start3A_253] : memref<800000x32xf32, #tpu.memory_space<hbm>> -> memref<128x32xf32, #tpu.memory_space<hbm>>
        %dma_start3A_255 = arith.constant 0 : i32
        %dma_start3A_256 = tpu.memref_slice %arg5[%mul3A_252, %dma_start3A_255] : memref<800000x32xf32, #tpu.memory_space<hbm>> -> memref<128x32xf32, #tpu.memory_space<hbm>>
        tpu.enqueue_dma source(%dma_start3A_256 : memref<128x32xf32, #tpu.memory_space<hbm>>) target(%arg18 : memref<128x32xf32, #tpu.memory_space<vmem>>) target_semaphore(%arg25 : memref<!tpu.dma_semaphore, #tpu.memory_space<semaphore_mem>>)
        %dma_start3A_257 = arith.constant 0 : i32
        %dma_start3A_258 = arith.constant 0 : i32
        %dma_start3A_259 = tpu.memref_slice %arg10[%dma_start3A_257, %dma_start3A_258] : memref<1x128xi32, #tpu.memory_space<vmem>> -> memref<1x128xi32, #tpu.memory_space<vmem>>
        %dma_start3A_260 = tpu.memref_squeeze %dma_start3A_259 : memref<1x128xi32, #tpu.memory_space<vmem>> -> memref<128xi32, #tpu.memory_space<vmem>>
        %dma_start3A_261 = arith.constant 0 : i32
        %dma_start3A_262 = arith.constant 0 : i32
        %dma_start3A_263 = tpu.memref_slice %arg2[%dma_start3A_261, %dma_start3A_262] : memref<50000x32xf32, #tpu.memory_space<hbm>> -> memref<50000x32xf32, #tpu.memory_space<hbm>>
        tpu.enqueue_indirect_dma source(%dma_start3A_263 : memref<50000x32xf32, #tpu.memory_space<hbm>>) target(%arg16 : memref<128x32xf32, #tpu.memory_space<vmem>>) offsets(%dma_start3A_260 : memref<128xi32, #tpu.memory_space<vmem>>) semaphore(%arg27 : memref<!tpu.dma_semaphore, #tpu.memory_space<semaphore_mem>>)
      } else {
      }
      %lt3A_176 = arith.cmpi slt, %add3A_163, %add3A_7 : i32
      %convert_element_type3A_177 = arith.extui %lt3A_176 : i1 to i32
      %cond3A_178 = arith.constant 0 : i32
      %cond3A_179 = arith.cmpi ne, %convert_element_type3A_177, %cond3A_178 : i32
      scf.if %cond3A_179 {
        %dma_wait3A_220 = arith.constant 0 : i32
        %dma_wait3A_221 = arith.constant 0 : i32
        %dma_wait3A_222 = tpu.memref_slice %arg5[%dma_wait3A_220, %dma_wait3A_221] : memref<800000x32xf32, #tpu.memory_space<hbm>> -> memref<128x32xf32, #tpu.memory_space<hbm>>
        %dma_wait3A_223 = arith.constant 0 : i32
        %dma_wait3A_224 = arith.constant 0 : i32
        %dma_wait3A_225 = tpu.memref_slice %arg5[%dma_wait3A_223, %dma_wait3A_224] : memref<800000x32xf32, #tpu.memory_space<hbm>> -> memref<128x32xf32, #tpu.memory_space<hbm>>
        tpu.wait_dma2 semaphore(%arg26 : memref<!tpu.dma_semaphore, #tpu.memory_space<semaphore_mem>>) src(%dma_wait3A_225 : memref<128x32xf32, #tpu.memory_space<hbm>>) dst(%arg19 : memref<128x32xf32, #tpu.memory_space<vmem>>)
        %dma_wait3A_226 = arith.constant 0 : i32
        %dma_wait3A_227 = arith.constant 0 : i32
        %dma_wait3A_228 = tpu.memref_slice %arg8[%dma_wait3A_226, %dma_wait3A_227] : memref<1x128xi32, #tpu.memory_space<vmem>> -> memref<1x128xi32, #tpu.memory_space<vmem>>
        %dma_wait3A_229 = tpu.memref_squeeze %dma_wait3A_228 : memref<1x128xi32, #tpu.memory_space<vmem>> -> memref<128xi32, #tpu.memory_space<vmem>>
        %dma_wait3A_230 = arith.constant 0 : i32
        %dma_wait3A_231 = arith.constant 0 : i32
        %dma_wait3A_232 = tpu.memref_slice %arg2[%dma_wait3A_230, %dma_wait3A_231] : memref<50000x32xf32, #tpu.memory_space<hbm>> -> memref<50000x32xf32, #tpu.memory_space<hbm>>
        tpu.wait_indirect_dma semaphore(%arg28 : memref<!tpu.dma_semaphore, #tpu.memory_space<semaphore_mem>>) src(%dma_wait3A_232 : memref<50000x32xf32, #tpu.memory_space<hbm>>) dst(%arg17 : memref<128x32xf32, #tpu.memory_space<vmem>>)
        %scan3A_233 = arith.constant 0 : i32
        %scan3A_234 = arith.constant 0 : i32
        %scan3A_235 = arith.constant 128 : i32
        %scan3A_236 = arith.addi %scan3A_234, %scan3A_235 : i32
        %scan3A_237 = arith.constant 1 : i32
        scf.for %scan3A_246 = %scan3A_234 to %scan3A_236 step %scan3A_237  : i32 {
          %get3A = arith.index_cast %scan3A_246 : i32 to index
          %get3A_247 = arith.constant 0 : index
          %get3A_248 = tpu.vector_load %arg17[%get3A, %get3A_247] {strides = array<i32>} : memref<128x32xf32, #tpu.memory_space<vmem>>, vector<1x16xf32>,
          %get3A_249 = vector.shape_cast %get3A_248 : vector<1x16xf32> to vector<16xf32>
          %get3A_250 = arith.index_cast %scan3A_246 : i32 to index
          %get3A_251 = arith.constant 0 : index
          %get3A_252 = tpu.vector_load %arg19[%get3A_250, %get3A_251] {strides = array<i32>} : memref<128x32xf32, #tpu.memory_space<vmem>>, vector<1x16xf32>,
          %get3A_253 = vector.shape_cast %get3A_252 : vector<1x16xf32> to vector<16xf32>
          %add3A_254 = arith.addf %get3A_249, %get3A_253 : vector<16xf32>
          %max3A = arith.constant 0.000000e+00 : f32
          %max3A_255 = vector.broadcast %max3A : f32 to vector<16xf32>
          %max3A_256 = arith.maximumf %add3A_254, %max3A_255 : vector<16xf32>
          %swap3A = arith.index_cast %scan3A_246 : i32 to index
          %swap3A_257 = arith.constant 0 : index
          %swap3A_258 = tpu.vector_load %arg17[%swap3A, %swap3A_257] {strides = array<i32>} : memref<128x32xf32, #tpu.memory_space<vmem>>, vector<1x16xf32>,
          %swap3A_259 = vector.shape_cast %swap3A_258 : vector<1x16xf32> to vector<16xf32>
          %swap3A_260 = vector.shape_cast %max3A_256 : vector<16xf32> to vector<1x16xf32>
          tpu.vector_store %arg17[%swap3A, %swap3A_257], %swap3A_260 {strides = array<i32>} : memref<128x32xf32, #tpu.memory_space<vmem>>, vector<1x16xf32>,
          %get3A_261 = arith.index_cast %scan3A_246 : i32 to index
          %get3A_262 = arith.constant 16 : index
          %get3A_263 = tpu.vector_load %arg17[%get3A_261, %get3A_262] {strides = array<i32>} : memref<128x32xf32, #tpu.memory_space<vmem>>, vector<1x16xf32>,
          %get3A_264 = vector.shape_cast %get3A_263 : vector<1x16xf32> to vector<16xf32>
          %get3A_265 = arith.index_cast %scan3A_246 : i32 to index
          %get3A_266 = arith.constant 16 : index
          %get3A_267 = tpu.vector_load %arg19[%get3A_265, %get3A_266] {strides = array<i32>} : memref<128x32xf32, #tpu.memory_space<vmem>>, vector<1x16xf32>,
          %get3A_268 = vector.shape_cast %get3A_267 : vector<1x16xf32> to vector<16xf32>
          %add3A_269 = arith.addf %get3A_264, %get3A_268 : vector<16xf32>
          %max3A_270 = arith.constant 0.000000e+00 : f32
          %max3A_271 = vector.broadcast %max3A_270 : f32 to vector<16xf32>
          %max3A_272 = arith.maximumf %add3A_269, %max3A_271 : vector<16xf32>
          %swap3A_273 = arith.index_cast %scan3A_246 : i32 to index
          %swap3A_274 = arith.constant 16 : index
          %swap3A_275 = tpu.vector_load %arg17[%swap3A_273, %swap3A_274] {strides = array<i32>} : memref<128x32xf32, #tpu.memory_space<vmem>>, vector<1x16xf32>,
          %swap3A_276 = vector.shape_cast %swap3A_275 : vector<1x16xf32> to vector<16xf32>
          %swap3A_277 = vector.shape_cast %max3A_272 : vector<16xf32> to vector<1x16xf32>
          tpu.vector_store %arg17[%swap3A_273, %swap3A_274], %swap3A_277 {strides = array<i32>} : memref<128x32xf32, #tpu.memory_space<vmem>>, vector<1x16xf32>,
        }
        %scan3A_238 = arith.constant 128 : i32
        %dma_start3A_239 = arith.constant 0 : i32
        %dma_start3A_240 = arith.constant 0 : i32
        %dma_start3A_241 = tpu.memref_slice %arg13[%dma_start3A_239, %dma_start3A_240] : memref<1x128xi32, #tpu.memory_space<vmem>> -> memref<1x128xi32, #tpu.memory_space<vmem>>
        %dma_start3A_242 = tpu.memref_squeeze %dma_start3A_241 : memref<1x128xi32, #tpu.memory_space<vmem>> -> memref<128xi32, #tpu.memory_space<vmem>>
        %dma_start3A_243 = arith.constant 0 : i32
        %dma_start3A_244 = arith.constant 0 : i32
        %dma_start3A_245 = tpu.memref_slice %arg7[%dma_start3A_243, %dma_start3A_244] : memref<50000x32xf32, #tpu.memory_space<vmem_shared>> -> memref<50000x32xf32, #tpu.memory_space<vmem_shared>>
        tpu.enqueue_indirect_dma source(%arg17 : memref<128x32xf32, #tpu.memory_space<vmem>>) target(%dma_start3A_245 : memref<50000x32xf32, #tpu.memory_space<vmem_shared>>) offsets(%dma_start3A_242 : memref<128xi32, #tpu.memory_space<vmem>>) semaphore(%arg30 : memref<!tpu.dma_semaphore, #tpu.memory_space<semaphore_mem>>) {add = true}
      } else {
      }
      %mul3A_180 = arith.constant 4 : i32
      %mul3A_181 = arith.muli %scan3A_139, %mul3A_180 : i32
      %add3A_182 = arith.constant 2 : i32
      %add3A_183 = arith.addi %mul3A_181, %add3A_182 : i32
      %add3A_184 = arith.constant 2 : i32
      %add3A_185 = arith.addi %add3A_183, %add3A_184 : i32
      %lt3A_186 = arith.cmpi slt, %add3A_185, %add3A_7 : i32
      %convert_element_type3A_187 = arith.extui %lt3A_186 : i1 to i32
      %cond3A_188 = arith.constant 0 : i32
      %cond3A_189 = arith.cmpi ne, %convert_element_type3A_187, %cond3A_188 : i32
      scf.if %cond3A_189 {
        %add3A_220 = arith.constant 2 : i32
        %add3A_221 = arith.addi %add3A_183, %add3A_220 : i32
        %add3A_222 = arith.addi %add3A_4, %add3A_221 : i32
        %dma_start3A_223 = arith.constant 0 : i32
        %dma_start3A_224 = arith.constant 0 : i32
        %dma_start3A_225 = tpu.memref_slice %arg8[%dma_start3A_223, %dma_start3A_224] : memref<1x128xi32, #tpu.memory_space<vmem>> -> memref<1x128xi32, #tpu.memory_space<vmem>>
        %dma_start3A_226 = arith.constant 0 : i32
        %dma_start3A_227 = tpu.memref_slice %arg3[%add3A_222, %dma_start3A_226] : memref<6250x128xi32, #tpu.memory_space<hbm>> -> memref<1x128xi32, #tpu.memory_space<hbm>>
        %dma_start3A_228 = arith.constant 0 : i32
        %dma_start3A_229 = arith.constant 0 : i32
        %dma_start3A_230 = tpu.memref_slice %arg8[%dma_start3A_228, %dma_start3A_229] : memref<1x128xi32, #tpu.memory_space<vmem>> -> memref<1x128xi32, #tpu.memory_space<vmem>>
        %dma_start3A_231 = arith.constant 0 : i32
        %dma_start3A_232 = tpu.memref_slice %arg3[%add3A_222, %dma_start3A_231] : memref<6250x128xi32, #tpu.memory_space<hbm>> -> memref<1x128xi32, #tpu.memory_space<hbm>>
        tpu.enqueue_dma source(%dma_start3A_232 : memref<1x128xi32, #tpu.memory_space<hbm>>) target(%dma_start3A_230 : memref<1x128xi32, #tpu.memory_space<vmem>>) target_semaphore(%arg21 : memref<!tpu.dma_semaphore, #tpu.memory_space<semaphore_mem>>)
        %add3A_233 = arith.addi %add3A_4, %add3A_221 : i32
        %dma_start3A_234 = arith.constant 0 : i32
        %dma_start3A_235 = arith.constant 0 : i32
        %dma_start3A_236 = tpu.memref_slice %arg12[%dma_start3A_234, %dma_start3A_235] : memref<1x128xi32, #tpu.memory_space<vmem>> -> memref<1x128xi32, #tpu.memory_space<vmem>>
        %dma_start3A_237 = arith.constant 0 : i32
        %dma_start3A_238 = tpu.memref_slice %arg4[%add3A_233, %dma_start3A_237] : memref<6250x128xi32, #tpu.memory_space<hbm>> -> memref<1x128xi32, #tpu.memory_space<hbm>>
        %dma_start3A_239 = arith.constant 0 : i32
        %dma_start3A_240 = arith.constant 0 : i32
        %dma_start3A_241 = tpu.memref_slice %arg12[%dma_start3A_239, %dma_start3A_240] : memref<1x128xi32, #tpu.memory_space<vmem>> -> memref<1x128xi32, #tpu.memory_space<vmem>>
        %dma_start3A_242 = arith.constant 0 : i32
        %dma_start3A_243 = tpu.memref_slice %arg4[%add3A_233, %dma_start3A_242] : memref<6250x128xi32, #tpu.memory_space<hbm>> -> memref<1x128xi32, #tpu.memory_space<hbm>>
        tpu.enqueue_dma source(%dma_start3A_243 : memref<1x128xi32, #tpu.memory_space<hbm>>) target(%dma_start3A_241 : memref<1x128xi32, #tpu.memory_space<vmem>>) target_semaphore(%arg21 : memref<!tpu.dma_semaphore, #tpu.memory_space<semaphore_mem>>)
      } else {
      }
      %add3A_190 = arith.constant 1 : i32
      %add3A_191 = arith.addi %add3A_183, %add3A_190 : i32
      %lt3A_192 = arith.cmpi slt, %add3A_191, %add3A_7 : i32
      %convert_element_type3A_193 = arith.extui %lt3A_192 : i1 to i32
      %cond3A_194 = arith.constant 0 : i32
      %cond3A_195 = arith.cmpi ne, %convert_element_type3A_193, %cond3A_194 : i32
      scf.if %cond3A_195 {
        %ge3A = arith.constant 1 : i32
        %ge3A_220 = arith.cmpi sge, %add3A_183, %ge3A : i32
        %convert_element_type3A_221 = arith.extui %ge3A_220 : i1 to i32
        %cond3A_222 = arith.constant 0 : i32
        %cond3A_223 = arith.cmpi ne, %convert_element_type3A_221, %cond3A_222 : i32
        scf.if %cond3A_223 {
          %dma_wait3A_264 = arith.constant 0 : i32
          %dma_wait3A_265 = arith.constant 0 : i32
          %dma_wait3A_266 = tpu.memref_slice %arg12[%dma_wait3A_264, %dma_wait3A_265] : memref<1x128xi32, #tpu.memory_space<vmem>> -> memref<1x128xi32, #tpu.memory_space<vmem>>
          %dma_wait3A_267 = tpu.memref_squeeze %dma_wait3A_266 : memref<1x128xi32, #tpu.memory_space<vmem>> -> memref<128xi32, #tpu.memory_space<vmem>>
          %dma_wait3A_268 = arith.constant 0 : i32
          %dma_wait3A_269 = arith.constant 0 : i32
          %dma_wait3A_270 = tpu.memref_slice %arg7[%dma_wait3A_268, %dma_wait3A_269] : memref<50000x32xf32, #tpu.memory_space<vmem_shared>> -> memref<50000x32xf32, #tpu.memory_space<vmem_shared>>
          tpu.wait_indirect_dma semaphore(%arg30 : memref<!tpu.dma_semaphore, #tpu.memory_space<semaphore_mem>>) src(%arg17 : memref<128x32xf32, #tpu.memory_space<vmem>>) dst(%dma_wait3A_270 : memref<50000x32xf32, #tpu.memory_space<vmem_shared>>)
        } else {
        }
        %dma_wait3A_224 = arith.constant 0 : i32
        %dma_wait3A_225 = arith.constant 0 : i32
        %dma_wait3A_226 = tpu.memref_slice %arg11[%dma_wait3A_224, %dma_wait3A_225] : memref<1x128xi32, #tpu.memory_space<vmem>> -> memref<1x128xi32, #tpu.memory_space<vmem>>
        %dma_wait3A_227 = arith.constant 0 : i32
        %dma_wait3A_228 = arith.constant 0 : i32
        %dma_wait3A_229 = tpu.memref_slice %arg3[%dma_wait3A_227, %dma_wait3A_228] : memref<6250x128xi32, #tpu.memory_space<hbm>> -> memref<1x128xi32, #tpu.memory_space<hbm>>
        %dma_wait3A_230 = arith.constant 0 : i32
        %dma_wait3A_231 = arith.constant 0 : i32
        %dma_wait3A_232 = tpu.memref_slice %arg11[%dma_wait3A_230, %dma_wait3A_231] : memref<1x128xi32, #tpu.memory_space<vmem>> -> memref<1x128xi32, #tpu.memory_space<vmem>>
        %dma_wait3A_233 = arith.constant 0 : i32
        %dma_wait3A_234 = arith.constant 0 : i32
        %dma_wait3A_235 = tpu.memref_slice %arg3[%dma_wait3A_233, %dma_wait3A_234] : memref<6250x128xi32, #tpu.memory_space<hbm>> -> memref<1x128xi32, #tpu.memory_space<hbm>>
        tpu.wait_dma2 semaphore(%arg24 : memref<!tpu.dma_semaphore, #tpu.memory_space<semaphore_mem>>) src(%dma_wait3A_235 : memref<1x128xi32, #tpu.memory_space<hbm>>) dst(%dma_wait3A_232 : memref<1x128xi32, #tpu.memory_space<vmem>>)
        %dma_wait3A_236 = arith.constant 0 : i32
        %dma_wait3A_237 = arith.constant 0 : i32
        %dma_wait3A_238 = tpu.memref_slice %arg15[%dma_wait3A_236, %dma_wait3A_237] : memref<1x128xi32, #tpu.memory_space<vmem>> -> memref<1x128xi32, #tpu.memory_space<vmem>>
        %dma_wait3A_239 = arith.constant 0 : i32
        %dma_wait3A_240 = arith.constant 0 : i32
        %dma_wait3A_241 = tpu.memref_slice %arg4[%dma_wait3A_239, %dma_wait3A_240] : memref<6250x128xi32, #tpu.memory_space<hbm>> -> memref<1x128xi32, #tpu.memory_space<hbm>>
        %dma_wait3A_242 = arith.constant 0 : i32
        %dma_wait3A_243 = arith.constant 0 : i32
        %dma_wait3A_244 = tpu.memref_slice %arg15[%dma_wait3A_242, %dma_wait3A_243] : memref<1x128xi32, #tpu.memory_space<vmem>> -> memref<1x128xi32, #tpu.memory_space<vmem>>
        %dma_wait3A_245 = arith.constant 0 : i32
        %dma_wait3A_246 = arith.constant 0 : i32
        %dma_wait3A_247 = tpu.memref_slice %arg4[%dma_wait3A_245, %dma_wait3A_246] : memref<6250x128xi32, #tpu.memory_space<hbm>> -> memref<1x128xi32, #tpu.memory_space<hbm>>
        tpu.wait_dma2 semaphore(%arg24 : memref<!tpu.dma_semaphore, #tpu.memory_space<semaphore_mem>>) src(%dma_wait3A_247 : memref<1x128xi32, #tpu.memory_space<hbm>>) dst(%dma_wait3A_244 : memref<1x128xi32, #tpu.memory_space<vmem>>)
        %add3A_248 = arith.constant 1 : i32
        %add3A_249 = arith.addi %add3A_183, %add3A_248 : i32
        %add3A_250 = arith.addi %add3A_4, %add3A_249 : i32
        %mul3A_251 = arith.constant 128 : i32
        %mul3A_252 = arith.muli %add3A_250, %mul3A_251 : i32
        %dma_start3A_253 = arith.constant 0 : i32
        %dma_start3A_254 = tpu.memref_slice %arg5[%mul3A_252, %dma_start3A_253] : memref<800000x32xf32, #tpu.memory_space<hbm>> -> memref<128x32xf32, #tpu.memory_space<hbm>>
        %dma_start3A_255 = arith.constant 0 : i32
        %dma_start3A_256 = tpu.memref_slice %arg5[%mul3A_252, %dma_start3A_255] : memref<800000x32xf32, #tpu.memory_space<hbm>> -> memref<128x32xf32, #tpu.memory_space<hbm>>
        tpu.enqueue_dma source(%dma_start3A_256 : memref<128x32xf32, #tpu.memory_space<hbm>>) target(%arg19 : memref<128x32xf32, #tpu.memory_space<vmem>>) target_semaphore(%arg26 : memref<!tpu.dma_semaphore, #tpu.memory_space<semaphore_mem>>)
        %dma_start3A_257 = arith.constant 0 : i32
        %dma_start3A_258 = arith.constant 0 : i32
        %dma_start3A_259 = tpu.memref_slice %arg11[%dma_start3A_257, %dma_start3A_258] : memref<1x128xi32, #tpu.memory_space<vmem>> -> memref<1x128xi32, #tpu.memory_space<vmem>>
        %dma_start3A_260 = tpu.memref_squeeze %dma_start3A_259 : memref<1x128xi32, #tpu.memory_space<vmem>> -> memref<128xi32, #tpu.memory_space<vmem>>
        %dma_start3A_261 = arith.constant 0 : i32
        %dma_start3A_262 = arith.constant 0 : i32
        %dma_start3A_263 = tpu.memref_slice %arg2[%dma_start3A_261, %dma_start3A_262] : memref<50000x32xf32, #tpu.memory_space<hbm>> -> memref<50000x32xf32, #tpu.memory_space<hbm>>
        tpu.enqueue_indirect_dma source(%dma_start3A_263 : memref<50000x32xf32, #tpu.memory_space<hbm>>) target(%arg17 : memref<128x32xf32, #tpu.memory_space<vmem>>) offsets(%dma_start3A_260 : memref<128xi32, #tpu.memory_space<vmem>>) semaphore(%arg28 : memref<!tpu.dma_semaphore, #tpu.memory_space<semaphore_mem>>)
      } else {
      }
      %lt3A_196 = arith.cmpi slt, %add3A_183, %add3A_7 : i32
      %convert_element_type3A_197 = arith.extui %lt3A_196 : i1 to i32
      %cond3A_198 = arith.constant 0 : i32
      %cond3A_199 = arith.cmpi ne, %convert_element_type3A_197, %cond3A_198 : i32
      scf.if %cond3A_199 {
        %dma_wait3A_220 = arith.constant 0 : i32
        %dma_wait3A_221 = arith.constant 0 : i32
        %dma_wait3A_222 = tpu.memref_slice %arg5[%dma_wait3A_220, %dma_wait3A_221] : memref<800000x32xf32, #tpu.memory_space<hbm>> -> memref<128x32xf32, #tpu.memory_space<hbm>>
        %dma_wait3A_223 = arith.constant 0 : i32
        %dma_wait3A_224 = arith.constant 0 : i32
        %dma_wait3A_225 = tpu.memref_slice %arg5[%dma_wait3A_223, %dma_wait3A_224] : memref<800000x32xf32, #tpu.memory_space<hbm>> -> memref<128x32xf32, #tpu.memory_space<hbm>>
        tpu.wait_dma2 semaphore(%arg25 : memref<!tpu.dma_semaphore, #tpu.memory_space<semaphore_mem>>) src(%dma_wait3A_225 : memref<128x32xf32, #tpu.memory_space<hbm>>) dst(%arg18 : memref<128x32xf32, #tpu.memory_space<vmem>>)
        %dma_wait3A_226 = arith.constant 0 : i32
        %dma_wait3A_227 = arith.constant 0 : i32
        %dma_wait3A_228 = tpu.memref_slice %arg8[%dma_wait3A_226, %dma_wait3A_227] : memref<1x128xi32, #tpu.memory_space<vmem>> -> memref<1x128xi32, #tpu.memory_space<vmem>>
        %dma_wait3A_229 = tpu.memref_squeeze %dma_wait3A_228 : memref<1x128xi32, #tpu.memory_space<vmem>> -> memref<128xi32, #tpu.memory_space<vmem>>
        %dma_wait3A_230 = arith.constant 0 : i32
        %dma_wait3A_231 = arith.constant 0 : i32
        %dma_wait3A_232 = tpu.memref_slice %arg2[%dma_wait3A_230, %dma_wait3A_231] : memref<50000x32xf32, #tpu.memory_space<hbm>> -> memref<50000x32xf32, #tpu.memory_space<hbm>>
        tpu.wait_indirect_dma semaphore(%arg27 : memref<!tpu.dma_semaphore, #tpu.memory_space<semaphore_mem>>) src(%dma_wait3A_232 : memref<50000x32xf32, #tpu.memory_space<hbm>>) dst(%arg16 : memref<128x32xf32, #tpu.memory_space<vmem>>)
        %scan3A_233 = arith.constant 0 : i32
        %scan3A_234 = arith.constant 0 : i32
        %scan3A_235 = arith.constant 128 : i32
        %scan3A_236 = arith.addi %scan3A_234, %scan3A_235 : i32
        %scan3A_237 = arith.constant 1 : i32
        scf.for %scan3A_246 = %scan3A_234 to %scan3A_236 step %scan3A_237  : i32 {
          %get3A = arith.index_cast %scan3A_246 : i32 to index
          %get3A_247 = arith.constant 0 : index
          %get3A_248 = tpu.vector_load %arg16[%get3A, %get3A_247] {strides = array<i32>} : memref<128x32xf32, #tpu.memory_space<vmem>>, vector<1x16xf32>,
          %get3A_249 = vector.shape_cast %get3A_248 : vector<1x16xf32> to vector<16xf32>
          %get3A_250 = arith.index_cast %scan3A_246 : i32 to index
          %get3A_251 = arith.constant 0 : index
          %get3A_252 = tpu.vector_load %arg18[%get3A_250, %get3A_251] {strides = array<i32>} : memref<128x32xf32, #tpu.memory_space<vmem>>, vector<1x16xf32>,
          %get3A_253 = vector.shape_cast %get3A_252 : vector<1x16xf32> to vector<16xf32>
          %add3A_254 = arith.addf %get3A_249, %get3A_253 : vector<16xf32>
          %max3A = arith.constant 0.000000e+00 : f32
          %max3A_255 = vector.broadcast %max3A : f32 to vector<16xf32>
          %max3A_256 = arith.maximumf %add3A_254, %max3A_255 : vector<16xf32>
          %swap3A = arith.index_cast %scan3A_246 : i32 to index
          %swap3A_257 = arith.constant 0 : index
          %swap3A_258 = tpu.vector_load %arg16[%swap3A, %swap3A_257] {strides = array<i32>} : memref<128x32xf32, #tpu.memory_space<vmem>>, vector<1x16xf32>,
          %swap3A_259 = vector.shape_cast %swap3A_258 : vector<1x16xf32> to vector<16xf32>
          %swap3A_260 = vector.shape_cast %max3A_256 : vector<16xf32> to vector<1x16xf32>
          tpu.vector_store %arg16[%swap3A, %swap3A_257], %swap3A_260 {strides = array<i32>} : memref<128x32xf32, #tpu.memory_space<vmem>>, vector<1x16xf32>,
          %get3A_261 = arith.index_cast %scan3A_246 : i32 to index
          %get3A_262 = arith.constant 16 : index
          %get3A_263 = tpu.vector_load %arg16[%get3A_261, %get3A_262] {strides = array<i32>} : memref<128x32xf32, #tpu.memory_space<vmem>>, vector<1x16xf32>,
          %get3A_264 = vector.shape_cast %get3A_263 : vector<1x16xf32> to vector<16xf32>
          %get3A_265 = arith.index_cast %scan3A_246 : i32 to index
          %get3A_266 = arith.constant 16 : index
          %get3A_267 = tpu.vector_load %arg18[%get3A_265, %get3A_266] {strides = array<i32>} : memref<128x32xf32, #tpu.memory_space<vmem>>, vector<1x16xf32>,
          %get3A_268 = vector.shape_cast %get3A_267 : vector<1x16xf32> to vector<16xf32>
          %add3A_269 = arith.addf %get3A_264, %get3A_268 : vector<16xf32>
          %max3A_270 = arith.constant 0.000000e+00 : f32
          %max3A_271 = vector.broadcast %max3A_270 : f32 to vector<16xf32>
          %max3A_272 = arith.maximumf %add3A_269, %max3A_271 : vector<16xf32>
          %swap3A_273 = arith.index_cast %scan3A_246 : i32 to index
          %swap3A_274 = arith.constant 16 : index
          %swap3A_275 = tpu.vector_load %arg16[%swap3A_273, %swap3A_274] {strides = array<i32>} : memref<128x32xf32, #tpu.memory_space<vmem>>, vector<1x16xf32>,
          %swap3A_276 = vector.shape_cast %swap3A_275 : vector<1x16xf32> to vector<16xf32>
          %swap3A_277 = vector.shape_cast %max3A_272 : vector<16xf32> to vector<1x16xf32>
          tpu.vector_store %arg16[%swap3A_273, %swap3A_274], %swap3A_277 {strides = array<i32>} : memref<128x32xf32, #tpu.memory_space<vmem>>, vector<1x16xf32>,
        }
        %scan3A_238 = arith.constant 128 : i32
        %dma_start3A_239 = arith.constant 0 : i32
        %dma_start3A_240 = arith.constant 0 : i32
        %dma_start3A_241 = tpu.memref_slice %arg14[%dma_start3A_239, %dma_start3A_240] : memref<1x128xi32, #tpu.memory_space<vmem>> -> memref<1x128xi32, #tpu.memory_space<vmem>>
        %dma_start3A_242 = tpu.memref_squeeze %dma_start3A_241 : memref<1x128xi32, #tpu.memory_space<vmem>> -> memref<128xi32, #tpu.memory_space<vmem>>
        %dma_start3A_243 = arith.constant 0 : i32
        %dma_start3A_244 = arith.constant 0 : i32
        %dma_start3A_245 = tpu.memref_slice %arg7[%dma_start3A_243, %dma_start3A_244] : memref<50000x32xf32, #tpu.memory_space<vmem_shared>> -> memref<50000x32xf32, #tpu.memory_space<vmem_shared>>
        tpu.enqueue_indirect_dma source(%arg16 : memref<128x32xf32, #tpu.memory_space<vmem>>) target(%dma_start3A_245 : memref<50000x32xf32, #tpu.memory_space<vmem_shared>>) offsets(%dma_start3A_242 : memref<128xi32, #tpu.memory_space<vmem>>) semaphore(%arg29 : memref<!tpu.dma_semaphore, #tpu.memory_space<semaphore_mem>>) {add = true}
      } else {
      }
      %mul3A_200 = arith.constant 4 : i32
      %mul3A_201 = arith.muli %scan3A_139, %mul3A_200 : i32
      %add3A_202 = arith.constant 3 : i32
      %add3A_203 = arith.addi %mul3A_201, %add3A_202 : i32
      %add3A_204 = arith.constant 2 : i32
      %add3A_205 = arith.addi %add3A_203, %add3A_204 : i32
      %lt3A_206 = arith.cmpi slt, %add3A_205, %add3A_7 : i32
      %convert_element_type3A_207 = arith.extui %lt3A_206 : i1 to i32
      %cond3A_208 = arith.constant 0 : i32
      %cond3A_209 = arith.cmpi ne, %convert_element_type3A_207, %cond3A_208 : i32
      scf.if %cond3A_209 {
        %add3A_220 = arith.constant 2 : i32
        %add3A_221 = arith.addi %add3A_203, %add3A_220 : i32
        %add3A_222 = arith.addi %add3A_4, %add3A_221 : i32
        %dma_start3A_223 = arith.constant 0 : i32
        %dma_start3A_224 = arith.constant 0 : i32
        %dma_start3A_225 = tpu.memref_slice %arg9[%dma_start3A_223, %dma_start3A_224] : memref<1x128xi32, #tpu.memory_space<vmem>> -> memref<1x128xi32, #tpu.memory_space<vmem>>
        %dma_start3A_226 = arith.constant 0 : i32
        %dma_start3A_227 = tpu.memref_slice %arg3[%add3A_222, %dma_start3A_226] : memref<6250x128xi32, #tpu.memory_space<hbm>> -> memref<1x128xi32, #tpu.memory_space<hbm>>
        %dma_start3A_228 = arith.constant 0 : i32
        %dma_start3A_229 = arith.constant 0 : i32
        %dma_start3A_230 = tpu.memref_slice %arg9[%dma_start3A_228, %dma_start3A_229] : memref<1x128xi32, #tpu.memory_space<vmem>> -> memref<1x128xi32, #tpu.memory_space<vmem>>
        %dma_start3A_231 = arith.constant 0 : i32
        %dma_start3A_232 = tpu.memref_slice %arg3[%add3A_222, %dma_start3A_231] : memref<6250x128xi32, #tpu.memory_space<hbm>> -> memref<1x128xi32, #tpu.memory_space<hbm>>
        tpu.enqueue_dma source(%dma_start3A_232 : memref<1x128xi32, #tpu.memory_space<hbm>>) target(%dma_start3A_230 : memref<1x128xi32, #tpu.memory_space<vmem>>) target_semaphore(%arg22 : memref<!tpu.dma_semaphore, #tpu.memory_space<semaphore_mem>>)
        %add3A_233 = arith.addi %add3A_4, %add3A_221 : i32
        %dma_start3A_234 = arith.constant 0 : i32
        %dma_start3A_235 = arith.constant 0 : i32
        %dma_start3A_236 = tpu.memref_slice %arg13[%dma_start3A_234, %dma_start3A_235] : memref<1x128xi32, #tpu.memory_space<vmem>> -> memref<1x128xi32, #tpu.memory_space<vmem>>
        %dma_start3A_237 = arith.constant 0 : i32
        %dma_start3A_238 = tpu.memref_slice %arg4[%add3A_233, %dma_start3A_237] : memref<6250x128xi32, #tpu.memory_space<hbm>> -> memref<1x128xi32, #tpu.memory_space<hbm>>
        %dma_start3A_239 = arith.constant 0 : i32
        %dma_start3A_240 = arith.constant 0 : i32
        %dma_start3A_241 = tpu.memref_slice %arg13[%dma_start3A_239, %dma_start3A_240] : memref<1x128xi32, #tpu.memory_space<vmem>> -> memref<1x128xi32, #tpu.memory_space<vmem>>
        %dma_start3A_242 = arith.constant 0 : i32
        %dma_start3A_243 = tpu.memref_slice %arg4[%add3A_233, %dma_start3A_242] : memref<6250x128xi32, #tpu.memory_space<hbm>> -> memref<1x128xi32, #tpu.memory_space<hbm>>
        tpu.enqueue_dma source(%dma_start3A_243 : memref<1x128xi32, #tpu.memory_space<hbm>>) target(%dma_start3A_241 : memref<1x128xi32, #tpu.memory_space<vmem>>) target_semaphore(%arg22 : memref<!tpu.dma_semaphore, #tpu.memory_space<semaphore_mem>>)
      } else {
      }
      %add3A_210 = arith.constant 1 : i32
      %add3A_211 = arith.addi %add3A_203, %add3A_210 : i32
      %lt3A_212 = arith.cmpi slt, %add3A_211, %add3A_7 : i32
      %convert_element_type3A_213 = arith.extui %lt3A_212 : i1 to i32
      %cond3A_214 = arith.constant 0 : i32
      %cond3A_215 = arith.cmpi ne, %convert_element_type3A_213, %cond3A_214 : i32
      scf.if %cond3A_215 {
        %ge3A = arith.constant 1 : i32
        %ge3A_220 = arith.cmpi sge, %add3A_203, %ge3A : i32
        %convert_element_type3A_221 = arith.extui %ge3A_220 : i1 to i32
        %cond3A_222 = arith.constant 0 : i32
        %cond3A_223 = arith.cmpi ne, %convert_element_type3A_221, %cond3A_222 : i32
        scf.if %cond3A_223 {
          %dma_wait3A_264 = arith.constant 0 : i32
          %dma_wait3A_265 = arith.constant 0 : i32
          %dma_wait3A_266 = tpu.memref_slice %arg12[%dma_wait3A_264, %dma_wait3A_265] : memref<1x128xi32, #tpu.memory_space<vmem>> -> memref<1x128xi32, #tpu.memory_space<vmem>>
          %dma_wait3A_267 = tpu.memref_squeeze %dma_wait3A_266 : memref<1x128xi32, #tpu.memory_space<vmem>> -> memref<128xi32, #tpu.memory_space<vmem>>
          %dma_wait3A_268 = arith.constant 0 : i32
          %dma_wait3A_269 = arith.constant 0 : i32
          %dma_wait3A_270 = tpu.memref_slice %arg7[%dma_wait3A_268, %dma_wait3A_269] : memref<50000x32xf32, #tpu.memory_space<vmem_shared>> -> memref<50000x32xf32, #tpu.memory_space<vmem_shared>>
          tpu.wait_indirect_dma semaphore(%arg29 : memref<!tpu.dma_semaphore, #tpu.memory_space<semaphore_mem>>) src(%arg16 : memref<128x32xf32, #tpu.memory_space<vmem>>) dst(%dma_wait3A_270 : memref<50000x32xf32, #tpu.memory_space<vmem_shared>>)
        } else {
        }
        %dma_wait3A_224 = arith.constant 0 : i32
        %dma_wait3A_225 = arith.constant 0 : i32
        %dma_wait3A_226 = tpu.memref_slice %arg8[%dma_wait3A_224, %dma_wait3A_225] : memref<1x128xi32, #tpu.memory_space<vmem>> -> memref<1x128xi32, #tpu.memory_space<vmem>>
        %dma_wait3A_227 = arith.constant 0 : i32
        %dma_wait3A_228 = arith.constant 0 : i32
        %dma_wait3A_229 = tpu.memref_slice %arg3[%dma_wait3A_227, %dma_wait3A_228] : memref<6250x128xi32, #tpu.memory_space<hbm>> -> memref<1x128xi32, #tpu.memory_space<hbm>>
        %dma_wait3A_230 = arith.constant 0 : i32
        %dma_wait3A_231 = arith.constant 0 : i32
        %dma_wait3A_232 = tpu.memref_slice %arg8[%dma_wait3A_230, %dma_wait3A_231] : memref<1x128xi32, #tpu.memory_space<vmem>> -> memref<1x128xi32, #tpu.memory_space<vmem>>
        %dma_wait3A_233 = arith.constant 0 : i32
        %dma_wait3A_234 = arith.constant 0 : i32
        %dma_wait3A_235 = tpu.memref_slice %arg3[%dma_wait3A_233, %dma_wait3A_234] : memref<6250x128xi32, #tpu.memory_space<hbm>> -> memref<1x128xi32, #tpu.memory_space<hbm>>
        tpu.wait_dma2 semaphore(%arg21 : memref<!tpu.dma_semaphore, #tpu.memory_space<semaphore_mem>>) src(%dma_wait3A_235 : memref<1x128xi32, #tpu.memory_space<hbm>>) dst(%dma_wait3A_232 : memref<1x128xi32, #tpu.memory_space<vmem>>)
        %dma_wait3A_236 = arith.constant 0 : i32
        %dma_wait3A_237 = arith.constant 0 : i32
        %dma_wait3A_238 = tpu.memref_slice %arg12[%dma_wait3A_236, %dma_wait3A_237] : memref<1x128xi32, #tpu.memory_space<vmem>> -> memref<1x128xi32, #tpu.memory_space<vmem>>
        %dma_wait3A_239 = arith.constant 0 : i32
        %dma_wait3A_240 = arith.constant 0 : i32
        %dma_wait3A_241 = tpu.memref_slice %arg4[%dma_wait3A_239, %dma_wait3A_240] : memref<6250x128xi32, #tpu.memory_space<hbm>> -> memref<1x128xi32, #tpu.memory_space<hbm>>
        %dma_wait3A_242 = arith.constant 0 : i32
        %dma_wait3A_243 = arith.constant 0 : i32
        %dma_wait3A_244 = tpu.memref_slice %arg12[%dma_wait3A_242, %dma_wait3A_243] : memref<1x128xi32, #tpu.memory_space<vmem>> -> memref<1x128xi32, #tpu.memory_space<vmem>>
        %dma_wait3A_245 = arith.constant 0 : i32
        %dma_wait3A_246 = arith.constant 0 : i32
        %dma_wait3A_247 = tpu.memref_slice %arg4[%dma_wait3A_245, %dma_wait3A_246] : memref<6250x128xi32, #tpu.memory_space<hbm>> -> memref<1x128xi32, #tpu.memory_space<hbm>>
        tpu.wait_dma2 semaphore(%arg21 : memref<!tpu.dma_semaphore, #tpu.memory_space<semaphore_mem>>) src(%dma_wait3A_247 : memref<1x128xi32, #tpu.memory_space<hbm>>) dst(%dma_wait3A_244 : memref<1x128xi32, #tpu.memory_space<vmem>>)
        %add3A_248 = arith.constant 1 : i32
        %add3A_249 = arith.addi %add3A_203, %add3A_248 : i32
        %add3A_250 = arith.addi %add3A_4, %add3A_249 : i32
        %mul3A_251 = arith.constant 128 : i32
        %mul3A_252 = arith.muli %add3A_250, %mul3A_251 : i32
        %dma_start3A_253 = arith.constant 0 : i32
        %dma_start3A_254 = tpu.memref_slice %arg5[%mul3A_252, %dma_start3A_253] : memref<800000x32xf32, #tpu.memory_space<hbm>> -> memref<128x32xf32, #tpu.memory_space<hbm>>
        %dma_start3A_255 = arith.constant 0 : i32
        %dma_start3A_256 = tpu.memref_slice %arg5[%mul3A_252, %dma_start3A_255] : memref<800000x32xf32, #tpu.memory_space<hbm>> -> memref<128x32xf32, #tpu.memory_space<hbm>>
        tpu.enqueue_dma source(%dma_start3A_256 : memref<128x32xf32, #tpu.memory_space<hbm>>) target(%arg18 : memref<128x32xf32, #tpu.memory_space<vmem>>) target_semaphore(%arg25 : memref<!tpu.dma_semaphore, #tpu.memory_space<semaphore_mem>>)
        %dma_start3A_257 = arith.constant 0 : i32
        %dma_start3A_258 = arith.constant 0 : i32
        %dma_start3A_259 = tpu.memref_slice %arg8[%dma_start3A_257, %dma_start3A_258] : memref<1x128xi32, #tpu.memory_space<vmem>> -> memref<1x128xi32, #tpu.memory_space<vmem>>
        %dma_start3A_260 = tpu.memref_squeeze %dma_start3A_259 : memref<1x128xi32, #tpu.memory_space<vmem>> -> memref<128xi32, #tpu.memory_space<vmem>>
        %dma_start3A_261 = arith.constant 0 : i32
        %dma_start3A_262 = arith.constant 0 : i32
        %dma_start3A_263 = tpu.memref_slice %arg2[%dma_start3A_261, %dma_start3A_262] : memref<50000x32xf32, #tpu.memory_space<hbm>> -> memref<50000x32xf32, #tpu.memory_space<hbm>>
        tpu.enqueue_indirect_dma source(%dma_start3A_263 : memref<50000x32xf32, #tpu.memory_space<hbm>>) target(%arg16 : memref<128x32xf32, #tpu.memory_space<vmem>>) offsets(%dma_start3A_260 : memref<128xi32, #tpu.memory_space<vmem>>) semaphore(%arg27 : memref<!tpu.dma_semaphore, #tpu.memory_space<semaphore_mem>>)
      } else {
      }
      %lt3A_216 = arith.cmpi slt, %add3A_203, %add3A_7 : i32
      %convert_element_type3A_217 = arith.extui %lt3A_216 : i1 to i32
      %cond3A_218 = arith.constant 0 : i32
      %cond3A_219 = arith.cmpi ne, %convert_element_type3A_217, %cond3A_218 : i32
      scf.if %cond3A_219 {
        %dma_wait3A_220 = arith.constant 0 : i32
        %dma_wait3A_221 = arith.constant 0 : i32
        %dma_wait3A_222 = tpu.memref_slice %arg5[%dma_wait3A_220, %dma_wait3A_221] : memref<800000x32xf32, #tpu.memory_space<hbm>> -> memref<128x32xf32, #tpu.memory_space<hbm>>
        %dma_wait3A_223 = arith.constant 0 : i32
        %dma_wait3A_224 = arith.constant 0 : i32
        %dma_wait3A_225 = tpu.memref_slice %arg5[%dma_wait3A_223, %dma_wait3A_224] : memref<800000x32xf32, #tpu.memory_space<hbm>> -> memref<128x32xf32, #tpu.memory_space<hbm>>
        tpu.wait_dma2 semaphore(%arg26 : memref<!tpu.dma_semaphore, #tpu.memory_space<semaphore_mem>>) src(%dma_wait3A_225 : memref<128x32xf32, #tpu.memory_space<hbm>>) dst(%arg19 : memref<128x32xf32, #tpu.memory_space<vmem>>)
        %dma_wait3A_226 = arith.constant 0 : i32
        %dma_wait3A_227 = arith.constant 0 : i32
        %dma_wait3A_228 = tpu.memref_slice %arg8[%dma_wait3A_226, %dma_wait3A_227] : memref<1x128xi32, #tpu.memory_space<vmem>> -> memref<1x128xi32, #tpu.memory_space<vmem>>
        %dma_wait3A_229 = tpu.memref_squeeze %dma_wait3A_228 : memref<1x128xi32, #tpu.memory_space<vmem>> -> memref<128xi32, #tpu.memory_space<vmem>>
        %dma_wait3A_230 = arith.constant 0 : i32
        %dma_wait3A_231 = arith.constant 0 : i32
        %dma_wait3A_232 = tpu.memref_slice %arg2[%dma_wait3A_230, %dma_wait3A_231] : memref<50000x32xf32, #tpu.memory_space<hbm>> -> memref<50000x32xf32, #tpu.memory_space<hbm>>
        tpu.wait_indirect_dma semaphore(%arg28 : memref<!tpu.dma_semaphore, #tpu.memory_space<semaphore_mem>>) src(%dma_wait3A_232 : memref<50000x32xf32, #tpu.memory_space<hbm>>) dst(%arg17 : memref<128x32xf32, #tpu.memory_space<vmem>>)
        %scan3A_233 = arith.constant 0 : i32
        %scan3A_234 = arith.constant 0 : i32
        %scan3A_235 = arith.constant 128 : i32
        %scan3A_236 = arith.addi %scan3A_234, %scan3A_235 : i32
        %scan3A_237 = arith.constant 1 : i32
        scf.for %scan3A_246 = %scan3A_234 to %scan3A_236 step %scan3A_237  : i32 {
          %get3A = arith.index_cast %scan3A_246 : i32 to index
          %get3A_247 = arith.constant 0 : index
          %get3A_248 = tpu.vector_load %arg17[%get3A, %get3A_247] {strides = array<i32>} : memref<128x32xf32, #tpu.memory_space<vmem>>, vector<1x16xf32>,
          %get3A_249 = vector.shape_cast %get3A_248 : vector<1x16xf32> to vector<16xf32>
          %get3A_250 = arith.index_cast %scan3A_246 : i32 to index
          %get3A_251 = arith.constant 0 : index
          %get3A_252 = tpu.vector_load %arg19[%get3A_250, %get3A_251] {strides = array<i32>} : memref<128x32xf32, #tpu.memory_space<vmem>>, vector<1x16xf32>,
          %get3A_253 = vector.shape_cast %get3A_252 : vector<1x16xf32> to vector<16xf32>
          %add3A_254 = arith.addf %get3A_249, %get3A_253 : vector<16xf32>
          %max3A = arith.constant 0.000000e+00 : f32
          %max3A_255 = vector.broadcast %max3A : f32 to vector<16xf32>
          %max3A_256 = arith.maximumf %add3A_254, %max3A_255 : vector<16xf32>
          %swap3A = arith.index_cast %scan3A_246 : i32 to index
          %swap3A_257 = arith.constant 0 : index
          %swap3A_258 = tpu.vector_load %arg17[%swap3A, %swap3A_257] {strides = array<i32>} : memref<128x32xf32, #tpu.memory_space<vmem>>, vector<1x16xf32>,
          %swap3A_259 = vector.shape_cast %swap3A_258 : vector<1x16xf32> to vector<16xf32>
          %swap3A_260 = vector.shape_cast %max3A_256 : vector<16xf32> to vector<1x16xf32>
          tpu.vector_store %arg17[%swap3A, %swap3A_257], %swap3A_260 {strides = array<i32>} : memref<128x32xf32, #tpu.memory_space<vmem>>, vector<1x16xf32>,
          %get3A_261 = arith.index_cast %scan3A_246 : i32 to index
          %get3A_262 = arith.constant 16 : index
          %get3A_263 = tpu.vector_load %arg17[%get3A_261, %get3A_262] {strides = array<i32>} : memref<128x32xf32, #tpu.memory_space<vmem>>, vector<1x16xf32>,
          %get3A_264 = vector.shape_cast %get3A_263 : vector<1x16xf32> to vector<16xf32>
          %get3A_265 = arith.index_cast %scan3A_246 : i32 to index
          %get3A_266 = arith.constant 16 : index
          %get3A_267 = tpu.vector_load %arg19[%get3A_265, %get3A_266] {strides = array<i32>} : memref<128x32xf32, #tpu.memory_space<vmem>>, vector<1x16xf32>,
          %get3A_268 = vector.shape_cast %get3A_267 : vector<1x16xf32> to vector<16xf32>
          %add3A_269 = arith.addf %get3A_264, %get3A_268 : vector<16xf32>
          %max3A_270 = arith.constant 0.000000e+00 : f32
          %max3A_271 = vector.broadcast %max3A_270 : f32 to vector<16xf32>
          %max3A_272 = arith.maximumf %add3A_269, %max3A_271 : vector<16xf32>
          %swap3A_273 = arith.index_cast %scan3A_246 : i32 to index
          %swap3A_274 = arith.constant 16 : index
          %swap3A_275 = tpu.vector_load %arg17[%swap3A_273, %swap3A_274] {strides = array<i32>} : memref<128x32xf32, #tpu.memory_space<vmem>>, vector<1x16xf32>,
          %swap3A_276 = vector.shape_cast %swap3A_275 : vector<1x16xf32> to vector<16xf32>
          %swap3A_277 = vector.shape_cast %max3A_272 : vector<16xf32> to vector<1x16xf32>
          tpu.vector_store %arg17[%swap3A_273, %swap3A_274], %swap3A_277 {strides = array<i32>} : memref<128x32xf32, #tpu.memory_space<vmem>>, vector<1x16xf32>,
        }
        %scan3A_238 = arith.constant 128 : i32
        %dma_start3A_239 = arith.constant 0 : i32
        %dma_start3A_240 = arith.constant 0 : i32
        %dma_start3A_241 = tpu.memref_slice %arg15[%dma_start3A_239, %dma_start3A_240] : memref<1x128xi32, #tpu.memory_space<vmem>> -> memref<1x128xi32, #tpu.memory_space<vmem>>
        %dma_start3A_242 = tpu.memref_squeeze %dma_start3A_241 : memref<1x128xi32, #tpu.memory_space<vmem>> -> memref<128xi32, #tpu.memory_space<vmem>>
        %dma_start3A_243 = arith.constant 0 : i32
        %dma_start3A_244 = arith.constant 0 : i32
        %dma_start3A_245 = tpu.memref_slice %arg7[%dma_start3A_243, %dma_start3A_244] : memref<50000x32xf32, #tpu.memory_space<vmem_shared>> -> memref<50000x32xf32, #tpu.memory_space<vmem_shared>>
        tpu.enqueue_indirect_dma source(%arg17 : memref<128x32xf32, #tpu.memory_space<vmem>>) target(%dma_start3A_245 : memref<50000x32xf32, #tpu.memory_space<vmem_shared>>) offsets(%dma_start3A_242 : memref<128xi32, #tpu.memory_space<vmem>>) semaphore(%arg30 : memref<!tpu.dma_semaphore, #tpu.memory_space<semaphore_mem>>) {add = true}
      } else {
      }
    }
    %scan3A_112 = arith.constant 49 : i32
    %dma_wait3A_113 = arith.constant 0 : i32
    %dma_wait3A_114 = arith.constant 0 : i32
    %dma_wait3A_115 = tpu.memref_slice %arg12[%dma_wait3A_113, %dma_wait3A_114] : memref<1x128xi32, #tpu.memory_space<vmem>> -> memref<1x128xi32, #tpu.memory_space<vmem>>
    %dma_wait3A_116 = tpu.memref_squeeze %dma_wait3A_115 : memref<1x128xi32, #tpu.memory_space<vmem>> -> memref<128xi32, #tpu.memory_space<vmem>>
    %dma_wait3A_117 = arith.constant 0 : i32
    %dma_wait3A_118 = arith.constant 0 : i32
    %dma_wait3A_119 = tpu.memref_slice %arg7[%dma_wait3A_117, %dma_wait3A_118] : memref<50000x32xf32, #tpu.memory_space<vmem_shared>> -> memref<50000x32xf32, #tpu.memory_space<vmem_shared>>
    tpu.wait_indirect_dma semaphore(%arg29 : memref<!tpu.dma_semaphore, #tpu.memory_space<semaphore_mem>>) src(%arg16 : memref<128x32xf32, #tpu.memory_space<vmem>>) dst(%dma_wait3A_119 : memref<50000x32xf32, #tpu.memory_space<vmem_shared>>)
    %dma_wait3A_120 = arith.constant 0 : i32
    %dma_wait3A_121 = arith.constant 0 : i32
    %dma_wait3A_122 = tpu.memref_slice %arg12[%dma_wait3A_120, %dma_wait3A_121] : memref<1x128xi32, #tpu.memory_space<vmem>> -> memref<1x128xi32, #tpu.memory_space<vmem>>
    %dma_wait3A_123 = tpu.memref_squeeze %dma_wait3A_122 : memref<1x128xi32, #tpu.memory_space<vmem>> -> memref<128xi32, #tpu.memory_space<vmem>>
    %dma_wait3A_124 = arith.constant 0 : i32
    %dma_wait3A_125 = arith.constant 0 : i32
    %dma_wait3A_126 = tpu.memref_slice %arg7[%dma_wait3A_124, %dma_wait3A_125] : memref<50000x32xf32, #tpu.memory_space<vmem_shared>> -> memref<50000x32xf32, #tpu.memory_space<vmem_shared>>
    tpu.wait_indirect_dma semaphore(%arg30 : memref<!tpu.dma_semaphore, #tpu.memory_space<semaphore_mem>>) src(%arg17 : memref<128x32xf32, #tpu.memory_space<vmem>>) dst(%dma_wait3A_126 : memref<50000x32xf32, #tpu.memory_space<vmem_shared>>)
    %barrier3A_127 = arith.constant 0 : index
    tpu.barrier barrier_id(%barrier3A_127)
    %scan3A_128 = arith.constant 0 : i32
    %scan3A_129 = arith.constant 0 : i32
    %scan3A_130 = arith.constant 25 : i32
    %scan3A_131 = arith.addi %scan3A_129, %scan3A_130 : i32
    %scan3A_132 = arith.constant 1 : i32
    scf.for %scan3A_139 = %scan3A_129 to %scan3A_131 step %scan3A_132  : i32 {
      %mul3A_140 = arith.constant 16 : i32
      %mul3A_141 = arith.muli %scan3A_139, %mul3A_140 : i32
      %add3A_142 = arith.addi %arg1, %mul3A_141 : i32
      %lt3A_143 = arith.constant 390 : i32
      %lt3A_144 = arith.cmpi slt, %add3A_142, %lt3A_143 : i32
      %convert_element_type3A_145 = arith.extui %lt3A_144 : i1 to i32
      %cond3A_146 = arith.constant 0 : i32
      %cond3A_147 = arith.cmpi ne, %convert_element_type3A_145, %cond3A_146 : i32
      scf.if %cond3A_147 {
        %mul3A_148 = arith.constant 128 : i32
        %mul3A_149 = arith.muli %add3A_142, %mul3A_148 : i32
        %mul3A_150 = arith.constant 128 : i32
        %mul3A_151 = arith.muli %add3A_142, %mul3A_150 : i32
        "tpu.region"() ({
          %run_scoped3A = tpu.sem_alloc : memref<!tpu.dma_semaphore, #tpu.memory_space<semaphore_mem>>
          %dma_start3A_152 = arith.constant 0 : i32
          %dma_start3A_153 = tpu.memref_slice %arg6[%arg0, %mul3A_151, %dma_start3A_152] : memref<2x50000x32xf32, #tpu.memory_space<hbm>> -> memref<1x128x32xf32, #tpu.memory_space<hbm>>
          %dma_start3A_154 = tpu.memref_squeeze %dma_start3A_153 : memref<1x128x32xf32, #tpu.memory_space<hbm>> -> memref<128x32xf32, #tpu.memory_space<hbm>>
          %dma_start3A_155 = arith.constant 0 : i32
          %dma_start3A_156 = tpu.memref_slice %arg7[%mul3A_149, %dma_start3A_155] : memref<50000x32xf32, #tpu.memory_space<vmem_shared>> -> memref<128x32xf32, #tpu.memory_space<vmem_shared>>
          tpu.enqueue_dma source(%dma_start3A_156 : memref<128x32xf32, #tpu.memory_space<vmem_shared>>) target(%dma_start3A_154 : memref<128x32xf32, #tpu.memory_space<hbm>>) target_semaphore(%run_scoped3A : memref<!tpu.dma_semaphore, #tpu.memory_space<semaphore_mem>>)
          %dma_wait3A_157 = arith.constant 0 : i32
          %dma_wait3A_158 = tpu.memref_slice %arg6[%arg0, %mul3A_151, %dma_wait3A_157] : memref<2x50000x32xf32, #tpu.memory_space<hbm>> -> memref<1x128x32xf32, #tpu.memory_space<hbm>>
          %dma_wait3A_159 = tpu.memref_squeeze %dma_wait3A_158 : memref<1x128x32xf32, #tpu.memory_space<hbm>> -> memref<128x32xf32, #tpu.memory_space<hbm>>
          %dma_wait3A_160 = arith.constant 0 : i32
          %dma_wait3A_161 = tpu.memref_slice %arg7[%mul3A_149, %dma_wait3A_160] : memref<50000x32xf32, #tpu.memory_space<vmem_shared>> -> memref<128x32xf32, #tpu.memory_space<vmem_shared>>
          tpu.wait_dma2 semaphore(%run_scoped3A : memref<!tpu.dma_semaphore, #tpu.memory_space<semaphore_mem>>) src(%dma_wait3A_161 : memref<128x32xf32, #tpu.memory_space<vmem_shared>>) dst(%dma_wait3A_159 : memref<128x32xf32, #tpu.memory_space<hbm>>)
          tpu.yield
        }) : () -> ()
      } else {
      }
    }
    %scan3A_133 = arith.constant 25 : i32
    %eq3A_134 = arith.constant 0 : i32
    %eq3A_135 = arith.cmpi eq, %arg1, %eq3A_134 : i32
    %convert_element_type3A_136 = arith.extui %eq3A_135 : i1 to i32
    %cond3A_137 = arith.constant 0 : i32
    %cond3A_138 = arith.cmpi ne, %convert_element_type3A_136, %cond3A_137 : i32
    scf.if %cond3A_138 {
      "tpu.region"() ({
        %run_scoped3A = tpu.sem_alloc : memref<!tpu.dma_semaphore, #tpu.memory_space<semaphore_mem>>
        %dma_start3A_139 = arith.constant 49920 : i32
        %dma_start3A_140 = arith.constant 0 : i32
        %dma_start3A_141 = tpu.memref_slice %arg6[%arg0, %dma_start3A_139, %dma_start3A_140] : memref<2x50000x32xf32, #tpu.memory_space<hbm>> -> memref<1x80x32xf32, #tpu.memory_space<hbm>>
        %dma_start3A_142 = tpu.memref_squeeze %dma_start3A_141 : memref<1x80x32xf32, #tpu.memory_space<hbm>> -> memref<80x32xf32, #tpu.memory_space<hbm>>
        %dma_start3A_143 = arith.constant 49920 : i32
        %dma_start3A_144 = arith.constant 0 : i32
        %dma_start3A_145 = tpu.memref_slice %arg7[%dma_start3A_143, %dma_start3A_144] : memref<50000x32xf32, #tpu.memory_space<vmem_shared>> -> memref<80x32xf32, #tpu.memory_space<vmem_shared>>
        tpu.enqueue_dma source(%dma_start3A_145 : memref<80x32xf32, #tpu.memory_space<vmem_shared>>) target(%dma_start3A_142 : memref<80x32xf32, #tpu.memory_space<hbm>>) target_semaphore(%run_scoped3A : memref<!tpu.dma_semaphore, #tpu.memory_space<semaphore_mem>>)
        %dma_wait3A_146 = arith.constant 49920 : i32
        %dma_wait3A_147 = arith.constant 0 : i32
        %dma_wait3A_148 = tpu.memref_slice %arg6[%arg0, %dma_wait3A_146, %dma_wait3A_147] : memref<2x50000x32xf32, #tpu.memory_space<hbm>> -> memref<1x80x32xf32, #tpu.memory_space<hbm>>
        %dma_wait3A_149 = tpu.memref_squeeze %dma_wait3A_148 : memref<1x80x32xf32, #tpu.memory_space<hbm>> -> memref<80x32xf32, #tpu.memory_space<hbm>>
        %dma_wait3A_150 = arith.constant 49920 : i32
        %dma_wait3A_151 = arith.constant 0 : i32
        %dma_wait3A_152 = tpu.memref_slice %arg7[%dma_wait3A_150, %dma_wait3A_151] : memref<50000x32xf32, #tpu.memory_space<vmem_shared>> -> memref<80x32xf32, #tpu.memory_space<vmem_shared>>
        tpu.wait_dma2 semaphore(%run_scoped3A : memref<!tpu.dma_semaphore, #tpu.memory_space<semaphore_mem>>) src(%dma_wait3A_152 : memref<80x32xf32, #tpu.memory_space<vmem_shared>>) dst(%dma_wait3A_149 : memref<80x32xf32, #tpu.memory_space<hbm>>)
        tpu.yield
      }) : () -> ()
    } else {
    }
    return
  }
}

module attributes {stable_mosaic.version = 14 : i64} {
  func.func @_h0_a0_body(%arg0: i32, %arg1: memref<5000x8xf32, #tpu.memory_space<vmem>>, %arg2: memref<8x32xf32, #tpu.memory_space<vmem>>, %arg3: memref<32xf32, #tpu.memory_space<vmem>>, %arg4: memref<32x32xf32, #tpu.memory_space<vmem>>, %arg5: memref<5000x32xf32, #tpu.memory_space<vmem>>, %arg6: memref<5000x32xf32, #tpu.memory_space<vmem>>) attributes {dimension_semantics = [#tpu.dimension_semantics<arbitrary>], iteration_bounds = array<i64: 10>, scalar_prefetch = 0 : i64, scratch_operands = 0 : i64, tpu.core_type = #tpu.core_type<tc>, window_params = [{transform_indices = @transform_0, window_bounds = array<i64: 5000, 8>}, {pipeline_mode = #tpu.pipeline_mode<synchronous>, transform_indices = @transform_1, window_bounds = array<i64: 8, 32>}, {pipeline_mode = #tpu.pipeline_mode<synchronous>, transform_indices = @transform_2, window_bounds = array<i64: 32>}, {pipeline_mode = #tpu.pipeline_mode<synchronous>, transform_indices = @transform_3, window_bounds = array<i64: 32, 32>}, {transform_indices = @transform_4, window_bounds = array<i64: 5000, 32>}, {transform_indices = @transform_5, window_bounds = array<i64: 5000, 32>}]} {
    %get3A = arith.constant 0 : index
    %get3A_0 = arith.constant 0 : index
    %get3A_1 = vector.load %arg1[%get3A, %get3A_0] : memref<5000x8xf32, #tpu.memory_space<vmem>>, vector<5000x8xf32>
    %convert_element_type3A = arith.truncf %get3A_1 : vector<5000x8xf32> to vector<5000x8xbf16>
    %convert_element_type3A_2 = arith.extf %convert_element_type3A : vector<5000x8xbf16> to vector<5000x8xf32>
    %get3A_3 = arith.constant 0 : index
    %get3A_4 = arith.constant 0 : index
    %get3A_5 = vector.load %arg2[%get3A_3, %get3A_4] : memref<8x32xf32, #tpu.memory_space<vmem>>, vector<8x32xf32>
    %convert_element_type3A_6 = arith.truncf %get3A_5 : vector<8x32xf32> to vector<8x32xbf16>
    %convert_element_type3A_7 = arith.extf %convert_element_type3A_6 : vector<8x32xbf16> to vector<8x32xf32>
    %dot_general3A = arith.constant dense<0.000000e+00> : vector<5000x32xf32>
    %dot_general3A_8 = tpu.matmul %convert_element_type3A_2, %convert_element_type3A_7, %dot_general3A {dimension_numbers = #tpu.dot_dimension_numbers<[1], [0], [0], [1], [0, 0, 1, 1], [], []>, precision = #tpu.contract_precision<fp32>, transpose_lhs_hint = false} : vector<5000x8xf32>, vector<8x32xf32>, vector<5000x32xf32> -> vector<5000x32xf32>
    %get3A_9 = arith.constant 0 : index
    %get3A_10 = vector.load %arg3[%get3A_9] : memref<32xf32, #tpu.memory_space<vmem>>, vector<32xf32>
    %broadcast_in_dim3A = vector.shape_cast %get3A_10 : vector<32xf32> to vector<1x32xf32>
    %add3A = vector.broadcast %broadcast_in_dim3A : vector<1x32xf32> to vector<5000x32xf32>
    %add3A_11 = arith.addf %dot_general3A_8, %add3A : vector<5000x32xf32>
    %max3A = arith.constant 0.000000e+00 : f32
    %max3A_12 = vector.broadcast %max3A : f32 to vector<5000x32xf32>
    %max3A_13 = arith.maximumf %add3A_11, %max3A_12 : vector<5000x32xf32>
    %swap3A = arith.constant 0 : index
    %swap3A_14 = arith.constant 0 : index
    %swap3A_15 = vector.load %arg5[%swap3A, %swap3A_14] : memref<5000x32xf32, #tpu.memory_space<vmem>>, vector<5000x32xf32>
    tpu.vector_store %arg5[%swap3A, %swap3A_14], %max3A_13 {strides = array<i32>} : memref<5000x32xf32, #tpu.memory_space<vmem>>, vector<5000x32xf32>,
    %convert_element_type3A_16 = arith.truncf %max3A_13 : vector<5000x32xf32> to vector<5000x32xbf16>
    %convert_element_type3A_17 = arith.extf %convert_element_type3A_16 : vector<5000x32xbf16> to vector<5000x32xf32>
    %get3A_18 = arith.constant 0 : index
    %get3A_19 = arith.constant 0 : index
    %get3A_20 = vector.load %arg4[%get3A_18, %get3A_19] : memref<32x32xf32, #tpu.memory_space<vmem>>, vector<32x32xf32>
    %convert_element_type3A_21 = arith.truncf %get3A_20 : vector<32x32xf32> to vector<32x32xbf16>
    %convert_element_type3A_22 = arith.extf %convert_element_type3A_21 : vector<32x32xbf16> to vector<32x32xf32>
    %dot_general3A_23 = arith.constant dense<0.000000e+00> : vector<5000x32xf32>
    %dot_general3A_24 = tpu.matmul %convert_element_type3A_17, %convert_element_type3A_22, %dot_general3A_23 {dimension_numbers = #tpu.dot_dimension_numbers<[1], [0], [0], [1], [0, 0, 1, 1], [], []>, precision = #tpu.contract_precision<fp32>, transpose_lhs_hint = false} : vector<5000x32xf32>, vector<32x32xf32>, vector<5000x32xf32> -> vector<5000x32xf32>
    %swap3A_25 = arith.constant 0 : index
    %swap3A_26 = arith.constant 0 : index
    %swap3A_27 = vector.load %arg6[%swap3A_25, %swap3A_26] : memref<5000x32xf32, #tpu.memory_space<vmem>>, vector<5000x32xf32>
    tpu.vector_store %arg6[%swap3A_25, %swap3A_26], %dot_general3A_24 {strides = array<i32>} : memref<5000x32xf32, #tpu.memory_space<vmem>>, vector<5000x32xf32>,
    return
  }
  func.func @transform_0(%arg0: i32) -> (i32, i32) {
    %c0_i32 = arith.constant 0 : i32
    %c0_i32_0 = arith.constant 0 : i32
    return %arg0, %c0_i32 : i32, i32
  }
  func.func @transform_1(%arg0: i32) -> (i32, i32) {
    %c0_i32 = arith.constant 0 : i32
    %c0_i32_0 = arith.constant 0 : i32
    %c0_i32_1 = arith.constant 0 : i32
    return %c0_i32, %c0_i32_0 : i32, i32
  }
  func.func @transform_2(%arg0: i32) -> i32 {
    %c0_i32 = arith.constant 0 : i32
    %c0_i32_0 = arith.constant 0 : i32
    return %c0_i32 : i32
  }
  func.func @transform_3(%arg0: i32) -> (i32, i32) {
    %c0_i32 = arith.constant 0 : i32
    %c0_i32_0 = arith.constant 0 : i32
    %c0_i32_1 = arith.constant 0 : i32
    return %c0_i32, %c0_i32_0 : i32, i32
  }
  func.func @transform_4(%arg0: i32) -> (i32, i32) {
    %c0_i32 = arith.constant 0 : i32
    %c0_i32_0 = arith.constant 0 : i32
    return %arg0, %c0_i32 : i32, i32
  }
  func.func @transform_5(%arg0: i32) -> (i32, i32) {
    %c0_i32 = arith.constant 0 : i32
    %c0_i32_0 = arith.constant 0 : i32
    return %arg0, %c0_i32 : i32, i32
  }
}

module attributes {stable_mosaic.version = 14 : i64} {
  func.func @_ec_body(%arg0: i32, %arg1: memref<4x6400xf32, #tpu.memory_space<vmem>>, %arg2: memref<4x32xf32, #tpu.memory_space<vmem>>, %arg3: memref<32xf32, #tpu.memory_space<vmem>>, %arg4: memref<6400x32xf32, #tpu.memory_space<vmem>>) attributes {dimension_semantics = [#tpu.dimension_semantics<arbitrary>], iteration_bounds = array<i64: 125>, scalar_prefetch = 0 : i64, scratch_operands = 0 : i64, tpu.core_type = #tpu.core_type<tc>, window_params = [{transform_indices = @transform_0, window_bounds = array<i64: 4, 6400>}, {pipeline_mode = #tpu.pipeline_mode<synchronous>, transform_indices = @transform_1, window_bounds = array<i64: 4, 32>}, {pipeline_mode = #tpu.pipeline_mode<synchronous>, transform_indices = @transform_2, window_bounds = array<i64: 32>}, {transform_indices = @transform_3, window_bounds = array<i64: 6400, 32>}]} {
    %get3A = arith.constant 0 : index
    %get3A_0 = vector.load %arg3[%get3A] : memref<32xf32, #tpu.memory_space<vmem>>, vector<32xf32>
    %broadcast_in_dim3A = vector.shape_cast %get3A_0 : vector<32xf32> to vector<1x32xf32>
    %get3A_1 = arith.constant 0 : index
    %get3A_2 = arith.constant 0 : index
    %get3A_3 = vector.load %arg1[%get3A_1, %get3A_2] : memref<4x6400xf32, #tpu.memory_space<vmem>>, vector<1x6400xf32>
    %get3A_4 = vector.shape_cast %get3A_3 : vector<1x6400xf32> to vector<6400xf32>
    %convert_element_type3A = arith.truncf %get3A_4 : vector<6400xf32> to vector<6400xbf16>
    %convert_element_type3A_5 = arith.extf %convert_element_type3A : vector<6400xbf16> to vector<6400xf32>
    %broadcast_in_dim3A_6 = vector.shape_cast %convert_element_type3A_5 : vector<6400xf32> to vector<6400x1xf32>
    %get3A_7 = arith.constant 0 : index
    %get3A_8 = arith.constant 0 : index
    %get3A_9 = vector.load %arg2[%get3A_7, %get3A_8] : memref<4x32xf32, #tpu.memory_space<vmem>>, vector<1x32xf32>
    %get3A_10 = vector.shape_cast %get3A_9 : vector<1x32xf32> to vector<32xf32>
    %convert_element_type3A_11 = arith.truncf %get3A_10 : vector<32xf32> to vector<32xbf16>
    %convert_element_type3A_12 = arith.extf %convert_element_type3A_11 : vector<32xbf16> to vector<32xf32>
    %broadcast_in_dim3A_13 = vector.shape_cast %convert_element_type3A_12 : vector<32xf32> to vector<1x32xf32>
    %mul3A = vector.broadcast %broadcast_in_dim3A_6 : vector<6400x1xf32> to vector<6400x32xf32>
    %mul3A_14 = vector.broadcast %broadcast_in_dim3A_13 : vector<1x32xf32> to vector<6400x32xf32>
    %mul3A_15 = arith.mulf %mul3A, %mul3A_14 : vector<6400x32xf32>
    %add3A = vector.broadcast %broadcast_in_dim3A : vector<1x32xf32> to vector<6400x32xf32>
    %add3A_16 = arith.addf %add3A, %mul3A_15 : vector<6400x32xf32>
    %get3A_17 = arith.constant 1 : index
    %get3A_18 = arith.constant 0 : index
    %get3A_19 = vector.load %arg1[%get3A_17, %get3A_18] : memref<4x6400xf32, #tpu.memory_space<vmem>>, vector<1x6400xf32>
    %get3A_20 = vector.shape_cast %get3A_19 : vector<1x6400xf32> to vector<6400xf32>
    %convert_element_type3A_21 = arith.truncf %get3A_20 : vector<6400xf32> to vector<6400xbf16>
    %convert_element_type3A_22 = arith.extf %convert_element_type3A_21 : vector<6400xbf16> to vector<6400xf32>
    %broadcast_in_dim3A_23 = vector.shape_cast %convert_element_type3A_22 : vector<6400xf32> to vector<6400x1xf32>
    %get3A_24 = arith.constant 1 : index
    %get3A_25 = arith.constant 0 : index
    %get3A_26 = vector.load %arg2[%get3A_24, %get3A_25] : memref<4x32xf32, #tpu.memory_space<vmem>>, vector<1x32xf32>
    %get3A_27 = vector.shape_cast %get3A_26 : vector<1x32xf32> to vector<32xf32>
    %convert_element_type3A_28 = arith.truncf %get3A_27 : vector<32xf32> to vector<32xbf16>
    %convert_element_type3A_29 = arith.extf %convert_element_type3A_28 : vector<32xbf16> to vector<32xf32>
    %broadcast_in_dim3A_30 = vector.shape_cast %convert_element_type3A_29 : vector<32xf32> to vector<1x32xf32>
    %mul3A_31 = vector.broadcast %broadcast_in_dim3A_23 : vector<6400x1xf32> to vector<6400x32xf32>
    %mul3A_32 = vector.broadcast %broadcast_in_dim3A_30 : vector<1x32xf32> to vector<6400x32xf32>
    %mul3A_33 = arith.mulf %mul3A_31, %mul3A_32 : vector<6400x32xf32>
    %add3A_34 = arith.addf %add3A_16, %mul3A_33 : vector<6400x32xf32>
    %get3A_35 = arith.constant 2 : index
    %get3A_36 = arith.constant 0 : index
    %get3A_37 = vector.load %arg1[%get3A_35, %get3A_36] : memref<4x6400xf32, #tpu.memory_space<vmem>>, vector<1x6400xf32>
    %get3A_38 = vector.shape_cast %get3A_37 : vector<1x6400xf32> to vector<6400xf32>
    %convert_element_type3A_39 = arith.truncf %get3A_38 : vector<6400xf32> to vector<6400xbf16>
    %convert_element_type3A_40 = arith.extf %convert_element_type3A_39 : vector<6400xbf16> to vector<6400xf32>
    %broadcast_in_dim3A_41 = vector.shape_cast %convert_element_type3A_40 : vector<6400xf32> to vector<6400x1xf32>
    %get3A_42 = arith.constant 2 : index
    %get3A_43 = arith.constant 0 : index
    %get3A_44 = vector.load %arg2[%get3A_42, %get3A_43] : memref<4x32xf32, #tpu.memory_space<vmem>>, vector<1x32xf32>
    %get3A_45 = vector.shape_cast %get3A_44 : vector<1x32xf32> to vector<32xf32>
    %convert_element_type3A_46 = arith.truncf %get3A_45 : vector<32xf32> to vector<32xbf16>
    %convert_element_type3A_47 = arith.extf %convert_element_type3A_46 : vector<32xbf16> to vector<32xf32>
    %broadcast_in_dim3A_48 = vector.shape_cast %convert_element_type3A_47 : vector<32xf32> to vector<1x32xf32>
    %mul3A_49 = vector.broadcast %broadcast_in_dim3A_41 : vector<6400x1xf32> to vector<6400x32xf32>
    %mul3A_50 = vector.broadcast %broadcast_in_dim3A_48 : vector<1x32xf32> to vector<6400x32xf32>
    %mul3A_51 = arith.mulf %mul3A_49, %mul3A_50 : vector<6400x32xf32>
    %add3A_52 = arith.addf %add3A_34, %mul3A_51 : vector<6400x32xf32>
    %get3A_53 = arith.constant 3 : index
    %get3A_54 = arith.constant 0 : index
    %get3A_55 = vector.load %arg1[%get3A_53, %get3A_54] : memref<4x6400xf32, #tpu.memory_space<vmem>>, vector<1x6400xf32>
    %get3A_56 = vector.shape_cast %get3A_55 : vector<1x6400xf32> to vector<6400xf32>
    %convert_element_type3A_57 = arith.truncf %get3A_56 : vector<6400xf32> to vector<6400xbf16>
    %convert_element_type3A_58 = arith.extf %convert_element_type3A_57 : vector<6400xbf16> to vector<6400xf32>
    %broadcast_in_dim3A_59 = vector.shape_cast %convert_element_type3A_58 : vector<6400xf32> to vector<6400x1xf32>
    %get3A_60 = arith.constant 3 : index
    %get3A_61 = arith.constant 0 : index
    %get3A_62 = vector.load %arg2[%get3A_60, %get3A_61] : memref<4x32xf32, #tpu.memory_space<vmem>>, vector<1x32xf32>
    %get3A_63 = vector.shape_cast %get3A_62 : vector<1x32xf32> to vector<32xf32>
    %convert_element_type3A_64 = arith.truncf %get3A_63 : vector<32xf32> to vector<32xbf16>
    %convert_element_type3A_65 = arith.extf %convert_element_type3A_64 : vector<32xbf16> to vector<32xf32>
    %broadcast_in_dim3A_66 = vector.shape_cast %convert_element_type3A_65 : vector<32xf32> to vector<1x32xf32>
    %mul3A_67 = vector.broadcast %broadcast_in_dim3A_59 : vector<6400x1xf32> to vector<6400x32xf32>
    %mul3A_68 = vector.broadcast %broadcast_in_dim3A_66 : vector<1x32xf32> to vector<6400x32xf32>
    %mul3A_69 = arith.mulf %mul3A_67, %mul3A_68 : vector<6400x32xf32>
    %add3A_70 = arith.addf %add3A_52, %mul3A_69 : vector<6400x32xf32>
    %swap3A = arith.constant 0 : index
    %swap3A_71 = arith.constant 0 : index
    %swap3A_72 = vector.load %arg4[%swap3A, %swap3A_71] : memref<6400x32xf32, #tpu.memory_space<vmem>>, vector<6400x32xf32>
    tpu.vector_store %arg4[%swap3A, %swap3A_71], %add3A_70 {strides = array<i32>} : memref<6400x32xf32, #tpu.memory_space<vmem>>, vector<6400x32xf32>,
    return
  }
  func.func @transform_0(%arg0: i32) -> (i32, i32) {
    %c0_i32 = arith.constant 0 : i32
    %c0_i32_0 = arith.constant 0 : i32
    return %c0_i32, %arg0 : i32, i32
  }
  func.func @transform_1(%arg0: i32) -> (i32, i32) {
    %c0_i32 = arith.constant 0 : i32
    %c0_i32_0 = arith.constant 0 : i32
    %c0_i32_1 = arith.constant 0 : i32
    return %c0_i32, %c0_i32_0 : i32, i32
  }
  func.func @transform_2(%arg0: i32) -> i32 {
    %c0_i32 = arith.constant 0 : i32
    %c0_i32_0 = arith.constant 0 : i32
    return %c0_i32 : i32
  }
  func.func @transform_3(%arg0: i32) -> (i32, i32) {
    %c0_i32 = arith.constant 0 : i32
    %c0_i32_0 = arith.constant 0 : i32
    return %arg0, %c0_i32 : i32, i32
  }
}

module attributes {stable_mosaic.version = 14 : i64} {
  func.func @_update_body(%arg0: i32, %arg1: memref<5000x32xf32, #tpu.memory_space<vmem>>, %arg2: memref<2x5000x32xf32, #tpu.memory_space<vmem>>, %arg3: memref<32x32xf32, #tpu.memory_space<vmem>>, %arg4: memref<32x32xf32, #tpu.memory_space<vmem>>, %arg5: memref<32xf32, #tpu.memory_space<vmem>>, %arg6: memref<32x32xf32, #tpu.memory_space<vmem>>, %arg7: memref<5000x32xf32, #tpu.memory_space<vmem>>, %arg8: memref<5000x32xf32, #tpu.memory_space<vmem>>) attributes {dimension_semantics = [#tpu.dimension_semantics<arbitrary>], iteration_bounds = array<i64: 10>, scalar_prefetch = 0 : i64, scratch_operands = 0 : i64, tpu.core_type = #tpu.core_type<tc>, window_params = [{transform_indices = @transform_0, window_bounds = array<i64: 5000, 32>}, {transform_indices = @transform_1, window_bounds = array<i64: 2, 5000, 32>}, {pipeline_mode = #tpu.pipeline_mode<synchronous>, transform_indices = @transform_2, window_bounds = array<i64: 32, 32>}, {pipeline_mode = #tpu.pipeline_mode<synchronous>, transform_indices = @transform_3, window_bounds = array<i64: 32, 32>}, {pipeline_mode = #tpu.pipeline_mode<synchronous>, transform_indices = @transform_4, window_bounds = array<i64: 32>}, {pipeline_mode = #tpu.pipeline_mode<synchronous>, transform_indices = @transform_5, window_bounds = array<i64: 32, 32>}, {transform_indices = @transform_6, window_bounds = array<i64: 5000, 32>}, {transform_indices = @transform_7, window_bounds = array<i64: 5000, 32>}]} {
    %get3A = arith.constant 0 : index
    %get3A_0 = arith.constant 0 : index
    %get3A_1 = arith.constant 0 : index
    %get3A_2 = vector.load %arg2[%get3A, %get3A_0, %get3A_1] : memref<2x5000x32xf32, #tpu.memory_space<vmem>>, vector<1x5000x32xf32>
    %get3A_3 = vector.shape_cast %get3A_2 : vector<1x5000x32xf32> to vector<5000x32xf32>
    %get3A_4 = arith.constant 1 : index
    %get3A_5 = arith.constant 0 : index
    %get3A_6 = arith.constant 0 : index
    %get3A_7 = vector.load %arg2[%get3A_4, %get3A_5, %get3A_6] : memref<2x5000x32xf32, #tpu.memory_space<vmem>>, vector<1x5000x32xf32>
    %get3A_8 = vector.shape_cast %get3A_7 : vector<1x5000x32xf32> to vector<5000x32xf32>
    %add3A = arith.addf %get3A_3, %get3A_8 : vector<5000x32xf32>
    %get3A_9 = arith.constant 0 : index
    %get3A_10 = arith.constant 0 : index
    %get3A_11 = vector.load %arg1[%get3A_9, %get3A_10] : memref<5000x32xf32, #tpu.memory_space<vmem>>, vector<5000x32xf32>
    %convert_element_type3A = arith.truncf %get3A_11 : vector<5000x32xf32> to vector<5000x32xbf16>
    %convert_element_type3A_12 = arith.extf %convert_element_type3A : vector<5000x32xbf16> to vector<5000x32xf32>
    %get3A_13 = arith.constant 0 : index
    %get3A_14 = arith.constant 0 : index
    %get3A_15 = vector.load %arg3[%get3A_13, %get3A_14] : memref<32x32xf32, #tpu.memory_space<vmem>>, vector<32x32xf32>
    %convert_element_type3A_16 = arith.truncf %get3A_15 : vector<32x32xf32> to vector<32x32xbf16>
    %convert_element_type3A_17 = arith.extf %convert_element_type3A_16 : vector<32x32xbf16> to vector<32x32xf32>
    %dot_general3A = arith.constant dense<0.000000e+00> : vector<5000x32xf32>
    %dot_general3A_18 = tpu.matmul %convert_element_type3A_12, %convert_element_type3A_17, %dot_general3A {dimension_numbers = #tpu.dot_dimension_numbers<[1], [0], [0], [1], [0, 0, 1, 1], [], []>, precision = #tpu.contract_precision<fp32>, transpose_lhs_hint = false} : vector<5000x32xf32>, vector<32x32xf32>, vector<5000x32xf32> -> vector<5000x32xf32>
    %convert_element_type3A_19 = arith.truncf %add3A : vector<5000x32xf32> to vector<5000x32xbf16>
    %convert_element_type3A_20 = arith.extf %convert_element_type3A_19 : vector<5000x32xbf16> to vector<5000x32xf32>
    %get3A_21 = arith.constant 0 : index
    %get3A_22 = arith.constant 0 : index
    %get3A_23 = vector.load %arg4[%get3A_21, %get3A_22] : memref<32x32xf32, #tpu.memory_space<vmem>>, vector<32x32xf32>
    %convert_element_type3A_24 = arith.truncf %get3A_23 : vector<32x32xf32> to vector<32x32xbf16>
    %convert_element_type3A_25 = arith.extf %convert_element_type3A_24 : vector<32x32xbf16> to vector<32x32xf32>
    %dot_general3A_26 = arith.constant dense<0.000000e+00> : vector<5000x32xf32>
    %dot_general3A_27 = tpu.matmul %convert_element_type3A_20, %convert_element_type3A_25, %dot_general3A_26 {dimension_numbers = #tpu.dot_dimension_numbers<[1], [0], [0], [1], [0, 0, 1, 1], [], []>, precision = #tpu.contract_precision<fp32>, transpose_lhs_hint = false} : vector<5000x32xf32>, vector<32x32xf32>, vector<5000x32xf32> -> vector<5000x32xf32>
    %add3A_28 = arith.addf %dot_general3A_18, %dot_general3A_27 : vector<5000x32xf32>
    %get3A_29 = arith.constant 0 : index
    %get3A_30 = vector.load %arg5[%get3A_29] : memref<32xf32, #tpu.memory_space<vmem>>, vector<32xf32>
    %broadcast_in_dim3A = vector.shape_cast %get3A_30 : vector<32xf32> to vector<1x32xf32>
    %add3A_31 = vector.broadcast %broadcast_in_dim3A : vector<1x32xf32> to vector<5000x32xf32>
    %add3A_32 = arith.addf %add3A_28, %add3A_31 : vector<5000x32xf32>
    %max3A = arith.constant 0.000000e+00 : f32
    %max3A_33 = vector.broadcast %max3A : f32 to vector<5000x32xf32>
    %max3A_34 = arith.maximumf %add3A_32, %max3A_33 : vector<5000x32xf32>
    %swap3A = arith.constant 0 : index
    %swap3A_35 = arith.constant 0 : index
    %swap3A_36 = vector.load %arg7[%swap3A, %swap3A_35] : memref<5000x32xf32, #tpu.memory_space<vmem>>, vector<5000x32xf32>
    tpu.vector_store %arg7[%swap3A, %swap3A_35], %max3A_34 {strides = array<i32>} : memref<5000x32xf32, #tpu.memory_space<vmem>>, vector<5000x32xf32>,
    %convert_element_type3A_37 = arith.truncf %max3A_34 : vector<5000x32xf32> to vector<5000x32xbf16>
    %convert_element_type3A_38 = arith.extf %convert_element_type3A_37 : vector<5000x32xbf16> to vector<5000x32xf32>
    %get3A_39 = arith.constant 0 : index
    %get3A_40 = arith.constant 0 : index
    %get3A_41 = vector.load %arg6[%get3A_39, %get3A_40] : memref<32x32xf32, #tpu.memory_space<vmem>>, vector<32x32xf32>
    %convert_element_type3A_42 = arith.truncf %get3A_41 : vector<32x32xf32> to vector<32x32xbf16>
    %convert_element_type3A_43 = arith.extf %convert_element_type3A_42 : vector<32x32xbf16> to vector<32x32xf32>
    %dot_general3A_44 = arith.constant dense<0.000000e+00> : vector<5000x32xf32>
    %dot_general3A_45 = tpu.matmul %convert_element_type3A_38, %convert_element_type3A_43, %dot_general3A_44 {dimension_numbers = #tpu.dot_dimension_numbers<[1], [0], [0], [1], [0, 0, 1, 1], [], []>, precision = #tpu.contract_precision<fp32>, transpose_lhs_hint = false} : vector<5000x32xf32>, vector<32x32xf32>, vector<5000x32xf32> -> vector<5000x32xf32>
    %swap3A_46 = arith.constant 0 : index
    %swap3A_47 = arith.constant 0 : index
    %swap3A_48 = vector.load %arg8[%swap3A_46, %swap3A_47] : memref<5000x32xf32, #tpu.memory_space<vmem>>, vector<5000x32xf32>
    tpu.vector_store %arg8[%swap3A_46, %swap3A_47], %dot_general3A_45 {strides = array<i32>} : memref<5000x32xf32, #tpu.memory_space<vmem>>, vector<5000x32xf32>,
    return
  }
  func.func @transform_0(%arg0: i32) -> (i32, i32) {
    %c0_i32 = arith.constant 0 : i32
    %c0_i32_0 = arith.constant 0 : i32
    return %arg0, %c0_i32 : i32, i32
  }
  func.func @transform_1(%arg0: i32) -> (i32, i32, i32) {
    %c0_i32 = arith.constant 0 : i32
    %c0_i32_0 = arith.constant 0 : i32
    %c0_i32_1 = arith.constant 0 : i32
    return %c0_i32, %arg0, %c0_i32_0 : i32, i32, i32
  }
  func.func @transform_2(%arg0: i32) -> (i32, i32) {
    %c0_i32 = arith.constant 0 : i32
    %c0_i32_0 = arith.constant 0 : i32
    %c0_i32_1 = arith.constant 0 : i32
    return %c0_i32, %c0_i32_0 : i32, i32
  }
  func.func @transform_3(%arg0: i32) -> (i32, i32) {
    %c0_i32 = arith.constant 0 : i32
    %c0_i32_0 = arith.constant 0 : i32
    %c0_i32_1 = arith.constant 0 : i32
    return %c0_i32, %c0_i32_0 : i32, i32
  }
  func.func @transform_4(%arg0: i32) -> i32 {
    %c0_i32 = arith.constant 0 : i32
    %c0_i32_0 = arith.constant 0 : i32
    return %c0_i32 : i32
  }
  func.func @transform_5(%arg0: i32) -> (i32, i32) {
    %c0_i32 = arith.constant 0 : i32
    %c0_i32_0 = arith.constant 0 : i32
    %c0_i32_1 = arith.constant 0 : i32
    return %c0_i32, %c0_i32_0 : i32, i32
  }
  func.func @transform_6(%arg0: i32) -> (i32, i32) {
    %c0_i32 = arith.constant 0 : i32
    %c0_i32_0 = arith.constant 0 : i32
    return %arg0, %c0_i32 : i32, i32
  }
  func.func @transform_7(%arg0: i32) -> (i32, i32) {
    %c0_i32 = arith.constant 0 : i32
    %c0_i32_0 = arith.constant 0 : i32
    return %arg0, %c0_i32 : i32, i32
  }
}

module attributes {stable_mosaic.version = 14 : i64} {
  func.func @_final_body(%arg0: i32, %arg1: memref<5000x32xf32, #tpu.memory_space<vmem>>, %arg2: memref<2x5000x32xf32, #tpu.memory_space<vmem>>, %arg3: memref<32x32xf32, #tpu.memory_space<vmem>>, %arg4: memref<32x32xf32, #tpu.memory_space<vmem>>, %arg5: memref<32xf32, #tpu.memory_space<vmem>>, %arg6: memref<32x32xf32, #tpu.memory_space<vmem>>, %arg7: memref<32xf32, #tpu.memory_space<vmem>>, %arg8: memref<32x32xf32, #tpu.memory_space<vmem>>, %arg9: memref<32xf32, #tpu.memory_space<vmem>>, %arg10: memref<32xf32, #tpu.memory_space<vmem>>, %arg11: memref<1xf32, #tpu.memory_space<vmem>>, %arg12: memref<5000x32xf32, #tpu.memory_space<vmem>>, %arg13: memref<5000x1xf32, #tpu.memory_space<vmem>>) attributes {dimension_semantics = [#tpu.dimension_semantics<arbitrary>], iteration_bounds = array<i64: 10>, scalar_prefetch = 0 : i64, scratch_operands = 0 : i64, tpu.core_type = #tpu.core_type<tc>, window_params = [{transform_indices = @transform_0, window_bounds = array<i64: 5000, 32>}, {transform_indices = @transform_1, window_bounds = array<i64: 2, 5000, 32>}, {pipeline_mode = #tpu.pipeline_mode<synchronous>, transform_indices = @transform_2, window_bounds = array<i64: 32, 32>}, {pipeline_mode = #tpu.pipeline_mode<synchronous>, transform_indices = @transform_3, window_bounds = array<i64: 32, 32>}, {pipeline_mode = #tpu.pipeline_mode<synchronous>, transform_indices = @transform_4, window_bounds = array<i64: 32>}, {pipeline_mode = #tpu.pipeline_mode<synchronous>, transform_indices = @transform_5, window_bounds = array<i64: 32, 32>}, {pipeline_mode = #tpu.pipeline_mode<synchronous>, transform_indices = @transform_6, window_bounds = array<i64: 32>}, {pipeline_mode = #tpu.pipeline_mode<synchronous>, transform_indices = @transform_7, window_bounds = array<i64: 32, 32>}, {pipeline_mode = #tpu.pipeline_mode<synchronous>, transform_indices = @transform_8, window_bounds = array<i64: 32>}, {pipeline_mode = #tpu.pipeline_mode<synchronous>, transform_indices = @transform_9, window_bounds = array<i64: 32>}, {pipeline_mode = #tpu.pipeline_mode<synchronous>, transform_indices = @transform_10, window_bounds = array<i64: 1>}, {transform_indices = @transform_11, window_bounds = array<i64: 5000, 32>}, {transform_indices = @transform_12, window_bounds = array<i64: 5000, 1>}]} {
    %get3A = arith.constant 0 : index
    %get3A_0 = arith.constant 0 : index
    %get3A_1 = arith.constant 0 : index
    %get3A_2 = vector.load %arg2[%get3A, %get3A_0, %get3A_1] : memref<2x5000x32xf32, #tpu.memory_space<vmem>>, vector<1x5000x32xf32>
    %get3A_3 = vector.shape_cast %get3A_2 : vector<1x5000x32xf32> to vector<5000x32xf32>
    %get3A_4 = arith.constant 1 : index
    %get3A_5 = arith.constant 0 : index
    %get3A_6 = arith.constant 0 : index
    %get3A_7 = vector.load %arg2[%get3A_4, %get3A_5, %get3A_6] : memref<2x5000x32xf32, #tpu.memory_space<vmem>>, vector<1x5000x32xf32>
    %get3A_8 = vector.shape_cast %get3A_7 : vector<1x5000x32xf32> to vector<5000x32xf32>
    %add3A = arith.addf %get3A_3, %get3A_8 : vector<5000x32xf32>
    %get3A_9 = arith.constant 0 : index
    %get3A_10 = arith.constant 0 : index
    %get3A_11 = vector.load %arg1[%get3A_9, %get3A_10] : memref<5000x32xf32, #tpu.memory_space<vmem>>, vector<5000x32xf32>
    %convert_element_type3A = arith.truncf %get3A_11 : vector<5000x32xf32> to vector<5000x32xbf16>
    %convert_element_type3A_12 = arith.extf %convert_element_type3A : vector<5000x32xbf16> to vector<5000x32xf32>
    %get3A_13 = arith.constant 0 : index
    %get3A_14 = arith.constant 0 : index
    %get3A_15 = vector.load %arg3[%get3A_13, %get3A_14] : memref<32x32xf32, #tpu.memory_space<vmem>>, vector<32x32xf32>
    %convert_element_type3A_16 = arith.truncf %get3A_15 : vector<32x32xf32> to vector<32x32xbf16>
    %convert_element_type3A_17 = arith.extf %convert_element_type3A_16 : vector<32x32xbf16> to vector<32x32xf32>
    %dot_general3A = arith.constant dense<0.000000e+00> : vector<5000x32xf32>
    %dot_general3A_18 = tpu.matmul %convert_element_type3A_12, %convert_element_type3A_17, %dot_general3A {dimension_numbers = #tpu.dot_dimension_numbers<[1], [0], [0], [1], [0, 0, 1, 1], [], []>, precision = #tpu.contract_precision<fp32>, transpose_lhs_hint = false} : vector<5000x32xf32>, vector<32x32xf32>, vector<5000x32xf32> -> vector<5000x32xf32>
    %convert_element_type3A_19 = arith.truncf %add3A : vector<5000x32xf32> to vector<5000x32xbf16>
    %convert_element_type3A_20 = arith.extf %convert_element_type3A_19 : vector<5000x32xbf16> to vector<5000x32xf32>
    %get3A_21 = arith.constant 0 : index
    %get3A_22 = arith.constant 0 : index
    %get3A_23 = vector.load %arg4[%get3A_21, %get3A_22] : memref<32x32xf32, #tpu.memory_space<vmem>>, vector<32x32xf32>
    %convert_element_type3A_24 = arith.truncf %get3A_23 : vector<32x32xf32> to vector<32x32xbf16>
    %convert_element_type3A_25 = arith.extf %convert_element_type3A_24 : vector<32x32xbf16> to vector<32x32xf32>
    %dot_general3A_26 = arith.constant dense<0.000000e+00> : vector<5000x32xf32>
    %dot_general3A_27 = tpu.matmul %convert_element_type3A_20, %convert_element_type3A_25, %dot_general3A_26 {dimension_numbers = #tpu.dot_dimension_numbers<[1], [0], [0], [1], [0, 0, 1, 1], [], []>, precision = #tpu.contract_precision<fp32>, transpose_lhs_hint = false} : vector<5000x32xf32>, vector<32x32xf32>, vector<5000x32xf32> -> vector<5000x32xf32>
    %add3A_28 = arith.addf %dot_general3A_18, %dot_general3A_27 : vector<5000x32xf32>
    %get3A_29 = arith.constant 0 : index
    %get3A_30 = vector.load %arg5[%get3A_29] : memref<32xf32, #tpu.memory_space<vmem>>, vector<32xf32>
    %broadcast_in_dim3A = vector.shape_cast %get3A_30 : vector<32xf32> to vector<1x32xf32>
    %add3A_31 = vector.broadcast %broadcast_in_dim3A : vector<1x32xf32> to vector<5000x32xf32>
    %add3A_32 = arith.addf %add3A_28, %add3A_31 : vector<5000x32xf32>
    %max3A = arith.constant 0.000000e+00 : f32
    %max3A_33 = vector.broadcast %max3A : f32 to vector<5000x32xf32>
    %max3A_34 = arith.maximumf %add3A_32, %max3A_33 : vector<5000x32xf32>
    %convert_element_type3A_35 = arith.truncf %max3A_34 : vector<5000x32xf32> to vector<5000x32xbf16>
    %convert_element_type3A_36 = arith.extf %convert_element_type3A_35 : vector<5000x32xbf16> to vector<5000x32xf32>
    %get3A_37 = arith.constant 0 : index
    %get3A_38 = arith.constant 0 : index
    %get3A_39 = vector.load %arg6[%get3A_37, %get3A_38] : memref<32x32xf32, #tpu.memory_space<vmem>>, vector<32x32xf32>
    %convert_element_type3A_40 = arith.truncf %get3A_39 : vector<32x32xf32> to vector<32x32xbf16>
    %convert_element_type3A_41 = arith.extf %convert_element_type3A_40 : vector<32x32xbf16> to vector<32x32xf32>
    %dot_general3A_42 = arith.constant dense<0.000000e+00> : vector<5000x32xf32>
    %dot_general3A_43 = tpu.matmul %convert_element_type3A_36, %convert_element_type3A_41, %dot_general3A_42 {dimension_numbers = #tpu.dot_dimension_numbers<[1], [0], [0], [1], [0, 0, 1, 1], [], []>, precision = #tpu.contract_precision<fp32>, transpose_lhs_hint = false} : vector<5000x32xf32>, vector<32x32xf32>, vector<5000x32xf32> -> vector<5000x32xf32>
    %get3A_44 = arith.constant 0 : index
    %get3A_45 = vector.load %arg7[%get3A_44] : memref<32xf32, #tpu.memory_space<vmem>>, vector<32xf32>
    %broadcast_in_dim3A_46 = vector.shape_cast %get3A_45 : vector<32xf32> to vector<1x32xf32>
    %add3A_47 = vector.broadcast %broadcast_in_dim3A_46 : vector<1x32xf32> to vector<5000x32xf32>
    %add3A_48 = arith.addf %dot_general3A_43, %add3A_47 : vector<5000x32xf32>
    %swap3A = arith.constant 0 : index
    %swap3A_49 = arith.constant 0 : index
    %swap3A_50 = vector.load %arg12[%swap3A, %swap3A_49] : memref<5000x32xf32, #tpu.memory_space<vmem>>, vector<5000x32xf32>
    tpu.vector_store %arg12[%swap3A, %swap3A_49], %add3A_48 {strides = array<i32>} : memref<5000x32xf32, #tpu.memory_space<vmem>>, vector<5000x32xf32>,
    %convert_element_type3A_51 = arith.truncf %add3A_48 : vector<5000x32xf32> to vector<5000x32xbf16>
    %convert_element_type3A_52 = arith.extf %convert_element_type3A_51 : vector<5000x32xbf16> to vector<5000x32xf32>
    %get3A_53 = arith.constant 0 : index
    %get3A_54 = arith.constant 0 : index
    %get3A_55 = vector.load %arg8[%get3A_53, %get3A_54] : memref<32x32xf32, #tpu.memory_space<vmem>>, vector<32x32xf32>
    %convert_element_type3A_56 = arith.truncf %get3A_55 : vector<32x32xf32> to vector<32x32xbf16>
    %convert_element_type3A_57 = arith.extf %convert_element_type3A_56 : vector<32x32xbf16> to vector<32x32xf32>
    %dot_general3A_58 = arith.constant dense<0.000000e+00> : vector<5000x32xf32>
    %dot_general3A_59 = tpu.matmul %convert_element_type3A_52, %convert_element_type3A_57, %dot_general3A_58 {dimension_numbers = #tpu.dot_dimension_numbers<[1], [0], [0], [1], [0, 0, 1, 1], [], []>, precision = #tpu.contract_precision<fp32>, transpose_lhs_hint = false} : vector<5000x32xf32>, vector<32x32xf32>, vector<5000x32xf32> -> vector<5000x32xf32>
    %get3A_60 = arith.constant 0 : index
    %get3A_61 = vector.load %arg9[%get3A_60] : memref<32xf32, #tpu.memory_space<vmem>>, vector<32xf32>
    %broadcast_in_dim3A_62 = vector.shape_cast %get3A_61 : vector<32xf32> to vector<1x32xf32>
    %add3A_63 = vector.broadcast %broadcast_in_dim3A_62 : vector<1x32xf32> to vector<5000x32xf32>
    %add3A_64 = arith.addf %dot_general3A_59, %add3A_63 : vector<5000x32xf32>
    %max3A_65 = arith.constant 0.000000e+00 : f32
    %max3A_66 = vector.broadcast %max3A_65 : f32 to vector<5000x32xf32>
    %max3A_67 = arith.maximumf %add3A_64, %max3A_66 : vector<5000x32xf32>
    %convert_element_type3A_68 = arith.truncf %max3A_67 : vector<5000x32xf32> to vector<5000x32xbf16>
    %convert_element_type3A_69 = arith.extf %convert_element_type3A_68 : vector<5000x32xbf16> to vector<5000x32xf32>
    %get3A_70 = arith.constant 0 : index
    %get3A_71 = vector.load %arg10[%get3A_70] : memref<32xf32, #tpu.memory_space<vmem>>, vector<32xf32>
    %convert_element_type3A_72 = arith.truncf %get3A_71 : vector<32xf32> to vector<32xbf16>
    %convert_element_type3A_73 = arith.extf %convert_element_type3A_72 : vector<32xbf16> to vector<32xf32>
    %broadcast_in_dim3A_74 = vector.shape_cast %convert_element_type3A_73 : vector<32xf32> to vector<1x32xf32>
    %mul3A = vector.broadcast %broadcast_in_dim3A_74 : vector<1x32xf32> to vector<5000x32xf32>
    %mul3A_75 = arith.mulf %convert_element_type3A_69, %mul3A : vector<5000x32xf32>
    %reduce_sum3A = arith.constant dense<0.000000e+00> : vector<5000xf32>
    %reduce_sum3A_76 = vector.multi_reduction <add>, %mul3A_75, %reduce_sum3A [1] : vector<5000x32xf32> to vector<5000xf32>
    %get3A_77 = arith.constant 0 : index
    %get3A_78 = vector.load %arg11[%get3A_77] : memref<1xf32, #tpu.memory_space<vmem>>, vector<1xf32>
    %add3A_79 = vector.broadcast %get3A_78 : vector<1xf32> to vector<5000xf32>
    %add3A_80 = arith.addf %reduce_sum3A_76, %add3A_79 : vector<5000xf32>
    %broadcast_in_dim3A_81 = vector.shape_cast %add3A_80 : vector<5000xf32> to vector<5000x1xf32>
    %swap3A_82 = arith.constant 0 : index
    %swap3A_83 = arith.constant 0 : index
    %swap3A_84 = vector.load %arg13[%swap3A_82, %swap3A_83] : memref<5000x1xf32, #tpu.memory_space<vmem>>, vector<5000x1xf32>
    tpu.vector_store %arg13[%swap3A_82, %swap3A_83], %broadcast_in_dim3A_81 {strides = array<i32>} : memref<5000x1xf32, #tpu.memory_space<vmem>>, vector<5000x1xf32>,
    return
  }
  func.func @transform_0(%arg0: i32) -> (i32, i32) {
    %c0_i32 = arith.constant 0 : i32
    %c0_i32_0 = arith.constant 0 : i32
    return %arg0, %c0_i32 : i32, i32
  }
  func.func @transform_1(%arg0: i32) -> (i32, i32, i32) {
    %c0_i32 = arith.constant 0 : i32
    %c0_i32_0 = arith.constant 0 : i32
    %c0_i32_1 = arith.constant 0 : i32
    return %c0_i32, %arg0, %c0_i32_0 : i32, i32, i32
  }
  func.func @transform_2(%arg0: i32) -> (i32, i32) {
    %c0_i32 = arith.constant 0 : i32
    %c0_i32_0 = arith.constant 0 : i32
    %c0_i32_1 = arith.constant 0 : i32
    return %c0_i32, %c0_i32_0 : i32, i32
  }
  func.func @transform_3(%arg0: i32) -> (i32, i32) {
    %c0_i32 = arith.constant 0 : i32
    %c0_i32_0 = arith.constant 0 : i32
    %c0_i32_1 = arith.constant 0 : i32
    return %c0_i32, %c0_i32_0 : i32, i32
  }
  func.func @transform_4(%arg0: i32) -> i32 {
    %c0_i32 = arith.constant 0 : i32
    %c0_i32_0 = arith.constant 0 : i32
    return %c0_i32 : i32
  }
  func.func @transform_5(%arg0: i32) -> (i32, i32) {
    %c0_i32 = arith.constant 0 : i32
    %c0_i32_0 = arith.constant 0 : i32
    %c0_i32_1 = arith.constant 0 : i32
    return %c0_i32, %c0_i32_0 : i32, i32
  }
  func.func @transform_6(%arg0: i32) -> i32 {
    %c0_i32 = arith.constant 0 : i32
    %c0_i32_0 = arith.constant 0 : i32
    return %c0_i32 : i32
  }
  func.func @transform_7(%arg0: i32) -> (i32, i32) {
    %c0_i32 = arith.constant 0 : i32
    %c0_i32_0 = arith.constant 0 : i32
    %c0_i32_1 = arith.constant 0 : i32
    return %c0_i32, %c0_i32_0 : i32, i32
  }
  func.func @transform_8(%arg0: i32) -> i32 {
    %c0_i32 = arith.constant 0 : i32
    %c0_i32_0 = arith.constant 0 : i32
    return %c0_i32 : i32
  }
  func.func @transform_9(%arg0: i32) -> i32 {
    %c0_i32 = arith.constant 0 : i32
    %c0_i32_0 = arith.constant 0 : i32
    return %c0_i32 : i32
  }
  func.func @transform_10(%arg0: i32) -> i32 {
    %c0_i32 = arith.constant 0 : i32
    %c0_i32_0 = arith.constant 0 : i32
    return %c0_i32 : i32
  }
  func.func @transform_11(%arg0: i32) -> (i32, i32) {
    %c0_i32 = arith.constant 0 : i32
    %c0_i32_0 = arith.constant 0 : i32
    return %arg0, %c0_i32 : i32, i32
  }
  func.func @transform_12(%arg0: i32) -> (i32, i32) {
    %c0_i32 = arith.constant 0 : i32
    %c0_i32_0 = arith.constant 0 : i32
    return %arg0, %c0_i32 : i32, i32
  }
}

module attributes {stable_mosaic.version = 14 : i64} {
  func.func @_heads_body(%arg0: memref<16x3125x32xf32, #tpu.memory_space<vmem>>, %arg1: memref<16x3125xf32, #tpu.memory_space<vmem>>, %arg2: memref<32x32xf32, #tpu.memory_space<vmem>>, %arg3: memref<32xf32, #tpu.memory_space<vmem>>, %arg4: memref<32x4xf32, #tpu.memory_space<vmem>>, %arg5: memref<4xf32, #tpu.memory_space<vmem>>, %arg6: memref<32x32xf32, #tpu.memory_space<vmem>>, %arg7: memref<32xf32, #tpu.memory_space<vmem>>, %arg8: memref<32xf32, #tpu.memory_space<vmem>>, %arg9: memref<1xf32, #tpu.memory_space<vmem>>, %arg10: memref<32x32xf32, #tpu.memory_space<vmem>>, %arg11: memref<32xf32, #tpu.memory_space<vmem>>, %arg12: memref<32xf32, #tpu.memory_space<vmem>>, %arg13: memref<1xf32, #tpu.memory_space<vmem>>, %arg14: memref<16xi32, #tpu.memory_space<vmem>>, %arg15: memref<16xi32, #tpu.memory_space<vmem>>, %arg16: memref<16xf32, #tpu.memory_space<vmem>>, %arg17: memref<16xf32, #tpu.memory_space<vmem>>, %arg18: memref<16xf32, #tpu.memory_space<vmem>>, %arg19: memref<16xf32, #tpu.memory_space<vmem>>, %arg20: memref<16xf32, #tpu.memory_space<vmem>>, %arg21: memref<16xf32, #tpu.memory_space<vmem>>) attributes {dimension_semantics = [], scalar_prefetch = 0 : i64, scratch_operands = 0 : i64, tpu.core_type = #tpu.core_type<tc>} {
    %get3A = arith.constant 0 : index
    %get3A_0 = arith.constant 0 : index
    %get3A_1 = vector.load %arg1[%get3A, %get3A_0] : memref<16x3125xf32, #tpu.memory_space<vmem>>, vector<16x3125xf32>
    %reduce_max3A = arith.constant dense<0xFF800000> : vector<16xf32>
    %reduce_max3A_2 = vector.multi_reduction <maximumf>, %get3A_1, %reduce_max3A [1] : vector<16x3125xf32> to vector<16xf32>
    %broadcast_in_dim3A = vector.shape_cast %reduce_max3A_2 : vector<16xf32> to vector<16x1xf32>
    %sub3A = vector.broadcast %broadcast_in_dim3A : vector<16x1xf32> to vector<16x3125xf32>
    %sub3A_3 = arith.subf %get3A_1, %sub3A : vector<16x3125xf32>
    %exp3A = math.exp %sub3A_3 : vector<16x3125xf32>
    %reduce_sum3A = arith.constant dense<0.000000e+00> : vector<16xf32>
    %reduce_sum3A_4 = vector.multi_reduction <add>, %exp3A, %reduce_sum3A [1] : vector<16x3125xf32> to vector<16xf32>
    %mul3A = arith.mulf %exp3A, %get3A_1 : vector<16x3125xf32>
    %reduce_sum3A_5 = arith.constant dense<0.000000e+00> : vector<16xf32>
    %reduce_sum3A_6 = vector.multi_reduction <add>, %mul3A, %reduce_sum3A_5 [1] : vector<16x3125xf32> to vector<16xf32>
    %log3A = math.log %reduce_sum3A_4 : vector<16xf32>
    %add3A = arith.addf %reduce_max3A_2, %log3A : vector<16xf32>
    %sub3A_7 = arith.subf %reduce_max3A_2, %add3A : vector<16xf32>
    %swap3A = arith.constant 0 : index
    %swap3A_8 = vector.load %arg16[%swap3A] : memref<16xf32, #tpu.memory_space<vmem>>, vector<16xf32>
    tpu.vector_store %arg16[%swap3A], %sub3A_7 {strides = array<i32>} : memref<16xf32, #tpu.memory_space<vmem>>, vector<16xf32>,
    %div3A = arith.divf %reduce_sum3A_6, %reduce_sum3A_4 : vector<16xf32>
    %sub3A_9 = arith.subf %add3A, %div3A : vector<16xf32>
    %swap3A_10 = arith.constant 0 : index
    %swap3A_11 = vector.load %arg18[%swap3A_10] : memref<16xf32, #tpu.memory_space<vmem>>, vector<16xf32>
    tpu.vector_store %arg18[%swap3A_10], %sub3A_9 {strides = array<i32>} : memref<16xf32, #tpu.memory_space<vmem>>, vector<16xf32>,
    %iota3A = tpu.iota {dimensions = array<i32: 1>} : vector<16x3125xi32>
    %broadcast_in_dim3A_12 = vector.shape_cast %reduce_max3A_2 : vector<16xf32> to vector<16x1xf32>
    %eq3A = vector.broadcast %broadcast_in_dim3A_12 : vector<16x1xf32> to vector<16x3125xf32>
    %eq3A_13 = arith.cmpf oeq, %get3A_1, %eq3A : vector<16x3125xf32>
    %jit3A = arith.constant 3125 : i32
    %broadcast_in_dim3A_14 = vector.broadcast %jit3A : i32 to vector<16x3125xi32>
    %select_n3A = arith.select %eq3A_13, %iota3A, %broadcast_in_dim3A_14 : vector<16x3125xi1>, vector<16x3125xi32>
    %reduce_min3A = arith.constant dense<2147483647> : vector<16xi32>
    %reduce_min3A_15 = vector.multi_reduction <minsi>, %select_n3A, %reduce_min3A [1] : vector<16x3125xi32> to vector<16xi32>
    %swap3A_16 = arith.constant 0 : index
    %swap3A_17 = vector.load %arg14[%swap3A_16] : memref<16xi32, #tpu.memory_space<vmem>>, vector<16xi32>
    tpu.vector_store %arg14[%swap3A_16], %reduce_min3A_15 {strides = array<i32>} : memref<16xi32, #tpu.memory_space<vmem>>, vector<16xi32>,
    %get3A_18 = arith.constant 0 : index
    %get3A_19 = arith.constant 0 : index
    %get3A_20 = arith.constant 0 : index
    %get3A_21 = vector.load %arg0[%get3A_18, %get3A_19, %get3A_20] : memref<16x3125x32xf32, #tpu.memory_space<vmem>>, vector<16x3125x32xf32>
    %broadcast_in_dim3A_22 = vector.shape_cast %reduce_min3A_15 : vector<16xi32> to vector<16x1xi32>
    %eq3A_23 = vector.broadcast %broadcast_in_dim3A_22 : vector<16x1xi32> to vector<16x3125xi32>
    %eq3A_24 = arith.cmpi eq, %iota3A, %eq3A_23 : vector<16x3125xi32>
    %convert_element_type3A = arith.extui %eq3A_24 : vector<16x3125xi1> to vector<16x3125xi32>
    %convert_element_type3A_25 = arith.sitofp %convert_element_type3A : vector<16x3125xi32> to vector<16x3125xf32>
    %broadcast_in_dim3A_26 = vector.shape_cast %convert_element_type3A_25 : vector<16x3125xf32> to vector<16x3125x1xf32>
    %mul3A_27 = vector.broadcast %broadcast_in_dim3A_26 : vector<16x3125x1xf32> to vector<16x3125x32xf32>
    %mul3A_28 = arith.mulf %get3A_21, %mul3A_27 : vector<16x3125x32xf32>
    %reduce_sum3A_29 = arith.constant dense<0.000000e+00> : vector<16x32xf32>
    %reduce_sum3A_30 = vector.multi_reduction <add>, %mul3A_28, %reduce_sum3A_29 [1] : vector<16x3125x32xf32> to vector<16x32xf32>
    %reduce_sum3A_31 = arith.constant dense<0.000000e+00> : vector<16x32xf32>
    %reduce_sum3A_32 = vector.multi_reduction <add>, %get3A_21, %reduce_sum3A_31 [1] : vector<16x3125x32xf32> to vector<16x32xf32>
    %convert_element_type3A_33 = arith.truncf %reduce_sum3A_30 : vector<16x32xf32> to vector<16x32xbf16>
    %convert_element_type3A_34 = arith.extf %convert_element_type3A_33 : vector<16x32xbf16> to vector<16x32xf32>
    %get3A_35 = arith.constant 0 : index
    %get3A_36 = arith.constant 0 : index
    %get3A_37 = vector.load %arg2[%get3A_35, %get3A_36] : memref<32x32xf32, #tpu.memory_space<vmem>>, vector<32x32xf32>
    %convert_element_type3A_38 = arith.truncf %get3A_37 : vector<32x32xf32> to vector<32x32xbf16>
    %convert_element_type3A_39 = arith.extf %convert_element_type3A_38 : vector<32x32xbf16> to vector<32x32xf32>
    %dot_general3A = arith.constant dense<0.000000e+00> : vector<16x32xf32>
    %dot_general3A_40 = tpu.matmul %convert_element_type3A_34, %convert_element_type3A_39, %dot_general3A {dimension_numbers = #tpu.dot_dimension_numbers<[1], [0], [0], [1], [0, 0, 1, 1], [], []>, precision = #tpu.contract_precision<fp32>, transpose_lhs_hint = false} : vector<16x32xf32>, vector<32x32xf32>, vector<16x32xf32> -> vector<16x32xf32>
    %get3A_41 = arith.constant 0 : index
    %get3A_42 = vector.load %arg3[%get3A_41] : memref<32xf32, #tpu.memory_space<vmem>>, vector<32xf32>
    %broadcast_in_dim3A_43 = vector.shape_cast %get3A_42 : vector<32xf32> to vector<1x32xf32>
    %add3A_44 = vector.broadcast %broadcast_in_dim3A_43 : vector<1x32xf32> to vector<16x32xf32>
    %add3A_45 = arith.addf %dot_general3A_40, %add3A_44 : vector<16x32xf32>
    %max3A = arith.constant 0.000000e+00 : f32
    %max3A_46 = vector.broadcast %max3A : f32 to vector<16x32xf32>
    %max3A_47 = arith.maximumf %add3A_45, %max3A_46 : vector<16x32xf32>
    %convert_element_type3A_48 = arith.truncf %max3A_47 : vector<16x32xf32> to vector<16x32xbf16>
    %convert_element_type3A_49 = arith.extf %convert_element_type3A_48 : vector<16x32xbf16> to vector<16x32xf32>
    %get3A_50 = arith.constant 0 : index
    %get3A_51 = arith.constant 0 : index
    %get3A_52 = vector.load %arg4[%get3A_50, %get3A_51] : memref<32x4xf32, #tpu.memory_space<vmem>>, vector<32x4xf32>
    %convert_element_type3A_53 = arith.truncf %get3A_52 : vector<32x4xf32> to vector<32x4xbf16>
    %convert_element_type3A_54 = arith.extf %convert_element_type3A_53 : vector<32x4xbf16> to vector<32x4xf32>
    %dot_general3A_55 = arith.constant dense<0.000000e+00> : vector<16x4xf32>
    %dot_general3A_56 = tpu.matmul %convert_element_type3A_49, %convert_element_type3A_54, %dot_general3A_55 {dimension_numbers = #tpu.dot_dimension_numbers<[1], [0], [0], [1], [0, 0, 1, 1], [], []>, precision = #tpu.contract_precision<fp32>, transpose_lhs_hint = false} : vector<16x32xf32>, vector<32x4xf32>, vector<16x4xf32> -> vector<16x4xf32>
    %get3A_57 = arith.constant 0 : index
    %get3A_58 = vector.load %arg5[%get3A_57] : memref<4xf32, #tpu.memory_space<vmem>>, vector<4xf32>
    %broadcast_in_dim3A_59 = vector.shape_cast %get3A_58 : vector<4xf32> to vector<1x4xf32>
    %add3A_60 = vector.broadcast %broadcast_in_dim3A_59 : vector<1x4xf32> to vector<16x4xf32>
    %add3A_61 = arith.addf %dot_general3A_56, %add3A_60 : vector<16x4xf32>
    %reduce_max3A_62 = arith.constant dense<0xFF800000> : vector<16xf32>
    %reduce_max3A_63 = vector.multi_reduction <maximumf>, %add3A_61, %reduce_max3A_62 [1] : vector<16x4xf32> to vector<16xf32>
    %broadcast_in_dim3A_64 = vector.shape_cast %reduce_max3A_63 : vector<16xf32> to vector<16x1xf32>
    %sub3A_65 = vector.broadcast %broadcast_in_dim3A_64 : vector<16x1xf32> to vector<16x4xf32>
    %sub3A_66 = arith.subf %add3A_61, %sub3A_65 : vector<16x4xf32>
    %exp3A_67 = math.exp %sub3A_66 : vector<16x4xf32>
    %reduce_sum3A_68 = arith.constant dense<0.000000e+00> : vector<16xf32>
    %reduce_sum3A_69 = vector.multi_reduction <add>, %exp3A_67, %reduce_sum3A_68 [1] : vector<16x4xf32> to vector<16xf32>
    %mul3A_70 = arith.mulf %exp3A_67, %add3A_61 : vector<16x4xf32>
    %reduce_sum3A_71 = arith.constant dense<0.000000e+00> : vector<16xf32>
    %reduce_sum3A_72 = vector.multi_reduction <add>, %mul3A_70, %reduce_sum3A_71 [1] : vector<16x4xf32> to vector<16xf32>
    %log3A_73 = math.log %reduce_sum3A_69 : vector<16xf32>
    %add3A_74 = arith.addf %reduce_max3A_63, %log3A_73 : vector<16xf32>
    %sub3A_75 = arith.subf %reduce_max3A_63, %add3A_74 : vector<16xf32>
    %swap3A_76 = arith.constant 0 : index
    %swap3A_77 = vector.load %arg17[%swap3A_76] : memref<16xf32, #tpu.memory_space<vmem>>, vector<16xf32>
    tpu.vector_store %arg17[%swap3A_76], %sub3A_75 {strides = array<i32>} : memref<16xf32, #tpu.memory_space<vmem>>, vector<16xf32>,
    %div3A_78 = arith.divf %reduce_sum3A_72, %reduce_sum3A_69 : vector<16xf32>
    %sub3A_79 = arith.subf %add3A_74, %div3A_78 : vector<16xf32>
    %swap3A_80 = arith.constant 0 : index
    %swap3A_81 = vector.load %arg19[%swap3A_80] : memref<16xf32, #tpu.memory_space<vmem>>, vector<16xf32>
    tpu.vector_store %arg19[%swap3A_80], %sub3A_79 {strides = array<i32>} : memref<16xf32, #tpu.memory_space<vmem>>, vector<16xf32>,
    %iota3A_82 = tpu.iota {dimensions = array<i32: 1>} : vector<16x4xi32>
    %broadcast_in_dim3A_83 = vector.shape_cast %reduce_max3A_63 : vector<16xf32> to vector<16x1xf32>
    %eq3A_84 = vector.broadcast %broadcast_in_dim3A_83 : vector<16x1xf32> to vector<16x4xf32>
    %eq3A_85 = arith.cmpf oeq, %add3A_61, %eq3A_84 : vector<16x4xf32>
    %jit3A_86 = arith.constant 4 : i32
    %broadcast_in_dim3A_87 = vector.broadcast %jit3A_86 : i32 to vector<16x4xi32>
    %select_n3A_88 = arith.select %eq3A_85, %iota3A_82, %broadcast_in_dim3A_87 : vector<16x4xi1>, vector<16x4xi32>
    %reduce_min3A_89 = arith.constant dense<2147483647> : vector<16xi32>
    %reduce_min3A_90 = vector.multi_reduction <minsi>, %select_n3A_88, %reduce_min3A_89 [1] : vector<16x4xi32> to vector<16xi32>
    %swap3A_91 = arith.constant 0 : index
    %swap3A_92 = vector.load %arg15[%swap3A_91] : memref<16xi32, #tpu.memory_space<vmem>>, vector<16xi32>
    tpu.vector_store %arg15[%swap3A_91], %reduce_min3A_90 {strides = array<i32>} : memref<16xi32, #tpu.memory_space<vmem>>, vector<16xi32>,
    %convert_element_type3A_93 = arith.truncf %reduce_sum3A_32 : vector<16x32xf32> to vector<16x32xbf16>
    %convert_element_type3A_94 = arith.extf %convert_element_type3A_93 : vector<16x32xbf16> to vector<16x32xf32>
    %get3A_95 = arith.constant 0 : index
    %get3A_96 = arith.constant 0 : index
    %get3A_97 = vector.load %arg6[%get3A_95, %get3A_96] : memref<32x32xf32, #tpu.memory_space<vmem>>, vector<32x32xf32>
    %convert_element_type3A_98 = arith.truncf %get3A_97 : vector<32x32xf32> to vector<32x32xbf16>
    %convert_element_type3A_99 = arith.extf %convert_element_type3A_98 : vector<32x32xbf16> to vector<32x32xf32>
    %dot_general3A_100 = arith.constant dense<0.000000e+00> : vector<16x32xf32>
    %dot_general3A_101 = tpu.matmul %convert_element_type3A_94, %convert_element_type3A_99, %dot_general3A_100 {dimension_numbers = #tpu.dot_dimension_numbers<[1], [0], [0], [1], [0, 0, 1, 1], [], []>, precision = #tpu.contract_precision<fp32>, transpose_lhs_hint = false} : vector<16x32xf32>, vector<32x32xf32>, vector<16x32xf32> -> vector<16x32xf32>
    %get3A_102 = arith.constant 0 : index
    %get3A_103 = vector.load %arg7[%get3A_102] : memref<32xf32, #tpu.memory_space<vmem>>, vector<32xf32>
    %broadcast_in_dim3A_104 = vector.shape_cast %get3A_103 : vector<32xf32> to vector<1x32xf32>
    %add3A_105 = vector.broadcast %broadcast_in_dim3A_104 : vector<1x32xf32> to vector<16x32xf32>
    %add3A_106 = arith.addf %dot_general3A_101, %add3A_105 : vector<16x32xf32>
    %max3A_107 = arith.constant 0.000000e+00 : f32
    %max3A_108 = vector.broadcast %max3A_107 : f32 to vector<16x32xf32>
    %max3A_109 = arith.maximumf %add3A_106, %max3A_108 : vector<16x32xf32>
    %convert_element_type3A_110 = arith.truncf %max3A_109 : vector<16x32xf32> to vector<16x32xbf16>
    %convert_element_type3A_111 = arith.extf %convert_element_type3A_110 : vector<16x32xbf16> to vector<16x32xf32>
    %get3A_112 = arith.constant 0 : index
    %get3A_113 = vector.load %arg8[%get3A_112] : memref<32xf32, #tpu.memory_space<vmem>>, vector<32xf32>
    %convert_element_type3A_114 = arith.truncf %get3A_113 : vector<32xf32> to vector<32xbf16>
    %convert_element_type3A_115 = arith.extf %convert_element_type3A_114 : vector<32xbf16> to vector<32xf32>
    %broadcast_in_dim3A_116 = vector.shape_cast %convert_element_type3A_115 : vector<32xf32> to vector<1x32xf32>
    %mul3A_117 = vector.broadcast %broadcast_in_dim3A_116 : vector<1x32xf32> to vector<16x32xf32>
    %mul3A_118 = arith.mulf %convert_element_type3A_111, %mul3A_117 : vector<16x32xf32>
    %reduce_sum3A_119 = arith.constant dense<0.000000e+00> : vector<16xf32>
    %reduce_sum3A_120 = vector.multi_reduction <add>, %mul3A_118, %reduce_sum3A_119 [1] : vector<16x32xf32> to vector<16xf32>
    %get3A_121 = arith.constant 0 : index
    %get3A_122 = vector.load %arg9[%get3A_121] : memref<1xf32, #tpu.memory_space<vmem>>, vector<1xf32>
    %add3A_123 = vector.broadcast %get3A_122 : vector<1xf32> to vector<16xf32>
    %add3A_124 = arith.addf %reduce_sum3A_120, %add3A_123 : vector<16xf32>
    %swap3A_125 = arith.constant 0 : index
    %swap3A_126 = vector.load %arg20[%swap3A_125] : memref<16xf32, #tpu.memory_space<vmem>>, vector<16xf32>
    tpu.vector_store %arg20[%swap3A_125], %add3A_124 {strides = array<i32>} : memref<16xf32, #tpu.memory_space<vmem>>, vector<16xf32>,
    %convert_element_type3A_127 = arith.truncf %reduce_sum3A_30 : vector<16x32xf32> to vector<16x32xbf16>
    %convert_element_type3A_128 = arith.extf %convert_element_type3A_127 : vector<16x32xbf16> to vector<16x32xf32>
    %get3A_129 = arith.constant 0 : index
    %get3A_130 = arith.constant 0 : index
    %get3A_131 = vector.load %arg10[%get3A_129, %get3A_130] : memref<32x32xf32, #tpu.memory_space<vmem>>, vector<32x32xf32>
    %convert_element_type3A_132 = arith.truncf %get3A_131 : vector<32x32xf32> to vector<32x32xbf16>
    %convert_element_type3A_133 = arith.extf %convert_element_type3A_132 : vector<32x32xbf16> to vector<32x32xf32>
    %dot_general3A_134 = arith.constant dense<0.000000e+00> : vector<16x32xf32>
    %dot_general3A_135 = tpu.matmul %convert_element_type3A_128, %convert_element_type3A_133, %dot_general3A_134 {dimension_numbers = #tpu.dot_dimension_numbers<[1], [0], [0], [1], [0, 0, 1, 1], [], []>, precision = #tpu.contract_precision<fp32>, transpose_lhs_hint = false} : vector<16x32xf32>, vector<32x32xf32>, vector<16x32xf32> -> vector<16x32xf32>
    %get3A_136 = arith.constant 0 : index
    %get3A_137 = vector.load %arg11[%get3A_136] : memref<32xf32, #tpu.memory_space<vmem>>, vector<32xf32>
    %broadcast_in_dim3A_138 = vector.shape_cast %get3A_137 : vector<32xf32> to vector<1x32xf32>
    %add3A_139 = vector.broadcast %broadcast_in_dim3A_138 : vector<1x32xf32> to vector<16x32xf32>
    %add3A_140 = arith.addf %dot_general3A_135, %add3A_139 : vector<16x32xf32>
    %max3A_141 = arith.constant 0.000000e+00 : f32
    %max3A_142 = vector.broadcast %max3A_141 : f32 to vector<16x32xf32>
    %max3A_143 = arith.maximumf %add3A_140, %max3A_142 : vector<16x32xf32>
    %convert_element_type3A_144 = arith.truncf %max3A_143 : vector<16x32xf32> to vector<16x32xbf16>
    %convert_element_type3A_145 = arith.extf %convert_element_type3A_144 : vector<16x32xbf16> to vector<16x32xf32>
    %get3A_146 = arith.constant 0 : index
    %get3A_147 = vector.load %arg12[%get3A_146] : memref<32xf32, #tpu.memory_space<vmem>>, vector<32xf32>
    %convert_element_type3A_148 = arith.truncf %get3A_147 : vector<32xf32> to vector<32xbf16>
    %convert_element_type3A_149 = arith.extf %convert_element_type3A_148 : vector<32xbf16> to vector<32xf32>
    %broadcast_in_dim3A_150 = vector.shape_cast %convert_element_type3A_149 : vector<32xf32> to vector<1x32xf32>
    %mul3A_151 = vector.broadcast %broadcast_in_dim3A_150 : vector<1x32xf32> to vector<16x32xf32>
    %mul3A_152 = arith.mulf %convert_element_type3A_145, %mul3A_151 : vector<16x32xf32>
    %reduce_sum3A_153 = arith.constant dense<0.000000e+00> : vector<16xf32>
    %reduce_sum3A_154 = vector.multi_reduction <add>, %mul3A_152, %reduce_sum3A_153 [1] : vector<16x32xf32> to vector<16xf32>
    %get3A_155 = arith.constant 0 : index
    %get3A_156 = vector.load %arg13[%get3A_155] : memref<1xf32, #tpu.memory_space<vmem>>, vector<1xf32>
    %add3A_157 = vector.broadcast %get3A_156 : vector<1xf32> to vector<16xf32>
    %add3A_158 = arith.addf %reduce_sum3A_154, %add3A_157 : vector<16xf32>
    %swap3A_159 = arith.constant 0 : index
    %swap3A_160 = vector.load %arg21[%swap3A_159] : memref<16xf32, #tpu.memory_space<vmem>>, vector<16xf32>
    tpu.vector_store %arg21[%swap3A_159], %add3A_158 {strides = array<i32>} : memref<16xf32, #tpu.memory_space<vmem>>, vector<16xf32>,
    return
  }
}

</mosaic_0001>

<sc_bundles>
// kernel: kernel.13.cloned.1.call-start
scs
__scs_entry_jumppad:
0x0: {  	(pc) =	sbr.rel $0x88, $3  }
0x1: {  	(tag) =	ssettag $0x0;
	lr =	simm.s32 $0x1  }
0x2: {  	[smem:$0x3F86] =	sst lr;
	_ =	strace $0xD0000000  }
0x3: {  	_ = 	snop  }
0x4: {  	_ = 	snop  }
0x5: {  	_ = 	snop  }
0x6: {  	_ = 	snop  }
0x7: {  	_ = 	snop  }
__scs_overlays_trampoline_lowered:
0x8: {  	[smem:$0x3F95] =	sst s0  }
0x9: {  	[smem:$0x3F96] =	sst s1  }
0xa: {  	[smem:$0x3F97] =	sst s2  }
0xb: {  	[smem:$0x3F98] =	sst s3  }
0xc: {  	[smem:$0x3F99] =	sst s4  }
0xd: {  	[smem:$0x3F9A] =	sst s5  }
0xe: {  	[smem:$0x3F9B] =	sst s6  }
0xf: {  	[smem:$0x3F9C] =	sst s7  }
0x10: {  	[smem:$0x3F9D] =	sst s8  }
0x11: {  	[smem:$0x3F9E] =	sst s9;
	s0 =	simm.s32 @!p0 $0x0  }
0x12: {  	s1 =	sld [smem:$0x3F84];
	s0 =	simm.s32 @p0 $0x1  }
0x13: {  	[smem:$0x3F9F] =	sst s0;
	s0 =	simm.s32 @!p1 $0x0  }
0x14: {  	s2 =	sld [smem:$0x3F83];
	s0 =	simm.s32 @p1 $0x1  }
0x15: {  	[smem:$0x3FA0] =	sst s0;
	s0 =	simm.s32 @!p2 $0x0  }
0x16: {  	s3 =	sld [smem:$0x3FDB];
	s0 =	simm.s32 @p2 $0x1  }
0x17: {  	s4 =	simm.s32 $0x1BF5;
	[smem:$0x3FA2] =	sst s0  }
0x18: {  	s0 =	sld [smem:$0x3F85];
	_ =	swait.ge [sflag:s4], $0x0  }
0x19: {  	s7 =	sld [smem:$0x3F86]  }
0x1a: {  	s8 =	sadd.s32 $0xFFFFE003, lr  }
0x1b: {  	s9 =	sadd.s32 $0xFFFFFEF7, lr;
	s5 =	simm.s32 $0xFFFFFFFF;
	p2 =	slt.u32 s8, $0xFFFFF086  }
0x1c: {  	p1 =	slt.u32 s9, $0xF7A;
	s5 =	simm.s32 @!p2 $0x0  }
0x1d: {  	s5 =	simm.s32 @p1 $0x1;
	p0 =	seq.s32 s7, s2  }
0x1e: {  	s7 =	smul.u32 @!p0 $0xF7A, s2;
	p2 =	seq.s32 @!p0 s5, $0x0  }
0x1f: {  	s9 =	smul.u32 $0xF7A, s1;
	s8 =	simm.s32 @!p0 $0x1BF5;
	p2 =	por !p2, p0  }
0x20: {  	[sflag:s8] =	ssyncset.s32 @!p0 $0xFFFFF086;
	s6 =	sadd.s32 @!p0 s3, s7;
	s7 =	simm.s32 @!p0 $0x108  }
0x21: {  	s3 =	sadd.s32 s3, s9;
	s6 =	sadd.s32 @!p0 $0x88, s6;
	s7 =	simm.s32 @p2 $0x1082  }
0x22: {  	[simem:s7], [sflag:s8] =	dma.local @!p0 [hbm:s6], $0xF7A  }
0x23: {  	s9 =	sor.u32 $0xD0000000, s2;
	s6 =	simm.s32 $0x108;
	_ =	swait.ge @!p0 [sflag:s8], $0x0  }
0x24: {  	s3 =	sadd.s32 $0x88, s3;
	s6 =	simm.s32 @!p1 $0x1082;
	[sflag:s4] =	ssyncset.s32 $0xFFFFF086  }
0x25: {  	[simem:s6], [sflag:s4] =	dma.local [hbm:s3], $0xF7A  }
0x26: {  	[smem:$0x3F86] =	sst s1;
	(tag) =	ssettag s2;
	_ =	strace s9  }
0x27: {  	s1 =	sld [smem:$0x3F96]  }
0x28: {  	s2 =	sld [smem:$0x3F97]  }
0x29: {  	s4 =	sld [smem:$0x3F99]  }
0x2a: {  	p0 =	seq.s32 s5, $0x0;
	s5 =	sld [smem:$0x3F9A]  }
0x2b: {  	s6 =	sld [smem:$0x3F9B]  }
0x2c: {  	s7 =	sld [smem:$0x3F9C]  }
0x2d: {  	s3 =	simm.s32 $0x108;
	s8 =	sld [smem:$0x3F9D]  }
0x2e: {  	s3 =	simm.s32 @!p0 $0x1082;
	s9 =	sld [smem:$0x3F9E]  }
0x2f: {  	lr =	sadd.s32 s0, s3;
	s0 =	sld [smem:$0x3F95]  }
0x30: {  	s3 =	sld [smem:$0x3F98]  }
0x31: {  	[smem:$0x3FA1] =	sst s10  }
0x32: {  	s10 =	sld [smem:$0x3F9F];
	_ =	sdelay $0x3  }
0x33: {  	p0 =	seq.s32 s10, $0x1;
	s10 =	sld [smem:$0x3FA1];
	_ =	sdelay $0x3  }
0x34: {  	[smem:$0x3FA1] =	sst s10  }
0x35: {  	s10 =	sld [smem:$0x3FA0];
	_ =	sdelay $0x3  }
0x36: {  	p1 =	seq.s32 s10, $0x1;
	s10 =	sld [smem:$0x3FA1];
	_ =	sdelay $0x3  }
0x37: {  	[smem:$0x3FA1] =	sst s10  }
0x38: {  	s10 =	sld [smem:$0x3FA2]  }
0x39: {  	_ = 	snop;
	(pc) =	sbr.ind lr, $3  }
0x3a: {  	_ = 	snop  }
0x3b: {  	_ = 	snop  }
0x3c: {  	p2 =	seq.s32 s10, $0x1;
	s10 =	sld [smem:$0x3FA1]  }
0x3d: {  	_ =	shalt  }
0x3e: {  	_ =	shalt  }
0x3f: {  	_ =	shalt  }
0x40: {  	_ =	shalt  }
0x41: {  	_ =	shalt  }
0x42: {  	_ =	shalt  }
0x43: {  	_ =	shalt  }
0x44: {  	_ =	shalt  }
0x45: {  	_ =	shalt  }
0x46: {  	_ =	shalt  }
0x47: {  	_ =	shalt  }
0x48: {  	_ =	shalt  }
0x49: {  	_ =	shalt  }
0x4a: {  	_ =	shalt  }
0x4b: {  	_ =	shalt  }
0x4c: {  	_ =	shalt  }
0x4d: {  	_ =	shalt  }
0x4e: {  	_ =	shalt  }
0x4f: {  	_ =	shalt  }
0x50: {  	_ =	shalt  }
0x51: {  	_ =	shalt  }
0x52: {  	_ =	shalt  }
0x53: {  	_ =	shalt  }
0x54: {  	_ =	shalt  }
0x55: {  	_ =	shalt  }
0x56: {  	_ =	shalt  }
0x57: {  	_ =	shalt  }
0x58: {  	_ =	shalt  }
0x59: {  	_ =	shalt  }
0x5a: {  	_ =	shalt  }
0x5b: {  	_ =	shalt  }
0x5c: {  	_ =	shalt  }
0x5d: {  	_ =	shalt  }
0x5e: {  	_ =	shalt  }
0x5f: {  	_ =	shalt  }
0x60: {  	_ =	shalt  }
0x61: {  	_ =	shalt  }
0x62: {  	_ =	shalt  }
0x63: {  	_ =	shalt  }
0x64: {  	_ =	shalt  }
0x65: {  	_ =	shalt  }
0x66: {  	_ =	shalt  }
0x67: {  	_ =	shalt  }
0x68: {  	_ =	shalt  }
0x69: {  	_ =	shalt  }
0x6a: {  	_ =	shalt  }
0x6b: {  	_ =	shalt  }
0x6c: {  	_ =	shalt  }
0x6d: {  	_ =	shalt  }
0x6e: {  	_ =	shalt  }
0x6f: {  	_ =	shalt  }
0x70: {  	_ =	shalt  }
0x71: {  	_ =	shalt  }
0x72: {  	_ =	shalt  }
0x73: {  	_ =	shalt  }
0x74: {  	_ =	shalt  }
0x75: {  	_ =	shalt  }
0x76: {  	_ =	shalt  }
0x77: {  	_ =	shalt  }
0x78: {  	_ =	shalt  }
0x79: {  	_ =	shalt  }
0x7a: {  	_ =	shalt  }
0x7b: {  	_ =	shalt  }
0x7c: {  	_ =	shalt  }
0x7d: {  	_ =	shalt  }
0x7e: {  	_ =	shalt  }
0x7f: {  	_ =	shalt  }
0x80: {  	_ =	shalt  }
0x81: {  	_ =	shalt  }
0x82: {  	_ =	shalt  }
0x83: {  	_ =	shalt  }
0x84: {  	_ =	shalt  }
0x85: {  	_ =	shalt  }
0x86: {  	_ =	shalt  }
0x87: {  	_ =	shalt  }
.Lfunc_end0:
.L_simem_size_0:
called_computation_lowered:
.L_overlay_start_0:
0x88: {  	s2 =	sld [smem:$0x3FD9]  }
0x89: {  	s3 =	sld [smem:$0x3FFE];
	_ =	sdelay $0x1  }
0x8a: {  	s1 =	srdreg.scid  }
0x8b: {  	s0 =	sand.u32 $0x1, s1  }
0x8c: {  	s14 =	sshll.u32 s0, $0xA;
	s2 =	sadd.s32 s3, s2  }
0x8d: {  	s2 =	sadd.s32 s2, s14  }
0x8e: {  	[smem:$0x3FAD] =	sst s2  }
0x8f: {  	_ = 	snop  }
0x90: {  	s2 =	sld [smem:$0x3FD0];
	_ =	sdelay $0x3  }
0x91: {  	s15 =	simm.s32 $0xA;
	s4 =	simm.s32 $0x10;
	s2 =	sadd.s32 $0x1, s2  }
0x92: {  	[smem:s4], [sflag:s15] =	dma.local [hbm:s2], $0x1  }
0x93: {  	_ =	swait.eq [sflag:s15], $0x1  }
0x94: {  	[sflag:s15] =	ssyncset.done $0x0  }
0x95: {  	[sflag:s15] =	ssyncadd.s32 $0xFFFFFFFF  }
0x96: {  	s16 =	sld [smem:$0x10];
	(tm) =	ssettm $0x1  }
0x97: {  	s17 =	sld [smem:$0x3FFB];
	_ =	sdelay $0x3  }
0x98: {  	_ =	strace s17  }
0x99: {  	s3 =	sld [smem:$0x3FFC];
	_ =	sdelay $0x3  }
0x9a: {  	_ =	strace s3  }
0x9b: {  	s3 =	sld [smem:$0x3FFD];
	_ =	sdelay $0x3  }
0x9c: {  	_ =	strace s3  }
0x9d: {  	_ =	strace $0x8FFFFFFF  }
0x9e: {  	s18 =	sld [smem:$0x3FDB];
	_ =	sdelay $0x1  }
0x9f: {  	s19 =	simm.s32 $_scs_section_size  }
0xa0: {  	s5 =	simm.s32 $_size__tile_overlayer_lowered;
	s6 =	simm.s32 $_tile_overlayer_lowered  }
0xa1: {  	s22 =	simm.s32 $0x1BFF;
	s21 =	sshll.u32 s6, $0x1;
	s3 =	sadd.s32 s19, s18  }
0xa2: {  	s7 =	simm.s32 $0x0;
	s20 =	sshll.u32 s5, $0x1;
	s5 =	sadd.s32 s21, s3  }
0xa3: {  	[timem:s7], [sflag:s22] =	dma.local [hbm:s5], s20  }
0xa4: {  	_ =	swait.ge [sflag:s22], s20  }
0xa5: {  	s4 =	ssub.s32 $0x0, s20;
	[sflag:s22] =	ssyncset.done $0x0  }
0xa6: {  	[sflag:s22] =	ssyncadd.s32 s4;
	_ =	sdelay $0x1  }
0xa7: {  	s23 =	simm.s32 $0x1B8B  }
0xa8: {  	_ =	swait.ge [sflag:s23], $0x1  }
0xa9: {  	[sflag:s23] =	ssyncset.done $0x0  }
0xaa: {  	s25 =	simm.s32 $0x1B8E;
	s24 =	sld [smem:$0x3FFE];
	[sflag:s23] =	ssyncadd.s32 $0xFFFFFFFF  }
0xab: {  	s26 =	simm.s32 $execute0_lowered;
	[smem:$0x3FD2] =	sst s25  }
0xac: {  	s5 =	sshll.u32 s26, $0x1;
	_ =	strace $0x80000046;
	[dreg:$0x1] =	wrdreg $0xFFFFFFFF  }
0xad: {  	s28 =	simm.s32 $_size_execute0_lowered;
	s3 =	sadd.s32 s3, s5;
	[dreg:$0x0] =	wrdreg $0x0  }
0xae: {  	s5 =	sshll.u32 s28, $0x1;
	[dreg:$0x2] =	wrdreg s3  }
0xaf: {  	[dreg:$0x3] =	wrdreg s5  }
0xb0: {  	[dreg:$0x4] =	wrdreg $0xC0  }
0xb1: {  	_ =	task [dreg:s7], $0x5FFFF  }
0xb2: {  	[dreg:$0x1] =	wrdreg $0xFFFFFFFF  }
0xb3: {  	[dreg:$0x0] =	wrdreg $0x60  }
0xb4: {  	[dreg:$0x2] =	wrdreg s16  }
0xb5: {  	[dreg:$0x3] =	wrdreg s24  }
0xb6: {  	[dreg:$0x4] =	wrdreg $0x0  }
0xb7: {  	[dreg:$0x5] =	wrdreg $0x9  }
0xb8: {  	_ =	task.clear_ibuf [dreg:s7], $0x6FFFF;
	_ =	strace $0x90000046  }
0xb9: {  	s29 =	simm.s32 $0x9;
	_ =	strace $0x80000048  }
0xba: {  	_ =	swait.ge [sflag:s29], $0x1  }
0xbb: {  	[sflag:s29] =	ssyncadd.s32 $0xFFFFFFFF  }
0xbc: {  	_ =	strace $0x90000048  }
0xbd: {  	_ =	sfence  }
0xbe: {  	s30 =	sld [smem:$0x0];
	_ =	sdelay $0x2  }
0xbf: {  	s31 =	sshll.u32 s1, $0xD;
	s1 =	sshrl.u32 s1, $0x2  }
0xc0: {  	s3 =	sand.u32 $0x4000, s31;
	s1 =	sadd.s32 s1, s30  }
0xc1: {  	s0 =	sor.u32 s3, s0;
	s1 =	sshll.u32 s1, $0x11  }
0xc2: {  	s0 =	sor.u32 s1, s0  }
0xc3: {  	s0 =	sadd.s32 $0x8F2B, s0  }
0xc4: {  	[sflag:s0] =	ssyncadd.remote.s32 $0x1  }
0xc5: {  	_ =	sfence.sel $0xFFFF  }
0xc6: {  	[dreg:$0x0] =	wrdreg $0xFFFFFFFF;
	(pc) =	sbr.abs _section_cstart, $3  }
0xc7: {  	[dreg:$0x1] =	wrdreg $0xFFFFFFFF  }
0xc8: {  	_ =	task.clear_ibuf [dreg:s7], $0x2FFFF;
	_ =	strace $0x9FFFFFFF  }
0xc9: {  	(tm) =	ssettm $0x7FFFFFFF  }
tec
execute0_lowered:
.L_overlay_start_1:
0x0: {  	(tag) =	ssettag $0x1  }
0x1: {  	s1 =	rddreg [dreg:$0x0]  }
0x2: {  	s0 =	rddreg [dreg:$0x1]  }
0x3: {  	s2 =	rddreg [dreg:$0x2];
	s3 =	simm.s32 $0x0  }
0x4: {  	s4 =	srdreg.scid;
	s28 =	simm.s32 $0x18AA0;
	s29 =	simm.s32 $0x5  }
0x5: {  	s30 =	simm.s32 $0x7;
	s31 =	simm.s32 $0x6;
	[smem:$0x7FF] =	sst s3  }
0x6: {  	s10 =	sand.u32 $0x1, s4;
	s4 =	stileid.u32;
	s5 =	sadd.s32 $0x21A00, s0  }
0x7: {  	s6 =	sadd.s32 $0x9200, s0;
	s16 =	sadd.s32 $0x186000, s2;
	_ =	strace $0x80000047  }
0x8: {  	s7 =	sshll.u32 s10, $0x4;
	s11 =	ssub.s32 $0x2, s10;
	s10 =	smul.u32 $0x186A00, s10  }
0x9: {  	s25 =	sshll.u32 s4, $0xC;
	[dreg:$0x4] =	wrdreg s16;
	s9 =	sor.u32 s4, s7  }
0xa: {  	s7 =	sadd.s32 $0xE88400, s0;
	s0 =	sadd.s32 $0x3A200, s0;
	s12 =	sshrl.u32 s11, $0x1  }
0xb: {  	s18 =	sadd.s32 s25, s2;
	s8 =	smul.u32 $0xC3, s9;
	s13 =	smin.u32 s9, $0xA  }
0xc: {  	p0 =	slt.u32 s9, $0xA;
	s9 =	simm.s32 $0xC4;
	s11 =	ssub.s32 s11, s12  }
0xd: {  	s24 =	sshrl.u32 s10, $0x3;
	s10 =	sadd.s32 s25, s10;
	s25 =	simm.s32 $0x189A0  }
0xe: {  	s9 =	simm.s32 @!p0 $0xC3;
	s10 =	sshrl.u32 s10, $0x3;
	s8 =	sadd.s32 s13, s8  }
0xf: {  	s11 =	smax.u32 s11, $0x1;
	p0 =	sne.s32 s4, $0x0;
	s20 =	sshll.u32 s8, $0x4  }
0x10: {  	[dreg:$0xb] =	wrdreg s11;
	s11 =	simm.s32 $0x18A20;
	s14 =	sadd.s32 s5, s20  }
0x11: {  	s21 =	sadd.s32 $0x10, s20;
	s12 =	sadd.s32 s6, s20;
	[dreg:$0x5] =	wrdreg s14  }
0x12: {  	s26 =	sshll.u32 s8, $0x9;
	[dreg:$0x6] =	wrdreg s12;
	s22 =	sadd.s32 s5, s21  }
0x13: {  	s23 =	sadd.s32 s6, s21;
	s12 =	sadd.s32 s0, s24;
	[dreg:$0x7] =	wrdreg s22  }
0x14: {  	s14 =	sadd.s32 s7, s26;
	s0 =	sadd.s32 s10, s0;
	[dreg:$0x8] =	wrdreg s23  }
0x15: {  	s21 =	simm.s32 $0x188A0;
	s26 =	simm.s32 $0x80;
	[dreg:$0x9] =	wrdreg s14  }
0x16: {  	s12 =	sadd.s32 $0x30C00, s12;
	[dreg:$0xc] =	wrdreg s0;
	s23 =	simm.s32 $0x18920  }
0x17: {  	v0 =	vimm.f32 $0.0e+00;
	s0 =	simm.s32 $0x8;
	s22 =	simm.s32 $0x19AA0;
	[dreg:$0xa] =	wrdreg s12  }
.LBB2_1:
0x18: {  	s10 =	simm.s32 $0x0  }
.LBB2_2:
0x19: {  	p1 =	sne.s32 s10, $0x3F80  }
.Ltmp0:
0x1a: {  	_ = 	snop;
	(pc) =	sbr.rel @p1 .LBB2_2-.Ltmp0, $4  }
0x1b: {  	_ = 	snop  }
0x1c: {  	s12 =	sshra.s32 s10, $0x2  }
0x1d: {  	[tilespmem:s12+$0x1CAA0] =	vst v0  }
0x1e: {  	s10 =	sadd.s32 $0x80, s10;
	[tilespmem:s12+$0x1CAB0] =	vst v0  }
0x1f: {  	s10 =	sadd.s32 $0x0, s4  }
0x20: {  	p1 =	sgt.u32 s10, $0x185  }
0x21: {  	s10 =	simm.s32 @!p1 $0x1CAA0;
	s14 =	simm.s32 @!p1 $0xB  }
0x22: {  	[spmem:s18] =	stream.linear.scatter @!p1 [tilespmem:s10], [sflag:$0xB], $0x1000, $0x38;
	[tilespmem:$0x1DAA0] =	vst v63  }
0x23: {  	s12 =	simm.s32 $0x10;
	_ =	swait.ge @!p1 [sflag:s14], $0x1000  }
0x24: {  	s13 =	simm.s32 $0x20;
	s10 =	sadd.s32 $0x10000, s18;
	[sflag:s14] =	ssyncset.done @!p1 $0x0  }
.LBB2_4:
0x25: {  	s15 =	sadd.s32 s12, s4;
	s12 =	smov.u32 s13;
	s13 =	sadd.s32 $0x10, s13  }
0x26: {  	[sflag:s14] =	ssyncadd.s32 @!p1 $0xFFFFF000;
	p2 =	sne.s32 s13, $0x190  }
.Ltmp1:
0x27: {  	p1 =	sgt.u32 s15, $0x185;
	(pc) =	sbr.rel @p2 .LBB2_4-.Ltmp1, $4  }
0x28: {  	s15 =	simm.s32 @!p1 $0x1CAA0;
	s14 =	simm.s32 @!p1 $0xB  }
0x29: {  	[spmem:s10] =	stream.linear.scatter @!p1 [tilespmem:s15], [sflag:$0xB], $0x1000, $0x38;
	[tilespmem:$0x1DAA0] =	vst v63  }
0x2a: {  	_ =	swait.ge @!p1 [sflag:s14], $0x1000  }
0x2b: {  	s10 =	sadd.s32 $0x10000, s10;
	[sflag:s14] =	ssyncset.done @!p1 $0x0  }
0x2c: {  	s12 =	sadd.s32 s12, s4  }
0x2d: {  	p2 =	sgt.u32 s12, $0x185  }
0x2e: {  	[sflag:s14] =	ssyncadd.s32 @!p1 $0xFFFFF000;
	s12 =	simm.s32 @!p2 $0x1CAA0;
	s13 =	simm.s32 @!p2 $0xB  }
0x2f: {  	[spmem:s10] =	stream.linear.scatter @!p2 [tilespmem:s12], [sflag:$0xB], $0x1000, $0x38;
	[tilespmem:$0x1DAA0] =	vst v63  }
0x30: {  	_ =	swait.ge @!p2 [sflag:s13], $0x1000  }
0x31: {  	[sflag:s13] =	ssyncset.done @!p2 $0x0  }
0x32: {  	s10 =	simm.s32 @!p0 $0x1CAA0;
	[sflag:s13] =	ssyncadd.s32 @!p2 $0xFFFFF000  }
0x33: {  	[spmem:s16] =	stream.linear.scatter @!p0 [tilespmem:s10], [sflag:$0xB], $0xA00, $0x38;
	[tilespmem:$0x1DAA0] =	vst v63  }
0x34: {  	s10 =	simm.s32 @!p0 $0xB  }
0x35: {  	_ =	swait.ge @!p0 [sflag:s10], $0xA00  }
0x36: {  	[sflag:s10] =	ssyncset.done @!p0 $0x0  }
0x37: {  	[sflag:s10] =	ssyncadd.s32 @!p0 $0xFFFFF600  }
0x38: {  	[bflag:$0x0] =	sbarrier.arrive $0xFFFF  }
0x39: {  	s14 =	simm.s32 $0x0;
	s12 =	simm.s32 $0x186A0;
	s24 =	rddreg [dreg:$0x5]  }
0x3a: {  	[tilespmem:s12], [sflag:$0x1] =	stream.linear.gather [hbm4b:s24+s14], $0x80, $0x38;
	[tilespmem:$0x1DAA0] =	vst v63  }
0x3b: {  	s13 =	rddreg [dreg:$0x6]  }
0x3c: {  	[tilespmem:s21], [sflag:$0x1] =	stream.linear.gather [hbm4b:s13+s14], $0x80, $0x38;
	[tilespmem:$0x1DAA0] =	vst v63  }
0x3d: {  	s16 =	simm.s32 $0x18720;
	s15 =	rddreg [dreg:$0x7]  }
0x3e: {  	[tilespmem:s16], [sflag:$0x2] =	stream.linear.gather [hbm4b:s15+s14], $0x80, $0x38;
	[tilespmem:$0x1DAA0] =	vst v63  }
0x3f: {  	s19 =	simm.s32 $0x1;
	s17 =	rddreg [dreg:$0x8]  }
0x40: {  	[tilespmem:s23], [sflag:$0x2] =	stream.linear.gather [hbm4b:s17+s14], $0x80, $0x38;
	[tilespmem:$0x1DAA0] =	vst v63  }
0x41: {  	_ =	swait.ge [sflag:s19], $0x80  }
0x42: {  	[sflag:s19] =	ssyncset.done $0x0  }
0x43: {  	[sflag:s19] =	ssyncadd.s32 $0xFFFFFF80  }
0x44: {  	_ =	swait.ge [sflag:s19], $0x80  }
.Ltmp2:
0x45: {  	[sflag:s19] =	ssyncset.done $0x0;
	(pc) =	sbr.rel .LBB2_6-.Ltmp2, $4  }
0x46: {  	s24 =	simm.s32 $0x1AAA0;
	s20 =	rddreg [dreg:$0x9];
	[sflag:s19] =	ssyncadd.s32 $0xFFFFFF80  }
0x47: {  	[tilespmem:s24], [sflag:$0x5] =	stream.linear.gather [hbm4b:s20+s14], $0x1000, $0x38;
	[tilespmem:$0x1DAA0] =	vst v63  }
0x48: {  	_ = 	snop  }
0x49: {  	[tilespmem:s28], [sflag:$0x7] =	stream.indirect.gather [hbm4b:s1+s26], $0x20, s12, s26, $0xb8;
	[tilespmem:$0x1DAA0] =	vst v63  }
.LBB2_22:
0x4a: {  	s14 =	sadd.s32 $0x1, s14  }
0x4b: {  	p1 =	sne.s32 s14, $0x31  }
.Ltmp3:
0x4c: {  	_ = 	snop;
	(pc) =	sbr.rel @!p1 .LBB2_23-.Ltmp3, $1  }
0x4d: {  	_ =	sdelay $0x3  }
.LBB2_6:
0x4e: {  	s20 =	sshll.u32 s14, $0x2  }
0x4f: {  	s10 =	sor.u32 $0x2, s20  }
0x50: {  	p1 =	sge.u32 s10, s9  }
0x51: {  	s17 =	sadd.s32 @!p1 s8, s10  }
0x52: {  	s10 =	sshll.u32 @!p1 s17, $0x4  }
0x53: {  	s10 =	sand.u32 @!p1 $0x1FFFFFF0, s10  }
0x54: {  	s16 =	simm.s32 @!p1 $0x0;
	s15 =	simm.s32 @!p1 $0x187A0;
	s12 =	sadd.s32 @!p1 s5, s10  }
0x55: {  	[tilespmem:s15], [sflag:$0x3] =	stream.linear.gather @!p1 [hbm4b:s12+s16], $0x80, $0x38;
	[tilespmem:$0x1DAA0] =	vst v63  }
0x56: {  	s10 =	sadd.s32 @!p1 s6, s10;
	s12 =	simm.s32 @!p1 $0x189A0  }
0x57: {  	[tilespmem:s12], [sflag:$0x3] =	stream.linear.gather @!p1 [hbm4b:s10+s16], $0x80, $0x38;
	[tilespmem:$0x1DAA0] =	vst v63  }
0x58: {  	s10 =	sor.u32 $0x1, s20  }
0x59: {  	p3 =	sge.u32 s10, s9  }
0x5a: {  	p2 =	seq.s32 @!p3 s14, $0x0  }
0x5b: {  	p2 =	por p2, p3  }
0x5c: {  	s12 =	simm.s32 @!p2 $0xA  }
0x5d: {  	_ =	swait.ge @!p2 [sflag:s12], $0x1000  }
0x5e: {  	[sflag:s12] =	ssyncset.done @!p2 $0x0  }
0x5f: {  	[sflag:s12] =	ssyncadd.s32 @!p2 $0xFFFFF000;
	s12 =	simm.s32 @!p3 $0x2  }
0x60: {  	_ =	swait.ge @!p3 [sflag:s12], $0x80  }
0x61: {  	[sflag:s12] =	ssyncset.done @!p3 $0x0  }
0x62: {  	s10 =	sadd.s32 @!p3 s8, s10;
	s13 =	simm.s32 @!p3 $0x1BAA0;
	[sflag:s12] =	ssyncadd.s32 @!p3 $0xFFFFFF80  }
0x63: {  	s10 =	sshll.u32 @!p3 s10, $0x9;
	p2 =	sge.u32 s20, s9;
	_ =	swait.ge @!p3 [sflag:s12], $0x80  }
.Ltmp4:
0x64: {  	s10 =	sand.u32 @!p3 $0x1FFFFE00, s10;
	[sflag:s12] =	ssyncset.done @!p3 $0x0;
	(pc) =	sbr.rel @p2 .LBB2_10-.Ltmp4, $4  }
0x65: {  	s10 =	sadd.s32 @!p3 s7, s10;
	[sflag:s12] =	ssyncadd.s32 @!p3 $0xFFFFFF80;
	s12 =	simm.s32 @!p3 $0x0  }
0x66: {  	[tilespmem:s13], [sflag:$0x6] =	stream.linear.gather @!p3 [hbm4b:s10+s12], $0x1000, $0x38;
	[tilespmem:$0x1DAA0] =	vst v63  }
0x67: {  	s10 =	simm.s32 @!p3 $0x80;
	s12 =	simm.s32 @!p3 $0x18720;
	s13 =	simm.s32 @!p3 $0x19AA0  }
0x68: {  	[tilespmem:s13], [sflag:$0x8] =	stream.indirect.gather @!p3 [hbm4b:s1+s10], $0x20, s12, s10, $0xb8;
	[tilespmem:$0x1DAA0] =	vst v63  }
0x69: {  	_ =	swait.ge [sflag:s29], $0x1000  }
0x6a: {  	[sflag:s29] =	ssyncset.done $0x0  }
0x6b: {  	[sflag:s29] =	ssyncadd.s32 $0xFFFFF000  }
0x6c: {  	_ =	swait.ge [sflag:s30], $0x1000  }
0x6d: {  	[sflag:s30] =	ssyncset.done $0x0  }
0x6e: {  	s10 =	simm.s32 $0x0;
	[sflag:s30] =	ssyncadd.s32 $0xFFFFF000  }
0x6f: {  	v1 =	vld [tilespmem:s10+$0x1AAA0]  }
0x70: {  	v2 =	vld [tilespmem:s10+$0x1AAB0]  }
0x71: {  	s12 =	simm.s32 $0x80;
	v3 =	vld [tilespmem:s10+$0x18AA0]  }
.LBB2_8:
0x72: {  	p2 =	sne.s32 s12, $0x3F80;
	v4 =	vld [tilespmem:s10+$0x18AB0];
	_ =	sdelay $0x3  }
.Ltmp5:
0x73: {  	v3 =	vadd.f32 v1, v3;
	(pc) =	sbr.rel @p2 .LBB2_8-.Ltmp5, $4  }
0x74: {  	s13 =	sshra.s32 s12, $0x2;
	v4 =	vadd.f32 v2, v4  }
0x75: {  	v1 =	vld [tilespmem:s13+$0x1AAA0];
	v3 =	vmax.f32 v3, $0.0e+00  }
0x76: {  	v2 =	vld [tilespmem:s13+$0x1AAB0];
	[tilespmem:s10+$0x18AA0] =	vst v3;
	v4 =	vmax.f32 v4, $0.0e+00  }
0x77: {  	s12 =	sadd.s32 $0x80, s12;
	v3 =	vld [tilespmem:s13+$0x18AA0];
	[tilespmem:s10+$0x18AB0] =	vst v4;
	s10 =	smov.u32 s13  }
0x78: {  	v4 =	vld [tilespmem:s10+$0x18AB0];
	_ =	sdelay $0x3  }
0x79: {  	v1 =	vadd.f32 v1, v3  }
0x7a: {  	v2 =	vadd.f32 v2, v4  }
0x7b: {  	v1 =	vmax.f32 v1, $0.0e+00  }
0x7c: {  	[tilespmem:s10+$0x18AA0] =	vst v1;
	v1 =	vmax.f32 v2, $0.0e+00  }
0x7d: {  	[tilespmem:s10+$0x18AB0] =	vst v1  }
0x7e: {  	[spmem:s2] =	stream.indirect.scatter.add.f32 [tilespmem:s28], [sflag:$0x9], $0x20, s21, s26, $0xb8;
	[tilespmem:$0x1DAA0] =	vst v63  }
.LBB2_10:
0x7f: {  	s10 =	sor.u32 $0x3, s20  }
0x80: {  	p2 =	sge.u32 s10, s9  }
0x81: {  	s10 =	sadd.s32 @!p2 s8, s10  }
0x82: {  	s12 =	sshll.u32 @!p2 s10, $0x4  }
0x83: {  	s19 =	sand.u32 @!p2 $0x1FFFFFF0, s12  }
0x84: {  	s13 =	simm.s32 @!p2 $0x0;
	s12 =	simm.s32 @!p2 $0x18820;
	s24 =	sadd.s32 @!p2 s5, s19  }
0x85: {  	[tilespmem:s12], [sflag:$0x4] =	stream.linear.gather @!p2 [hbm4b:s24+s13], $0x80, $0x38;
	[tilespmem:$0x1DAA0] =	vst v63  }
0x86: {  	s19 =	sadd.s32 @!p2 s6, s19;
	s24 =	simm.s32 @!p2 $0x18A20  }
0x87: {  	[tilespmem:s24], [sflag:$0x4] =	stream.linear.gather @!p2 [hbm4b:s19+s13], $0x80, $0x38;
	[tilespmem:$0x1DAA0] =	vst v63  }
0x88: {  	s19 =	simm.s32 @!p1 $0x9  }
0x89: {  	_ =	swait.ge @!p1 [sflag:s19], $0x1000  }
0x8a: {  	[sflag:s19] =	ssyncset.done @!p1 $0x0  }
0x8b: {  	[sflag:s19] =	ssyncadd.s32 @!p1 $0xFFFFF000;
	s19 =	simm.s32 @!p1 $0x3  }
0x8c: {  	_ =	swait.ge @!p1 [sflag:s19], $0x80  }
0x8d: {  	[sflag:s19] =	ssyncset.done @!p1 $0x0  }
0x8e: {  	[sflag:s19] =	ssyncadd.s32 @!p1 $0xFFFFFF80  }
0x8f: {  	s17 =	sshll.u32 @!p1 s17, $0x9;
	_ =	swait.ge @!p1 [sflag:s19], $0x80  }
.Ltmp6:
0x90: {  	s17 =	sand.u32 @!p1 $0x1FFFFE00, s17;
	[sflag:s19] =	ssyncset.done @!p1 $0x0;
	(pc) =	sbr.rel @p3 .LBB2_14-.Ltmp6, $4  }
0x91: {  	s17 =	sadd.s32 @!p1 s7, s17;
	[sflag:s19] =	ssyncadd.s32 @!p1 $0xFFFFFF80;
	s19 =	simm.s32 @!p1 $0x1AAA0  }
0x92: {  	[tilespmem:s19], [sflag:$0x5] =	stream.linear.gather @!p1 [hbm4b:s17+s16], $0x1000, $0x38;
	[tilespmem:$0x1DAA0] =	vst v63  }
0x93: {  	s16 =	simm.s32 @!p1 $0x80;
	s17 =	simm.s32 @!p1 $0x18AA0  }
0x94: {  	[tilespmem:s17], [sflag:$0x7] =	stream.indirect.gather @!p1 [hbm4b:s1+s16], $0x20, s15, s16, $0xb8;
	[tilespmem:$0x1DAA0] =	vst v63  }
0x95: {  	_ =	swait.ge [sflag:s31], $0x1000  }
0x96: {  	[sflag:s31] =	ssyncset.done $0x0  }
0x97: {  	[sflag:s31] =	ssyncadd.s32 $0xFFFFF000  }
0x98: {  	_ =	swait.ge [sflag:s0], $0x1000  }
0x99: {  	[sflag:s0] =	ssyncset.done $0x0  }
0x9a: {  	s15 =	simm.s32 $0x0;
	[sflag:s0] =	ssyncadd.s32 $0xFFFFF000  }
0x9b: {  	v1 =	vld [tilespmem:s15+$0x1BAA0]  }
0x9c: {  	v2 =	vld [tilespmem:s15+$0x1BAB0]  }
0x9d: {  	s16 =	simm.s32 $0x80;
	v3 =	vld [tilespmem:s15+$0x19AA0]  }
.LBB2_12:
0x9e: {  	p3 =	sne.s32 s16, $0x3F80;
	v4 =	vld [tilespmem:s15+$0x19AB0];
	_ =	sdelay $0x3  }
.Ltmp7:
0x9f: {  	v3 =	vadd.f32 v1, v3;
	(pc) =	sbr.rel @p3 .LBB2_12-.Ltmp7, $4  }
0xa0: {  	s17 =	sshra.s32 s16, $0x2;
	v4 =	vadd.f32 v2, v4  }
0xa1: {  	v1 =	vld [tilespmem:s17+$0x1BAA0];
	v3 =	vmax.f32 v3, $0.0e+00  }
0xa2: {  	v2 =	vld [tilespmem:s17+$0x1BAB0];
	[tilespmem:s15+$0x19AA0] =	vst v3;
	v4 =	vmax.f32 v4, $0.0e+00  }
0xa3: {  	s16 =	sadd.s32 $0x80, s16;
	v3 =	vld [tilespmem:s17+$0x19AA0];
	[tilespmem:s15+$0x19AB0] =	vst v4;
	s15 =	smov.u32 s17  }
0xa4: {  	v4 =	vld [tilespmem:s15+$0x19AB0];
	_ =	sdelay $0x3  }
0xa5: {  	v1 =	vadd.f32 v1, v3  }
0xa6: {  	v2 =	vadd.f32 v2, v4  }
0xa7: {  	v1 =	vmax.f32 v1, $0.0e+00  }
0xa8: {  	[tilespmem:s15+$0x19AA0] =	vst v1;
	v1 =	vmax.f32 v2, $0.0e+00  }
0xa9: {  	[tilespmem:s15+$0x19AB0] =	vst v1  }
0xaa: {  	[spmem:s2] =	stream.indirect.scatter.add.f32 [tilespmem:s22], [sflag:$0xA], $0x20, s23, s26, $0xb8;
	[tilespmem:$0x1DAA0] =	vst v63  }
.LBB2_14:
0xab: {  	s15 =	sadd.s32 $0x4, s20  }
0xac: {  	p3 =	sge.u32 s15, s9  }
0xad: {  	s17 =	sadd.s32 @!p3 s8, s15  }
0xae: {  	s15 =	sshll.u32 @!p3 s17, $0x4  }
0xaf: {  	s19 =	sand.u32 @!p3 $0x1FFFFFF0, s15  }
0xb0: {  	s16 =	simm.s32 @!p3 $0x0;
	s15 =	simm.s32 @!p3 $0x186A0;
	s24 =	sadd.s32 @!p3 s5, s19  }
0xb1: {  	[tilespmem:s15], [sflag:$0x1] =	stream.linear.gather @!p3 [hbm4b:s24+s16], $0x80, $0x38;
	[tilespmem:$0x1DAA0] =	vst v63  }
0xb2: {  	s19 =	sadd.s32 @!p3 s6, s19;
	s24 =	simm.s32 @!p3 $0x188A0  }
0xb3: {  	[tilespmem:s24], [sflag:$0x1] =	stream.linear.gather @!p3 [hbm4b:s19+s16], $0x80, $0x38;
	[tilespmem:$0x1DAA0] =	vst v63  }
0xb4: {  	s19 =	simm.s32 @!p2 $0xA  }
0xb5: {  	_ =	swait.ge @!p2 [sflag:s19], $0x1000  }
0xb6: {  	[sflag:s19] =	ssyncset.done @!p2 $0x0  }
0xb7: {  	[sflag:s19] =	ssyncadd.s32 @!p2 $0xFFFFF000;
	s19 =	simm.s32 @!p2 $0x4  }
0xb8: {  	_ =	swait.ge @!p2 [sflag:s19], $0x80  }
0xb9: {  	[sflag:s19] =	ssyncset.done @!p2 $0x0  }
0xba: {  	[sflag:s19] =	ssyncadd.s32 @!p2 $0xFFFFFF80  }
0xbb: {  	s10 =	sshll.u32 @!p2 s10, $0x9;
	_ =	swait.ge @!p2 [sflag:s19], $0x80  }
.Ltmp8:
0xbc: {  	s10 =	sand.u32 @!p2 $0x1FFFFE00, s10;
	[sflag:s19] =	ssyncset.done @!p2 $0x0;
	(pc) =	sbr.rel @p1 .LBB2_18-.Ltmp8, $4  }
0xbd: {  	s10 =	sadd.s32 @!p2 s7, s10;
	[sflag:s19] =	ssyncadd.s32 @!p2 $0xFFFFFF80;
	s19 =	simm.s32 @!p2 $0x1BAA0  }
0xbe: {  	[tilespmem:s19], [sflag:$0x6] =	stream.linear.gather @!p2 [hbm4b:s10+s13], $0x1000, $0x38;
	[tilespmem:$0x1DAA0] =	vst v63  }
0xbf: {  	s10 =	simm.s32 @!p2 $0x80;
	s13 =	simm.s32 @!p2 $0x19AA0  }
0xc0: {  	[tilespmem:s13], [sflag:$0x8] =	stream.indirect.gather @!p2 [hbm4b:s1+s10], $0x20, s12, s10, $0xb8;
	[tilespmem:$0x1DAA0] =	vst v63  }
0xc1: {  	_ =	swait.ge [sflag:s29], $0x1000  }
0xc2: {  	[sflag:s29] =	ssyncset.done $0x0  }
0xc3: {  	[sflag:s29] =	ssyncadd.s32 $0xFFFFF000  }
0xc4: {  	_ =	swait.ge [sflag:s30], $0x1000  }
0xc5: {  	[sflag:s30] =	ssyncset.done $0x0  }
0xc6: {  	s10 =	simm.s32 $0x0;
	[sflag:s30] =	ssyncadd.s32 $0xFFFFF000  }
0xc7: {  	v1 =	vld [tilespmem:s10+$0x1AAA0]  }
0xc8: {  	v2 =	vld [tilespmem:s10+$0x1AAB0]  }
0xc9: {  	s12 =	simm.s32 $0x80;
	v3 =	vld [tilespmem:s10+$0x18AA0]  }
.LBB2_16:
0xca: {  	p1 =	sne.s32 s12, $0x3F80;
	v4 =	vld [tilespmem:s10+$0x18AB0];
	_ =	sdelay $0x3  }
.Ltmp9:
0xcb: {  	v3 =	vadd.f32 v1, v3;
	(pc) =	sbr.rel @p1 .LBB2_16-.Ltmp9, $4  }
0xcc: {  	s13 =	sshra.s32 s12, $0x2;
	v4 =	vadd.f32 v2, v4  }
0xcd: {  	v1 =	vld [tilespmem:s13+$0x1AAA0];
	v3 =	vmax.f32 v3, $0.0e+00  }
0xce: {  	v2 =	vld [tilespmem:s13+$0x1AAB0];
	[tilespmem:s10+$0x18AA0] =	vst v3;
	v4 =	vmax.f32 v4, $0.0e+00  }
0xcf: {  	s12 =	sadd.s32 $0x80, s12;
	v3 =	vld [tilespmem:s13+$0x18AA0];
	[tilespmem:s10+$0x18AB0] =	vst v4;
	s10 =	smov.u32 s13  }
0xd0: {  	v4 =	vld [tilespmem:s10+$0x18AB0];
	_ =	sdelay $0x3  }
0xd1: {  	v1 =	vadd.f32 v1, v3  }
0xd2: {  	v2 =	vadd.f32 v2, v4  }
0xd3: {  	v1 =	vmax.f32 v1, $0.0e+00  }
0xd4: {  	[tilespmem:s10+$0x18AA0] =	vst v1;
	v1 =	vmax.f32 v2, $0.0e+00  }
0xd5: {  	[tilespmem:s10+$0x18AB0] =	vst v1  }
0xd6: {  	[spmem:s2] =	stream.indirect.scatter.add.f32 [tilespmem:s28], [sflag:$0x9], $0x20, s25, s26, $0xb8;
	[tilespmem:$0x1DAA0] =	vst v63  }
.LBB2_18:
0xd7: {  	s10 =	sadd.s32 $0x5, s20  }
0xd8: {  	p1 =	sge.u32 s10, s9  }
0xd9: {  	s10 =	sadd.s32 @!p1 s8, s10  }
0xda: {  	s10 =	sshll.u32 @!p1 s10, $0x4  }
0xdb: {  	s10 =	sand.u32 @!p1 $0x1FFFFFF0, s10  }
0xdc: {  	s13 =	simm.s32 @!p1 $0x0;
	s19 =	simm.s32 @!p1 $0x18720;
	s12 =	sadd.s32 @!p1 s5, s10  }
0xdd: {  	[tilespmem:s19], [sflag:$0x2] =	stream.linear.gather @!p1 [hbm4b:s12+s13], $0x80, $0x38;
	[tilespmem:$0x1DAA0] =	vst v63  }
0xde: {  	s10 =	sadd.s32 @!p1 s6, s10;
	s12 =	simm.s32 @!p1 $0x18920  }
0xdf: {  	[tilespmem:s12], [sflag:$0x2] =	stream.linear.gather @!p1 [hbm4b:s10+s13], $0x80, $0x38;
	[tilespmem:$0x1DAA0] =	vst v63  }
0xe0: {  	s10 =	simm.s32 @!p3 $0x9  }
0xe1: {  	_ =	swait.ge @!p3 [sflag:s10], $0x1000  }
0xe2: {  	[sflag:s10] =	ssyncset.done @!p3 $0x0  }
0xe3: {  	[sflag:s10] =	ssyncadd.s32 @!p3 $0xFFFFF000;
	s10 =	simm.s32 @!p3 $0x1  }
0xe4: {  	_ =	swait.ge @!p3 [sflag:s10], $0x80  }
0xe5: {  	[sflag:s10] =	ssyncset.done @!p3 $0x0  }
0xe6: {  	[sflag:s10] =	ssyncadd.s32 @!p3 $0xFFFFFF80  }
0xe7: {  	s12 =	sshll.u32 @!p3 s17, $0x9;
	_ =	swait.ge @!p3 [sflag:s10], $0x80  }
.Ltmp10:
0xe8: {  	s12 =	sand.u32 @!p3 $0x1FFFFE00, s12;
	[sflag:s10] =	ssyncset.done @!p3 $0x0;
	(pc) =	sbr.rel @p2 .LBB2_22-.Ltmp10, $4  }
0xe9: {  	[sflag:s10] =	ssyncadd.s32 @!p3 $0xFFFFFF80;
	s10 =	sadd.s32 @!p3 s7, s12;
	s12 =	simm.s32 @!p3 $0x1AAA0  }
0xea: {  	[tilespmem:s12], [sflag:$0x5] =	stream.linear.gather @!p3 [hbm4b:s10+s16], $0x1000, $0x38;
	[tilespmem:$0x1DAA0] =	vst v63  }
0xeb: {  	s10 =	simm.s32 @!p3 $0x80;
	s12 =	simm.s32 @!p3 $0x18AA0  }
0xec: {  	[tilespmem:s12], [sflag:$0x7] =	stream.indirect.gather @!p3 [hbm4b:s1+s10], $0x20, s15, s10, $0xb8;
	[tilespmem:$0x1DAA0] =	vst v63  }
0xed: {  	_ =	swait.ge [sflag:s31], $0x1000  }
0xee: {  	[sflag:s31] =	ssyncset.done $0x0  }
0xef: {  	[sflag:s31] =	ssyncadd.s32 $0xFFFFF000  }
0xf0: {  	_ =	swait.ge [sflag:s0], $0x1000  }
0xf1: {  	[sflag:s0] =	ssyncset.done $0x0  }
0xf2: {  	s10 =	simm.s32 $0x0;
	[sflag:s0] =	ssyncadd.s32 $0xFFFFF000  }
0xf3: {  	v1 =	vld [tilespmem:s10+$0x1BAA0]  }
0xf4: {  	v2 =	vld [tilespmem:s10+$0x1BAB0]  }
0xf5: {  	s12 =	simm.s32 $0x80;
	v3 =	vld [tilespmem:s10+$0x19AA0]  }
.LBB2_20:
0xf6: {  	p1 =	sne.s32 s12, $0x3F80;
	v4 =	vld [tilespmem:s10+$0x19AB0];
	_ =	sdelay $0x3  }
.Ltmp11:
0xf7: {  	v3 =	vadd.f32 v1, v3;
	(pc) =	sbr.rel @p1 .LBB2_20-.Ltmp11, $4  }
0xf8: {  	s13 =	sshra.s32 s12, $0x2;
	v4 =	vadd.f32 v2, v4  }
0xf9: {  	v1 =	vld [tilespmem:s13+$0x1BAA0];
	v3 =	vmax.f32 v3, $0.0e+00  }
0xfa: {  	v2 =	vld [tilespmem:s13+$0x1BAB0];
	[tilespmem:s10+$0x19AA0] =	vst v3;
	v4 =	vmax.f32 v4, $0.0e+00  }
0xfb: {  	s12 =	sadd.s32 $0x80, s12;
	v3 =	vld [tilespmem:s13+$0x19AA0];
	[tilespmem:s10+$0x19AB0] =	vst v4;
	s10 =	smov.u32 s13  }
0xfc: {  	v4 =	vld [tilespmem:s10+$0x19AB0];
	_ =	sdelay $0x3  }
0xfd: {  	v1 =	vadd.f32 v1, v3  }
.Ltmp12:
0xfe: {  	v2 =	vadd.f32 v2, v4;
	(pc) =	sbr.rel .LBB2_22-.Ltmp12, $4  }
0xff: {  	v1 =	vmax.f32 v1, $0.0e+00  }
0x100: {  	[tilespmem:s10+$0x19AA0] =	vst v1;
	v1 =	vmax.f32 v2, $0.0e+00  }
0x101: {  	[tilespmem:s10+$0x19AB0] =	vst v1  }
0x102: {  	[spmem:s2] =	stream.indirect.scatter.add.f32 [tilespmem:s22], [sflag:$0xA], $0x20, s11, s26, $0xb8;
	[tilespmem:$0x1DAA0] =	vst v63  }
.LBB2_23:
0x103: {  	s10 =	simm.s32 $0x9  }
0x104: {  	_ =	swait.ge [sflag:s10], $0x1000  }
0x105: {  	[sflag:s10] =	ssyncset.done $0x0  }
0x106: {  	s12 =	simm.s32 $0xA;
	[sflag:s10] =	ssyncadd.s32 $0xFFFFF000  }
0x107: {  	_ =	swait.ge [sflag:s12], $0x1000  }
0x108: {  	s24 =	sadd.s32 $0x0, s4;
	[sflag:s12] =	ssyncset.done $0x0  }
0x109: {  	p1 =	sgt.u32 s24, $0x185;
	[sflag:s12] =	ssyncadd.s32 $0xFFFFF000  }
0x10a: {  	s14 =	simm.s32 @!p1 $0xB;
	s10 =	sshll.u32 @!p1 s4, $0x6;
	[bflag:$0x0] =	sbarrier.arrive $0xFFFF  }
0x10b: {  	s10 =	sor.u32 @!p1 $0x1C0B, s10;
	s12 =	sshrl.u32 @!p1 s18, $0x3;
	s13 =	rddreg [dreg:$0xc]  }
0x10c: {  	[hbm:s13], [sflag:s10] =	dma.local @!p1 [spmem:s12], $0x200  }
0x10d: {  	s15 =	sadd.s32 $0x10, s4;
	s12 =	simm.s32 $0x20;
	_ =	swait.ge @!p1 [sflag:s14], $0x200  }
0x10e: {  	s10 =	sadd.s32 $0x2000, s13;
	s13 =	sadd.s32 $0x10000, s18;
	[sflag:s14] =	ssyncset.done @!p1 $0x0  }
.LBB2_24:
0x10f: {  	[sflag:s14] =	ssyncadd.s32 @!p1 $0xFFFFFE00  }
0x110: {  	p1 =	sgt.u32 s15, $0x185;
	s15 =	smov.u32 s12;
	s12 =	sadd.s32 $0x10, s12  }
0x111: {  	p2 =	sne.s32 s12, $0x190  }
.Ltmp13:
0x112: {  	s14 =	sshll.u32 @!p1 s4, $0x6;
	s16 =	sshrl.u32 @!p1 s13, $0x3;
	(pc) =	sbr.rel @p2 .LBB2_24-.Ltmp13, $4  }
0x113: {  	s17 =	sor.u32 @!p1 $0x1C0B, s14;
	s14 =	simm.s32 @!p1 $0xB  }
0x114: {  	[hbm:s10], [sflag:s17] =	dma.local @!p1 [spmem:s16], $0x200  }
0x115: {  	s10 =	sadd.s32 $0x2000, s10;
	_ =	swait.ge @!p1 [sflag:s14], $0x200  }
0x116: {  	s15 =	sadd.s32 s15, s4;
	s13 =	sadd.s32 $0x10000, s13;
	[sflag:s14] =	ssyncset.done @!p1 $0x0  }
0x117: {  	p2 =	sgt.u32 s15, $0x185  }
0x118: {  	[sflag:s14] =	ssyncadd.s32 @!p1 $0xFFFFFE00;
	s12 =	sshll.u32 @!p2 s4, $0x6  }
0x119: {  	s13 =	sshrl.u32 @!p2 s13, $0x3;
	s14 =	simm.s32 @!p2 $0xB;
	s12 =	sor.u32 @!p2 $0x1C0B, s12  }
0x11a: {  	[hbm:s10], [sflag:s12] =	dma.local @!p2 [spmem:s13], $0x200  }
0x11b: {  	_ =	swait.ge @!p2 [sflag:s14], $0x200  }
0x11c: {  	s12 =	simm.s32 @!p0 $0x1C0B;
	[sflag:s14] =	ssyncset.done @!p2 $0x0;
	s16 =	rddreg [dreg:$0x4]  }
0x11d: {  	s13 =	rddreg [dreg:$0xa];
	[sflag:s14] =	ssyncadd.s32 @!p2 $0xFFFFFE00;
	s10 =	sshrl.u32 @!p0 s16, $0x3  }
0x11e: {  	[hbm:s13], [sflag:s12] =	dma.local @!p0 [spmem:s10], $0x140  }
0x11f: {  	s10 =	simm.s32 @!p0 $0xB  }
0x120: {  	_ =	swait.ge @!p0 [sflag:s10], $0x140  }
0x121: {  	s3 =	sadd.s32 $0x1, s3;
	s24 =	rddreg [dreg:$0xb]  }
0x122: {  	p1 =	sne.s32 s3, s24  }
.Ltmp14:
0x123: {  	_ = 	snop;
	(pc) =	sbr.rel @p1 .LBB2_1-.Ltmp14, $3  }
0x124: {  	_ =	sdelay $0x1  }
0x125: {  	[sflag:s10] =	ssyncset.done @!p0 $0x0  }
0x126: {  	[sflag:s10] =	ssyncadd.s32 @!p0 $0xFFFFFEC0  }
0x127: {  	_ =	sfence.sel $0x180000  }
0x128: {  	[bflag:$0x0] =	sbarrier.arrive $0xFFFF  }
0x129: {  	_ =	strace $0x90000047  }
0x12a: {  	[bflag:$0x2] =	sbarrier.arrive $0xFFFF  }
0x12b: {  	s0 =	rddreg [dreg:$0x3]  }
0x12c: {  	s0 =	sadd.s32 @!p0 $0x100000, s0  }
0x12d: {  	[sflag:s0] =	ssyncadd.tile.s32 @!p0 $0x1;
	_ =	shalt  }
.Lfunc_end2:
_tile_overlayer_lowered:
.L_overlay_start_2:
0x12e: {  	(tag) =	ssettag $0x2  }
0x12f: {  	s0 =	rddreg [dreg:$0x0];
	s2 =	stileid.u32  }
0x130: {  	s1 =	rddreg [dreg:$0x1];
	p0 =	sne.s32 s2, $0x0  }
0x131: {  	s3 =	rddreg [dreg:$0x2];
	[bflag:$0x3] =	sbarrier.arrive $0xFFFF;
	s2 =	simm.s32 @!p0 $0x1C0B  }
0x132: {  	[timem:s3], [sflag:s2] =	dma.local @!p0 [hbm:s0], s1  }
0x133: {  	s0 =	simm.s32 @!p0 $0xB  }
0x134: {  	_ =	swait.ge @!p0 [sflag:s0], s1  }
0x135: {  	s1 =	ssub.s32 @!p0 $0x0, s1;
	[sflag:s0] =	ssyncset.done @!p0 $0x0  }
0x136: {  	[sflag:s0] =	ssyncadd.s32 @!p0 s1  }
0x137: {  	[bflag:$0x3] =	sbarrier.arrive $0xFFFF  }
0x138: {  	_ =	shalt  }

// kernel: kernel.16.cloned.1.call-start
scs
__scs_entry_jumppad:
0x0: {  	(pc) =	sbr.rel $0x88, $3  }
0x1: {  	(tag) =	ssettag $0x0;
	lr =	simm.s32 $0x1  }
0x2: {  	[smem:$0x3F86] =	sst lr;
	_ =	strace $0xD0000000  }
0x3: {  	_ = 	snop  }
0x4: {  	_ = 	snop  }
0x5: {  	_ = 	snop  }
0x6: {  	_ = 	snop  }
0x7: {  	_ = 	snop  }
__scs_overlays_trampoline_lowered:
0x8: {  	[smem:$0x3F95] =	sst s0  }
0x9: {  	[smem:$0x3F96] =	sst s1  }
0xa: {  	[smem:$0x3F97] =	sst s2  }
0xb: {  	[smem:$0x3F98] =	sst s3  }
0xc: {  	[smem:$0x3F99] =	sst s4  }
0xd: {  	[smem:$0x3F9A] =	sst s5  }
0xe: {  	[smem:$0x3F9B] =	sst s6  }
0xf: {  	[smem:$0x3F9C] =	sst s7  }
0x10: {  	[smem:$0x3F9D] =	sst s8  }
0x11: {  	[smem:$0x3F9E] =	sst s9;
	s0 =	simm.s32 @!p0 $0x0  }
0x12: {  	s1 =	sld [smem:$0x3F84];
	s0 =	simm.s32 @p0 $0x1  }
0x13: {  	[smem:$0x3F9F] =	sst s0;
	s0 =	simm.s32 @!p1 $0x0  }
0x14: {  	s2 =	sld [smem:$0x3F83];
	s0 =	simm.s32 @p1 $0x1  }
0x15: {  	[smem:$0x3FA0] =	sst s0;
	s0 =	simm.s32 @!p2 $0x0  }
0x16: {  	s3 =	sld [smem:$0x3FDB];
	s0 =	simm.s32 @p2 $0x1  }
0x17: {  	s4 =	simm.s32 $0x1BF5;
	[smem:$0x3FA2] =	sst s0  }
0x18: {  	s0 =	sld [smem:$0x3F85];
	_ =	swait.ge [sflag:s4], $0x0  }
0x19: {  	s7 =	sld [smem:$0x3F86]  }
0x1a: {  	s8 =	sadd.s32 $0xFFFFE003, lr  }
0x1b: {  	s9 =	sadd.s32 $0xFFFFFEF7, lr;
	s5 =	simm.s32 $0xFFFFFFFF;
	p2 =	slt.u32 s8, $0xFFFFF086  }
0x1c: {  	p1 =	slt.u32 s9, $0xF7A;
	s5 =	simm.s32 @!p2 $0x0  }
0x1d: {  	s5 =	simm.s32 @p1 $0x1;
	p0 =	seq.s32 s7, s2  }
0x1e: {  	s7 =	smul.u32 @!p0 $0xF7A, s2;
	p2 =	seq.s32 @!p0 s5, $0x0  }
0x1f: {  	s9 =	smul.u32 $0xF7A, s1;
	s8 =	simm.s32 @!p0 $0x1BF5;
	p2 =	por !p2, p0  }
0x20: {  	[sflag:s8] =	ssyncset.s32 @!p0 $0xFFFFF086;
	s6 =	sadd.s32 @!p0 s3, s7;
	s7 =	simm.s32 @!p0 $0x108  }
0x21: {  	s3 =	sadd.s32 s3, s9;
	s6 =	sadd.s32 @!p0 $0x88, s6;
	s7 =	simm.s32 @p2 $0x1082  }
0x22: {  	[simem:s7], [sflag:s8] =	dma.local @!p0 [hbm:s6], $0xF7A  }
0x23: {  	s9 =	sor.u32 $0xD0000000, s2;
	s6 =	simm.s32 $0x108;
	_ =	swait.ge @!p0 [sflag:s8], $0x0  }
0x24: {  	s3 =	sadd.s32 $0x88, s3;
	s6 =	simm.s32 @!p1 $0x1082;
	[sflag:s4] =	ssyncset.s32 $0xFFFFF086  }
0x25: {  	[simem:s6], [sflag:s4] =	dma.local [hbm:s3], $0xF7A  }
0x26: {  	[smem:$0x3F86] =	sst s1;
	(tag) =	ssettag s2;
	_ =	strace s9  }
0x27: {  	s1 =	sld [smem:$0x3F96]  }
0x28: {  	s2 =	sld [smem:$0x3F97]  }
0x29: {  	s4 =	sld [smem:$0x3F99]  }
0x2a: {  	p0 =	seq.s32 s5, $0x0;
	s5 =	sld [smem:$0x3F9A]  }
0x2b: {  	s6 =	sld [smem:$0x3F9B]  }
0x2c: {  	s7 =	sld [smem:$0x3F9C]  }
0x2d: {  	s3 =	simm.s32 $0x108;
	s8 =	sld [smem:$0x3F9D]  }
0x2e: {  	s3 =	simm.s32 @!p0 $0x1082;
	s9 =	sld [smem:$0x3F9E]  }
0x2f: {  	lr =	sadd.s32 s0, s3;
	s0 =	sld [smem:$0x3F95]  }
0x30: {  	s3 =	sld [smem:$0x3F98]  }
0x31: {  	[smem:$0x3FA1] =	sst s10  }
0x32: {  	s10 =	sld [smem:$0x3F9F];
	_ =	sdelay $0x3  }
0x33: {  	p0 =	seq.s32 s10, $0x1;
	s10 =	sld [smem:$0x3FA1];
	_ =	sdelay $0x3  }
0x34: {  	[smem:$0x3FA1] =	sst s10  }
0x35: {  	s10 =	sld [smem:$0x3FA0];
	_ =	sdelay $0x3  }
0x36: {  	p1 =	seq.s32 s10, $0x1;
	s10 =	sld [smem:$0x3FA1];
	_ =	sdelay $0x3  }
0x37: {  	[smem:$0x3FA1] =	sst s10  }
0x38: {  	s10 =	sld [smem:$0x3FA2]  }
0x39: {  	_ = 	snop;
	(pc) =	sbr.ind lr, $3  }
0x3a: {  	_ = 	snop  }
0x3b: {  	_ = 	snop  }
0x3c: {  	p2 =	seq.s32 s10, $0x1;
	s10 =	sld [smem:$0x3FA1]  }
0x3d: {  	_ =	shalt  }
0x3e: {  	_ =	shalt  }
0x3f: {  	_ =	shalt  }
0x40: {  	_ =	shalt  }
0x41: {  	_ =	shalt  }
0x42: {  	_ =	shalt  }
0x43: {  	_ =	shalt  }
0x44: {  	_ =	shalt  }
0x45: {  	_ =	shalt  }
0x46: {  	_ =	shalt  }
0x47: {  	_ =	shalt  }
0x48: {  	_ =	shalt  }
0x49: {  	_ =	shalt  }
0x4a: {  	_ =	shalt  }
0x4b: {  	_ =	shalt  }
0x4c: {  	_ =	shalt  }
0x4d: {  	_ =	shalt  }
0x4e: {  	_ =	shalt  }
0x4f: {  	_ =	shalt  }
0x50: {  	_ =	shalt  }
0x51: {  	_ =	shalt  }
0x52: {  	_ =	shalt  }
0x53: {  	_ =	shalt  }
0x54: {  	_ =	shalt  }
0x55: {  	_ =	shalt  }
0x56: {  	_ =	shalt  }
0x57: {  	_ =	shalt  }
0x58: {  	_ =	shalt  }
0x59: {  	_ =	shalt  }
0x5a: {  	_ =	shalt  }
0x5b: {  	_ =	shalt  }
0x5c: {  	_ =	shalt  }
0x5d: {  	_ =	shalt  }
0x5e: {  	_ =	shalt  }
0x5f: {  	_ =	shalt  }
0x60: {  	_ =	shalt  }
0x61: {  	_ =	shalt  }
0x62: {  	_ =	shalt  }
0x63: {  	_ =	shalt  }
0x64: {  	_ =	shalt  }
0x65: {  	_ =	shalt  }
0x66: {  	_ =	shalt  }
0x67: {  	_ =	shalt  }
0x68: {  	_ =	shalt  }
0x69: {  	_ =	shalt  }
0x6a: {  	_ =	shalt  }
0x6b: {  	_ =	shalt  }
0x6c: {  	_ =	shalt  }
0x6d: {  	_ =	shalt  }
0x6e: {  	_ =	shalt  }
0x6f: {  	_ =	shalt  }
0x70: {  	_ =	shalt  }
0x71: {  	_ =	shalt  }
0x72: {  	_ =	shalt  }
0x73: {  	_ =	shalt  }
0x74: {  	_ =	shalt  }
0x75: {  	_ =	shalt  }
0x76: {  	_ =	shalt  }
0x77: {  	_ =	shalt  }
0x78: {  	_ =	shalt  }
0x79: {  	_ =	shalt  }
0x7a: {  	_ =	shalt  }
0x7b: {  	_ =	shalt  }
0x7c: {  	_ =	shalt  }
0x7d: {  	_ =	shalt  }
0x7e: {  	_ =	shalt  }
0x7f: {  	_ =	shalt  }
0x80: {  	_ =	shalt  }
0x81: {  	_ =	shalt  }
0x82: {  	_ =	shalt  }
0x83: {  	_ =	shalt  }
0x84: {  	_ =	shalt  }
0x85: {  	_ =	shalt  }
0x86: {  	_ =	shalt  }
0x87: {  	_ =	shalt  }
.Lfunc_end0:
.L_simem_size_0:
called_computation.1_lowered:
.L_overlay_start_0:
0x88: {  	s2 =	sld [smem:$0x3FD9]  }
0x89: {  	s3 =	sld [smem:$0x3FFE];
	_ =	sdelay $0x1  }
0x8a: {  	s1 =	srdreg.scid  }
0x8b: {  	s0 =	sand.u32 $0x1, s1  }
0x8c: {  	s14 =	sshll.u32 s0, $0xA;
	s2 =	sadd.s32 s3, s2  }
0x8d: {  	s2 =	sadd.s32 s2, s14  }
0x8e: {  	[smem:$0x3FAD] =	sst s2  }
0x8f: {  	_ = 	snop  }
0x90: {  	s2 =	sld [smem:$0x3FD0];
	_ =	sdelay $0x3  }
0x91: {  	s15 =	simm.s32 $0xA;
	s4 =	simm.s32 $0x10;
	s2 =	sadd.s32 $0x1, s2  }
0x92: {  	[smem:s4], [sflag:s15] =	dma.local [hbm:s2], $0x1  }
0x93: {  	_ =	swait.eq [sflag:s15], $0x1  }
0x94: {  	[sflag:s15] =	ssyncset.done $0x0  }
0x95: {  	[sflag:s15] =	ssyncadd.s32 $0xFFFFFFFF  }
0x96: {  	s16 =	sld [smem:$0x10];
	(tm) =	ssettm $0x1  }
0x97: {  	s17 =	sld [smem:$0x3FFB];
	_ =	sdelay $0x3  }
0x98: {  	_ =	strace s17  }
0x99: {  	s3 =	sld [smem:$0x3FFC];
	_ =	sdelay $0x3  }
0x9a: {  	_ =	strace s3  }
0x9b: {  	s3 =	sld [smem:$0x3FFD];
	_ =	sdelay $0x3  }
0x9c: {  	_ =	strace s3  }
0x9d: {  	_ =	strace $0x8FFFFFFF  }
0x9e: {  	s18 =	sld [smem:$0x3FDB];
	_ =	sdelay $0x1  }
0x9f: {  	s19 =	simm.s32 $_scs_section_size  }
0xa0: {  	s5 =	simm.s32 $_size__tile_overlayer_lowered;
	s6 =	simm.s32 $_tile_overlayer_lowered  }
0xa1: {  	s22 =	simm.s32 $0x1BFF;
	s21 =	sshll.u32 s6, $0x1;
	s3 =	sadd.s32 s19, s18  }
0xa2: {  	s7 =	simm.s32 $0x0;
	s20 =	sshll.u32 s5, $0x1;
	s5 =	sadd.s32 s21, s3  }
0xa3: {  	[timem:s7], [sflag:s22] =	dma.local [hbm:s5], s20  }
0xa4: {  	_ =	swait.ge [sflag:s22], s20  }
0xa5: {  	s4 =	ssub.s32 $0x0, s20;
	[sflag:s22] =	ssyncset.done $0x0  }
0xa6: {  	[sflag:s22] =	ssyncadd.s32 s4;
	_ =	sdelay $0x1  }
0xa7: {  	s23 =	simm.s32 $0x1B8B  }
0xa8: {  	_ =	swait.ge [sflag:s23], $0x1  }
0xa9: {  	[sflag:s23] =	ssyncset.done $0x0  }
0xaa: {  	s25 =	simm.s32 $0x1B8E;
	s24 =	sld [smem:$0x3FFE];
	[sflag:s23] =	ssyncadd.s32 $0xFFFFFFFF  }
0xab: {  	s26 =	simm.s32 $execute0_lowered;
	[smem:$0x3FD2] =	sst s25  }
0xac: {  	s5 =	sshll.u32 s26, $0x1;
	_ =	strace $0x80000049;
	[dreg:$0x1] =	wrdreg $0xFFFFFFFF  }
0xad: {  	s28 =	simm.s32 $_size_execute0_lowered;
	s3 =	sadd.s32 s3, s5;
	[dreg:$0x0] =	wrdreg $0x0  }
0xae: {  	s5 =	sshll.u32 s28, $0x1;
	[dreg:$0x2] =	wrdreg s3  }
0xaf: {  	[dreg:$0x3] =	wrdreg s5  }
0xb0: {  	[dreg:$0x4] =	wrdreg $0xC0  }
0xb1: {  	_ =	task [dreg:s7], $0x5FFFF  }
0xb2: {  	[dreg:$0x1] =	wrdreg $0xFFFFFFFF  }
0xb3: {  	[dreg:$0x0] =	wrdreg $0x60  }
0xb4: {  	[dreg:$0x2] =	wrdreg s16  }
0xb5: {  	[dreg:$0x3] =	wrdreg s24  }
0xb6: {  	[dreg:$0x4] =	wrdreg $0x0  }
0xb7: {  	[dreg:$0x5] =	wrdreg $0x9  }
0xb8: {  	_ =	task.clear_ibuf [dreg:s7], $0x6FFFF;
	_ =	strace $0x90000049  }
0xb9: {  	s29 =	simm.s32 $0x9;
	_ =	strace $0x8000004B  }
0xba: {  	_ =	swait.ge [sflag:s29], $0x1  }
0xbb: {  	[sflag:s29] =	ssyncadd.s32 $0xFFFFFFFF  }
0xbc: {  	_ =	strace $0x9000004B  }
0xbd: {  	_ =	sfence  }
0xbe: {  	s30 =	sld [smem:$0x0];
	_ =	sdelay $0x2  }
0xbf: {  	s31 =	sshll.u32 s1, $0xD;
	s1 =	sshrl.u32 s1, $0x2  }
0xc0: {  	s3 =	sand.u32 $0x4000, s31;
	s1 =	sadd.s32 s1, s30  }
0xc1: {  	s0 =	sor.u32 s3, s0;
	s1 =	sshll.u32 s1, $0x11  }
0xc2: {  	s0 =	sor.u32 s1, s0  }
0xc3: {  	s0 =	sadd.s32 $0x8F2B, s0  }
0xc4: {  	[sflag:s0] =	ssyncadd.remote.s32 $0x1  }
0xc5: {  	_ =	sfence.sel $0xFFFF  }
0xc6: {  	[dreg:$0x0] =	wrdreg $0xFFFFFFFF;
	(pc) =	sbr.abs _section_cstart, $3  }
0xc7: {  	[dreg:$0x1] =	wrdreg $0xFFFFFFFF  }
0xc8: {  	_ =	task.clear_ibuf [dreg:s7], $0x2FFFF;
	_ =	strace $0x9FFFFFFF  }
0xc9: {  	(tm) =	ssettm $0x7FFFFFFF  }
tec
execute0_lowered:
.L_overlay_start_1:
0x0: {  	(tag) =	ssettag $0x1  }
0x1: {  	s1 =	rddreg [dreg:$0x0]  }
0x2: {  	s0 =	rddreg [dreg:$0x1]  }
0x3: {  	s2 =	rddreg [dreg:$0x2];
	s3 =	simm.s32 $0x0  }
0x4: {  	s4 =	srdreg.scid;
	s28 =	simm.s32 $0x18AA0;
	s29 =	simm.s32 $0x5  }
0x5: {  	s30 =	simm.s32 $0x7;
	s31 =	simm.s32 $0x6;
	[smem:$0x7FF] =	sst s3  }
0x6: {  	s10 =	sand.u32 $0x1, s4;
	s4 =	stileid.u32;
	s5 =	sadd.s32 $0x21A00, s0  }
0x7: {  	s6 =	sadd.s32 $0x9200, s0;
	s16 =	sadd.s32 $0x186000, s2;
	_ =	strace $0x8000004A  }
0x8: {  	s7 =	sshll.u32 s10, $0x4;
	s11 =	ssub.s32 $0x2, s10;
	s10 =	smul.u32 $0x186A00, s10  }
0x9: {  	s25 =	sshll.u32 s4, $0xC;
	[dreg:$0x4] =	wrdreg s16;
	s9 =	sor.u32 s4, s7  }
0xa: {  	s7 =	sadd.s32 $0x1195800, s0;
	s0 =	sadd.s32 $0x3A200, s0;
	s12 =	sshrl.u32 s11, $0x1  }
0xb: {  	s18 =	sadd.s32 s25, s2;
	s8 =	smul.u32 $0xC3, s9;
	s13 =	smin.u32 s9, $0xA  }
0xc: {  	p0 =	slt.u32 s9, $0xA;
	s9 =	simm.s32 $0xC4;
	s11 =	ssub.s32 s11, s12  }
0xd: {  	s24 =	sshrl.u32 s10, $0x3;
	s10 =	sadd.s32 s25, s10;
	s25 =	simm.s32 $0x189A0  }
0xe: {  	s9 =	simm.s32 @!p0 $0xC3;
	s10 =	sshrl.u32 s10, $0x3;
	s8 =	sadd.s32 s13, s8  }
0xf: {  	s11 =	smax.u32 s11, $0x1;
	p0 =	sne.s32 s4, $0x0;
	s20 =	sshll.u32 s8, $0x4  }
0x10: {  	[dreg:$0xb] =	wrdreg s11;
	s11 =	simm.s32 $0x18A20;
	s14 =	sadd.s32 s5, s20  }
0x11: {  	s21 =	sadd.s32 $0x10, s20;
	s12 =	sadd.s32 s6, s20;
	[dreg:$0x5] =	wrdreg s14  }
0x12: {  	s26 =	sshll.u32 s8, $0x9;
	[dreg:$0x6] =	wrdreg s12;
	s22 =	sadd.s32 s5, s21  }
0x13: {  	s23 =	sadd.s32 s6, s21;
	s12 =	sadd.s32 s0, s24;
	[dreg:$0x7] =	wrdreg s22  }
0x14: {  	s14 =	sadd.s32 s7, s26;
	s0 =	sadd.s32 s10, s0;
	[dreg:$0x8] =	wrdreg s23  }
0x15: {  	s21 =	simm.s32 $0x188A0;
	s26 =	simm.s32 $0x80;
	[dreg:$0x9] =	wrdreg s14  }
0x16: {  	s12 =	sadd.s32 $0x30C00, s12;
	[dreg:$0xc] =	wrdreg s0;
	s23 =	simm.s32 $0x18920  }
0x17: {  	v0 =	vimm.f32 $0.0e+00;
	s0 =	simm.s32 $0x8;
	s22 =	simm.s32 $0x19AA0;
	[dreg:$0xa] =	wrdreg s12  }
.LBB2_1:
0x18: {  	s10 =	simm.s32 $0x0  }
.LBB2_2:
0x19: {  	p1 =	sne.s32 s10, $0x3F80  }
.Ltmp0:
0x1a: {  	_ = 	snop;
	(pc) =	sbr.rel @p1 .LBB2_2-.Ltmp0, $4  }
0x1b: {  	_ = 	snop  }
0x1c: {  	s12 =	sshra.s32 s10, $0x2  }
0x1d: {  	[tilespmem:s12+$0x1CAA0] =	vst v0  }
0x1e: {  	s10 =	sadd.s32 $0x80, s10;
	[tilespmem:s12+$0x1CAB0] =	vst v0  }
0x1f: {  	s10 =	sadd.s32 $0x0, s4  }
0x20: {  	p1 =	sgt.u32 s10, $0x185  }
0x21: {  	s10 =	simm.s32 @!p1 $0x1CAA0;
	s14 =	simm.s32 @!p1 $0xB  }
0x22: {  	[spmem:s18] =	stream.linear.scatter @!p1 [tilespmem:s10], [sflag:$0xB], $0x1000, $0x38;
	[tilespmem:$0x1DAA0] =	vst v63  }
0x23: {  	s12 =	simm.s32 $0x10;
	_ =	swait.ge @!p1 [sflag:s14], $0x1000  }
0x24: {  	s13 =	simm.s32 $0x20;
	s10 =	sadd.s32 $0x10000, s18;
	[sflag:s14] =	ssyncset.done @!p1 $0x0  }
.LBB2_4:
0x25: {  	s15 =	sadd.s32 s12, s4;
	s12 =	smov.u32 s13;
	s13 =	sadd.s32 $0x10, s13  }
0x26: {  	[sflag:s14] =	ssyncadd.s32 @!p1 $0xFFFFF000;
	p2 =	sne.s32 s13, $0x190  }
.Ltmp1:
0x27: {  	p1 =	sgt.u32 s15, $0x185;
	(pc) =	sbr.rel @p2 .LBB2_4-.Ltmp1, $4  }
0x28: {  	s15 =	simm.s32 @!p1 $0x1CAA0;
	s14 =	simm.s32 @!p1 $0xB  }
0x29: {  	[spmem:s10] =	stream.linear.scatter @!p1 [tilespmem:s15], [sflag:$0xB], $0x1000, $0x38;
	[tilespmem:$0x1DAA0] =	vst v63  }
0x2a: {  	_ =	swait.ge @!p1 [sflag:s14], $0x1000  }
0x2b: {  	s10 =	sadd.s32 $0x10000, s10;
	[sflag:s14] =	ssyncset.done @!p1 $0x0  }
0x2c: {  	s12 =	sadd.s32 s12, s4  }
0x2d: {  	p2 =	sgt.u32 s12, $0x185  }
0x2e: {  	[sflag:s14] =	ssyncadd.s32 @!p1 $0xFFFFF000;
	s12 =	simm.s32 @!p2 $0x1CAA0;
	s13 =	simm.s32 @!p2 $0xB  }
0x2f: {  	[spmem:s10] =	stream.linear.scatter @!p2 [tilespmem:s12], [sflag:$0xB], $0x1000, $0x38;
	[tilespmem:$0x1DAA0] =	vst v63  }
0x30: {  	_ =	swait.ge @!p2 [sflag:s13], $0x1000  }
0x31: {  	[sflag:s13] =	ssyncset.done @!p2 $0x0  }
0x32: {  	s10 =	simm.s32 @!p0 $0x1CAA0;
	[sflag:s13] =	ssyncadd.s32 @!p2 $0xFFFFF000  }
0x33: {  	[spmem:s16] =	stream.linear.scatter @!p0 [tilespmem:s10], [sflag:$0xB], $0xA00, $0x38;
	[tilespmem:$0x1DAA0] =	vst v63  }
0x34: {  	s10 =	simm.s32 @!p0 $0xB  }
0x35: {  	_ =	swait.ge @!p0 [sflag:s10], $0xA00  }
0x36: {  	[sflag:s10] =	ssyncset.done @!p0 $0x0  }
0x37: {  	[sflag:s10] =	ssyncadd.s32 @!p0 $0xFFFFF600  }
0x38: {  	[bflag:$0x0] =	sbarrier.arrive $0xFFFF  }
0x39: {  	s14 =	simm.s32 $0x0;
	s12 =	simm.s32 $0x186A0;
	s24 =	rddreg [dreg:$0x5]  }
0x3a: {  	[tilespmem:s12], [sflag:$0x1] =	stream.linear.gather [hbm4b:s24+s14], $0x80, $0x38;
	[tilespmem:$0x1DAA0] =	vst v63  }
0x3b: {  	s13 =	rddreg [dreg:$0x6]  }
0x3c: {  	[tilespmem:s21], [sflag:$0x1] =	stream.linear.gather [hbm4b:s13+s14], $0x80, $0x38;
	[tilespmem:$0x1DAA0] =	vst v63  }
0x3d: {  	s16 =	simm.s32 $0x18720;
	s15 =	rddreg [dreg:$0x7]  }
0x3e: {  	[tilespmem:s16], [sflag:$0x2] =	stream.linear.gather [hbm4b:s15+s14], $0x80, $0x38;
	[tilespmem:$0x1DAA0] =	vst v63  }
0x3f: {  	s19 =	simm.s32 $0x1;
	s17 =	rddreg [dreg:$0x8]  }
0x40: {  	[tilespmem:s23], [sflag:$0x2] =	stream.linear.gather [hbm4b:s17+s14], $0x80, $0x38;
	[tilespmem:$0x1DAA0] =	vst v63  }
0x41: {  	_ =	swait.ge [sflag:s19], $0x80  }
0x42: {  	[sflag:s19] =	ssyncset.done $0x0  }
0x43: {  	[sflag:s19] =	ssyncadd.s32 $0xFFFFFF80  }
0x44: {  	_ =	swait.ge [sflag:s19], $0x80  }
.Ltmp2:
0x45: {  	[sflag:s19] =	ssyncset.done $0x0;
	(pc) =	sbr.rel .LBB2_6-.Ltmp2, $4  }
0x46: {  	s24 =	simm.s32 $0x1AAA0;
	s20 =	rddreg [dreg:$0x9];
	[sflag:s19] =	ssyncadd.s32 $0xFFFFFF80  }
0x47: {  	[tilespmem:s24], [sflag:$0x5] =	stream.linear.gather [hbm4b:s20+s14], $0x1000, $0x38;
	[tilespmem:$0x1DAA0] =	vst v63  }
0x48: {  	_ = 	snop  }
0x49: {  	[tilespmem:s28], [sflag:$0x7] =	stream.indirect.gather [hbm4b:s1+s26], $0x20, s12, s26, $0xb8;
	[tilespmem:$0x1DAA0] =	vst v63  }
.LBB2_22:
0x4a: {  	s14 =	sadd.s32 $0x1, s14  }
0x4b: {  	p1 =	sne.s32 s14, $0x31  }
.Ltmp3:
0x4c: {  	_ = 	snop;
	(pc) =	sbr.rel @!p1 .LBB2_23-.Ltmp3, $1  }
0x4d: {  	_ =	sdelay $0x3  }
.LBB2_6:
0x4e: {  	s20 =	sshll.u32 s14, $0x2  }
0x4f: {  	s10 =	sor.u32 $0x2, s20  }
0x50: {  	p1 =	sge.u32 s10, s9  }
0x51: {  	s17 =	sadd.s32 @!p1 s8, s10  }
0x52: {  	s10 =	sshll.u32 @!p1 s17, $0x4  }
0x53: {  	s10 =	sand.u32 @!p1 $0x1FFFFFF0, s10  }
0x54: {  	s16 =	simm.s32 @!p1 $0x0;
	s15 =	simm.s32 @!p1 $0x187A0;
	s12 =	sadd.s32 @!p1 s5, s10  }
0x55: {  	[tilespmem:s15], [sflag:$0x3] =	stream.linear.gather @!p1 [hbm4b:s12+s16], $0x80, $0x38;
	[tilespmem:$0x1DAA0] =	vst v63  }
0x56: {  	s10 =	sadd.s32 @!p1 s6, s10;
	s12 =	simm.s32 @!p1 $0x189A0  }
0x57: {  	[tilespmem:s12], [sflag:$0x3] =	stream.linear.gather @!p1 [hbm4b:s10+s16], $0x80, $0x38;
	[tilespmem:$0x1DAA0] =	vst v63  }
0x58: {  	s10 =	sor.u32 $0x1, s20  }
0x59: {  	p3 =	sge.u32 s10, s9  }
0x5a: {  	p2 =	seq.s32 @!p3 s14, $0x0  }
0x5b: {  	p2 =	por p2, p3  }
0x5c: {  	s12 =	simm.s32 @!p2 $0xA  }
0x5d: {  	_ =	swait.ge @!p2 [sflag:s12], $0x1000  }
0x5e: {  	[sflag:s12] =	ssyncset.done @!p2 $0x0  }
0x5f: {  	[sflag:s12] =	ssyncadd.s32 @!p2 $0xFFFFF000;
	s12 =	simm.s32 @!p3 $0x2  }
0x60: {  	_ =	swait.ge @!p3 [sflag:s12], $0x80  }
0x61: {  	[sflag:s12] =	ssyncset.done @!p3 $0x0  }
0x62: {  	s10 =	sadd.s32 @!p3 s8, s10;
	s13 =	simm.s32 @!p3 $0x1BAA0;
	[sflag:s12] =	ssyncadd.s32 @!p3 $0xFFFFFF80  }
0x63: {  	s10 =	sshll.u32 @!p3 s10, $0x9;
	p2 =	sge.u32 s20, s9;
	_ =	swait.ge @!p3 [sflag:s12], $0x80  }
.Ltmp4:
0x64: {  	s10 =	sand.u32 @!p3 $0x1FFFFE00, s10;
	[sflag:s12] =	ssyncset.done @!p3 $0x0;
	(pc) =	sbr.rel @p2 .LBB2_10-.Ltmp4, $4  }
0x65: {  	s10 =	sadd.s32 @!p3 s7, s10;
	[sflag:s12] =	ssyncadd.s32 @!p3 $0xFFFFFF80;
	s12 =	simm.s32 @!p3 $0x0  }
0x66: {  	[tilespmem:s13], [sflag:$0x6] =	stream.linear.gather @!p3 [hbm4b:s10+s12], $0x1000, $0x38;
	[tilespmem:$0x1DAA0] =	vst v63  }
0x67: {  	s10 =	simm.s32 @!p3 $0x80;
	s12 =	simm.s32 @!p3 $0x18720;
	s13 =	simm.s32 @!p3 $0x19AA0  }
0x68: {  	[tilespmem:s13], [sflag:$0x8] =	stream.indirect.gather @!p3 [hbm4b:s1+s10], $0x20, s12, s10, $0xb8;
	[tilespmem:$0x1DAA0] =	vst v63  }
0x69: {  	_ =	swait.ge [sflag:s29], $0x1000  }
0x6a: {  	[sflag:s29] =	ssyncset.done $0x0  }
0x6b: {  	[sflag:s29] =	ssyncadd.s32 $0xFFFFF000  }
0x6c: {  	_ =	swait.ge [sflag:s30], $0x1000  }
0x6d: {  	[sflag:s30] =	ssyncset.done $0x0  }
0x6e: {  	s10 =	simm.s32 $0x0;
	[sflag:s30] =	ssyncadd.s32 $0xFFFFF000  }
0x6f: {  	v1 =	vld [tilespmem:s10+$0x1AAA0]  }
0x70: {  	v2 =	vld [tilespmem:s10+$0x1AAB0]  }
0x71: {  	s12 =	simm.s32 $0x80;
	v3 =	vld [tilespmem:s10+$0x18AA0]  }
.LBB2_8:
0x72: {  	p2 =	sne.s32 s12, $0x3F80;
	v4 =	vld [tilespmem:s10+$0x18AB0];
	_ =	sdelay $0x3  }
.Ltmp5:
0x73: {  	v3 =	vadd.f32 v1, v3;
	(pc) =	sbr.rel @p2 .LBB2_8-.Ltmp5, $4  }
0x74: {  	s13 =	sshra.s32 s12, $0x2;
	v4 =	vadd.f32 v2, v4  }
0x75: {  	v1 =	vld [tilespmem:s13+$0x1AAA0];
	v3 =	vmax.f32 v3, $0.0e+00  }
0x76: {  	v2 =	vld [tilespmem:s13+$0x1AAB0];
	[tilespmem:s10+$0x18AA0] =	vst v3;
	v4 =	vmax.f32 v4, $0.0e+00  }
0x77: {  	s12 =	sadd.s32 $0x80, s12;
	v3 =	vld [tilespmem:s13+$0x18AA0];
	[tilespmem:s10+$0x18AB0] =	vst v4;
	s10 =	smov.u32 s13  }
0x78: {  	v4 =	vld [tilespmem:s10+$0x18AB0];
	_ =	sdelay $0x3  }
0x79: {  	v1 =	vadd.f32 v1, v3  }
0x7a: {  	v2 =	vadd.f32 v2, v4  }
0x7b: {  	v1 =	vmax.f32 v1, $0.0e+00  }
0x7c: {  	[tilespmem:s10+$0x18AA0] =	vst v1;
	v1 =	vmax.f32 v2, $0.0e+00  }
0x7d: {  	[tilespmem:s10+$0x18AB0] =	vst v1  }
0x7e: {  	[spmem:s2] =	stream.indirect.scatter.add.f32 [tilespmem:s28], [sflag:$0x9], $0x20, s21, s26, $0xb8;
	[tilespmem:$0x1DAA0] =	vst v63  }
.LBB2_10:
0x7f: {  	s10 =	sor.u32 $0x3, s20  }
0x80: {  	p2 =	sge.u32 s10, s9  }
0x81: {  	s10 =	sadd.s32 @!p2 s8, s10  }
0x82: {  	s12 =	sshll.u32 @!p2 s10, $0x4  }
0x83: {  	s19 =	sand.u32 @!p2 $0x1FFFFFF0, s12  }
0x84: {  	s13 =	simm.s32 @!p2 $0x0;
	s12 =	simm.s32 @!p2 $0x18820;
	s24 =	sadd.s32 @!p2 s5, s19  }
0x85: {  	[tilespmem:s12], [sflag:$0x4] =	stream.linear.gather @!p2 [hbm4b:s24+s13], $0x80, $0x38;
	[tilespmem:$0x1DAA0] =	vst v63  }
0x86: {  	s19 =	sadd.s32 @!p2 s6, s19;
	s24 =	simm.s32 @!p2 $0x18A20  }
0x87: {  	[tilespmem:s24], [sflag:$0x4] =	stream.linear.gather @!p2 [hbm4b:s19+s13], $0x80, $0x38;
	[tilespmem:$0x1DAA0] =	vst v63  }
0x88: {  	s19 =	simm.s32 @!p1 $0x9  }
0x89: {  	_ =	swait.ge @!p1 [sflag:s19], $0x1000  }
0x8a: {  	[sflag:s19] =	ssyncset.done @!p1 $0x0  }
0x8b: {  	[sflag:s19] =	ssyncadd.s32 @!p1 $0xFFFFF000;
	s19 =	simm.s32 @!p1 $0x3  }
0x8c: {  	_ =	swait.ge @!p1 [sflag:s19], $0x80  }
0x8d: {  	[sflag:s19] =	ssyncset.done @!p1 $0x0  }
0x8e: {  	[sflag:s19] =	ssyncadd.s32 @!p1 $0xFFFFFF80  }
0x8f: {  	s17 =	sshll.u32 @!p1 s17, $0x9;
	_ =	swait.ge @!p1 [sflag:s19], $0x80  }
.Ltmp6:
0x90: {  	s17 =	sand.u32 @!p1 $0x1FFFFE00, s17;
	[sflag:s19] =	ssyncset.done @!p1 $0x0;
	(pc) =	sbr.rel @p3 .LBB2_14-.Ltmp6, $4  }
0x91: {  	s17 =	sadd.s32 @!p1 s7, s17;
	[sflag:s19] =	ssyncadd.s32 @!p1 $0xFFFFFF80;
	s19 =	simm.s32 @!p1 $0x1AAA0  }
0x92: {  	[tilespmem:s19], [sflag:$0x5] =	stream.linear.gather @!p1 [hbm4b:s17+s16], $0x1000, $0x38;
	[tilespmem:$0x1DAA0] =	vst v63  }
0x93: {  	s16 =	simm.s32 @!p1 $0x80;
	s17 =	simm.s32 @!p1 $0x18AA0  }
0x94: {  	[tilespmem:s17], [sflag:$0x7] =	stream.indirect.gather @!p1 [hbm4b:s1+s16], $0x20, s15, s16, $0xb8;
	[tilespmem:$0x1DAA0] =	vst v63  }
0x95: {  	_ =	swait.ge [sflag:s31], $0x1000  }
0x96: {  	[sflag:s31] =	ssyncset.done $0x0  }
0x97: {  	[sflag:s31] =	ssyncadd.s32 $0xFFFFF000  }
0x98: {  	_ =	swait.ge [sflag:s0], $0x1000  }
0x99: {  	[sflag:s0] =	ssyncset.done $0x0  }
0x9a: {  	s15 =	simm.s32 $0x0;
	[sflag:s0] =	ssyncadd.s32 $0xFFFFF000  }
0x9b: {  	v1 =	vld [tilespmem:s15+$0x1BAA0]  }
0x9c: {  	v2 =	vld [tilespmem:s15+$0x1BAB0]  }
0x9d: {  	s16 =	simm.s32 $0x80;
	v3 =	vld [tilespmem:s15+$0x19AA0]  }
.LBB2_12:
0x9e: {  	p3 =	sne.s32 s16, $0x3F80;
	v4 =	vld [tilespmem:s15+$0x19AB0];
	_ =	sdelay $0x3  }
.Ltmp7:
0x9f: {  	v3 =	vadd.f32 v1, v3;
	(pc) =	sbr.rel @p3 .LBB2_12-.Ltmp7, $4  }
0xa0: {  	s17 =	sshra.s32 s16, $0x2;
	v4 =	vadd.f32 v2, v4  }
0xa1: {  	v1 =	vld [tilespmem:s17+$0x1BAA0];
	v3 =	vmax.f32 v3, $0.0e+00  }
0xa2: {  	v2 =	vld [tilespmem:s17+$0x1BAB0];
	[tilespmem:s15+$0x19AA0] =	vst v3;
	v4 =	vmax.f32 v4, $0.0e+00  }
0xa3: {  	s16 =	sadd.s32 $0x80, s16;
	v3 =	vld [tilespmem:s17+$0x19AA0];
	[tilespmem:s15+$0x19AB0] =	vst v4;
	s15 =	smov.u32 s17  }
0xa4: {  	v4 =	vld [tilespmem:s15+$0x19AB0];
	_ =	sdelay $0x3  }
0xa5: {  	v1 =	vadd.f32 v1, v3  }
0xa6: {  	v2 =	vadd.f32 v2, v4  }
0xa7: {  	v1 =	vmax.f32 v1, $0.0e+00  }
0xa8: {  	[tilespmem:s15+$0x19AA0] =	vst v1;
	v1 =	vmax.f32 v2, $0.0e+00  }
0xa9: {  	[tilespmem:s15+$0x19AB0] =	vst v1  }
0xaa: {  	[spmem:s2] =	stream.indirect.scatter.add.f32 [tilespmem:s22], [sflag:$0xA], $0x20, s23, s26, $0xb8;
	[tilespmem:$0x1DAA0] =	vst v63  }
.LBB2_14:
0xab: {  	s15 =	sadd.s32 $0x4, s20  }
0xac: {  	p3 =	sge.u32 s15, s9  }
0xad: {  	s17 =	sadd.s32 @!p3 s8, s15  }
0xae: {  	s15 =	sshll.u32 @!p3 s17, $0x4  }
0xaf: {  	s19 =	sand.u32 @!p3 $0x1FFFFFF0, s15  }
0xb0: {  	s16 =	simm.s32 @!p3 $0x0;
	s15 =	simm.s32 @!p3 $0x186A0;
	s24 =	sadd.s32 @!p3 s5, s19  }
0xb1: {  	[tilespmem:s15], [sflag:$0x1] =	stream.linear.gather @!p3 [hbm4b:s24+s16], $0x80, $0x38;
	[tilespmem:$0x1DAA0] =	vst v63  }
0xb2: {  	s19 =	sadd.s32 @!p3 s6, s19;
	s24 =	simm.s32 @!p3 $0x188A0  }
0xb3: {  	[tilespmem:s24], [sflag:$0x1] =	stream.linear.gather @!p3 [hbm4b:s19+s16], $0x80, $0x38;
	[tilespmem:$0x1DAA0] =	vst v63  }
0xb4: {  	s19 =	simm.s32 @!p2 $0xA  }
0xb5: {  	_ =	swait.ge @!p2 [sflag:s19], $0x1000  }
0xb6: {  	[sflag:s19] =	ssyncset.done @!p2 $0x0  }
0xb7: {  	[sflag:s19] =	ssyncadd.s32 @!p2 $0xFFFFF000;
	s19 =	simm.s32 @!p2 $0x4  }
0xb8: {  	_ =	swait.ge @!p2 [sflag:s19], $0x80  }
0xb9: {  	[sflag:s19] =	ssyncset.done @!p2 $0x0  }
0xba: {  	[sflag:s19] =	ssyncadd.s32 @!p2 $0xFFFFFF80  }
0xbb: {  	s10 =	sshll.u32 @!p2 s10, $0x9;
	_ =	swait.ge @!p2 [sflag:s19], $0x80  }
.Ltmp8:
0xbc: {  	s10 =	sand.u32 @!p2 $0x1FFFFE00, s10;
	[sflag:s19] =	ssyncset.done @!p2 $0x0;
	(pc) =	sbr.rel @p1 .LBB2_18-.Ltmp8, $4  }
0xbd: {  	s10 =	sadd.s32 @!p2 s7, s10;
	[sflag:s19] =	ssyncadd.s32 @!p2 $0xFFFFFF80;
	s19 =	simm.s32 @!p2 $0x1BAA0  }
0xbe: {  	[tilespmem:s19], [sflag:$0x6] =	stream.linear.gather @!p2 [hbm4b:s10+s13], $0x1000, $0x38;
	[tilespmem:$0x1DAA0] =	vst v63  }
0xbf: {  	s10 =	simm.s32 @!p2 $0x80;
	s13 =	simm.s32 @!p2 $0x19AA0  }
0xc0: {  	[tilespmem:s13], [sflag:$0x8] =	stream.indirect.gather @!p2 [hbm4b:s1+s10], $0x20, s12, s10, $0xb8;
	[tilespmem:$0x1DAA0] =	vst v63  }
0xc1: {  	_ =	swait.ge [sflag:s29], $0x1000  }
0xc2: {  	[sflag:s29] =	ssyncset.done $0x0  }
0xc3: {  	[sflag:s29] =	ssyncadd.s32 $0xFFFFF000  }
0xc4: {  	_ =	swait.ge [sflag:s30], $0x1000  }
0xc5: {  	[sflag:s30] =	ssyncset.done $0x0  }
0xc6: {  	s10 =	simm.s32 $0x0;
	[sflag:s30] =	ssyncadd.s32 $0xFFFFF000  }
0xc7: {  	v1 =	vld [tilespmem:s10+$0x1AAA0]  }
0xc8: {  	v2 =	vld [tilespmem:s10+$0x1AAB0]  }
0xc9: {  	s12 =	simm.s32 $0x80;
	v3 =	vld [tilespmem:s10+$0x18AA0]  }
.LBB2_16:
0xca: {  	p1 =	sne.s32 s12, $0x3F80;
	v4 =	vld [tilespmem:s10+$0x18AB0];
	_ =	sdelay $0x3  }
.Ltmp9:
0xcb: {  	v3 =	vadd.f32 v1, v3;
	(pc) =	sbr.rel @p1 .LBB2_16-.Ltmp9, $4  }
0xcc: {  	s13 =	sshra.s32 s12, $0x2;
	v4 =	vadd.f32 v2, v4  }
0xcd: {  	v1 =	vld [tilespmem:s13+$0x1AAA0];
	v3 =	vmax.f32 v3, $0.0e+00  }
0xce: {  	v2 =	vld [tilespmem:s13+$0x1AAB0];
	[tilespmem:s10+$0x18AA0] =	vst v3;
	v4 =	vmax.f32 v4, $0.0e+00  }
0xcf: {  	s12 =	sadd.s32 $0x80, s12;
	v3 =	vld [tilespmem:s13+$0x18AA0];
	[tilespmem:s10+$0x18AB0] =	vst v4;
	s10 =	smov.u32 s13  }
0xd0: {  	v4 =	vld [tilespmem:s10+$0x18AB0];
	_ =	sdelay $0x3  }
0xd1: {  	v1 =	vadd.f32 v1, v3  }
0xd2: {  	v2 =	vadd.f32 v2, v4  }
0xd3: {  	v1 =	vmax.f32 v1, $0.0e+00  }
0xd4: {  	[tilespmem:s10+$0x18AA0] =	vst v1;
	v1 =	vmax.f32 v2, $0.0e+00  }
0xd5: {  	[tilespmem:s10+$0x18AB0] =	vst v1  }
0xd6: {  	[spmem:s2] =	stream.indirect.scatter.add.f32 [tilespmem:s28], [sflag:$0x9], $0x20, s25, s26, $0xb8;
	[tilespmem:$0x1DAA0] =	vst v63  }
.LBB2_18:
0xd7: {  	s10 =	sadd.s32 $0x5, s20  }
0xd8: {  	p1 =	sge.u32 s10, s9  }
0xd9: {  	s10 =	sadd.s32 @!p1 s8, s10  }
0xda: {  	s10 =	sshll.u32 @!p1 s10, $0x4  }
0xdb: {  	s10 =	sand.u32 @!p1 $0x1FFFFFF0, s10  }
0xdc: {  	s13 =	simm.s32 @!p1 $0x0;
	s19 =	simm.s32 @!p1 $0x18720;
	s12 =	sadd.s32 @!p1 s5, s10  }
0xdd: {  	[tilespmem:s19], [sflag:$0x2] =	stream.linear.gather @!p1 [hbm4b:s12+s13], $0x80, $0x38;
	[tilespmem:$0x1DAA0] =	vst v63  }
0xde: {  	s10 =	sadd.s32 @!p1 s6, s10;
	s12 =	simm.s32 @!p1 $0x18920  }
0xdf: {  	[tilespmem:s12], [sflag:$0x2] =	stream.linear.gather @!p1 [hbm4b:s10+s13], $0x80, $0x38;
	[tilespmem:$0x1DAA0] =	vst v63  }
0xe0: {  	s10 =	simm.s32 @!p3 $0x9  }
0xe1: {  	_ =	swait.ge @!p3 [sflag:s10], $0x1000  }
0xe2: {  	[sflag:s10] =	ssyncset.done @!p3 $0x0  }
0xe3: {  	[sflag:s10] =	ssyncadd.s32 @!p3 $0xFFFFF000;
	s10 =	simm.s32 @!p3 $0x1  }
0xe4: {  	_ =	swait.ge @!p3 [sflag:s10], $0x80  }
0xe5: {  	[sflag:s10] =	ssyncset.done @!p3 $0x0  }
0xe6: {  	[sflag:s10] =	ssyncadd.s32 @!p3 $0xFFFFFF80  }
0xe7: {  	s12 =	sshll.u32 @!p3 s17, $0x9;
	_ =	swait.ge @!p3 [sflag:s10], $0x80  }
.Ltmp10:
0xe8: {  	s12 =	sand.u32 @!p3 $0x1FFFFE00, s12;
	[sflag:s10] =	ssyncset.done @!p3 $0x0;
	(pc) =	sbr.rel @p2 .LBB2_22-.Ltmp10, $4  }
0xe9: {  	[sflag:s10] =	ssyncadd.s32 @!p3 $0xFFFFFF80;
	s10 =	sadd.s32 @!p3 s7, s12;
	s12 =	simm.s32 @!p3 $0x1AAA0  }
0xea: {  	[tilespmem:s12], [sflag:$0x5] =	stream.linear.gather @!p3 [hbm4b:s10+s16], $0x1000, $0x38;
	[tilespmem:$0x1DAA0] =	vst v63  }
0xeb: {  	s10 =	simm.s32 @!p3 $0x80;
	s12 =	simm.s32 @!p3 $0x18AA0  }
0xec: {  	[tilespmem:s12], [sflag:$0x7] =	stream.indirect.gather @!p3 [hbm4b:s1+s10], $0x20, s15, s10, $0xb8;
	[tilespmem:$0x1DAA0] =	vst v63  }
0xed: {  	_ =	swait.ge [sflag:s31], $0x1000  }
0xee: {  	[sflag:s31] =	ssyncset.done $0x0  }
0xef: {  	[sflag:s31] =	ssyncadd.s32 $0xFFFFF000  }
0xf0: {  	_ =	swait.ge [sflag:s0], $0x1000  }
0xf1: {  	[sflag:s0] =	ssyncset.done $0x0  }
0xf2: {  	s10 =	simm.s32 $0x0;
	[sflag:s0] =	ssyncadd.s32 $0xFFFFF000  }
0xf3: {  	v1 =	vld [tilespmem:s10+$0x1BAA0]  }
0xf4: {  	v2 =	vld [tilespmem:s10+$0x1BAB0]  }
0xf5: {  	s12 =	simm.s32 $0x80;
	v3 =	vld [tilespmem:s10+$0x19AA0]  }
.LBB2_20:
0xf6: {  	p1 =	sne.s32 s12, $0x3F80;
	v4 =	vld [tilespmem:s10+$0x19AB0];
	_ =	sdelay $0x3  }
.Ltmp11:
0xf7: {  	v3 =	vadd.f32 v1, v3;
	(pc) =	sbr.rel @p1 .LBB2_20-.Ltmp11, $4  }
0xf8: {  	s13 =	sshra.s32 s12, $0x2;
	v4 =	vadd.f32 v2, v4  }
0xf9: {  	v1 =	vld [tilespmem:s13+$0x1BAA0];
	v3 =	vmax.f32 v3, $0.0e+00  }
0xfa: {  	v2 =	vld [tilespmem:s13+$0x1BAB0];
	[tilespmem:s10+$0x19AA0] =	vst v3;
	v4 =	vmax.f32 v4, $0.0e+00  }
0xfb: {  	s12 =	sadd.s32 $0x80, s12;
	v3 =	vld [tilespmem:s13+$0x19AA0];
	[tilespmem:s10+$0x19AB0] =	vst v4;
	s10 =	smov.u32 s13  }
0xfc: {  	v4 =	vld [tilespmem:s10+$0x19AB0];
	_ =	sdelay $0x3  }
0xfd: {  	v1 =	vadd.f32 v1, v3  }
.Ltmp12:
0xfe: {  	v2 =	vadd.f32 v2, v4;
	(pc) =	sbr.rel .LBB2_22-.Ltmp12, $4  }
0xff: {  	v1 =	vmax.f32 v1, $0.0e+00  }
0x100: {  	[tilespmem:s10+$0x19AA0] =	vst v1;
	v1 =	vmax.f32 v2, $0.0e+00  }
0x101: {  	[tilespmem:s10+$0x19AB0] =	vst v1  }
0x102: {  	[spmem:s2] =	stream.indirect.scatter.add.f32 [tilespmem:s22], [sflag:$0xA], $0x20, s11, s26, $0xb8;
	[tilespmem:$0x1DAA0] =	vst v63  }
.LBB2_23:
0x103: {  	s10 =	simm.s32 $0x9  }
0x104: {  	_ =	swait.ge [sflag:s10], $0x1000  }
0x105: {  	[sflag:s10] =	ssyncset.done $0x0  }
0x106: {  	s12 =	simm.s32 $0xA;
	[sflag:s10] =	ssyncadd.s32 $0xFFFFF000  }
0x107: {  	_ =	swait.ge [sflag:s12], $0x1000  }
0x108: {  	s24 =	sadd.s32 $0x0, s4;
	[sflag:s12] =	ssyncset.done $0x0  }
0x109: {  	p1 =	sgt.u32 s24, $0x185;
	[sflag:s12] =	ssyncadd.s32 $0xFFFFF000  }
0x10a: {  	s14 =	simm.s32 @!p1 $0xB;
	s10 =	sshll.u32 @!p1 s4, $0x6;
	[bflag:$0x0] =	sbarrier.arrive $0xFFFF  }
0x10b: {  	s10 =	sor.u32 @!p1 $0x1C0B, s10;
	s12 =	sshrl.u32 @!p1 s18, $0x3;
	s13 =	rddreg [dreg:$0xc]  }
0x10c: {  	[hbm:s13], [sflag:s10] =	dma.local @!p1 [spmem:s12], $0x200  }
0x10d: {  	s15 =	sadd.s32 $0x10, s4;
	s12 =	simm.s32 $0x20;
	_ =	swait.ge @!p1 [sflag:s14], $0x200  }
0x10e: {  	s10 =	sadd.s32 $0x2000, s13;
	s13 =	sadd.s32 $0x10000, s18;
	[sflag:s14] =	ssyncset.done @!p1 $0x0  }
.LBB2_24:
0x10f: {  	[sflag:s14] =	ssyncadd.s32 @!p1 $0xFFFFFE00  }
0x110: {  	p1 =	sgt.u32 s15, $0x185;
	s15 =	smov.u32 s12;
	s12 =	sadd.s32 $0x10, s12  }
0x111: {  	p2 =	sne.s32 s12, $0x190  }
.Ltmp13:
0x112: {  	s14 =	sshll.u32 @!p1 s4, $0x6;
	s16 =	sshrl.u32 @!p1 s13, $0x3;
	(pc) =	sbr.rel @p2 .LBB2_24-.Ltmp13, $4  }
0x113: {  	s17 =	sor.u32 @!p1 $0x1C0B, s14;
	s14 =	simm.s32 @!p1 $0xB  }
0x114: {  	[hbm:s10], [sflag:s17] =	dma.local @!p1 [spmem:s16], $0x200  }
0x115: {  	s10 =	sadd.s32 $0x2000, s10;
	_ =	swait.ge @!p1 [sflag:s14], $0x200  }
0x116: {  	s15 =	sadd.s32 s15, s4;
	s13 =	sadd.s32 $0x10000, s13;
	[sflag:s14] =	ssyncset.done @!p1 $0x0  }
0x117: {  	p2 =	sgt.u32 s15, $0x185  }
0x118: {  	[sflag:s14] =	ssyncadd.s32 @!p1 $0xFFFFFE00;
	s12 =	sshll.u32 @!p2 s4, $0x6  }
0x119: {  	s13 =	sshrl.u32 @!p2 s13, $0x3;
	s14 =	simm.s32 @!p2 $0xB;
	s12 =	sor.u32 @!p2 $0x1C0B, s12  }
0x11a: {  	[hbm:s10], [sflag:s12] =	dma.local @!p2 [spmem:s13], $0x200  }
0x11b: {  	_ =	swait.ge @!p2 [sflag:s14], $0x200  }
0x11c: {  	s12 =	simm.s32 @!p0 $0x1C0B;
	[sflag:s14] =	ssyncset.done @!p2 $0x0;
	s16 =	rddreg [dreg:$0x4]  }
0x11d: {  	s13 =	rddreg [dreg:$0xa];
	[sflag:s14] =	ssyncadd.s32 @!p2 $0xFFFFFE00;
	s10 =	sshrl.u32 @!p0 s16, $0x3  }
0x11e: {  	[hbm:s13], [sflag:s12] =	dma.local @!p0 [spmem:s10], $0x140  }
0x11f: {  	s10 =	simm.s32 @!p0 $0xB  }
0x120: {  	_ =	swait.ge @!p0 [sflag:s10], $0x140  }
0x121: {  	s3 =	sadd.s32 $0x1, s3;
	s24 =	rddreg [dreg:$0xb]  }
0x122: {  	p1 =	sne.s32 s3, s24  }
.Ltmp14:
0x123: {  	_ = 	snop;
	(pc) =	sbr.rel @p1 .LBB2_1-.Ltmp14, $3  }
0x124: {  	_ =	sdelay $0x1  }
0x125: {  	[sflag:s10] =	ssyncset.done @!p0 $0x0  }
0x126: {  	[sflag:s10] =	ssyncadd.s32 @!p0 $0xFFFFFEC0  }
0x127: {  	_ =	sfence.sel $0x180000  }
0x128: {  	[bflag:$0x0] =	sbarrier.arrive $0xFFFF  }
0x129: {  	_ =	strace $0x9000004A  }
0x12a: {  	[bflag:$0x2] =	sbarrier.arrive $0xFFFF  }
0x12b: {  	s0 =	rddreg [dreg:$0x3]  }
0x12c: {  	s0 =	sadd.s32 @!p0 $0x100000, s0  }
0x12d: {  	[sflag:s0] =	ssyncadd.tile.s32 @!p0 $0x1;
	_ =	shalt  }
.Lfunc_end2:
_tile_overlayer_lowered:
.L_overlay_start_2:
0x12e: {  	(tag) =	ssettag $0x2  }
0x12f: {  	s0 =	rddreg [dreg:$0x0];
	s2 =	stileid.u32  }
0x130: {  	s1 =	rddreg [dreg:$0x1];
	p0 =	sne.s32 s2, $0x0  }
0x131: {  	s3 =	rddreg [dreg:$0x2];
	[bflag:$0x3] =	sbarrier.arrive $0xFFFF;
	s2 =	simm.s32 @!p0 $0x1C0B  }
0x132: {  	[timem:s3], [sflag:s2] =	dma.local @!p0 [hbm:s0], s1  }
0x133: {  	s0 =	simm.s32 @!p0 $0xB  }
0x134: {  	_ =	swait.ge @!p0 [sflag:s0], s1  }
0x135: {  	s1 =	ssub.s32 @!p0 $0x0, s1;
	[sflag:s0] =	ssyncset.done @!p0 $0x0  }
0x136: {  	[sflag:s0] =	ssyncadd.s32 @!p0 s1  }
0x137: {  	[bflag:$0x3] =	sbarrier.arrive $0xFFFF  }
0x138: {  	_ =	shalt  }

// kernel: kernel.19.cloned.1.call-start
scs
__scs_entry_jumppad:
0x0: {  	(pc) =	sbr.rel $0x88, $3  }
0x1: {  	(tag) =	ssettag $0x0;
	lr =	simm.s32 $0x1  }
0x2: {  	[smem:$0x3F86] =	sst lr;
	_ =	strace $0xD0000000  }
0x3: {  	_ = 	snop  }
0x4: {  	_ = 	snop  }
0x5: {  	_ = 	snop  }
0x6: {  	_ = 	snop  }
0x7: {  	_ = 	snop  }
__scs_overlays_trampoline_lowered:
0x8: {  	[smem:$0x3F95] =	sst s0  }
0x9: {  	[smem:$0x3F96] =	sst s1  }
0xa: {  	[smem:$0x3F97] =	sst s2  }
0xb: {  	[smem:$0x3F98] =	sst s3  }
0xc: {  	[smem:$0x3F99] =	sst s4  }
0xd: {  	[smem:$0x3F9A] =	sst s5  }
0xe: {  	[smem:$0x3F9B] =	sst s6  }
0xf: {  	[smem:$0x3F9C] =	sst s7  }
0x10: {  	[smem:$0x3F9D] =	sst s8  }
0x11: {  	[smem:$0x3F9E] =	sst s9;
	s0 =	simm.s32 @!p0 $0x0  }
0x12: {  	s1 =	sld [smem:$0x3F84];
	s0 =	simm.s32 @p0 $0x1  }
0x13: {  	[smem:$0x3F9F] =	sst s0;
	s0 =	simm.s32 @!p1 $0x0  }
0x14: {  	s2 =	sld [smem:$0x3F83];
	s0 =	simm.s32 @p1 $0x1  }
0x15: {  	[smem:$0x3FA0] =	sst s0;
	s0 =	simm.s32 @!p2 $0x0  }
0x16: {  	s3 =	sld [smem:$0x3FDB];
	s0 =	simm.s32 @p2 $0x1  }
0x17: {  	s4 =	simm.s32 $0x1BF5;
	[smem:$0x3FA2] =	sst s0  }
0x18: {  	s0 =	sld [smem:$0x3F85];
	_ =	swait.ge [sflag:s4], $0x0  }
0x19: {  	s7 =	sld [smem:$0x3F86]  }
0x1a: {  	s8 =	sadd.s32 $0xFFFFE003, lr  }
0x1b: {  	s9 =	sadd.s32 $0xFFFFFEF7, lr;
	s5 =	simm.s32 $0xFFFFFFFF;
	p2 =	slt.u32 s8, $0xFFFFF086  }
0x1c: {  	p1 =	slt.u32 s9, $0xF7A;
	s5 =	simm.s32 @!p2 $0x0  }
0x1d: {  	s5 =	simm.s32 @p1 $0x1;
	p0 =	seq.s32 s7, s2  }
0x1e: {  	s7 =	smul.u32 @!p0 $0xF7A, s2;
	p2 =	seq.s32 @!p0 s5, $0x0  }
0x1f: {  	s9 =	smul.u32 $0xF7A, s1;
	s8 =	simm.s32 @!p0 $0x1BF5;
	p2 =	por !p2, p0  }
0x20: {  	[sflag:s8] =	ssyncset.s32 @!p0 $0xFFFFF086;
	s6 =	sadd.s32 @!p0 s3, s7;
	s7 =	simm.s32 @!p0 $0x108  }
0x21: {  	s3 =	sadd.s32 s3, s9;
	s6 =	sadd.s32 @!p0 $0x88, s6;
	s7 =	simm.s32 @p2 $0x1082  }
0x22: {  	[simem:s7], [sflag:s8] =	dma.local @!p0 [hbm:s6], $0xF7A  }
0x23: {  	s9 =	sor.u32 $0xD0000000, s2;
	s6 =	simm.s32 $0x108;
	_ =	swait.ge @!p0 [sflag:s8], $0x0  }
0x24: {  	s3 =	sadd.s32 $0x88, s3;
	s6 =	simm.s32 @!p1 $0x1082;
	[sflag:s4] =	ssyncset.s32 $0xFFFFF086  }
0x25: {  	[simem:s6], [sflag:s4] =	dma.local [hbm:s3], $0xF7A  }
0x26: {  	[smem:$0x3F86] =	sst s1;
	(tag) =	ssettag s2;
	_ =	strace s9  }
0x27: {  	s1 =	sld [smem:$0x3F96]  }
0x28: {  	s2 =	sld [smem:$0x3F97]  }
0x29: {  	s4 =	sld [smem:$0x3F99]  }
0x2a: {  	p0 =	seq.s32 s5, $0x0;
	s5 =	sld [smem:$0x3F9A]  }
0x2b: {  	s6 =	sld [smem:$0x3F9B]  }
0x2c: {  	s7 =	sld [smem:$0x3F9C]  }
0x2d: {  	s3 =	simm.s32 $0x108;
	s8 =	sld [smem:$0x3F9D]  }
0x2e: {  	s3 =	simm.s32 @!p0 $0x1082;
	s9 =	sld [smem:$0x3F9E]  }
0x2f: {  	lr =	sadd.s32 s0, s3;
	s0 =	sld [smem:$0x3F95]  }
0x30: {  	s3 =	sld [smem:$0x3F98]  }
0x31: {  	[smem:$0x3FA1] =	sst s10  }
0x32: {  	s10 =	sld [smem:$0x3F9F];
	_ =	sdelay $0x3  }
0x33: {  	p0 =	seq.s32 s10, $0x1;
	s10 =	sld [smem:$0x3FA1];
	_ =	sdelay $0x3  }
0x34: {  	[smem:$0x3FA1] =	sst s10  }
0x35: {  	s10 =	sld [smem:$0x3FA0];
	_ =	sdelay $0x3  }
0x36: {  	p1 =	seq.s32 s10, $0x1;
	s10 =	sld [smem:$0x3FA1];
	_ =	sdelay $0x3  }
0x37: {  	[smem:$0x3FA1] =	sst s10  }
0x38: {  	s10 =	sld [smem:$0x3FA2]  }
0x39: {  	_ = 	snop;
	(pc) =	sbr.ind lr, $3  }
0x3a: {  	_ = 	snop  }
0x3b: {  	_ = 	snop  }
0x3c: {  	p2 =	seq.s32 s10, $0x1;
	s10 =	sld [smem:$0x3FA1]  }
0x3d: {  	_ =	shalt  }
0x3e: {  	_ =	shalt  }
0x3f: {  	_ =	shalt  }
0x40: {  	_ =	shalt  }
0x41: {  	_ =	shalt  }
0x42: {  	_ =	shalt  }
0x43: {  	_ =	shalt  }
0x44: {  	_ =	shalt  }
0x45: {  	_ =	shalt  }
0x46: {  	_ =	shalt  }
0x47: {  	_ =	shalt  }
0x48: {  	_ =	shalt  }
0x49: {  	_ =	shalt  }
0x4a: {  	_ =	shalt  }
0x4b: {  	_ =	shalt  }
0x4c: {  	_ =	shalt  }
0x4d: {  	_ =	shalt  }
0x4e: {  	_ =	shalt  }
0x4f: {  	_ =	shalt  }
0x50: {  	_ =	shalt  }
0x51: {  	_ =	shalt  }
0x52: {  	_ =	shalt  }
0x53: {  	_ =	shalt  }
0x54: {  	_ =	shalt  }
0x55: {  	_ =	shalt  }
0x56: {  	_ =	shalt  }
0x57: {  	_ =	shalt  }
0x58: {  	_ =	shalt  }
0x59: {  	_ =	shalt  }
0x5a: {  	_ =	shalt  }
0x5b: {  	_ =	shalt  }
0x5c: {  	_ =	shalt  }
0x5d: {  	_ =	shalt  }
0x5e: {  	_ =	shalt  }
0x5f: {  	_ =	shalt  }
0x60: {  	_ =	shalt  }
0x61: {  	_ =	shalt  }
0x62: {  	_ =	shalt  }
0x63: {  	_ =	shalt  }
0x64: {  	_ =	shalt  }
0x65: {  	_ =	shalt  }
0x66: {  	_ =	shalt  }
0x67: {  	_ =	shalt  }
0x68: {  	_ =	shalt  }
0x69: {  	_ =	shalt  }
0x6a: {  	_ =	shalt  }
0x6b: {  	_ =	shalt  }
0x6c: {  	_ =	shalt  }
0x6d: {  	_ =	shalt  }
0x6e: {  	_ =	shalt  }
0x6f: {  	_ =	shalt  }
0x70: {  	_ =	shalt  }
0x71: {  	_ =	shalt  }
0x72: {  	_ =	shalt  }
0x73: {  	_ =	shalt  }
0x74: {  	_ =	shalt  }
0x75: {  	_ =	shalt  }
0x76: {  	_ =	shalt  }
0x77: {  	_ =	shalt  }
0x78: {  	_ =	shalt  }
0x79: {  	_ =	shalt  }
0x7a: {  	_ =	shalt  }
0x7b: {  	_ =	shalt  }
0x7c: {  	_ =	shalt  }
0x7d: {  	_ =	shalt  }
0x7e: {  	_ =	shalt  }
0x7f: {  	_ =	shalt  }
0x80: {  	_ =	shalt  }
0x81: {  	_ =	shalt  }
0x82: {  	_ =	shalt  }
0x83: {  	_ =	shalt  }
0x84: {  	_ =	shalt  }
0x85: {  	_ =	shalt  }
0x86: {  	_ =	shalt  }
0x87: {  	_ =	shalt  }
.Lfunc_end0:
.L_simem_size_0:
called_computation.2_lowered:
.L_overlay_start_0:
0x88: {  	s2 =	sld [smem:$0x3FD9]  }
0x89: {  	s3 =	sld [smem:$0x3FFE];
	_ =	sdelay $0x1  }
0x8a: {  	s1 =	srdreg.scid  }
0x8b: {  	s0 =	sand.u32 $0x1, s1  }
0x8c: {  	s14 =	sshll.u32 s0, $0xA;
	s2 =	sadd.s32 s3, s2  }
0x8d: {  	s2 =	sadd.s32 s2, s14  }
0x8e: {  	[smem:$0x3FAD] =	sst s2  }
0x8f: {  	_ = 	snop  }
0x90: {  	s2 =	sld [smem:$0x3FD0];
	_ =	sdelay $0x3  }
0x91: {  	s15 =	simm.s32 $0xA;
	s4 =	simm.s32 $0x10;
	s2 =	sadd.s32 $0x1, s2  }
0x92: {  	[smem:s4], [sflag:s15] =	dma.local [hbm:s2], $0x1  }
0x93: {  	_ =	swait.eq [sflag:s15], $0x1  }
0x94: {  	[sflag:s15] =	ssyncset.done $0x0  }
0x95: {  	[sflag:s15] =	ssyncadd.s32 $0xFFFFFFFF  }
0x96: {  	s16 =	sld [smem:$0x10];
	(tm) =	ssettm $0x1  }
0x97: {  	s17 =	sld [smem:$0x3FFB];
	_ =	sdelay $0x3  }
0x98: {  	_ =	strace s17  }
0x99: {  	s3 =	sld [smem:$0x3FFC];
	_ =	sdelay $0x3  }
0x9a: {  	_ =	strace s3  }
0x9b: {  	s3 =	sld [smem:$0x3FFD];
	_ =	sdelay $0x3  }
0x9c: {  	_ =	strace s3  }
0x9d: {  	_ =	strace $0x8FFFFFFF  }
0x9e: {  	s18 =	sld [smem:$0x3FDB];
	_ =	sdelay $0x1  }
0x9f: {  	s19 =	simm.s32 $_scs_section_size  }
0xa0: {  	s5 =	simm.s32 $_size__tile_overlayer_lowered;
	s6 =	simm.s32 $_tile_overlayer_lowered  }
0xa1: {  	s22 =	simm.s32 $0x1BFF;
	s21 =	sshll.u32 s6, $0x1;
	s3 =	sadd.s32 s19, s18  }
0xa2: {  	s7 =	simm.s32 $0x0;
	s20 =	sshll.u32 s5, $0x1;
	s5 =	sadd.s32 s21, s3  }
0xa3: {  	[timem:s7], [sflag:s22] =	dma.local [hbm:s5], s20  }
0xa4: {  	_ =	swait.ge [sflag:s22], s20  }
0xa5: {  	s4 =	ssub.s32 $0x0, s20;
	[sflag:s22] =	ssyncset.done $0x0  }
0xa6: {  	[sflag:s22] =	ssyncadd.s32 s4;
	_ =	sdelay $0x1  }
0xa7: {  	s23 =	simm.s32 $0x1B8B  }
0xa8: {  	_ =	swait.ge [sflag:s23], $0x1  }
0xa9: {  	[sflag:s23] =	ssyncset.done $0x0  }
0xaa: {  	s25 =	simm.s32 $0x1B8E;
	s24 =	sld [smem:$0x3FFE];
	[sflag:s23] =	ssyncadd.s32 $0xFFFFFFFF  }
0xab: {  	s26 =	simm.s32 $execute0_lowered;
	[smem:$0x3FD2] =	sst s25  }
0xac: {  	s5 =	sshll.u32 s26, $0x1;
	_ =	strace $0x8000004C;
	[dreg:$0x1] =	wrdreg $0xFFFFFFFF  }
0xad: {  	s28 =	simm.s32 $_size_execute0_lowered;
	s3 =	sadd.s32 s3, s5;
	[dreg:$0x0] =	wrdreg $0x0  }
0xae: {  	s5 =	sshll.u32 s28, $0x1;
	[dreg:$0x2] =	wrdreg s3  }
0xaf: {  	[dreg:$0x3] =	wrdreg s5  }
0xb0: {  	[dreg:$0x4] =	wrdreg $0xC0  }
0xb1: {  	_ =	task [dreg:s7], $0x5FFFF  }
0xb2: {  	[dreg:$0x1] =	wrdreg $0xFFFFFFFF  }
0xb3: {  	[dreg:$0x0] =	wrdreg $0x60  }
0xb4: {  	[dreg:$0x2] =	wrdreg s16  }
0xb5: {  	[dreg:$0x3] =	wrdreg s24  }
0xb6: {  	[dreg:$0x4] =	wrdreg $0x0  }
0xb7: {  	[dreg:$0x5] =	wrdreg $0x9  }
0xb8: {  	_ =	task.clear_ibuf [dreg:s7], $0x6FFFF;
	_ =	strace $0x9000004C  }
0xb9: {  	s29 =	simm.s32 $0x9;
	_ =	strace $0x8000004E  }
0xba: {  	_ =	swait.ge [sflag:s29], $0x1  }
0xbb: {  	[sflag:s29] =	ssyncadd.s32 $0xFFFFFFFF  }
0xbc: {  	_ =	strace $0x9000004E  }
0xbd: {  	_ =	sfence  }
0xbe: {  	s30 =	sld [smem:$0x0];
	_ =	sdelay $0x2  }
0xbf: {  	s31 =	sshll.u32 s1, $0xD;
	s1 =	sshrl.u32 s1, $0x2  }
0xc0: {  	s3 =	sand.u32 $0x4000, s31;
	s1 =	sadd.s32 s1, s30  }
0xc1: {  	s0 =	sor.u32 s3, s0;
	s1 =	sshll.u32 s1, $0x11  }
0xc2: {  	s0 =	sor.u32 s1, s0  }
0xc3: {  	s0 =	sadd.s32 $0x8F2B, s0  }
0xc4: {  	[sflag:s0] =	ssyncadd.remote.s32 $0x1  }
0xc5: {  	_ =	sfence.sel $0xFFFF  }
0xc6: {  	[dreg:$0x0] =	wrdreg $0xFFFFFFFF;
	(pc) =	sbr.abs _section_cstart, $3  }
0xc7: {  	[dreg:$0x1] =	wrdreg $0xFFFFFFFF  }
0xc8: {  	_ =	task.clear_ibuf [dreg:s7], $0x2FFFF;
	_ =	strace $0x9FFFFFFF  }
0xc9: {  	(tm) =	ssettm $0x7FFFFFFF  }
tec
execute0_lowered:
.L_overlay_start_1:
0x0: {  	(tag) =	ssettag $0x1  }
0x1: {  	s1 =	rddreg [dreg:$0x0]  }
0x2: {  	s0 =	rddreg [dreg:$0x1]  }
0x3: {  	s2 =	rddreg [dreg:$0x2];
	s3 =	simm.s32 $0x0  }
0x4: {  	s4 =	srdreg.scid;
	s28 =	simm.s32 $0x18AA0;
	s29 =	simm.s32 $0x5  }
0x5: {  	s30 =	simm.s32 $0x7;
	s31 =	simm.s32 $0x6;
	[smem:$0x7FF] =	sst s3  }
0x6: {  	s10 =	sand.u32 $0x1, s4;
	s4 =	stileid.u32;
	s5 =	sadd.s32 $0x21A00, s0  }
0x7: {  	s6 =	sadd.s32 $0x9200, s0;
	s16 =	sadd.s32 $0x186000, s2;
	_ =	strace $0x8000004D  }
0x8: {  	s7 =	sshll.u32 s10, $0x4;
	s11 =	ssub.s32 $0x2, s10;
	s10 =	smul.u32 $0x186A00, s10  }
0x9: {  	s25 =	sshll.u32 s4, $0xC;
	[dreg:$0x4] =	wrdreg s16;
	s9 =	sor.u32 s4, s7  }
0xa: {  	s7 =	sadd.s32 $0x9C600, s0;
	s0 =	sadd.s32 $0x3A200, s0;
	s12 =	sshrl.u32 s11, $0x1  }
0xb: {  	s18 =	sadd.s32 s25, s2;
	s8 =	smul.u32 $0xC3, s9;
	s13 =	smin.u32 s9, $0xA  }
0xc: {  	p0 =	slt.u32 s9, $0xA;
	s9 =	simm.s32 $0xC4;
	s11 =	ssub.s32 s11, s12  }
0xd: {  	s24 =	sshrl.u32 s10, $0x3;
	s10 =	sadd.s32 s25, s10;
	s25 =	simm.s32 $0x189A0  }
0xe: {  	s9 =	simm.s32 @!p0 $0xC3;
	s10 =	sshrl.u32 s10, $0x3;
	s8 =	sadd.s32 s13, s8  }
0xf: {  	s11 =	smax.u32 s11, $0x1;
	p0 =	sne.s32 s4, $0x0;
	s20 =	sshll.u32 s8, $0x4  }
0x10: {  	[dreg:$0xb] =	wrdreg s11;
	s11 =	simm.s32 $0x18A20;
	s14 =	sadd.s32 s5, s20  }
0x11: {  	s21 =	sadd.s32 $0x10, s20;
	s12 =	sadd.s32 s6, s20;
	[dreg:$0x5] =	wrdreg s14  }
0x12: {  	s26 =	sshll.u32 s8, $0x9;
	[dreg:$0x6] =	wrdreg s12;
	s22 =	sadd.s32 s5, s21  }
0x13: {  	s23 =	sadd.s32 s6, s21;
	s12 =	sadd.s32 s0, s24;
	[dreg:$0x7] =	wrdreg s22  }
0x14: {  	s14 =	sadd.s32 s7, s26;
	s0 =	sadd.s32 s10, s0;
	[dreg:$0x8] =	wrdreg s23  }
0x15: {  	s21 =	simm.s32 $0x188A0;
	s26 =	simm.s32 $0x80;
	[dreg:$0x9] =	wrdreg s14  }
0x16: {  	s12 =	sadd.s32 $0x30C00, s12;
	[dreg:$0xc] =	wrdreg s0;
	s23 =	simm.s32 $0x18920  }
0x17: {  	v0 =	vimm.f32 $0.0e+00;
	s0 =	simm.s32 $0x8;
	s22 =	simm.s32 $0x19AA0;
	[dreg:$0xa] =	wrdreg s12  }
.LBB2_1:
0x18: {  	s10 =	simm.s32 $0x0  }
.LBB2_2:
0x19: {  	p1 =	sne.s32 s10, $0x3F80  }
.Ltmp0:
0x1a: {  	_ = 	snop;
	(pc) =	sbr.rel @p1 .LBB2_2-.Ltmp0, $4  }
0x1b: {  	_ = 	snop  }
0x1c: {  	s12 =	sshra.s32 s10, $0x2  }
0x1d: {  	[tilespmem:s12+$0x1CAA0] =	vst v0  }
0x1e: {  	s10 =	sadd.s32 $0x80, s10;
	[tilespmem:s12+$0x1CAB0] =	vst v0  }
0x1f: {  	s10 =	sadd.s32 $0x0, s4  }
0x20: {  	p1 =	sgt.u32 s10, $0x185  }
0x21: {  	s10 =	simm.s32 @!p1 $0x1CAA0;
	s14 =	simm.s32 @!p1 $0xB  }
0x22: {  	[spmem:s18] =	stream.linear.scatter @!p1 [tilespmem:s10], [sflag:$0xB], $0x1000, $0x38;
	[tilespmem:$0x1DAA0] =	vst v63  }
0x23: {  	s12 =	simm.s32 $0x10;
	_ =	swait.ge @!p1 [sflag:s14], $0x1000  }
0x24: {  	s13 =	simm.s32 $0x20;
	s10 =	sadd.s32 $0x10000, s18;
	[sflag:s14] =	ssyncset.done @!p1 $0x0  }
.LBB2_4:
0x25: {  	s15 =	sadd.s32 s12, s4;
	s12 =	smov.u32 s13;
	s13 =	sadd.s32 $0x10, s13  }
0x26: {  	[sflag:s14] =	ssyncadd.s32 @!p1 $0xFFFFF000;
	p2 =	sne.s32 s13, $0x190  }
.Ltmp1:
0x27: {  	p1 =	sgt.u32 s15, $0x185;
	(pc) =	sbr.rel @p2 .LBB2_4-.Ltmp1, $4  }
0x28: {  	s15 =	simm.s32 @!p1 $0x1CAA0;
	s14 =	simm.s32 @!p1 $0xB  }
0x29: {  	[spmem:s10] =	stream.linear.scatter @!p1 [tilespmem:s15], [sflag:$0xB], $0x1000, $0x38;
	[tilespmem:$0x1DAA0] =	vst v63  }
0x2a: {  	_ =	swait.ge @!p1 [sflag:s14], $0x1000  }
0x2b: {  	s10 =	sadd.s32 $0x10000, s10;
	[sflag:s14] =	ssyncset.done @!p1 $0x0  }
0x2c: {  	s12 =	sadd.s32 s12, s4  }
0x2d: {  	p2 =	sgt.u32 s12, $0x185  }
0x2e: {  	[sflag:s14] =	ssyncadd.s32 @!p1 $0xFFFFF000;
	s12 =	simm.s32 @!p2 $0x1CAA0;
	s13 =	simm.s32 @!p2 $0xB  }
0x2f: {  	[spmem:s10] =	stream.linear.scatter @!p2 [tilespmem:s12], [sflag:$0xB], $0x1000, $0x38;
	[tilespmem:$0x1DAA0] =	vst v63  }
0x30: {  	_ =	swait.ge @!p2 [sflag:s13], $0x1000  }
0x31: {  	[sflag:s13] =	ssyncset.done @!p2 $0x0  }
0x32: {  	s10 =	simm.s32 @!p0 $0x1CAA0;
	[sflag:s13] =	ssyncadd.s32 @!p2 $0xFFFFF000  }
0x33: {  	[spmem:s16] =	stream.linear.scatter @!p0 [tilespmem:s10], [sflag:$0xB], $0xA00, $0x38;
	[tilespmem:$0x1DAA0] =	vst v63  }
0x34: {  	s10 =	simm.s32 @!p0 $0xB  }
0x35: {  	_ =	swait.ge @!p0 [sflag:s10], $0xA00  }
0x36: {  	[sflag:s10] =	ssyncset.done @!p0 $0x0  }
0x37: {  	[sflag:s10] =	ssyncadd.s32 @!p0 $0xFFFFF600  }
0x38: {  	[bflag:$0x0] =	sbarrier.arrive $0xFFFF  }
0x39: {  	s14 =	simm.s32 $0x0;
	s12 =	simm.s32 $0x186A0;
	s24 =	rddreg [dreg:$0x5]  }
0x3a: {  	[tilespmem:s12], [sflag:$0x1] =	stream.linear.gather [hbm4b:s24+s14], $0x80, $0x38;
	[tilespmem:$0x1DAA0] =	vst v63  }
0x3b: {  	s13 =	rddreg [dreg:$0x6]  }
0x3c: {  	[tilespmem:s21], [sflag:$0x1] =	stream.linear.gather [hbm4b:s13+s14], $0x80, $0x38;
	[tilespmem:$0x1DAA0] =	vst v63  }
0x3d: {  	s16 =	simm.s32 $0x18720;
	s15 =	rddreg [dreg:$0x7]  }
0x3e: {  	[tilespmem:s16], [sflag:$0x2] =	stream.linear.gather [hbm4b:s15+s14], $0x80, $0x38;
	[tilespmem:$0x1DAA0] =	vst v63  }
0x3f: {  	s19 =	simm.s32 $0x1;
	s17 =	rddreg [dreg:$0x8]  }
0x40: {  	[tilespmem:s23], [sflag:$0x2] =	stream.linear.gather [hbm4b:s17+s14], $0x80, $0x38;
	[tilespmem:$0x1DAA0] =	vst v63  }
0x41: {  	_ =	swait.ge [sflag:s19], $0x80  }
0x42: {  	[sflag:s19] =	ssyncset.done $0x0  }
0x43: {  	[sflag:s19] =	ssyncadd.s32 $0xFFFFFF80  }
0x44: {  	_ =	swait.ge [sflag:s19], $0x80  }
.Ltmp2:
0x45: {  	[sflag:s19] =	ssyncset.done $0x0;
	(pc) =	sbr.rel .LBB2_6-.Ltmp2, $4  }
0x46: {  	s24 =	simm.s32 $0x1AAA0;
	s20 =	rddreg [dreg:$0x9];
	[sflag:s19] =	ssyncadd.s32 $0xFFFFFF80  }
0x47: {  	[tilespmem:s24], [sflag:$0x5] =	stream.linear.gather [hbm4b:s20+s14], $0x1000, $0x38;
	[tilespmem:$0x1DAA0] =	vst v63  }
0x48: {  	_ = 	snop  }
0x49: {  	[tilespmem:s28], [sflag:$0x7] =	stream.indirect.gather [hbm4b:s1+s26], $0x20, s12, s26, $0xb8;
	[tilespmem:$0x1DAA0] =	vst v63  }
.LBB2_22:
0x4a: {  	s14 =	sadd.s32 $0x1, s14  }
0x4b: {  	p1 =	sne.s32 s14, $0x31  }
.Ltmp3:
0x4c: {  	_ = 	snop;
	(pc) =	sbr.rel @!p1 .LBB2_23-.Ltmp3, $1  }
0x4d: {  	_ =	sdelay $0x3  }
.LBB2_6:
0x4e: {  	s20 =	sshll.u32 s14, $0x2  }
0x4f: {  	s10 =	sor.u32 $0x2, s20  }
0x50: {  	p1 =	sge.u32 s10, s9  }
0x51: {  	s17 =	sadd.s32 @!p1 s8, s10  }
0x52: {  	s10 =	sshll.u32 @!p1 s17, $0x4  }
0x53: {  	s10 =	sand.u32 @!p1 $0x1FFFFFF0, s10  }
0x54: {  	s16 =	simm.s32 @!p1 $0x0;
	s15 =	simm.s32 @!p1 $0x187A0;
	s12 =	sadd.s32 @!p1 s5, s10  }
0x55: {  	[tilespmem:s15], [sflag:$0x3] =	stream.linear.gather @!p1 [hbm4b:s12+s16], $0x80, $0x38;
	[tilespmem:$0x1DAA0] =	vst v63  }
0x56: {  	s10 =	sadd.s32 @!p1 s6, s10;
	s12 =	simm.s32 @!p1 $0x189A0  }
0x57: {  	[tilespmem:s12], [sflag:$0x3] =	stream.linear.gather @!p1 [hbm4b:s10+s16], $0x80, $0x38;
	[tilespmem:$0x1DAA0] =	vst v63  }
0x58: {  	s10 =	sor.u32 $0x1, s20  }
0x59: {  	p3 =	sge.u32 s10, s9  }
0x5a: {  	p2 =	seq.s32 @!p3 s14, $0x0  }
0x5b: {  	p2 =	por p2, p3  }
0x5c: {  	s12 =	simm.s32 @!p2 $0xA  }
0x5d: {  	_ =	swait.ge @!p2 [sflag:s12], $0x1000  }
0x5e: {  	[sflag:s12] =	ssyncset.done @!p2 $0x0  }
0x5f: {  	[sflag:s12] =	ssyncadd.s32 @!p2 $0xFFFFF000;
	s12 =	simm.s32 @!p3 $0x2  }
0x60: {  	_ =	swait.ge @!p3 [sflag:s12], $0x80  }
0x61: {  	[sflag:s12] =	ssyncset.done @!p3 $0x0  }
0x62: {  	s10 =	sadd.s32 @!p3 s8, s10;
	s13 =	simm.s32 @!p3 $0x1BAA0;
	[sflag:s12] =	ssyncadd.s32 @!p3 $0xFFFFFF80  }
0x63: {  	s10 =	sshll.u32 @!p3 s10, $0x9;
	p2 =	sge.u32 s20, s9;
	_ =	swait.ge @!p3 [sflag:s12], $0x80  }
.Ltmp4:
0x64: {  	s10 =	sand.u32 @!p3 $0x1FFFFE00, s10;
	[sflag:s12] =	ssyncset.done @!p3 $0x0;
	(pc) =	sbr.rel @p2 .LBB2_10-.Ltmp4, $4  }
0x65: {  	s10 =	sadd.s32 @!p3 s7, s10;
	[sflag:s12] =	ssyncadd.s32 @!p3 $0xFFFFFF80;
	s12 =	simm.s32 @!p3 $0x0  }
0x66: {  	[tilespmem:s13], [sflag:$0x6] =	stream.linear.gather @!p3 [hbm4b:s10+s12], $0x1000, $0x38;
	[tilespmem:$0x1DAA0] =	vst v63  }
0x67: {  	s10 =	simm.s32 @!p3 $0x80;
	s12 =	simm.s32 @!p3 $0x18720;
	s13 =	simm.s32 @!p3 $0x19AA0  }
0x68: {  	[tilespmem:s13], [sflag:$0x8] =	stream.indirect.gather @!p3 [hbm4b:s1+s10], $0x20, s12, s10, $0xb8;
	[tilespmem:$0x1DAA0] =	vst v63  }
0x69: {  	_ =	swait.ge [sflag:s29], $0x1000  }
0x6a: {  	[sflag:s29] =	ssyncset.done $0x0  }
0x6b: {  	[sflag:s29] =	ssyncadd.s32 $0xFFFFF000  }
0x6c: {  	_ =	swait.ge [sflag:s30], $0x1000  }
0x6d: {  	[sflag:s30] =	ssyncset.done $0x0  }
0x6e: {  	s10 =	simm.s32 $0x0;
	[sflag:s30] =	ssyncadd.s32 $0xFFFFF000  }
0x6f: {  	v1 =	vld [tilespmem:s10+$0x1AAA0]  }
0x70: {  	v2 =	vld [tilespmem:s10+$0x1AAB0]  }
0x71: {  	s12 =	simm.s32 $0x80;
	v3 =	vld [tilespmem:s10+$0x18AA0]  }
.LBB2_8:
0x72: {  	p2 =	sne.s32 s12, $0x3F80;
	v4 =	vld [tilespmem:s10+$0x18AB0];
	_ =	sdelay $0x3  }
.Ltmp5:
0x73: {  	v3 =	vadd.f32 v1, v3;
	(pc) =	sbr.rel @p2 .LBB2_8-.Ltmp5, $4  }
0x74: {  	s13 =	sshra.s32 s12, $0x2;
	v4 =	vadd.f32 v2, v4  }
0x75: {  	v1 =	vld [tilespmem:s13+$0x1AAA0];
	v3 =	vmax.f32 v3, $0.0e+00  }
0x76: {  	v2 =	vld [tilespmem:s13+$0x1AAB0];
	[tilespmem:s10+$0x18AA0] =	vst v3;
	v4 =	vmax.f32 v4, $0.0e+00  }
0x77: {  	s12 =	sadd.s32 $0x80, s12;
	v3 =	vld [tilespmem:s13+$0x18AA0];
	[tilespmem:s10+$0x18AB0] =	vst v4;
	s10 =	smov.u32 s13  }
0x78: {  	v4 =	vld [tilespmem:s10+$0x18AB0];
	_ =	sdelay $0x3  }
0x79: {  	v1 =	vadd.f32 v1, v3  }
0x7a: {  	v2 =	vadd.f32 v2, v4  }
0x7b: {  	v1 =	vmax.f32 v1, $0.0e+00  }
0x7c: {  	[tilespmem:s10+$0x18AA0] =	vst v1;
	v1 =	vmax.f32 v2, $0.0e+00  }
0x7d: {  	[tilespmem:s10+$0x18AB0] =	vst v1  }
0x7e: {  	[spmem:s2] =	stream.indirect.scatter.add.f32 [tilespmem:s28], [sflag:$0x9], $0x20, s21, s26, $0xb8;
	[tilespmem:$0x1DAA0] =	vst v63  }
.LBB2_10:
0x7f: {  	s10 =	sor.u32 $0x3, s20  }
0x80: {  	p2 =	sge.u32 s10, s9  }
0x81: {  	s10 =	sadd.s32 @!p2 s8, s10  }
0x82: {  	s12 =	sshll.u32 @!p2 s10, $0x4  }
0x83: {  	s19 =	sand.u32 @!p2 $0x1FFFFFF0, s12  }
0x84: {  	s13 =	simm.s32 @!p2 $0x0;
	s12 =	simm.s32 @!p2 $0x18820;
	s24 =	sadd.s32 @!p2 s5, s19  }
0x85: {  	[tilespmem:s12], [sflag:$0x4] =	stream.linear.gather @!p2 [hbm4b:s24+s13], $0x80, $0x38;
	[tilespmem:$0x1DAA0] =	vst v63  }
0x86: {  	s19 =	sadd.s32 @!p2 s6, s19;
	s24 =	simm.s32 @!p2 $0x18A20  }
0x87: {  	[tilespmem:s24], [sflag:$0x4] =	stream.linear.gather @!p2 [hbm4b:s19+s13], $0x80, $0x38;
	[tilespmem:$0x1DAA0] =	vst v63  }
0x88: {  	s19 =	simm.s32 @!p1 $0x9  }
0x89: {  	_ =	swait.ge @!p1 [sflag:s19], $0x1000  }
0x8a: {  	[sflag:s19] =	ssyncset.done @!p1 $0x0  }
0x8b: {  	[sflag:s19] =	ssyncadd.s32 @!p1 $0xFFFFF000;
	s19 =	simm.s32 @!p1 $0x3  }
0x8c: {  	_ =	swait.ge @!p1 [sflag:s19], $0x80  }
0x8d: {  	[sflag:s19] =	ssyncset.done @!p1 $0x0  }
0x8e: {  	[sflag:s19] =	ssyncadd.s32 @!p1 $0xFFFFFF80  }
0x8f: {  	s17 =	sshll.u32 @!p1 s17, $0x9;
	_ =	swait.ge @!p1 [sflag:s19], $0x80  }
.Ltmp6:
0x90: {  	s17 =	sand.u32 @!p1 $0x1FFFFE00, s17;
	[sflag:s19] =	ssyncset.done @!p1 $0x0;
	(pc) =	sbr.rel @p3 .LBB2_14-.Ltmp6, $4  }
0x91: {  	s17 =	sadd.s32 @!p1 s7, s17;
	[sflag:s19] =	ssyncadd.s32 @!p1 $0xFFFFFF80;
	s19 =	simm.s32 @!p1 $0x1AAA0  }
0x92: {  	[tilespmem:s19], [sflag:$0x5] =	stream.linear.gather @!p1 [hbm4b:s17+s16], $0x1000, $0x38;
	[tilespmem:$0x1DAA0] =	vst v63  }
0x93: {  	s16 =	simm.s32 @!p1 $0x80;
	s17 =	simm.s32 @!p1 $0x18AA0  }
0x94: {  	[tilespmem:s17], [sflag:$0x7] =	stream.indirect.gather @!p1 [hbm4b:s1+s16], $0x20, s15, s16, $0xb8;
	[tilespmem:$0x1DAA0] =	vst v63  }
0x95: {  	_ =	swait.ge [sflag:s31], $0x1000  }
0x96: {  	[sflag:s31] =	ssyncset.done $0x0  }
0x97: {  	[sflag:s31] =	ssyncadd.s32 $0xFFFFF000  }
0x98: {  	_ =	swait.ge [sflag:s0], $0x1000  }
0x99: {  	[sflag:s0] =	ssyncset.done $0x0  }
0x9a: {  	s15 =	simm.s32 $0x0;
	[sflag:s0] =	ssyncadd.s32 $0xFFFFF000  }
0x9b: {  	v1 =	vld [tilespmem:s15+$0x1BAA0]  }
0x9c: {  	v2 =	vld [tilespmem:s15+$0x1BAB0]  }
0x9d: {  	s16 =	simm.s32 $0x80;
	v3 =	vld [tilespmem:s15+$0x19AA0]  }
.LBB2_12:
0x9e: {  	p3 =	sne.s32 s16, $0x3F80;
	v4 =	vld [tilespmem:s15+$0x19AB0];
	_ =	sdelay $0x3  }
.Ltmp7:
0x9f: {  	v3 =	vadd.f32 v1, v3;
	(pc) =	sbr.rel @p3 .LBB2_12-.Ltmp7, $4  }
0xa0: {  	s17 =	sshra.s32 s16, $0x2;
	v4 =	vadd.f32 v2, v4  }
0xa1: {  	v1 =	vld [tilespmem:s17+$0x1BAA0];
	v3 =	vmax.f32 v3, $0.0e+00  }
0xa2: {  	v2 =	vld [tilespmem:s17+$0x1BAB0];
	[tilespmem:s15+$0x19AA0] =	vst v3;
	v4 =	vmax.f32 v4, $0.0e+00  }
0xa3: {  	s16 =	sadd.s32 $0x80, s16;
	v3 =	vld [tilespmem:s17+$0x19AA0];
	[tilespmem:s15+$0x19AB0] =	vst v4;
	s15 =	smov.u32 s17  }
0xa4: {  	v4 =	vld [tilespmem:s15+$0x19AB0];
	_ =	sdelay $0x3  }
0xa5: {  	v1 =	vadd.f32 v1, v3  }
0xa6: {  	v2 =	vadd.f32 v2, v4  }
0xa7: {  	v1 =	vmax.f32 v1, $0.0e+00  }
0xa8: {  	[tilespmem:s15+$0x19AA0] =	vst v1;
	v1 =	vmax.f32 v2, $0.0e+00  }
0xa9: {  	[tilespmem:s15+$0x19AB0] =	vst v1  }
0xaa: {  	[spmem:s2] =	stream.indirect.scatter.add.f32 [tilespmem:s22], [sflag:$0xA], $0x20, s23, s26, $0xb8;
	[tilespmem:$0x1DAA0] =	vst v63  }
.LBB2_14:
0xab: {  	s15 =	sadd.s32 $0x4, s20  }
0xac: {  	p3 =	sge.u32 s15, s9  }
0xad: {  	s17 =	sadd.s32 @!p3 s8, s15  }
0xae: {  	s15 =	sshll.u32 @!p3 s17, $0x4  }
0xaf: {  	s19 =	sand.u32 @!p3 $0x1FFFFFF0, s15  }
0xb0: {  	s16 =	simm.s32 @!p3 $0x0;
	s15 =	simm.s32 @!p3 $0x186A0;
	s24 =	sadd.s32 @!p3 s5, s19  }
0xb1: {  	[tilespmem:s15], [sflag:$0x1] =	stream.linear.gather @!p3 [hbm4b:s24+s16], $0x80, $0x38;
	[tilespmem:$0x1DAA0] =	vst v63  }
0xb2: {  	s19 =	sadd.s32 @!p3 s6, s19;
	s24 =	simm.s32 @!p3 $0x188A0  }
0xb3: {  	[tilespmem:s24], [sflag:$0x1] =	stream.linear.gather @!p3 [hbm4b:s19+s16], $0x80, $0x38;
	[tilespmem:$0x1DAA0] =	vst v63  }
0xb4: {  	s19 =	simm.s32 @!p2 $0xA  }
0xb5: {  	_ =	swait.ge @!p2 [sflag:s19], $0x1000  }
0xb6: {  	[sflag:s19] =	ssyncset.done @!p2 $0x0  }
0xb7: {  	[sflag:s19] =	ssyncadd.s32 @!p2 $0xFFFFF000;
	s19 =	simm.s32 @!p2 $0x4  }
0xb8: {  	_ =	swait.ge @!p2 [sflag:s19], $0x80  }
0xb9: {  	[sflag:s19] =	ssyncset.done @!p2 $0x0  }
0xba: {  	[sflag:s19] =	ssyncadd.s32 @!p2 $0xFFFFFF80  }
0xbb: {  	s10 =	sshll.u32 @!p2 s10, $0x9;
	_ =	swait.ge @!p2 [sflag:s19], $0x80  }
.Ltmp8:
0xbc: {  	s10 =	sand.u32 @!p2 $0x1FFFFE00, s10;
	[sflag:s19] =	ssyncset.done @!p2 $0x0;
	(pc) =	sbr.rel @p1 .LBB2_18-.Ltmp8, $4  }
0xbd: {  	s10 =	sadd.s32 @!p2 s7, s10;
	[sflag:s19] =	ssyncadd.s32 @!p2 $0xFFFFFF80;
	s19 =	simm.s32 @!p2 $0x1BAA0  }
0xbe: {  	[tilespmem:s19], [sflag:$0x6] =	stream.linear.gather @!p2 [hbm4b:s10+s13], $0x1000, $0x38;
	[tilespmem:$0x1DAA0] =	vst v63  }
0xbf: {  	s10 =	simm.s32 @!p2 $0x80;
	s13 =	simm.s32 @!p2 $0x19AA0  }
0xc0: {  	[tilespmem:s13], [sflag:$0x8] =	stream.indirect.gather @!p2 [hbm4b:s1+s10], $0x20, s12, s10, $0xb8;
	[tilespmem:$0x1DAA0] =	vst v63  }
0xc1: {  	_ =	swait.ge [sflag:s29], $0x1000  }
0xc2: {  	[sflag:s29] =	ssyncset.done $0x0  }
0xc3: {  	[sflag:s29] =	ssyncadd.s32 $0xFFFFF000  }
0xc4: {  	_ =	swait.ge [sflag:s30], $0x1000  }
0xc5: {  	[sflag:s30] =	ssyncset.done $0x0  }
0xc6: {  	s10 =	simm.s32 $0x0;
	[sflag:s30] =	ssyncadd.s32 $0xFFFFF000  }
0xc7: {  	v1 =	vld [tilespmem:s10+$0x1AAA0]  }
0xc8: {  	v2 =	vld [tilespmem:s10+$0x1AAB0]  }
0xc9: {  	s12 =	simm.s32 $0x80;
	v3 =	vld [tilespmem:s10+$0x18AA0]  }
.LBB2_16:
0xca: {  	p1 =	sne.s32 s12, $0x3F80;
	v4 =	vld [tilespmem:s10+$0x18AB0];
	_ =	sdelay $0x3  }
.Ltmp9:
0xcb: {  	v3 =	vadd.f32 v1, v3;
	(pc) =	sbr.rel @p1 .LBB2_16-.Ltmp9, $4  }
0xcc: {  	s13 =	sshra.s32 s12, $0x2;
	v4 =	vadd.f32 v2, v4  }
0xcd: {  	v1 =	vld [tilespmem:s13+$0x1AAA0];
	v3 =	vmax.f32 v3, $0.0e+00  }
0xce: {  	v2 =	vld [tilespmem:s13+$0x1AAB0];
	[tilespmem:s10+$0x18AA0] =	vst v3;
	v4 =	vmax.f32 v4, $0.0e+00  }
0xcf: {  	s12 =	sadd.s32 $0x80, s12;
	v3 =	vld [tilespmem:s13+$0x18AA0];
	[tilespmem:s10+$0x18AB0] =	vst v4;
	s10 =	smov.u32 s13  }
0xd0: {  	v4 =	vld [tilespmem:s10+$0x18AB0];
	_ =	sdelay $0x3  }
0xd1: {  	v1 =	vadd.f32 v1, v3  }
0xd2: {  	v2 =	vadd.f32 v2, v4  }
0xd3: {  	v1 =	vmax.f32 v1, $0.0e+00  }
0xd4: {  	[tilespmem:s10+$0x18AA0] =	vst v1;
	v1 =	vmax.f32 v2, $0.0e+00  }
0xd5: {  	[tilespmem:s10+$0x18AB0] =	vst v1  }
0xd6: {  	[spmem:s2] =	stream.indirect.scatter.add.f32 [tilespmem:s28], [sflag:$0x9], $0x20, s25, s26, $0xb8;
	[tilespmem:$0x1DAA0] =	vst v63  }
.LBB2_18:
0xd7: {  	s10 =	sadd.s32 $0x5, s20  }
0xd8: {  	p1 =	sge.u32 s10, s9  }
0xd9: {  	s10 =	sadd.s32 @!p1 s8, s10  }
0xda: {  	s10 =	sshll.u32 @!p1 s10, $0x4  }
0xdb: {  	s10 =	sand.u32 @!p1 $0x1FFFFFF0, s10  }
0xdc: {  	s13 =	simm.s32 @!p1 $0x0;
	s19 =	simm.s32 @!p1 $0x18720;
	s12 =	sadd.s32 @!p1 s5, s10  }
0xdd: {  	[tilespmem:s19], [sflag:$0x2] =	stream.linear.gather @!p1 [hbm4b:s12+s13], $0x80, $0x38;
	[tilespmem:$0x1DAA0] =	vst v63  }
0xde: {  	s10 =	sadd.s32 @!p1 s6, s10;
	s12 =	simm.s32 @!p1 $0x18920  }
0xdf: {  	[tilespmem:s12], [sflag:$0x2] =	stream.linear.gather @!p1 [hbm4b:s10+s13], $0x80, $0x38;
	[tilespmem:$0x1DAA0] =	vst v63  }
0xe0: {  	s10 =	simm.s32 @!p3 $0x9  }
0xe1: {  	_ =	swait.ge @!p3 [sflag:s10], $0x1000  }
0xe2: {  	[sflag:s10] =	ssyncset.done @!p3 $0x0  }
0xe3: {  	[sflag:s10] =	ssyncadd.s32 @!p3 $0xFFFFF000;
	s10 =	simm.s32 @!p3 $0x1  }
0xe4: {  	_ =	swait.ge @!p3 [sflag:s10], $0x80  }
0xe5: {  	[sflag:s10] =	ssyncset.done @!p3 $0x0  }
0xe6: {  	[sflag:s10] =	ssyncadd.s32 @!p3 $0xFFFFFF80  }
0xe7: {  	s12 =	sshll.u32 @!p3 s17, $0x9;
	_ =	swait.ge @!p3 [sflag:s10], $0x80  }
.Ltmp10:
0xe8: {  	s12 =	sand.u32 @!p3 $0x1FFFFE00, s12;
	[sflag:s10] =	ssyncset.done @!p3 $0x0;
	(pc) =	sbr.rel @p2 .LBB2_22-.Ltmp10, $4  }
0xe9: {  	[sflag:s10] =	ssyncadd.s32 @!p3 $0xFFFFFF80;
	s10 =	sadd.s32 @!p3 s7, s12;
	s12 =	simm.s32 @!p3 $0x1AAA0  }
0xea: {  	[tilespmem:s12], [sflag:$0x5] =	stream.linear.gather @!p3 [hbm4b:s10+s16], $0x1000, $0x38;
	[tilespmem:$0x1DAA0] =	vst v63  }
0xeb: {  	s10 =	simm.s32 @!p3 $0x80;
	s12 =	simm.s32 @!p3 $0x18AA0  }
0xec: {  	[tilespmem:s12], [sflag:$0x7] =	stream.indirect.gather @!p3 [hbm4b:s1+s10], $0x20, s15, s10, $0xb8;
	[tilespmem:$0x1DAA0] =	vst v63  }
0xed: {  	_ =	swait.ge [sflag:s31], $0x1000  }
0xee: {  	[sflag:s31] =	ssyncset.done $0x0  }
0xef: {  	[sflag:s31] =	ssyncadd.s32 $0xFFFFF000  }
0xf0: {  	_ =	swait.ge [sflag:s0], $0x1000  }
0xf1: {  	[sflag:s0] =	ssyncset.done $0x0  }
0xf2: {  	s10 =	simm.s32 $0x0;
	[sflag:s0] =	ssyncadd.s32 $0xFFFFF000  }
0xf3: {  	v1 =	vld [tilespmem:s10+$0x1BAA0]  }
0xf4: {  	v2 =	vld [tilespmem:s10+$0x1BAB0]  }
0xf5: {  	s12 =	simm.s32 $0x80;
	v3 =	vld [tilespmem:s10+$0x19AA0]  }
.LBB2_20:
0xf6: {  	p1 =	sne.s32 s12, $0x3F80;
	v4 =	vld [tilespmem:s10+$0x19AB0];
	_ =	sdelay $0x3  }
.Ltmp11:
0xf7: {  	v3 =	vadd.f32 v1, v3;
	(pc) =	sbr.rel @p1 .LBB2_20-.Ltmp11, $4  }
0xf8: {  	s13 =	sshra.s32 s12, $0x2;
	v4 =	vadd.f32 v2, v4  }
0xf9: {  	v1 =	vld [tilespmem:s13+$0x1BAA0];
	v3 =	vmax.f32 v3, $0.0e+00  }
0xfa: {  	v2 =	vld [tilespmem:s13+$0x1BAB0];
	[tilespmem:s10+$0x19AA0] =	vst v3;
	v4 =	vmax.f32 v4, $0.0e+00  }
0xfb: {  	s12 =	sadd.s32 $0x80, s12;
	v3 =	vld [tilespmem:s13+$0x19AA0];
	[tilespmem:s10+$0x19AB0] =	vst v4;
	s10 =	smov.u32 s13  }
0xfc: {  	v4 =	vld [tilespmem:s10+$0x19AB0];
	_ =	sdelay $0x3  }
0xfd: {  	v1 =	vadd.f32 v1, v3  }
.Ltmp12:
0xfe: {  	v2 =	vadd.f32 v2, v4;
	(pc) =	sbr.rel .LBB2_22-.Ltmp12, $4  }
0xff: {  	v1 =	vmax.f32 v1, $0.0e+00  }
0x100: {  	[tilespmem:s10+$0x19AA0] =	vst v1;
	v1 =	vmax.f32 v2, $0.0e+00  }
0x101: {  	[tilespmem:s10+$0x19AB0] =	vst v1  }
0x102: {  	[spmem:s2] =	stream.indirect.scatter.add.f32 [tilespmem:s22], [sflag:$0xA], $0x20, s11, s26, $0xb8;
	[tilespmem:$0x1DAA0] =	vst v63  }
.LBB2_23:
0x103: {  	s10 =	simm.s32 $0x9  }
0x104: {  	_ =	swait.ge [sflag:s10], $0x1000  }
0x105: {  	[sflag:s10] =	ssyncset.done $0x0  }
0x106: {  	s12 =	simm.s32 $0xA;
	[sflag:s10] =	ssyncadd.s32 $0xFFFFF000  }
0x107: {  	_ =	swait.ge [sflag:s12], $0x1000  }
0x108: {  	s24 =	sadd.s32 $0x0, s4;
	[sflag:s12] =	ssyncset.done $0x0  }
0x109: {  	p1 =	sgt.u32 s24, $0x185;
	[sflag:s12] =	ssyncadd.s32 $0xFFFFF000  }
0x10a: {  	s14 =	simm.s32 @!p1 $0xB;
	s10 =	sshll.u32 @!p1 s4, $0x6;
	[bflag:$0x0] =	sbarrier.arrive $0xFFFF  }
0x10b: {  	s10 =	sor.u32 @!p1 $0x1C0B, s10;
	s12 =	sshrl.u32 @!p1 s18, $0x3;
	s13 =	rddreg [dreg:$0xc]  }
0x10c: {  	[hbm:s13], [sflag:s10] =	dma.local @!p1 [spmem:s12], $0x200  }
0x10d: {  	s15 =	sadd.s32 $0x10, s4;
	s12 =	simm.s32 $0x20;
	_ =	swait.ge @!p1 [sflag:s14], $0x200  }
0x10e: {  	s10 =	sadd.s32 $0x2000, s13;
	s13 =	sadd.s32 $0x10000, s18;
	[sflag:s14] =	ssyncset.done @!p1 $0x0  }
.LBB2_24:
0x10f: {  	[sflag:s14] =	ssyncadd.s32 @!p1 $0xFFFFFE00  }
0x110: {  	p1 =	sgt.u32 s15, $0x185;
	s15 =	smov.u32 s12;
	s12 =	sadd.s32 $0x10, s12  }
0x111: {  	p2 =	sne.s32 s12, $0x190  }
.Ltmp13:
0x112: {  	s14 =	sshll.u32 @!p1 s4, $0x6;
	s16 =	sshrl.u32 @!p1 s13, $0x3;
	(pc) =	sbr.rel @p2 .LBB2_24-.Ltmp13, $4  }
0x113: {  	s17 =	sor.u32 @!p1 $0x1C0B, s14;
	s14 =	simm.s32 @!p1 $0xB  }
0x114: {  	[hbm:s10], [sflag:s17] =	dma.local @!p1 [spmem:s16], $0x200  }
0x115: {  	s10 =	sadd.s32 $0x2000, s10;
	_ =	swait.ge @!p1 [sflag:s14], $0x200  }
0x116: {  	s15 =	sadd.s32 s15, s4;
	s13 =	sadd.s32 $0x10000, s13;
	[sflag:s14] =	ssyncset.done @!p1 $0x0  }
0x117: {  	p2 =	sgt.u32 s15, $0x185  }
0x118: {  	[sflag:s14] =	ssyncadd.s32 @!p1 $0xFFFFFE00;
	s12 =	sshll.u32 @!p2 s4, $0x6  }
0x119: {  	s13 =	sshrl.u32 @!p2 s13, $0x3;
	s14 =	simm.s32 @!p2 $0xB;
	s12 =	sor.u32 @!p2 $0x1C0B, s12  }
0x11a: {  	[hbm:s10], [sflag:s12] =	dma.local @!p2 [spmem:s13], $0x200  }
0x11b: {  	_ =	swait.ge @!p2 [sflag:s14], $0x200  }
0x11c: {  	s12 =	simm.s32 @!p0 $0x1C0B;
	[sflag:s14] =	ssyncset.done @!p2 $0x0;
	s16 =	rddreg [dreg:$0x4]  }
0x11d: {  	s13 =	rddreg [dreg:$0xa];
	[sflag:s14] =	ssyncadd.s32 @!p2 $0xFFFFFE00;
	s10 =	sshrl.u32 @!p0 s16, $0x3  }
0x11e: {  	[hbm:s13], [sflag:s12] =	dma.local @!p0 [spmem:s10], $0x140  }
0x11f: {  	s10 =	simm.s32 @!p0 $0xB  }
0x120: {  	_ =	swait.ge @!p0 [sflag:s10], $0x140  }
0x121: {  	s3 =	sadd.s32 $0x1, s3;
	s24 =	rddreg [dreg:$0xb]  }
0x122: {  	p1 =	sne.s32 s3, s24  }
.Ltmp14:
0x123: {  	_ = 	snop;
	(pc) =	sbr.rel @p1 .LBB2_1-.Ltmp14, $3  }
0x124: {  	_ =	sdelay $0x1  }
0x125: {  	[sflag:s10] =	ssyncset.done @!p0 $0x0  }
0x126: {  	[sflag:s10] =	ssyncadd.s32 @!p0 $0xFFFFFEC0  }
0x127: {  	_ =	sfence.sel $0x180000  }
0x128: {  	[bflag:$0x0] =	sbarrier.arrive $0xFFFF  }
0x129: {  	_ =	strace $0x9000004D  }
0x12a: {  	[bflag:$0x2] =	sbarrier.arrive $0xFFFF  }
0x12b: {  	s0 =	rddreg [dreg:$0x3]  }
0x12c: {  	s0 =	sadd.s32 @!p0 $0x100000, s0  }
0x12d: {  	[sflag:s0] =	ssyncadd.tile.s32 @!p0 $0x1;
	_ =	shalt  }
.Lfunc_end2:
_tile_overlayer_lowered:
.L_overlay_start_2:
0x12e: {  	(tag) =	ssettag $0x2  }
0x12f: {  	s0 =	rddreg [dreg:$0x0];
	s2 =	stileid.u32  }
0x130: {  	s1 =	rddreg [dreg:$0x1];
	p0 =	sne.s32 s2, $0x0  }
0x131: {  	s3 =	rddreg [dreg:$0x2];
	[bflag:$0x3] =	sbarrier.arrive $0xFFFF;
	s2 =	simm.s32 @!p0 $0x1C0B  }
0x132: {  	[timem:s3], [sflag:s2] =	dma.local @!p0 [hbm:s0], s1  }
0x133: {  	s0 =	simm.s32 @!p0 $0xB  }
0x134: {  	_ =	swait.ge @!p0 [sflag:s0], s1  }
0x135: {  	s1 =	ssub.s32 @!p0 $0x0, s1;
	[sflag:s0] =	ssyncset.done @!p0 $0x0  }
0x136: {  	[sflag:s0] =	ssyncadd.s32 @!p0 s1  }
0x137: {  	[bflag:$0x3] =	sbarrier.arrive $0xFFFF  }
0x138: {  	_ =	shalt  }

</sc_bundles>
